<compile_context>
chip_gen: v7x
topology: tpu7x:2x2x1
jax: 0.10.2.dev20260603
libtpu: 0.0.44.dev20260713+nightly
codegen_flags: <defaults>
</compile_context>

<pallas_src>
import functools

import jax
import jax.numpy as jnp
from jax import lax
from jax.experimental import pallas as pl
from jax.experimental.pallas import tpu as pltpu
from jax.experimental.pallas import tpu_sc as plsc

_NU = 25000
_NTOT = 50000
_D = 64
_NE = 800000
_B = 4096
_NSLOT = 2 * _B
_L = 16
_NS = 16
_NC = 2
_NW = _NC * _NS

_NT128 = _NE // 128
_T_LO = _NT128 // _NW
_T_HI = _T_LO + 1
_N_HI = _NT128 - _NW * _T_LO
_VEC_HI = _T_HI * 8
_VEC_LO = _T_LO * 8
_CHUNK_V = 128
_CHUNK_E = _CHUNK_V * _L
_N_CHUNKS = (_VEC_HI + _CHUNK_V - 1) // _CHUNK_V
_CMAX = ((_VEC_HI * _L + 63) // 64) * 64
_BLK = 64
_DUMMY = _NSLOT
_ACC_ROWS = _NSLOT + 128
_ZROWS = _ACC_ROWS // _NS
_JPT = _NSLOT // _NS
_NCH = 2048


def _make_sc_kernel():
    mesh = plsc.VectorSubcoreMesh(core_axis_name="c", subcore_axis_name="s")

    @functools.partial(
        pl.kernel,
        out_type=jax.ShapeDtypeStruct((_NC, _NSLOT, _D), jnp.float32),
        mesh=mesh,
        scratch_types=[
            pltpu.VMEM((_NTOT,), jnp.int32),
            pltpu.VMEM((_NCH,), jnp.int32),
            pltpu.VMEM((2, _CHUNK_E), jnp.int32),
            pltpu.VMEM((2, _CHUNK_E), jnp.int32),
            pltpu.VMEM((_CMAX,), jnp.int32),
            pltpu.VMEM((2 * _BLK,), jnp.int32),
            pltpu.VMEM((_BLK,), jnp.int32),
            pltpu.VMEM((2 * _BLK, _D), jnp.float32),
            pltpu.VMEM((_JPT,), jnp.int32),
            pltpu.VMEM((_L,), jnp.int32),
            pltpu.VMEM_SHARED((_ACC_ROWS, _D), jnp.float32),
            pltpu.SemaphoreType.DMA,
            pltpu.SemaphoreType.DMA,
        ],
        compiler_params=pltpu.CompilerParams(needs_layout_passes=False,
                                             use_tc_tiling_on_sc=False),
    )
    def sc_fn(edges, needed, utab, itab, zeros2d, neg1, out,
              map_ref, nbuf, ebufa, ebufb, cpk, sstage, tstage, rows,
              slotblk, cnt_ref, acc, sem, sem2):
        cid = lax.axis_index("c")
        sid = lax.axis_index("s")
        wid = cid * _NS + sid

        iota = lax.iota(jnp.int32, _L)

        zbase = pl.multiple_of(sid * _ZROWS, 8)
        pltpu.sync_copy(zeros2d.at[pl.ds(0, _ZROWS)],
                        acc.at[pl.ds(zbase, _ZROWS)])

        pltpu.sync_copy(neg1, map_ref)
        for c in range(_NSLOT // _NCH):
            pltpu.sync_copy(needed.at[pl.ds(c * _NCH, _NCH)], nbuf)

            def _map_body(i, carry, _c=c):
                for u in range(4):
                    off = pl.multiple_of(i * 64 + u * 16, 16)
                    vals = nbuf[pl.ds(off, _L)]
                    plsc.store_scatter(map_ref, [vals],
                                       iota + off + _c * _NCH)
                return carry

            lax.fori_loop(0, _NCH // 64, _map_body, 0)

        plsc.subcore_barrier()

        base_e = jnp.where(wid < _N_HI, wid * _T_HI * 128,
                           _N_HI * _T_HI * 128 + (wid - _N_HI) * _T_LO * 128)
        n_vec = jnp.where(wid < _N_HI, _VEC_HI, _VEC_LO)

        def _chunk_dma_base(k):
            chunk_lo = base_e + k * _CHUNK_E
            return pl.multiple_of(jnp.minimum(chunk_lo, _NE - _CHUNK_E), 128)

        def _fire_chunk(k):
            buf = ebufa if k % 2 == 0 else ebufb
            dmab = _chunk_dma_base(k)
            pltpu.async_copy(edges.at[:, pl.ds(dmab, _CHUNK_E)], buf, sem2)

        def _wait_chunk():
            pltpu.make_async_copy(edges.at[:, pl.ds(0, _CHUNK_E)],
                                  ebufa, sem2).wait()

        def _filter_vec(voff, cnts, buf):
            cnt_u, cnt_i = cnts
            off = pl.multiple_of(voff * _L, 16)
            d = buf[1, pl.ds(off, _L)]
            s = buf[0, pl.ds(off, _L)]
            slot = plsc.load_gather(map_ref, [d])
            m = slot >= 0
            is_u = s < _NU
            m_u = jnp.logical_and(m, is_u)
            m_i = jnp.logical_and(m, jnp.logical_not(is_u))
            sh = lax.shift_left(slot, 17)
            pos_u = cnt_u + plsc.cumsum(m_u.astype(jnp.int32)) - 1
            plsc.store_scatter(cpk, [pos_u], lax.bitwise_or(s, sh), mask=m_u)
            pos_i = (_CMAX - 1) - (cnt_i + plsc.cumsum(m_i.astype(jnp.int32))
                                   - 1)
            plsc.store_scatter(cpk, [pos_i],
                               lax.bitwise_or(s - _NU, sh), mask=m_i)
            return (cnt_u + plsc.all_reduce_population_count(m_u),
                    cnt_i + plsc.all_reduce_population_count(m_i))

        cnt = (jnp.zeros((_L,), jnp.int32), jnp.zeros((_L,), jnp.int32))
        _fire_chunk(0)
        for k in range(_N_CHUNKS):
            buf = ebufa if k % 2 == 0 else ebufb
            if k + 1 < _N_CHUNKS:
                _fire_chunk(k + 1)
            _wait_chunk()
            if k < _N_CHUNKS - 1:
                def _quad(i, c, _b=buf):
                    for u in range(4):
                        c = _filter_vec(i * 4 + u, c, _b)
                    return c
                cnt = lax.fori_loop(0, _CHUNK_V // 4, _quad, cnt)
            else:
                off_vec = lax.shift_right_logical(
                    base_e + k * _CHUNK_E - _chunk_dma_base(k), 4)
                nv = jnp.clip(n_vec - k * _CHUNK_V, 0, _CHUNK_V)

                def _one(i, c, _b=buf, _ov=off_vec):
                    return _filter_vec(_ov + i, c, _b)
                cnt = lax.fori_loop(0, nv, _one, cnt)

        cnt_ref[...] = cnt[0]
        n_u = cnt_ref[...][0]
        cnt_ref[...] = cnt[1]
        n_i = cnt_ref[...][0]
        npad_u = lax.bitwise_and(n_u + _BLK - 1, ~(_BLK - 1))
        npad_i = lax.bitwise_and(n_i + _BLK - 1, ~(_BLK - 1))
        dummy = jnp.full((_L,), _DUMMY << 17, jnp.int32)

        def _pad_u(v, carry):
            pos = iota + v * _L
            plsc.store_scatter(cpk, [pos], dummy, mask=pos >= n_u)
            return carry

        lax.fori_loop(lax.shift_right_logical(n_u, 4),
                      lax.shift_right_logical(npad_u, 4), _pad_u, 0)

        def _pad_i(v, carry):
            pos = iota + v * _L
            plsc.store_scatter(cpk, [pos], dummy, mask=pos < _CMAX - n_i)
            return carry

        lax.fori_loop(lax.shift_right_logical(_CMAX - npad_i, 4),
                      lax.shift_right_logical(_CMAX - n_i, 4)
                      + jnp.where(lax.bitwise_and(_CMAX - n_i, 15) > 0, 1, 0),
                      _pad_i, 0)

        nb_u = lax.shift_right_logical(npad_u, 6)
        nb = nb_u + lax.shift_right_logical(npad_i, 6)
        ibase = _CMAX - npad_i

        def _blk_off(j):
            return jnp.where(j < nb_u, j * _BLK,
                             ibase + (j - nb_u) * _BLK)

        def _fire_block(j, half):
            hbase = pl.multiple_of(half * _BLK, 8)
            boff = _blk_off(j)
            for v in range(4):
                off = pl.multiple_of(boff + v * 16, 16)
                w = cpk[pl.ds(off, _L)]
                sstage[pl.ds(pl.multiple_of(hbase + v * 16, 16), _L)] = \
                    lax.bitwise_and(w, (1 << 17) - 1)

            @pl.when(j < nb_u)
            def _():
                pltpu.async_copy(utab.at[sstage.at[pl.ds(hbase, _BLK)]],
                                 rows.at[pl.ds(hbase, _BLK)], sem)

            @pl.when(j >= nb_u)
            def _():
                pltpu.async_copy(itab.at[sstage.at[pl.ds(hbase, _BLK)]],
                                 rows.at[pl.ds(hbase, _BLK)], sem)

        @pl.when(nb > 0)
        def _():
            _fire_block(0, jnp.int32(0))

        def _blk_body(j, carry):
            p = lax.bitwise_and(j, 1)

            @pl.when(j + 1 < nb)
            def _():
                _fire_block(j + 1, 1 - p)

            pltpu.make_async_copy(utab.at[sstage.at[pl.ds(0, _BLK)]],
                                  rows.at[pl.ds(0, _BLK)], sem).wait()
            boff = _blk_off(j)
            for v in range(4):
                off = pl.multiple_of(boff + v * 16, 16)
                w = cpk[pl.ds(off, _L)]
                tstage[pl.ds(v * 16, _L)] = lax.shift_right_logical(w, 17)
            pbase = pl.multiple_of(p * _BLK, 8)
            pltpu.sync_copy(rows.at[pl.ds(pbase, _BLK)], acc.at[tstage],
                            add=True)
            return carry

        lax.fori_loop(0, nb, _blk_body, 0)

        plsc.subcore_barrier()

        jbase = pl.multiple_of(sid * _JPT, 16)
        pltpu.sync_copy(needed.at[pl.ds(jbase, _JPT)],
                        nbuf.at[pl.ds(0, _JPT)])
        for vb in range(_JPT // 128):
            for v in range(8):
                off = pl.multiple_of(vb * 128 + v * 16, 16)
                vals = nbuf[pl.ds(off, _L)]
                sl = plsc.load_gather(map_ref, [vals])
                slotblk[pl.ds(off, _L)] = sl
            pltpu.async_copy(acc.at[slotblk.at[pl.ds(vb * 128, 128)]],
                             rows.at[pl.ds(0, 128)], sem).wait()
            pltpu.sync_copy(rows.at[pl.ds(0, 128)],
                            out.at[cid, pl.ds(jbase + vb * 128, 128)])

    return sc_fn


def _tc_body(acc_ref, w_ref, b_ref, o_ref):
    a = acc_ref[0] + acc_ref[1]
    p = lax.dot_general(a, w_ref[...], (((1,), (1,)), ((), ())),
                        preferred_element_type=jnp.float32)
    p = p + b_ref[...]
    u = p[:_B]
    t = p[_B:]
    o_ref[...] = jnp.sum(u * t, axis=1, keepdims=True)


def kernel(user_indices, item_indices, edge_index, user_table, item_table,
           W, b):
    needed = jnp.concatenate([user_indices, item_indices + _NU])
    zeros2d = jnp.zeros((_ZROWS, _D), jnp.float32)
    neg1 = jnp.full((_NTOT,), -1, jnp.int32)

    sc_fn = _make_sc_kernel()
    partials = sc_fn(edge_index, needed, user_table, item_table, zeros2d,
                     neg1)

    out = pl.pallas_call(
        _tc_body,
        out_shape=jax.ShapeDtypeStruct((_B, 1), jnp.float32),
    )(partials, W, jnp.reshape(b, (1, _D)))
    return out

# --- scband reference (transcript-rebuilt; emitter-appended) ---
"""Pipeline reference for scband-gc-mc-14113262535118 (READ-ONLY COPY).

The authoritative reference and input builder live on the scoring server;
editing this copy changes nothing except your own understanding.
"""

import jax, jax.numpy as jnp
import numpy as np

NUM_USERS = 25000
NUM_ITEMS = 25000
EMBED_DIM = 64
N_EDGES = 800000
BATCH = 4096


def setup_inputs(seed: int = 0) -> dict:
    key = jax.random.key(seed)
    ks = jax.random.split(key, 7)
    user_indices = jax.random.randint(ks[0], (BATCH,), 0, NUM_USERS, dtype=jnp.int32)
    item_indices = jax.random.randint(ks[1], (BATCH,), 0, NUM_ITEMS, dtype=jnp.int32)
    # edge_index over the combined node index space [0, NUM_USERS + NUM_ITEMS)
    edge_index = jax.random.randint(ks[2], (2, N_EDGES), 0, NUM_USERS + NUM_ITEMS, dtype=jnp.int32)
    # learned parameters (per init: normal std=0.01 embeddings, nn.Linear weight/bias)
    user_table = jax.random.normal(ks[3], (NUM_USERS, EMBED_DIM), dtype=jnp.float32) * 0.01
    item_table = jax.random.normal(ks[4], (NUM_ITEMS, EMBED_DIM), dtype=jnp.float32) * 0.01
    W = jax.random.normal(ks[5], (EMBED_DIM, EMBED_DIM), dtype=jnp.float32) / jnp.sqrt(EMBED_DIM)
    b = jax.random.normal(ks[6], (EMBED_DIM,), dtype=jnp.float32) * 0.01
    return {
        "user_indices": user_indices,
        "item_indices": item_indices,
        "edge_index": edge_index,
        "user_table": user_table,
        "item_table": item_table,
        "W": W,
        "b": b,
    }


def reference(user_indices, item_indices, edge_index, user_table, item_table, W, b):
    # concat user + item embeddings into one node feature matrix
    all_node_features = jnp.concatenate([user_table, item_table], axis=0)
    src = edge_index[0]
    dst = edge_index[1]
    # gather neighbor features (SparseCore gather)
    neighbor_features = jnp.take(all_node_features, src, axis=0)
    # scatter-add aggregation (index_add_ equivalent)
    aggregated = jnp.zeros_like(all_node_features).at[dst].add(neighbor_features)
    # trainable linear layer (nn.Linear: x @ W.T + b)
    propagated = aggregated @ W.T + b
    prop_user = propagated[:NUM_USERS]
    prop_item = propagated[NUM_USERS:]
    user_emb = jnp.take(prop_user, user_indices, axis=0)
    item_emb = jnp.take(prop_item, item_indices, axis=0)
    return jnp.sum(user_emb * item_emb, axis=1, keepdims=True)

if __name__ == "__main__":
    import jax
    _d = setup_inputs()
    print(jax.jit(kernel)(*tuple(_d.values())))

</pallas_src>

<mosaic_0001>
#map = affine_map<(d0, d1) -> (0, 0)>
#map1 = affine_map<(d0, d1) -> (0)>
#map2 = affine_map<(d0, d1) -> (0, 0, 0)>
module attributes {stable_mosaic.version = 14 : i64} {
  func.func @sc_fn(%arg0: i32, %arg1: i32, %arg2: memref<2x800000xi32, #tpu.memory_space<hbm>>, %arg3: memref<8192xi32, #tpu.memory_space<hbm>>, %arg4: memref<25000x64xf32, #tpu.memory_space<hbm>>, %arg5: memref<25000x64xf32, #tpu.memory_space<hbm>>, %arg6: memref<520x64xf32, #tpu.memory_space<hbm>>, %arg7: memref<50000xi32, #tpu.memory_space<hbm>>, %arg8: memref<2x8192x64xf32, #tpu.memory_space<hbm>>, %arg9: memref<50000xi32, #tpu.memory_space<vmem>>, %arg10: memref<2048xi32, #tpu.memory_space<vmem>>, %arg11: memref<2x2048xi32, #tpu.memory_space<vmem>>, %arg12: memref<2x2048xi32, #tpu.memory_space<vmem>>, %arg13: memref<25088xi32, #tpu.memory_space<vmem>>, %arg14: memref<128xi32, #tpu.memory_space<vmem>>, %arg15: memref<64xi32, #tpu.memory_space<vmem>>, %arg16: memref<128x64xf32, #tpu.memory_space<vmem>>, %arg17: memref<512xi32, #tpu.memory_space<vmem>>, %arg18: memref<16xi32, #tpu.memory_space<vmem>>, %arg19: memref<8320x64xf32, #tpu.memory_space<vmem_shared>>, %arg20: memref<!tpu.dma_semaphore, #tpu.memory_space<semaphore_mem>>, %arg21: memref<!tpu.dma_semaphore, #tpu.memory_space<semaphore_mem>>) attributes {dimension_semantics = [#tpu.dimension_semantics<core_parallel>, #tpu.dimension_semantics<subcore_parallel>], iteration_bounds = array<i64: 2, 16>, scalar_prefetch = 0 : i64, scratch_operands = 13 : i64, tpu.core_type = #tpu.core_type<sc_vector_subcore>, window_params = [{transform_indices = #map}, {transform_indices = #map1}, {transform_indices = #map}, {transform_indices = #map}, {transform_indices = #map}, {transform_indices = #map1}, {transform_indices = #map2}]} {
    %mul3A = arith.constant 16 : i32
    %mul3A_0 = arith.muli %arg0, %mul3A : i32
    %add3A = arith.addi %mul3A_0, %arg1 : i32
    %iota3A = tpu.iota {dimensions = array<i32: 0>} : vector<16xi32>
    %mul3A_1 = arith.constant 520 : i32
    %mul3A_2 = arith.muli %arg1, %mul3A_1 : i32
    %multiple_of3A = tpu.assume_multiple %mul3A_2, 8 : i32
    "tpu.region"() ({
      %run_scoped3A = tpu.sem_alloc : memref<!tpu.dma_semaphore, #tpu.memory_space<semaphore_mem>>
      %dma_start3A_712 = arith.constant 0 : i32
      %dma_start3A_713 = tpu.memref_slice %arg19[%multiple_of3A, %dma_start3A_712] : memref<8320x64xf32, #tpu.memory_space<vmem_shared>> -> memref<520x64xf32, #tpu.memory_space<vmem_shared>>
      %dma_start3A_714 = arith.constant 0 : i32
      %dma_start3A_715 = arith.constant 0 : i32
      %dma_start3A_716 = tpu.memref_slice %arg6[%dma_start3A_714, %dma_start3A_715] : memref<520x64xf32, #tpu.memory_space<hbm>> -> memref<520x64xf32, #tpu.memory_space<hbm>>
      tpu.enqueue_dma source(%dma_start3A_716 : memref<520x64xf32, #tpu.memory_space<hbm>>) target(%dma_start3A_713 : memref<520x64xf32, #tpu.memory_space<vmem_shared>>) target_semaphore(%run_scoped3A : memref<!tpu.dma_semaphore, #tpu.memory_space<semaphore_mem>>)
      %dma_wait3A_717 = arith.constant 0 : i32
      %dma_wait3A_718 = tpu.memref_slice %arg19[%multiple_of3A, %dma_wait3A_717] : memref<8320x64xf32, #tpu.memory_space<vmem_shared>> -> memref<520x64xf32, #tpu.memory_space<vmem_shared>>
      %dma_wait3A_719 = arith.constant 0 : i32
      %dma_wait3A_720 = arith.constant 0 : i32
      %dma_wait3A_721 = tpu.memref_slice %arg6[%dma_wait3A_719, %dma_wait3A_720] : memref<520x64xf32, #tpu.memory_space<hbm>> -> memref<520x64xf32, #tpu.memory_space<hbm>>
      tpu.wait_dma2 semaphore(%run_scoped3A : memref<!tpu.dma_semaphore, #tpu.memory_space<semaphore_mem>>) src(%dma_wait3A_721 : memref<520x64xf32, #tpu.memory_space<hbm>>) dst(%dma_wait3A_718 : memref<520x64xf32, #tpu.memory_space<vmem_shared>>)
      tpu.yield
    }) : () -> ()
    "tpu.region"() ({
      %run_scoped3A = tpu.sem_alloc : memref<!tpu.dma_semaphore, #tpu.memory_space<semaphore_mem>>
      tpu.enqueue_dma source(%arg7 : memref<50000xi32, #tpu.memory_space<hbm>>) target(%arg9 : memref<50000xi32, #tpu.memory_space<vmem>>) target_semaphore(%run_scoped3A : memref<!tpu.dma_semaphore, #tpu.memory_space<semaphore_mem>>)
      tpu.wait_dma2 semaphore(%run_scoped3A : memref<!tpu.dma_semaphore, #tpu.memory_space<semaphore_mem>>) src(%arg7 : memref<50000xi32, #tpu.memory_space<hbm>>) dst(%arg9 : memref<50000xi32, #tpu.memory_space<vmem>>)
      tpu.yield
    }) : () -> ()
    "tpu.region"() ({
      %run_scoped3A = tpu.sem_alloc : memref<!tpu.dma_semaphore, #tpu.memory_space<semaphore_mem>>
      %dma_start3A_712 = arith.constant 0 : i32
      %dma_start3A_713 = tpu.memref_slice %arg3[%dma_start3A_712] : memref<8192xi32, #tpu.memory_space<hbm>> -> memref<2048xi32, #tpu.memory_space<hbm>>
      %dma_start3A_714 = arith.constant 0 : i32
      %dma_start3A_715 = tpu.memref_slice %arg3[%dma_start3A_714] : memref<8192xi32, #tpu.memory_space<hbm>> -> memref<2048xi32, #tpu.memory_space<hbm>>
      tpu.enqueue_dma source(%dma_start3A_715 : memref<2048xi32, #tpu.memory_space<hbm>>) target(%arg10 : memref<2048xi32, #tpu.memory_space<vmem>>) target_semaphore(%run_scoped3A : memref<!tpu.dma_semaphore, #tpu.memory_space<semaphore_mem>>)
      %dma_wait3A_716 = arith.constant 0 : i32
      %dma_wait3A_717 = tpu.memref_slice %arg3[%dma_wait3A_716] : memref<8192xi32, #tpu.memory_space<hbm>> -> memref<2048xi32, #tpu.memory_space<hbm>>
      %dma_wait3A_718 = arith.constant 0 : i32
      %dma_wait3A_719 = tpu.memref_slice %arg3[%dma_wait3A_718] : memref<8192xi32, #tpu.memory_space<hbm>> -> memref<2048xi32, #tpu.memory_space<hbm>>
      tpu.wait_dma2 semaphore(%run_scoped3A : memref<!tpu.dma_semaphore, #tpu.memory_space<semaphore_mem>>) src(%dma_wait3A_719 : memref<2048xi32, #tpu.memory_space<hbm>>) dst(%arg10 : memref<2048xi32, #tpu.memory_space<vmem>>)
      tpu.yield
    }) : () -> ()
    %scan3A = arith.constant 0 : i32
    %scan3A_3 = arith.constant 0 : i32
    %scan3A_4 = arith.constant 32 : i32
    %scan3A_5 = arith.addi %scan3A_3, %scan3A_4 : i32
    %scan3A_6 = arith.constant 1 : i32
    scf.for %scan3A_712 = %scan3A_3 to %scan3A_5 step %scan3A_6  : i32 {
      %mul3A_713 = arith.constant 64 : i32
      %mul3A_714 = arith.muli %scan3A_712, %mul3A_713 : i32
      %add3A_715 = arith.constant 0 : i32
      %add3A_716 = arith.addi %mul3A_714, %add3A_715 : i32
      %multiple_of3A_717 = tpu.assume_multiple %add3A_716, 16 : i32
      %get3A_718 = arith.index_cast %multiple_of3A_717 : i32 to index
      %get3A_719 = tpu.vector_load %arg10[%get3A_718] {strides = array<i32>} : memref<2048xi32, #tpu.memory_space<vmem>>, vector<16xi32>,
      %add3A_720 = vector.broadcast %multiple_of3A_717 : i32 to vector<16xi32>
      %add3A_721 = arith.addi %iota3A, %add3A_720 : vector<16xi32>
      %add3A_722 = arith.constant 0 : i32
      %add3A_723 = vector.broadcast %add3A_722 : i32 to vector<16xi32>
      %add3A_724 = arith.addi %add3A_721, %add3A_723 : vector<16xi32>
      tpu.vector_store_idx %arg9[%get3A_719], %add3A_724 : memref<50000xi32, #tpu.memory_space<vmem>>[vector<16xi32>], vector<16xi32>,
      %mul3A_725 = arith.constant 64 : i32
      %mul3A_726 = arith.muli %scan3A_712, %mul3A_725 : i32
      %add3A_727 = arith.constant 16 : i32
      %add3A_728 = arith.addi %mul3A_726, %add3A_727 : i32
      %multiple_of3A_729 = tpu.assume_multiple %add3A_728, 16 : i32
      %get3A_730 = arith.index_cast %multiple_of3A_729 : i32 to index
      %get3A_731 = tpu.vector_load %arg10[%get3A_730] {strides = array<i32>} : memref<2048xi32, #tpu.memory_space<vmem>>, vector<16xi32>,
      %add3A_732 = vector.broadcast %multiple_of3A_729 : i32 to vector<16xi32>
      %add3A_733 = arith.addi %iota3A, %add3A_732 : vector<16xi32>
      %add3A_734 = arith.constant 0 : i32
      %add3A_735 = vector.broadcast %add3A_734 : i32 to vector<16xi32>
      %add3A_736 = arith.addi %add3A_733, %add3A_735 : vector<16xi32>
      tpu.vector_store_idx %arg9[%get3A_731], %add3A_736 : memref<50000xi32, #tpu.memory_space<vmem>>[vector<16xi32>], vector<16xi32>,
      %mul3A_737 = arith.constant 64 : i32
      %mul3A_738 = arith.muli %scan3A_712, %mul3A_737 : i32
      %add3A_739 = arith.constant 32 : i32
      %add3A_740 = arith.addi %mul3A_738, %add3A_739 : i32
      %multiple_of3A_741 = tpu.assume_multiple %add3A_740, 16 : i32
      %get3A_742 = arith.index_cast %multiple_of3A_741 : i32 to index
      %get3A_743 = tpu.vector_load %arg10[%get3A_742] {strides = array<i32>} : memref<2048xi32, #tpu.memory_space<vmem>>, vector<16xi32>,
      %add3A_744 = vector.broadcast %multiple_of3A_741 : i32 to vector<16xi32>
      %add3A_745 = arith.addi %iota3A, %add3A_744 : vector<16xi32>
      %add3A_746 = arith.constant 0 : i32
      %add3A_747 = vector.broadcast %add3A_746 : i32 to vector<16xi32>
      %add3A_748 = arith.addi %add3A_745, %add3A_747 : vector<16xi32>
      tpu.vector_store_idx %arg9[%get3A_743], %add3A_748 : memref<50000xi32, #tpu.memory_space<vmem>>[vector<16xi32>], vector<16xi32>,
      %mul3A_749 = arith.constant 64 : i32
      %mul3A_750 = arith.muli %scan3A_712, %mul3A_749 : i32
      %add3A_751 = arith.constant 48 : i32
      %add3A_752 = arith.addi %mul3A_750, %add3A_751 : i32
      %multiple_of3A_753 = tpu.assume_multiple %add3A_752, 16 : i32
      %get3A_754 = arith.index_cast %multiple_of3A_753 : i32 to index
      %get3A_755 = tpu.vector_load %arg10[%get3A_754] {strides = array<i32>} : memref<2048xi32, #tpu.memory_space<vmem>>, vector<16xi32>,
      %add3A_756 = vector.broadcast %multiple_of3A_753 : i32 to vector<16xi32>
      %add3A_757 = arith.addi %iota3A, %add3A_756 : vector<16xi32>
      %add3A_758 = arith.constant 0 : i32
      %add3A_759 = vector.broadcast %add3A_758 : i32 to vector<16xi32>
      %add3A_760 = arith.addi %add3A_757, %add3A_759 : vector<16xi32>
      tpu.vector_store_idx %arg9[%get3A_755], %add3A_760 : memref<50000xi32, #tpu.memory_space<vmem>>[vector<16xi32>], vector<16xi32>,
    }
    %scan3A_7 = arith.constant 32 : i32
    "tpu.region"() ({
      %run_scoped3A = tpu.sem_alloc : memref<!tpu.dma_semaphore, #tpu.memory_space<semaphore_mem>>
      %dma_start3A_712 = arith.constant 2048 : i32
      %dma_start3A_713 = tpu.memref_slice %arg3[%dma_start3A_712] : memref<8192xi32, #tpu.memory_space<hbm>> -> memref<2048xi32, #tpu.memory_space<hbm>>
      %dma_start3A_714 = arith.constant 2048 : i32
      %dma_start3A_715 = tpu.memref_slice %arg3[%dma_start3A_714] : memref<8192xi32, #tpu.memory_space<hbm>> -> memref<2048xi32, #tpu.memory_space<hbm>>
      tpu.enqueue_dma source(%dma_start3A_715 : memref<2048xi32, #tpu.memory_space<hbm>>) target(%arg10 : memref<2048xi32, #tpu.memory_space<vmem>>) target_semaphore(%run_scoped3A : memref<!tpu.dma_semaphore, #tpu.memory_space<semaphore_mem>>)
      %dma_wait3A_716 = arith.constant 2048 : i32
      %dma_wait3A_717 = tpu.memref_slice %arg3[%dma_wait3A_716] : memref<8192xi32, #tpu.memory_space<hbm>> -> memref<2048xi32, #tpu.memory_space<hbm>>
      %dma_wait3A_718 = arith.constant 2048 : i32
      %dma_wait3A_719 = tpu.memref_slice %arg3[%dma_wait3A_718] : memref<8192xi32, #tpu.memory_space<hbm>> -> memref<2048xi32, #tpu.memory_space<hbm>>
      tpu.wait_dma2 semaphore(%run_scoped3A : memref<!tpu.dma_semaphore, #tpu.memory_space<semaphore_mem>>) src(%dma_wait3A_719 : memref<2048xi32, #tpu.memory_space<hbm>>) dst(%arg10 : memref<2048xi32, #tpu.memory_space<vmem>>)
      tpu.yield
    }) : () -> ()
    %scan3A_8 = arith.constant 0 : i32
    %scan3A_9 = arith.constant 0 : i32
    %scan3A_10 = arith.constant 32 : i32
    %scan3A_11 = arith.addi %scan3A_9, %scan3A_10 : i32
    %scan3A_12 = arith.constant 1 : i32
    scf.for %scan3A_712 = %scan3A_9 to %scan3A_11 step %scan3A_12  : i32 {
      %mul3A_713 = arith.constant 64 : i32
      %mul3A_714 = arith.muli %scan3A_712, %mul3A_713 : i32
      %add3A_715 = arith.constant 0 : i32
      %add3A_716 = arith.addi %mul3A_714, %add3A_715 : i32
      %multiple_of3A_717 = tpu.assume_multiple %add3A_716, 16 : i32
      %get3A_718 = arith.index_cast %multiple_of3A_717 : i32 to index
      %get3A_719 = tpu.vector_load %arg10[%get3A_718] {strides = array<i32>} : memref<2048xi32, #tpu.memory_space<vmem>>, vector<16xi32>,
      %add3A_720 = vector.broadcast %multiple_of3A_717 : i32 to vector<16xi32>
      %add3A_721 = arith.addi %iota3A, %add3A_720 : vector<16xi32>
      %add3A_722 = arith.constant 2048 : i32
      %add3A_723 = vector.broadcast %add3A_722 : i32 to vector<16xi32>
      %add3A_724 = arith.addi %add3A_721, %add3A_723 : vector<16xi32>
      tpu.vector_store_idx %arg9[%get3A_719], %add3A_724 : memref<50000xi32, #tpu.memory_space<vmem>>[vector<16xi32>], vector<16xi32>,
      %mul3A_725 = arith.constant 64 : i32
      %mul3A_726 = arith.muli %scan3A_712, %mul3A_725 : i32
      %add3A_727 = arith.constant 16 : i32
      %add3A_728 = arith.addi %mul3A_726, %add3A_727 : i32
      %multiple_of3A_729 = tpu.assume_multiple %add3A_728, 16 : i32
      %get3A_730 = arith.index_cast %multiple_of3A_729 : i32 to index
      %get3A_731 = tpu.vector_load %arg10[%get3A_730] {strides = array<i32>} : memref<2048xi32, #tpu.memory_space<vmem>>, vector<16xi32>,
      %add3A_732 = vector.broadcast %multiple_of3A_729 : i32 to vector<16xi32>
      %add3A_733 = arith.addi %iota3A, %add3A_732 : vector<16xi32>
      %add3A_734 = arith.constant 2048 : i32
      %add3A_735 = vector.broadcast %add3A_734 : i32 to vector<16xi32>
      %add3A_736 = arith.addi %add3A_733, %add3A_735 : vector<16xi32>
      tpu.vector_store_idx %arg9[%get3A_731], %add3A_736 : memref<50000xi32, #tpu.memory_space<vmem>>[vector<16xi32>], vector<16xi32>,
      %mul3A_737 = arith.constant 64 : i32
      %mul3A_738 = arith.muli %scan3A_712, %mul3A_737 : i32
      %add3A_739 = arith.constant 32 : i32
      %add3A_740 = arith.addi %mul3A_738, %add3A_739 : i32
      %multiple_of3A_741 = tpu.assume_multiple %add3A_740, 16 : i32
      %get3A_742 = arith.index_cast %multiple_of3A_741 : i32 to index
      %get3A_743 = tpu.vector_load %arg10[%get3A_742] {strides = array<i32>} : memref<2048xi32, #tpu.memory_space<vmem>>, vector<16xi32>,
      %add3A_744 = vector.broadcast %multiple_of3A_741 : i32 to vector<16xi32>
      %add3A_745 = arith.addi %iota3A, %add3A_744 : vector<16xi32>
      %add3A_746 = arith.constant 2048 : i32
      %add3A_747 = vector.broadcast %add3A_746 : i32 to vector<16xi32>
      %add3A_748 = arith.addi %add3A_745, %add3A_747 : vector<16xi32>
      tpu.vector_store_idx %arg9[%get3A_743], %add3A_748 : memref<50000xi32, #tpu.memory_space<vmem>>[vector<16xi32>], vector<16xi32>,
      %mul3A_749 = arith.constant 64 : i32
      %mul3A_750 = arith.muli %scan3A_712, %mul3A_749 : i32
      %add3A_751 = arith.constant 48 : i32
      %add3A_752 = arith.addi %mul3A_750, %add3A_751 : i32
      %multiple_of3A_753 = tpu.assume_multiple %add3A_752, 16 : i32
      %get3A_754 = arith.index_cast %multiple_of3A_753 : i32 to index
      %get3A_755 = tpu.vector_load %arg10[%get3A_754] {strides = array<i32>} : memref<2048xi32, #tpu.memory_space<vmem>>, vector<16xi32>,
      %add3A_756 = vector.broadcast %multiple_of3A_753 : i32 to vector<16xi32>
      %add3A_757 = arith.addi %iota3A, %add3A_756 : vector<16xi32>
      %add3A_758 = arith.constant 2048 : i32
      %add3A_759 = vector.broadcast %add3A_758 : i32 to vector<16xi32>
      %add3A_760 = arith.addi %add3A_757, %add3A_759 : vector<16xi32>
      tpu.vector_store_idx %arg9[%get3A_755], %add3A_760 : memref<50000xi32, #tpu.memory_space<vmem>>[vector<16xi32>], vector<16xi32>,
    }
    %scan3A_13 = arith.constant 32 : i32
    "tpu.region"() ({
      %run_scoped3A = tpu.sem_alloc : memref<!tpu.dma_semaphore, #tpu.memory_space<semaphore_mem>>
      %dma_start3A_712 = arith.constant 4096 : i32
      %dma_start3A_713 = tpu.memref_slice %arg3[%dma_start3A_712] : memref<8192xi32, #tpu.memory_space<hbm>> -> memref<2048xi32, #tpu.memory_space<hbm>>
      %dma_start3A_714 = arith.constant 4096 : i32
      %dma_start3A_715 = tpu.memref_slice %arg3[%dma_start3A_714] : memref<8192xi32, #tpu.memory_space<hbm>> -> memref<2048xi32, #tpu.memory_space<hbm>>
      tpu.enqueue_dma source(%dma_start3A_715 : memref<2048xi32, #tpu.memory_space<hbm>>) target(%arg10 : memref<2048xi32, #tpu.memory_space<vmem>>) target_semaphore(%run_scoped3A : memref<!tpu.dma_semaphore, #tpu.memory_space<semaphore_mem>>)
      %dma_wait3A_716 = arith.constant 4096 : i32
      %dma_wait3A_717 = tpu.memref_slice %arg3[%dma_wait3A_716] : memref<8192xi32, #tpu.memory_space<hbm>> -> memref<2048xi32, #tpu.memory_space<hbm>>
      %dma_wait3A_718 = arith.constant 4096 : i32
      %dma_wait3A_719 = tpu.memref_slice %arg3[%dma_wait3A_718] : memref<8192xi32, #tpu.memory_space<hbm>> -> memref<2048xi32, #tpu.memory_space<hbm>>
      tpu.wait_dma2 semaphore(%run_scoped3A : memref<!tpu.dma_semaphore, #tpu.memory_space<semaphore_mem>>) src(%dma_wait3A_719 : memref<2048xi32, #tpu.memory_space<hbm>>) dst(%arg10 : memref<2048xi32, #tpu.memory_space<vmem>>)
      tpu.yield
    }) : () -> ()
    %scan3A_14 = arith.constant 0 : i32
    %scan3A_15 = arith.constant 0 : i32
    %scan3A_16 = arith.constant 32 : i32
    %scan3A_17 = arith.addi %scan3A_15, %scan3A_16 : i32
    %scan3A_18 = arith.constant 1 : i32
    scf.for %scan3A_712 = %scan3A_15 to %scan3A_17 step %scan3A_18  : i32 {
      %mul3A_713 = arith.constant 64 : i32
      %mul3A_714 = arith.muli %scan3A_712, %mul3A_713 : i32
      %add3A_715 = arith.constant 0 : i32
      %add3A_716 = arith.addi %mul3A_714, %add3A_715 : i32
      %multiple_of3A_717 = tpu.assume_multiple %add3A_716, 16 : i32
      %get3A_718 = arith.index_cast %multiple_of3A_717 : i32 to index
      %get3A_719 = tpu.vector_load %arg10[%get3A_718] {strides = array<i32>} : memref<2048xi32, #tpu.memory_space<vmem>>, vector<16xi32>,
      %add3A_720 = vector.broadcast %multiple_of3A_717 : i32 to vector<16xi32>
      %add3A_721 = arith.addi %iota3A, %add3A_720 : vector<16xi32>
      %add3A_722 = arith.constant 4096 : i32
      %add3A_723 = vector.broadcast %add3A_722 : i32 to vector<16xi32>
      %add3A_724 = arith.addi %add3A_721, %add3A_723 : vector<16xi32>
      tpu.vector_store_idx %arg9[%get3A_719], %add3A_724 : memref<50000xi32, #tpu.memory_space<vmem>>[vector<16xi32>], vector<16xi32>,
      %mul3A_725 = arith.constant 64 : i32
      %mul3A_726 = arith.muli %scan3A_712, %mul3A_725 : i32
      %add3A_727 = arith.constant 16 : i32
      %add3A_728 = arith.addi %mul3A_726, %add3A_727 : i32
      %multiple_of3A_729 = tpu.assume_multiple %add3A_728, 16 : i32
      %get3A_730 = arith.index_cast %multiple_of3A_729 : i32 to index
      %get3A_731 = tpu.vector_load %arg10[%get3A_730] {strides = array<i32>} : memref<2048xi32, #tpu.memory_space<vmem>>, vector<16xi32>,
      %add3A_732 = vector.broadcast %multiple_of3A_729 : i32 to vector<16xi32>
      %add3A_733 = arith.addi %iota3A, %add3A_732 : vector<16xi32>
      %add3A_734 = arith.constant 4096 : i32
      %add3A_735 = vector.broadcast %add3A_734 : i32 to vector<16xi32>
      %add3A_736 = arith.addi %add3A_733, %add3A_735 : vector<16xi32>
      tpu.vector_store_idx %arg9[%get3A_731], %add3A_736 : memref<50000xi32, #tpu.memory_space<vmem>>[vector<16xi32>], vector<16xi32>,
      %mul3A_737 = arith.constant 64 : i32
      %mul3A_738 = arith.muli %scan3A_712, %mul3A_737 : i32
      %add3A_739 = arith.constant 32 : i32
      %add3A_740 = arith.addi %mul3A_738, %add3A_739 : i32
      %multiple_of3A_741 = tpu.assume_multiple %add3A_740, 16 : i32
      %get3A_742 = arith.index_cast %multiple_of3A_741 : i32 to index
      %get3A_743 = tpu.vector_load %arg10[%get3A_742] {strides = array<i32>} : memref<2048xi32, #tpu.memory_space<vmem>>, vector<16xi32>,
      %add3A_744 = vector.broadcast %multiple_of3A_741 : i32 to vector<16xi32>
      %add3A_745 = arith.addi %iota3A, %add3A_744 : vector<16xi32>
      %add3A_746 = arith.constant 4096 : i32
      %add3A_747 = vector.broadcast %add3A_746 : i32 to vector<16xi32>
      %add3A_748 = arith.addi %add3A_745, %add3A_747 : vector<16xi32>
      tpu.vector_store_idx %arg9[%get3A_743], %add3A_748 : memref<50000xi32, #tpu.memory_space<vmem>>[vector<16xi32>], vector<16xi32>,
      %mul3A_749 = arith.constant 64 : i32
      %mul3A_750 = arith.muli %scan3A_712, %mul3A_749 : i32
      %add3A_751 = arith.constant 48 : i32
      %add3A_752 = arith.addi %mul3A_750, %add3A_751 : i32
      %multiple_of3A_753 = tpu.assume_multiple %add3A_752, 16 : i32
      %get3A_754 = arith.index_cast %multiple_of3A_753 : i32 to index
      %get3A_755 = tpu.vector_load %arg10[%get3A_754] {strides = array<i32>} : memref<2048xi32, #tpu.memory_space<vmem>>, vector<16xi32>,
      %add3A_756 = vector.broadcast %multiple_of3A_753 : i32 to vector<16xi32>
      %add3A_757 = arith.addi %iota3A, %add3A_756 : vector<16xi32>
      %add3A_758 = arith.constant 4096 : i32
      %add3A_759 = vector.broadcast %add3A_758 : i32 to vector<16xi32>
      %add3A_760 = arith.addi %add3A_757, %add3A_759 : vector<16xi32>
      tpu.vector_store_idx %arg9[%get3A_755], %add3A_760 : memref<50000xi32, #tpu.memory_space<vmem>>[vector<16xi32>], vector<16xi32>,
    }
    %scan3A_19 = arith.constant 32 : i32
    "tpu.region"() ({
      %run_scoped3A = tpu.sem_alloc : memref<!tpu.dma_semaphore, #tpu.memory_space<semaphore_mem>>
      %dma_start3A_712 = arith.constant 6144 : i32
      %dma_start3A_713 = tpu.memref_slice %arg3[%dma_start3A_712] : memref<8192xi32, #tpu.memory_space<hbm>> -> memref<2048xi32, #tpu.memory_space<hbm>>
      %dma_start3A_714 = arith.constant 6144 : i32
      %dma_start3A_715 = tpu.memref_slice %arg3[%dma_start3A_714] : memref<8192xi32, #tpu.memory_space<hbm>> -> memref<2048xi32, #tpu.memory_space<hbm>>
      tpu.enqueue_dma source(%dma_start3A_715 : memref<2048xi32, #tpu.memory_space<hbm>>) target(%arg10 : memref<2048xi32, #tpu.memory_space<vmem>>) target_semaphore(%run_scoped3A : memref<!tpu.dma_semaphore, #tpu.memory_space<semaphore_mem>>)
      %dma_wait3A_716 = arith.constant 6144 : i32
      %dma_wait3A_717 = tpu.memref_slice %arg3[%dma_wait3A_716] : memref<8192xi32, #tpu.memory_space<hbm>> -> memref<2048xi32, #tpu.memory_space<hbm>>
      %dma_wait3A_718 = arith.constant 6144 : i32
      %dma_wait3A_719 = tpu.memref_slice %arg3[%dma_wait3A_718] : memref<8192xi32, #tpu.memory_space<hbm>> -> memref<2048xi32, #tpu.memory_space<hbm>>
      tpu.wait_dma2 semaphore(%run_scoped3A : memref<!tpu.dma_semaphore, #tpu.memory_space<semaphore_mem>>) src(%dma_wait3A_719 : memref<2048xi32, #tpu.memory_space<hbm>>) dst(%arg10 : memref<2048xi32, #tpu.memory_space<vmem>>)
      tpu.yield
    }) : () -> ()
    %scan3A_20 = arith.constant 0 : i32
    %scan3A_21 = arith.constant 0 : i32
    %scan3A_22 = arith.constant 32 : i32
    %scan3A_23 = arith.addi %scan3A_21, %scan3A_22 : i32
    %scan3A_24 = arith.constant 1 : i32
    scf.for %scan3A_712 = %scan3A_21 to %scan3A_23 step %scan3A_24  : i32 {
      %mul3A_713 = arith.constant 64 : i32
      %mul3A_714 = arith.muli %scan3A_712, %mul3A_713 : i32
      %add3A_715 = arith.constant 0 : i32
      %add3A_716 = arith.addi %mul3A_714, %add3A_715 : i32
      %multiple_of3A_717 = tpu.assume_multiple %add3A_716, 16 : i32
      %get3A_718 = arith.index_cast %multiple_of3A_717 : i32 to index
      %get3A_719 = tpu.vector_load %arg10[%get3A_718] {strides = array<i32>} : memref<2048xi32, #tpu.memory_space<vmem>>, vector<16xi32>,
      %add3A_720 = vector.broadcast %multiple_of3A_717 : i32 to vector<16xi32>
      %add3A_721 = arith.addi %iota3A, %add3A_720 : vector<16xi32>
      %add3A_722 = arith.constant 6144 : i32
      %add3A_723 = vector.broadcast %add3A_722 : i32 to vector<16xi32>
      %add3A_724 = arith.addi %add3A_721, %add3A_723 : vector<16xi32>
      tpu.vector_store_idx %arg9[%get3A_719], %add3A_724 : memref<50000xi32, #tpu.memory_space<vmem>>[vector<16xi32>], vector<16xi32>,
      %mul3A_725 = arith.constant 64 : i32
      %mul3A_726 = arith.muli %scan3A_712, %mul3A_725 : i32
      %add3A_727 = arith.constant 16 : i32
      %add3A_728 = arith.addi %mul3A_726, %add3A_727 : i32
      %multiple_of3A_729 = tpu.assume_multiple %add3A_728, 16 : i32
      %get3A_730 = arith.index_cast %multiple_of3A_729 : i32 to index
      %get3A_731 = tpu.vector_load %arg10[%get3A_730] {strides = array<i32>} : memref<2048xi32, #tpu.memory_space<vmem>>, vector<16xi32>,
      %add3A_732 = vector.broadcast %multiple_of3A_729 : i32 to vector<16xi32>
      %add3A_733 = arith.addi %iota3A, %add3A_732 : vector<16xi32>
      %add3A_734 = arith.constant 6144 : i32
      %add3A_735 = vector.broadcast %add3A_734 : i32 to vector<16xi32>
      %add3A_736 = arith.addi %add3A_733, %add3A_735 : vector<16xi32>
      tpu.vector_store_idx %arg9[%get3A_731], %add3A_736 : memref<50000xi32, #tpu.memory_space<vmem>>[vector<16xi32>], vector<16xi32>,
      %mul3A_737 = arith.constant 64 : i32
      %mul3A_738 = arith.muli %scan3A_712, %mul3A_737 : i32
      %add3A_739 = arith.constant 32 : i32
      %add3A_740 = arith.addi %mul3A_738, %add3A_739 : i32
      %multiple_of3A_741 = tpu.assume_multiple %add3A_740, 16 : i32
      %get3A_742 = arith.index_cast %multiple_of3A_741 : i32 to index
      %get3A_743 = tpu.vector_load %arg10[%get3A_742] {strides = array<i32>} : memref<2048xi32, #tpu.memory_space<vmem>>, vector<16xi32>,
      %add3A_744 = vector.broadcast %multiple_of3A_741 : i32 to vector<16xi32>
      %add3A_745 = arith.addi %iota3A, %add3A_744 : vector<16xi32>
      %add3A_746 = arith.constant 6144 : i32
      %add3A_747 = vector.broadcast %add3A_746 : i32 to vector<16xi32>
      %add3A_748 = arith.addi %add3A_745, %add3A_747 : vector<16xi32>
      tpu.vector_store_idx %arg9[%get3A_743], %add3A_748 : memref<50000xi32, #tpu.memory_space<vmem>>[vector<16xi32>], vector<16xi32>,
      %mul3A_749 = arith.constant 64 : i32
      %mul3A_750 = arith.muli %scan3A_712, %mul3A_749 : i32
      %add3A_751 = arith.constant 48 : i32
      %add3A_752 = arith.addi %mul3A_750, %add3A_751 : i32
      %multiple_of3A_753 = tpu.assume_multiple %add3A_752, 16 : i32
      %get3A_754 = arith.index_cast %multiple_of3A_753 : i32 to index
      %get3A_755 = tpu.vector_load %arg10[%get3A_754] {strides = array<i32>} : memref<2048xi32, #tpu.memory_space<vmem>>, vector<16xi32>,
      %add3A_756 = vector.broadcast %multiple_of3A_753 : i32 to vector<16xi32>
      %add3A_757 = arith.addi %iota3A, %add3A_756 : vector<16xi32>
      %add3A_758 = arith.constant 6144 : i32
      %add3A_759 = vector.broadcast %add3A_758 : i32 to vector<16xi32>
      %add3A_760 = arith.addi %add3A_757, %add3A_759 : vector<16xi32>
      tpu.vector_store_idx %arg9[%get3A_755], %add3A_760 : memref<50000xi32, #tpu.memory_space<vmem>>[vector<16xi32>], vector<16xi32>,
    }
    %scan3A_25 = arith.constant 32 : i32
    %barrier3A = arith.constant 0 : index
    tpu.barrier barrier_id(%barrier3A)
    %lt3A = arith.constant 10 : i32
    %lt3A_26 = arith.cmpi slt, %add3A, %lt3A : i32
    %mul3A_27 = arith.constant 196 : i32
    %mul3A_28 = arith.muli %add3A, %mul3A_27 : i32
    %mul3A_29 = arith.constant 128 : i32
    %mul3A_30 = arith.muli %mul3A_28, %mul3A_29 : i32
    %sub3A = arith.constant 10 : i32
    %sub3A_31 = arith.subi %add3A, %sub3A : i32
    %mul3A_32 = arith.constant 195 : i32
    %mul3A_33 = arith.muli %sub3A_31, %mul3A_32 : i32
    %mul3A_34 = arith.constant 128 : i32
    %mul3A_35 = arith.muli %mul3A_33, %mul3A_34 : i32
    %add3A_36 = arith.constant 250880 : i32
    %add3A_37 = arith.addi %add3A_36, %mul3A_35 : i32
    %select_n3A = arith.select %lt3A_26, %mul3A_30, %add3A_37 : i32
    %lt3A_38 = arith.constant 10 : i32
    %lt3A_39 = arith.cmpi slt, %add3A, %lt3A_38 : i32
    %jit3A = arith.constant 1568 : i32
    %jit3A_40 = arith.constant 1560 : i32
    %select_n3A_41 = arith.select %lt3A_39, %jit3A, %jit3A_40 : i32
    %broadcast_in_dim3A = arith.constant 0 : i32
    %broadcast_in_dim3A_42 = vector.broadcast %broadcast_in_dim3A : i32 to vector<16xi32>
    %broadcast_in_dim3A_43 = arith.constant 0 : i32
    %broadcast_in_dim3A_44 = vector.broadcast %broadcast_in_dim3A_43 : i32 to vector<16xi32>
    %add3A_45 = arith.constant 0 : i32
    %add3A_46 = arith.addi %select_n3A, %add3A_45 : i32
    %min3A = arith.constant 797952 : i32
    %min3A_47 = arith.minsi %add3A_46, %min3A : i32
    %multiple_of3A_48 = tpu.assume_multiple %min3A_47, 128 : i32
    %dma_start3A = arith.constant 0 : i32
    %dma_start3A_49 = tpu.memref_slice %arg2[%dma_start3A, %multiple_of3A_48] : memref<2x800000xi32, #tpu.memory_space<hbm>> -> memref<2x2048xi32, #tpu.memory_space<hbm>>
    %dma_start3A_50 = arith.constant 0 : i32
    %dma_start3A_51 = tpu.memref_slice %arg2[%dma_start3A_50, %multiple_of3A_48] : memref<2x800000xi32, #tpu.memory_space<hbm>> -> memref<2x2048xi32, #tpu.memory_space<hbm>>
    tpu.enqueue_dma source(%dma_start3A_51 : memref<2x2048xi32, #tpu.memory_space<hbm>>) target(%arg11 : memref<2x2048xi32, #tpu.memory_space<vmem>>) target_semaphore(%arg21 : memref<!tpu.dma_semaphore, #tpu.memory_space<semaphore_mem>>)
    %add3A_52 = arith.constant 2048 : i32
    %add3A_53 = arith.addi %select_n3A, %add3A_52 : i32
    %min3A_54 = arith.constant 797952 : i32
    %min3A_55 = arith.minsi %add3A_53, %min3A_54 : i32
    %multiple_of3A_56 = tpu.assume_multiple %min3A_55, 128 : i32
    %dma_start3A_57 = arith.constant 0 : i32
    %dma_start3A_58 = tpu.memref_slice %arg2[%dma_start3A_57, %multiple_of3A_56] : memref<2x800000xi32, #tpu.memory_space<hbm>> -> memref<2x2048xi32, #tpu.memory_space<hbm>>
    %dma_start3A_59 = arith.constant 0 : i32
    %dma_start3A_60 = tpu.memref_slice %arg2[%dma_start3A_59, %multiple_of3A_56] : memref<2x800000xi32, #tpu.memory_space<hbm>> -> memref<2x2048xi32, #tpu.memory_space<hbm>>
    tpu.enqueue_dma source(%dma_start3A_60 : memref<2x2048xi32, #tpu.memory_space<hbm>>) target(%arg12 : memref<2x2048xi32, #tpu.memory_space<vmem>>) target_semaphore(%arg21 : memref<!tpu.dma_semaphore, #tpu.memory_space<semaphore_mem>>)
    %dma_wait3A = arith.constant 0 : i32
    %dma_wait3A_61 = arith.constant 0 : i32
    %dma_wait3A_62 = tpu.memref_slice %arg2[%dma_wait3A, %dma_wait3A_61] : memref<2x800000xi32, #tpu.memory_space<hbm>> -> memref<2x2048xi32, #tpu.memory_space<hbm>>
    %dma_wait3A_63 = arith.constant 0 : i32
    %dma_wait3A_64 = arith.constant 0 : i32
    %dma_wait3A_65 = tpu.memref_slice %arg2[%dma_wait3A_63, %dma_wait3A_64] : memref<2x800000xi32, #tpu.memory_space<hbm>> -> memref<2x2048xi32, #tpu.memory_space<hbm>>
    tpu.wait_dma2 semaphore(%arg21 : memref<!tpu.dma_semaphore, #tpu.memory_space<semaphore_mem>>) src(%dma_wait3A_65 : memref<2x2048xi32, #tpu.memory_space<hbm>>) dst(%arg11 : memref<2x2048xi32, #tpu.memory_space<vmem>>)
    %scan3A_66 = arith.constant 0 : i32
    %scan3A_67 = arith.constant 32 : i32
    %scan3A_68 = arith.addi %scan3A_66, %scan3A_67 : i32
    %scan3A_69 = arith.constant 1 : i32
    %scan3A_70:2 = scf.for %scan3A_712 = %scan3A_66 to %scan3A_68 step %scan3A_69 iter_args(%scan3A_713 = %broadcast_in_dim3A_42, %scan3A_714 = %broadcast_in_dim3A_44) -> (vector<16xi32>, vector<16xi32>)  : i32 {
      %mul3A_715 = arith.constant 4 : i32
      %mul3A_716 = arith.muli %scan3A_712, %mul3A_715 : i32
      %add3A_717 = arith.constant 0 : i32
      %add3A_718 = arith.addi %mul3A_716, %add3A_717 : i32
      %mul3A_719 = arith.constant 16 : i32
      %mul3A_720 = arith.muli %add3A_718, %mul3A_719 : i32
      %multiple_of3A_721 = tpu.assume_multiple %mul3A_720, 16 : i32
      %get3A_722 = arith.constant 1 : i32
      %get3A_723 = arith.index_cast %get3A_722 : i32 to index
      %get3A_724 = arith.index_cast %multiple_of3A_721 : i32 to index
      %get3A_725 = tpu.vector_load %arg11[%get3A_723, %get3A_724] {strides = array<i32>} : memref<2x2048xi32, #tpu.memory_space<vmem>>, vector<16xi32>,
      %get3A_726 = arith.constant 0 : i32
      %get3A_727 = arith.index_cast %get3A_726 : i32 to index
      %get3A_728 = arith.index_cast %multiple_of3A_721 : i32 to index
      %get3A_729 = tpu.vector_load %arg11[%get3A_727, %get3A_728] {strides = array<i32>} : memref<2x2048xi32, #tpu.memory_space<vmem>>, vector<16xi32>,
      %gather3A_730 = tpu.vector_load_idx %arg9[%get3A_725] : memref<50000xi32, #tpu.memory_space<vmem>>[vector<16xi32>], vector<16xi32>,
      %ge3A = arith.constant 0 : i32
      %ge3A_731 = vector.broadcast %ge3A : i32 to vector<16xi32>
      %ge3A_732 = arith.cmpi sge, %gather3A_730, %ge3A_731 : vector<16xi32>
      %lt3A_733 = arith.constant 25000 : i32
      %lt3A_734 = vector.broadcast %lt3A_733 : i32 to vector<16xi32>
      %lt3A_735 = arith.cmpi slt, %get3A_729, %lt3A_734 : vector<16xi32>
      %and3A_736 = arith.andi %ge3A_732, %lt3A_735 : vector<16xi1>
      %not3A = arith.constant dense<true> : vector<16xi1>
      %not3A_737 = arith.xori %lt3A_735, %not3A : vector<16xi1>
      %and3A_738 = arith.andi %ge3A_732, %not3A_737 : vector<16xi1>
      %shift_left3A = arith.constant 17 : i32
      %shift_left3A_739 = vector.broadcast %shift_left3A : i32 to vector<16xi32>
      %shift_left3A_740 = arith.shli %gather3A_730, %shift_left3A_739 : vector<16xi32>
      %convert_element_type3A_741 = arith.extui %and3A_736 : vector<16xi1> to vector<16xi32>
      %broadcast_in_dim3A_742 = arith.constant true
      %broadcast_in_dim3A_743 = vector.broadcast %broadcast_in_dim3A_742 : i1 to vector<16xi1>
      %masked_cumsum3A = tpu.scan <sum>, %convert_element_type3A_741 masked %broadcast_in_dim3A_743 : vector<16xi32>, vector<16xi1> -> vector<16xi32>
      %add3A_744 = arith.addi %scan3A_713, %masked_cumsum3A : vector<16xi32>
      %sub3A_745 = arith.constant 1 : i32
      %sub3A_746 = vector.broadcast %sub3A_745 : i32 to vector<16xi32>
      %sub3A_747 = arith.subi %add3A_744, %sub3A_746 : vector<16xi32>
      %or3A = arith.ori %get3A_729, %shift_left3A_740 : vector<16xi32>
      tpu.vector_store_idx %arg13[%sub3A_747], %or3A masked %and3A_736 : memref<25088xi32, #tpu.memory_space<vmem>>[vector<16xi32>], vector<16xi32>, vector<16xi1>
      %convert_element_type3A_748 = arith.extui %and3A_738 : vector<16xi1> to vector<16xi32>
      %broadcast_in_dim3A_749 = arith.constant true
      %broadcast_in_dim3A_750 = vector.broadcast %broadcast_in_dim3A_749 : i1 to vector<16xi1>
      %masked_cumsum3A_751 = tpu.scan <sum>, %convert_element_type3A_748 masked %broadcast_in_dim3A_750 : vector<16xi32>, vector<16xi1> -> vector<16xi32>
      %add3A_752 = arith.addi %scan3A_714, %masked_cumsum3A_751 : vector<16xi32>
      %sub3A_753 = arith.constant 1 : i32
      %sub3A_754 = vector.broadcast %sub3A_753 : i32 to vector<16xi32>
      %sub3A_755 = arith.subi %add3A_752, %sub3A_754 : vector<16xi32>
      %sub3A_756 = arith.constant 25087 : i32
      %sub3A_757 = vector.broadcast %sub3A_756 : i32 to vector<16xi32>
      %sub3A_758 = arith.subi %sub3A_757, %sub3A_755 : vector<16xi32>
      %sub3A_759 = arith.constant 25000 : i32
      %sub3A_760 = vector.broadcast %sub3A_759 : i32 to vector<16xi32>
      %sub3A_761 = arith.subi %get3A_729, %sub3A_760 : vector<16xi32>
      %or3A_762 = arith.ori %sub3A_761, %shift_left3A_740 : vector<16xi32>
      tpu.vector_store_idx %arg13[%sub3A_758], %or3A_762 masked %and3A_738 : memref<25088xi32, #tpu.memory_space<vmem>>[vector<16xi32>], vector<16xi32>, vector<16xi1>
      %all_reduce_population_count3A = tpu.all_reduce %and3A_736 {dim = 0 : i64, kind = #tpu.reduction_kind<sum>} : vector<16xi1> -> vector<16xi32>
      %add3A_763 = arith.addi %scan3A_713, %all_reduce_population_count3A : vector<16xi32>
      %all_reduce_population_count3A_764 = tpu.all_reduce %and3A_738 {dim = 0 : i64, kind = #tpu.reduction_kind<sum>} : vector<16xi1> -> vector<16xi32>
      %add3A_765 = arith.addi %scan3A_714, %all_reduce_population_count3A_764 : vector<16xi32>
      %mul3A_766 = arith.constant 4 : i32
      %mul3A_767 = arith.muli %scan3A_712, %mul3A_766 : i32
      %add3A_768 = arith.constant 1 : i32
      %add3A_769 = arith.addi %mul3A_767, %add3A_768 : i32
      %mul3A_770 = arith.constant 16 : i32
      %mul3A_771 = arith.muli %add3A_769, %mul3A_770 : i32
      %multiple_of3A_772 = tpu.assume_multiple %mul3A_771, 16 : i32
      %get3A_773 = arith.constant 1 : i32
      %get3A_774 = arith.index_cast %get3A_773 : i32 to index
      %get3A_775 = arith.index_cast %multiple_of3A_772 : i32 to index
      %get3A_776 = tpu.vector_load %arg11[%get3A_774, %get3A_775] {strides = array<i32>} : memref<2x2048xi32, #tpu.memory_space<vmem>>, vector<16xi32>,
      %get3A_777 = arith.constant 0 : i32
      %get3A_778 = arith.index_cast %get3A_777 : i32 to index
      %get3A_779 = arith.index_cast %multiple_of3A_772 : i32 to index
      %get3A_780 = tpu.vector_load %arg11[%get3A_778, %get3A_779] {strides = array<i32>} : memref<2x2048xi32, #tpu.memory_space<vmem>>, vector<16xi32>,
      %gather3A_781 = tpu.vector_load_idx %arg9[%get3A_776] : memref<50000xi32, #tpu.memory_space<vmem>>[vector<16xi32>], vector<16xi32>,
      %ge3A_782 = arith.constant 0 : i32
      %ge3A_783 = vector.broadcast %ge3A_782 : i32 to vector<16xi32>
      %ge3A_784 = arith.cmpi sge, %gather3A_781, %ge3A_783 : vector<16xi32>
      %lt3A_785 = arith.constant 25000 : i32
      %lt3A_786 = vector.broadcast %lt3A_785 : i32 to vector<16xi32>
      %lt3A_787 = arith.cmpi slt, %get3A_780, %lt3A_786 : vector<16xi32>
      %and3A_788 = arith.andi %ge3A_784, %lt3A_787 : vector<16xi1>
      %not3A_789 = arith.constant dense<true> : vector<16xi1>
      %not3A_790 = arith.xori %lt3A_787, %not3A_789 : vector<16xi1>
      %and3A_791 = arith.andi %ge3A_784, %not3A_790 : vector<16xi1>
      %shift_left3A_792 = arith.constant 17 : i32
      %shift_left3A_793 = vector.broadcast %shift_left3A_792 : i32 to vector<16xi32>
      %shift_left3A_794 = arith.shli %gather3A_781, %shift_left3A_793 : vector<16xi32>
      %convert_element_type3A_795 = arith.extui %and3A_788 : vector<16xi1> to vector<16xi32>
      %broadcast_in_dim3A_796 = arith.constant true
      %broadcast_in_dim3A_797 = vector.broadcast %broadcast_in_dim3A_796 : i1 to vector<16xi1>
      %masked_cumsum3A_798 = tpu.scan <sum>, %convert_element_type3A_795 masked %broadcast_in_dim3A_797 : vector<16xi32>, vector<16xi1> -> vector<16xi32>
      %add3A_799 = arith.addi %add3A_763, %masked_cumsum3A_798 : vector<16xi32>
      %sub3A_800 = arith.constant 1 : i32
      %sub3A_801 = vector.broadcast %sub3A_800 : i32 to vector<16xi32>
      %sub3A_802 = arith.subi %add3A_799, %sub3A_801 : vector<16xi32>
      %or3A_803 = arith.ori %get3A_780, %shift_left3A_794 : vector<16xi32>
      tpu.vector_store_idx %arg13[%sub3A_802], %or3A_803 masked %and3A_788 : memref<25088xi32, #tpu.memory_space<vmem>>[vector<16xi32>], vector<16xi32>, vector<16xi1>
      %convert_element_type3A_804 = arith.extui %and3A_791 : vector<16xi1> to vector<16xi32>
      %broadcast_in_dim3A_805 = arith.constant true
      %broadcast_in_dim3A_806 = vector.broadcast %broadcast_in_dim3A_805 : i1 to vector<16xi1>
      %masked_cumsum3A_807 = tpu.scan <sum>, %convert_element_type3A_804 masked %broadcast_in_dim3A_806 : vector<16xi32>, vector<16xi1> -> vector<16xi32>
      %add3A_808 = arith.addi %add3A_765, %masked_cumsum3A_807 : vector<16xi32>
      %sub3A_809 = arith.constant 1 : i32
      %sub3A_810 = vector.broadcast %sub3A_809 : i32 to vector<16xi32>
      %sub3A_811 = arith.subi %add3A_808, %sub3A_810 : vector<16xi32>
      %sub3A_812 = arith.constant 25087 : i32
      %sub3A_813 = vector.broadcast %sub3A_812 : i32 to vector<16xi32>
      %sub3A_814 = arith.subi %sub3A_813, %sub3A_811 : vector<16xi32>
      %sub3A_815 = arith.constant 25000 : i32
      %sub3A_816 = vector.broadcast %sub3A_815 : i32 to vector<16xi32>
      %sub3A_817 = arith.subi %get3A_780, %sub3A_816 : vector<16xi32>
      %or3A_818 = arith.ori %sub3A_817, %shift_left3A_794 : vector<16xi32>
      tpu.vector_store_idx %arg13[%sub3A_814], %or3A_818 masked %and3A_791 : memref<25088xi32, #tpu.memory_space<vmem>>[vector<16xi32>], vector<16xi32>, vector<16xi1>
      %all_reduce_population_count3A_819 = tpu.all_reduce %and3A_788 {dim = 0 : i64, kind = #tpu.reduction_kind<sum>} : vector<16xi1> -> vector<16xi32>
      %add3A_820 = arith.addi %add3A_763, %all_reduce_population_count3A_819 : vector<16xi32>
      %all_reduce_population_count3A_821 = tpu.all_reduce %and3A_791 {dim = 0 : i64, kind = #tpu.reduction_kind<sum>} : vector<16xi1> -> vector<16xi32>
      %add3A_822 = arith.addi %add3A_765, %all_reduce_population_count3A_821 : vector<16xi32>
      %mul3A_823 = arith.constant 4 : i32
      %mul3A_824 = arith.muli %scan3A_712, %mul3A_823 : i32
      %add3A_825 = arith.constant 2 : i32
      %add3A_826 = arith.addi %mul3A_824, %add3A_825 : i32
      %mul3A_827 = arith.constant 16 : i32
      %mul3A_828 = arith.muli %add3A_826, %mul3A_827 : i32
      %multiple_of3A_829 = tpu.assume_multiple %mul3A_828, 16 : i32
      %get3A_830 = arith.constant 1 : i32
      %get3A_831 = arith.index_cast %get3A_830 : i32 to index
      %get3A_832 = arith.index_cast %multiple_of3A_829 : i32 to index
      %get3A_833 = tpu.vector_load %arg11[%get3A_831, %get3A_832] {strides = array<i32>} : memref<2x2048xi32, #tpu.memory_space<vmem>>, vector<16xi32>,
      %get3A_834 = arith.constant 0 : i32
      %get3A_835 = arith.index_cast %get3A_834 : i32 to index
      %get3A_836 = arith.index_cast %multiple_of3A_829 : i32 to index
      %get3A_837 = tpu.vector_load %arg11[%get3A_835, %get3A_836] {strides = array<i32>} : memref<2x2048xi32, #tpu.memory_space<vmem>>, vector<16xi32>,
      %gather3A_838 = tpu.vector_load_idx %arg9[%get3A_833] : memref<50000xi32, #tpu.memory_space<vmem>>[vector<16xi32>], vector<16xi32>,
      %ge3A_839 = arith.constant 0 : i32
      %ge3A_840 = vector.broadcast %ge3A_839 : i32 to vector<16xi32>
      %ge3A_841 = arith.cmpi sge, %gather3A_838, %ge3A_840 : vector<16xi32>
      %lt3A_842 = arith.constant 25000 : i32
      %lt3A_843 = vector.broadcast %lt3A_842 : i32 to vector<16xi32>
      %lt3A_844 = arith.cmpi slt, %get3A_837, %lt3A_843 : vector<16xi32>
      %and3A_845 = arith.andi %ge3A_841, %lt3A_844 : vector<16xi1>
      %not3A_846 = arith.constant dense<true> : vector<16xi1>
      %not3A_847 = arith.xori %lt3A_844, %not3A_846 : vector<16xi1>
      %and3A_848 = arith.andi %ge3A_841, %not3A_847 : vector<16xi1>
      %shift_left3A_849 = arith.constant 17 : i32
      %shift_left3A_850 = vector.broadcast %shift_left3A_849 : i32 to vector<16xi32>
      %shift_left3A_851 = arith.shli %gather3A_838, %shift_left3A_850 : vector<16xi32>
      %convert_element_type3A_852 = arith.extui %and3A_845 : vector<16xi1> to vector<16xi32>
      %broadcast_in_dim3A_853 = arith.constant true
      %broadcast_in_dim3A_854 = vector.broadcast %broadcast_in_dim3A_853 : i1 to vector<16xi1>
      %masked_cumsum3A_855 = tpu.scan <sum>, %convert_element_type3A_852 masked %broadcast_in_dim3A_854 : vector<16xi32>, vector<16xi1> -> vector<16xi32>
      %add3A_856 = arith.addi %add3A_820, %masked_cumsum3A_855 : vector<16xi32>
      %sub3A_857 = arith.constant 1 : i32
      %sub3A_858 = vector.broadcast %sub3A_857 : i32 to vector<16xi32>
      %sub3A_859 = arith.subi %add3A_856, %sub3A_858 : vector<16xi32>
      %or3A_860 = arith.ori %get3A_837, %shift_left3A_851 : vector<16xi32>
      tpu.vector_store_idx %arg13[%sub3A_859], %or3A_860 masked %and3A_845 : memref<25088xi32, #tpu.memory_space<vmem>>[vector<16xi32>], vector<16xi32>, vector<16xi1>
      %convert_element_type3A_861 = arith.extui %and3A_848 : vector<16xi1> to vector<16xi32>
      %broadcast_in_dim3A_862 = arith.constant true
      %broadcast_in_dim3A_863 = vector.broadcast %broadcast_in_dim3A_862 : i1 to vector<16xi1>
      %masked_cumsum3A_864 = tpu.scan <sum>, %convert_element_type3A_861 masked %broadcast_in_dim3A_863 : vector<16xi32>, vector<16xi1> -> vector<16xi32>
      %add3A_865 = arith.addi %add3A_822, %masked_cumsum3A_864 : vector<16xi32>
      %sub3A_866 = arith.constant 1 : i32
      %sub3A_867 = vector.broadcast %sub3A_866 : i32 to vector<16xi32>
      %sub3A_868 = arith.subi %add3A_865, %sub3A_867 : vector<16xi32>
      %sub3A_869 = arith.constant 25087 : i32
      %sub3A_870 = vector.broadcast %sub3A_869 : i32 to vector<16xi32>
      %sub3A_871 = arith.subi %sub3A_870, %sub3A_868 : vector<16xi32>
      %sub3A_872 = arith.constant 25000 : i32
      %sub3A_873 = vector.broadcast %sub3A_872 : i32 to vector<16xi32>
      %sub3A_874 = arith.subi %get3A_837, %sub3A_873 : vector<16xi32>
      %or3A_875 = arith.ori %sub3A_874, %shift_left3A_851 : vector<16xi32>
      tpu.vector_store_idx %arg13[%sub3A_871], %or3A_875 masked %and3A_848 : memref<25088xi32, #tpu.memory_space<vmem>>[vector<16xi32>], vector<16xi32>, vector<16xi1>
      %all_reduce_population_count3A_876 = tpu.all_reduce %and3A_845 {dim = 0 : i64, kind = #tpu.reduction_kind<sum>} : vector<16xi1> -> vector<16xi32>
      %add3A_877 = arith.addi %add3A_820, %all_reduce_population_count3A_876 : vector<16xi32>
      %all_reduce_population_count3A_878 = tpu.all_reduce %and3A_848 {dim = 0 : i64, kind = #tpu.reduction_kind<sum>} : vector<16xi1> -> vector<16xi32>
      %add3A_879 = arith.addi %add3A_822, %all_reduce_population_count3A_878 : vector<16xi32>
      %mul3A_880 = arith.constant 4 : i32
      %mul3A_881 = arith.muli %scan3A_712, %mul3A_880 : i32
      %add3A_882 = arith.constant 3 : i32
      %add3A_883 = arith.addi %mul3A_881, %add3A_882 : i32
      %mul3A_884 = arith.constant 16 : i32
      %mul3A_885 = arith.muli %add3A_883, %mul3A_884 : i32
      %multiple_of3A_886 = tpu.assume_multiple %mul3A_885, 16 : i32
      %get3A_887 = arith.constant 1 : i32
      %get3A_888 = arith.index_cast %get3A_887 : i32 to index
      %get3A_889 = arith.index_cast %multiple_of3A_886 : i32 to index
      %get3A_890 = tpu.vector_load %arg11[%get3A_888, %get3A_889] {strides = array<i32>} : memref<2x2048xi32, #tpu.memory_space<vmem>>, vector<16xi32>,
      %get3A_891 = arith.constant 0 : i32
      %get3A_892 = arith.index_cast %get3A_891 : i32 to index
      %get3A_893 = arith.index_cast %multiple_of3A_886 : i32 to index
      %get3A_894 = tpu.vector_load %arg11[%get3A_892, %get3A_893] {strides = array<i32>} : memref<2x2048xi32, #tpu.memory_space<vmem>>, vector<16xi32>,
      %gather3A_895 = tpu.vector_load_idx %arg9[%get3A_890] : memref<50000xi32, #tpu.memory_space<vmem>>[vector<16xi32>], vector<16xi32>,
      %ge3A_896 = arith.constant 0 : i32
      %ge3A_897 = vector.broadcast %ge3A_896 : i32 to vector<16xi32>
      %ge3A_898 = arith.cmpi sge, %gather3A_895, %ge3A_897 : vector<16xi32>
      %lt3A_899 = arith.constant 25000 : i32
      %lt3A_900 = vector.broadcast %lt3A_899 : i32 to vector<16xi32>
      %lt3A_901 = arith.cmpi slt, %get3A_894, %lt3A_900 : vector<16xi32>
      %and3A_902 = arith.andi %ge3A_898, %lt3A_901 : vector<16xi1>
      %not3A_903 = arith.constant dense<true> : vector<16xi1>
      %not3A_904 = arith.xori %lt3A_901, %not3A_903 : vector<16xi1>
      %and3A_905 = arith.andi %ge3A_898, %not3A_904 : vector<16xi1>
      %shift_left3A_906 = arith.constant 17 : i32
      %shift_left3A_907 = vector.broadcast %shift_left3A_906 : i32 to vector<16xi32>
      %shift_left3A_908 = arith.shli %gather3A_895, %shift_left3A_907 : vector<16xi32>
      %convert_element_type3A_909 = arith.extui %and3A_902 : vector<16xi1> to vector<16xi32>
      %broadcast_in_dim3A_910 = arith.constant true
      %broadcast_in_dim3A_911 = vector.broadcast %broadcast_in_dim3A_910 : i1 to vector<16xi1>
      %masked_cumsum3A_912 = tpu.scan <sum>, %convert_element_type3A_909 masked %broadcast_in_dim3A_911 : vector<16xi32>, vector<16xi1> -> vector<16xi32>
      %add3A_913 = arith.addi %add3A_877, %masked_cumsum3A_912 : vector<16xi32>
      %sub3A_914 = arith.constant 1 : i32
      %sub3A_915 = vector.broadcast %sub3A_914 : i32 to vector<16xi32>
      %sub3A_916 = arith.subi %add3A_913, %sub3A_915 : vector<16xi32>
      %or3A_917 = arith.ori %get3A_894, %shift_left3A_908 : vector<16xi32>
      tpu.vector_store_idx %arg13[%sub3A_916], %or3A_917 masked %and3A_902 : memref<25088xi32, #tpu.memory_space<vmem>>[vector<16xi32>], vector<16xi32>, vector<16xi1>
      %convert_element_type3A_918 = arith.extui %and3A_905 : vector<16xi1> to vector<16xi32>
      %broadcast_in_dim3A_919 = arith.constant true
      %broadcast_in_dim3A_920 = vector.broadcast %broadcast_in_dim3A_919 : i1 to vector<16xi1>
      %masked_cumsum3A_921 = tpu.scan <sum>, %convert_element_type3A_918 masked %broadcast_in_dim3A_920 : vector<16xi32>, vector<16xi1> -> vector<16xi32>
      %add3A_922 = arith.addi %add3A_879, %masked_cumsum3A_921 : vector<16xi32>
      %sub3A_923 = arith.constant 1 : i32
      %sub3A_924 = vector.broadcast %sub3A_923 : i32 to vector<16xi32>
      %sub3A_925 = arith.subi %add3A_922, %sub3A_924 : vector<16xi32>
      %sub3A_926 = arith.constant 25087 : i32
      %sub3A_927 = vector.broadcast %sub3A_926 : i32 to vector<16xi32>
      %sub3A_928 = arith.subi %sub3A_927, %sub3A_925 : vector<16xi32>
      %sub3A_929 = arith.constant 25000 : i32
      %sub3A_930 = vector.broadcast %sub3A_929 : i32 to vector<16xi32>
      %sub3A_931 = arith.subi %get3A_894, %sub3A_930 : vector<16xi32>
      %or3A_932 = arith.ori %sub3A_931, %shift_left3A_908 : vector<16xi32>
      tpu.vector_store_idx %arg13[%sub3A_928], %or3A_932 masked %and3A_905 : memref<25088xi32, #tpu.memory_space<vmem>>[vector<16xi32>], vector<16xi32>, vector<16xi1>
      %all_reduce_population_count3A_933 = tpu.all_reduce %and3A_902 {dim = 0 : i64, kind = #tpu.reduction_kind<sum>} : vector<16xi1> -> vector<16xi32>
      %add3A_934 = arith.addi %add3A_877, %all_reduce_population_count3A_933 : vector<16xi32>
      %all_reduce_population_count3A_935 = tpu.all_reduce %and3A_905 {dim = 0 : i64, kind = #tpu.reduction_kind<sum>} : vector<16xi1> -> vector<16xi32>
      %add3A_936 = arith.addi %add3A_879, %all_reduce_population_count3A_935 : vector<16xi32>
      scf.yield %add3A_934, %add3A_936 : vector<16xi32>, vector<16xi32>
    }
    %scan3A_71 = arith.constant 32 : i32
    %add3A_72 = arith.constant 4096 : i32
    %add3A_73 = arith.addi %select_n3A, %add3A_72 : i32
    %min3A_74 = arith.constant 797952 : i32
    %min3A_75 = arith.minsi %add3A_73, %min3A_74 : i32
    %multiple_of3A_76 = tpu.assume_multiple %min3A_75, 128 : i32
    %dma_start3A_77 = arith.constant 0 : i32
    %dma_start3A_78 = tpu.memref_slice %arg2[%dma_start3A_77, %multiple_of3A_76] : memref<2x800000xi32, #tpu.memory_space<hbm>> -> memref<2x2048xi32, #tpu.memory_space<hbm>>
    %dma_start3A_79 = arith.constant 0 : i32
    %dma_start3A_80 = tpu.memref_slice %arg2[%dma_start3A_79, %multiple_of3A_76] : memref<2x800000xi32, #tpu.memory_space<hbm>> -> memref<2x2048xi32, #tpu.memory_space<hbm>>
    tpu.enqueue_dma source(%dma_start3A_80 : memref<2x2048xi32, #tpu.memory_space<hbm>>) target(%arg11 : memref<2x2048xi32, #tpu.memory_space<vmem>>) target_semaphore(%arg21 : memref<!tpu.dma_semaphore, #tpu.memory_space<semaphore_mem>>)
    %dma_wait3A_81 = arith.constant 0 : i32
    %dma_wait3A_82 = arith.constant 0 : i32
    %dma_wait3A_83 = tpu.memref_slice %arg2[%dma_wait3A_81, %dma_wait3A_82] : memref<2x800000xi32, #tpu.memory_space<hbm>> -> memref<2x2048xi32, #tpu.memory_space<hbm>>
    %dma_wait3A_84 = arith.constant 0 : i32
    %dma_wait3A_85 = arith.constant 0 : i32
    %dma_wait3A_86 = tpu.memref_slice %arg2[%dma_wait3A_84, %dma_wait3A_85] : memref<2x800000xi32, #tpu.memory_space<hbm>> -> memref<2x2048xi32, #tpu.memory_space<hbm>>
    tpu.wait_dma2 semaphore(%arg21 : memref<!tpu.dma_semaphore, #tpu.memory_space<semaphore_mem>>) src(%dma_wait3A_86 : memref<2x2048xi32, #tpu.memory_space<hbm>>) dst(%arg11 : memref<2x2048xi32, #tpu.memory_space<vmem>>)
    %scan3A_87 = arith.constant 0 : i32
    %scan3A_88 = arith.constant 32 : i32
    %scan3A_89 = arith.addi %scan3A_87, %scan3A_88 : i32
    %scan3A_90 = arith.constant 1 : i32
    %scan3A_91:2 = scf.for %scan3A_712 = %scan3A_87 to %scan3A_89 step %scan3A_90 iter_args(%scan3A_713 = %scan3A_70#0, %scan3A_714 = %scan3A_70#1) -> (vector<16xi32>, vector<16xi32>)  : i32 {
      %mul3A_715 = arith.constant 4 : i32
      %mul3A_716 = arith.muli %scan3A_712, %mul3A_715 : i32
      %add3A_717 = arith.constant 0 : i32
      %add3A_718 = arith.addi %mul3A_716, %add3A_717 : i32
      %mul3A_719 = arith.constant 16 : i32
      %mul3A_720 = arith.muli %add3A_718, %mul3A_719 : i32
      %multiple_of3A_721 = tpu.assume_multiple %mul3A_720, 16 : i32
      %get3A_722 = arith.constant 1 : i32
      %get3A_723 = arith.index_cast %get3A_722 : i32 to index
      %get3A_724 = arith.index_cast %multiple_of3A_721 : i32 to index
      %get3A_725 = tpu.vector_load %arg12[%get3A_723, %get3A_724] {strides = array<i32>} : memref<2x2048xi32, #tpu.memory_space<vmem>>, vector<16xi32>,
      %get3A_726 = arith.constant 0 : i32
      %get3A_727 = arith.index_cast %get3A_726 : i32 to index
      %get3A_728 = arith.index_cast %multiple_of3A_721 : i32 to index
      %get3A_729 = tpu.vector_load %arg12[%get3A_727, %get3A_728] {strides = array<i32>} : memref<2x2048xi32, #tpu.memory_space<vmem>>, vector<16xi32>,
      %gather3A_730 = tpu.vector_load_idx %arg9[%get3A_725] : memref<50000xi32, #tpu.memory_space<vmem>>[vector<16xi32>], vector<16xi32>,
      %ge3A = arith.constant 0 : i32
      %ge3A_731 = vector.broadcast %ge3A : i32 to vector<16xi32>
      %ge3A_732 = arith.cmpi sge, %gather3A_730, %ge3A_731 : vector<16xi32>
      %lt3A_733 = arith.constant 25000 : i32
      %lt3A_734 = vector.broadcast %lt3A_733 : i32 to vector<16xi32>
      %lt3A_735 = arith.cmpi slt, %get3A_729, %lt3A_734 : vector<16xi32>
      %and3A_736 = arith.andi %ge3A_732, %lt3A_735 : vector<16xi1>
      %not3A = arith.constant dense<true> : vector<16xi1>
      %not3A_737 = arith.xori %lt3A_735, %not3A : vector<16xi1>
      %and3A_738 = arith.andi %ge3A_732, %not3A_737 : vector<16xi1>
      %shift_left3A = arith.constant 17 : i32
      %shift_left3A_739 = vector.broadcast %shift_left3A : i32 to vector<16xi32>
      %shift_left3A_740 = arith.shli %gather3A_730, %shift_left3A_739 : vector<16xi32>
      %convert_element_type3A_741 = arith.extui %and3A_736 : vector<16xi1> to vector<16xi32>
      %broadcast_in_dim3A_742 = arith.constant true
      %broadcast_in_dim3A_743 = vector.broadcast %broadcast_in_dim3A_742 : i1 to vector<16xi1>
      %masked_cumsum3A = tpu.scan <sum>, %convert_element_type3A_741 masked %broadcast_in_dim3A_743 : vector<16xi32>, vector<16xi1> -> vector<16xi32>
      %add3A_744 = arith.addi %scan3A_713, %masked_cumsum3A : vector<16xi32>
      %sub3A_745 = arith.constant 1 : i32
      %sub3A_746 = vector.broadcast %sub3A_745 : i32 to vector<16xi32>
      %sub3A_747 = arith.subi %add3A_744, %sub3A_746 : vector<16xi32>
      %or3A = arith.ori %get3A_729, %shift_left3A_740 : vector<16xi32>
      tpu.vector_store_idx %arg13[%sub3A_747], %or3A masked %and3A_736 : memref<25088xi32, #tpu.memory_space<vmem>>[vector<16xi32>], vector<16xi32>, vector<16xi1>
      %convert_element_type3A_748 = arith.extui %and3A_738 : vector<16xi1> to vector<16xi32>
      %broadcast_in_dim3A_749 = arith.constant true
      %broadcast_in_dim3A_750 = vector.broadcast %broadcast_in_dim3A_749 : i1 to vector<16xi1>
      %masked_cumsum3A_751 = tpu.scan <sum>, %convert_element_type3A_748 masked %broadcast_in_dim3A_750 : vector<16xi32>, vector<16xi1> -> vector<16xi32>
      %add3A_752 = arith.addi %scan3A_714, %masked_cumsum3A_751 : vector<16xi32>
      %sub3A_753 = arith.constant 1 : i32
      %sub3A_754 = vector.broadcast %sub3A_753 : i32 to vector<16xi32>
      %sub3A_755 = arith.subi %add3A_752, %sub3A_754 : vector<16xi32>
      %sub3A_756 = arith.constant 25087 : i32
      %sub3A_757 = vector.broadcast %sub3A_756 : i32 to vector<16xi32>
      %sub3A_758 = arith.subi %sub3A_757, %sub3A_755 : vector<16xi32>
      %sub3A_759 = arith.constant 25000 : i32
      %sub3A_760 = vector.broadcast %sub3A_759 : i32 to vector<16xi32>
      %sub3A_761 = arith.subi %get3A_729, %sub3A_760 : vector<16xi32>
      %or3A_762 = arith.ori %sub3A_761, %shift_left3A_740 : vector<16xi32>
      tpu.vector_store_idx %arg13[%sub3A_758], %or3A_762 masked %and3A_738 : memref<25088xi32, #tpu.memory_space<vmem>>[vector<16xi32>], vector<16xi32>, vector<16xi1>
      %all_reduce_population_count3A = tpu.all_reduce %and3A_736 {dim = 0 : i64, kind = #tpu.reduction_kind<sum>} : vector<16xi1> -> vector<16xi32>
      %add3A_763 = arith.addi %scan3A_713, %all_reduce_population_count3A : vector<16xi32>
      %all_reduce_population_count3A_764 = tpu.all_reduce %and3A_738 {dim = 0 : i64, kind = #tpu.reduction_kind<sum>} : vector<16xi1> -> vector<16xi32>
      %add3A_765 = arith.addi %scan3A_714, %all_reduce_population_count3A_764 : vector<16xi32>
      %mul3A_766 = arith.constant 4 : i32
      %mul3A_767 = arith.muli %scan3A_712, %mul3A_766 : i32
      %add3A_768 = arith.constant 1 : i32
      %add3A_769 = arith.addi %mul3A_767, %add3A_768 : i32
      %mul3A_770 = arith.constant 16 : i32
      %mul3A_771 = arith.muli %add3A_769, %mul3A_770 : i32
      %multiple_of3A_772 = tpu.assume_multiple %mul3A_771, 16 : i32
      %get3A_773 = arith.constant 1 : i32
      %get3A_774 = arith.index_cast %get3A_773 : i32 to index
      %get3A_775 = arith.index_cast %multiple_of3A_772 : i32 to index
      %get3A_776 = tpu.vector_load %arg12[%get3A_774, %get3A_775] {strides = array<i32>} : memref<2x2048xi32, #tpu.memory_space<vmem>>, vector<16xi32>,
      %get3A_777 = arith.constant 0 : i32
      %get3A_778 = arith.index_cast %get3A_777 : i32 to index
      %get3A_779 = arith.index_cast %multiple_of3A_772 : i32 to index
      %get3A_780 = tpu.vector_load %arg12[%get3A_778, %get3A_779] {strides = array<i32>} : memref<2x2048xi32, #tpu.memory_space<vmem>>, vector<16xi32>,
      %gather3A_781 = tpu.vector_load_idx %arg9[%get3A_776] : memref<50000xi32, #tpu.memory_space<vmem>>[vector<16xi32>], vector<16xi32>,
      %ge3A_782 = arith.constant 0 : i32
      %ge3A_783 = vector.broadcast %ge3A_782 : i32 to vector<16xi32>
      %ge3A_784 = arith.cmpi sge, %gather3A_781, %ge3A_783 : vector<16xi32>
      %lt3A_785 = arith.constant 25000 : i32
      %lt3A_786 = vector.broadcast %lt3A_785 : i32 to vector<16xi32>
      %lt3A_787 = arith.cmpi slt, %get3A_780, %lt3A_786 : vector<16xi32>
      %and3A_788 = arith.andi %ge3A_784, %lt3A_787 : vector<16xi1>
      %not3A_789 = arith.constant dense<true> : vector<16xi1>
      %not3A_790 = arith.xori %lt3A_787, %not3A_789 : vector<16xi1>
      %and3A_791 = arith.andi %ge3A_784, %not3A_790 : vector<16xi1>
      %shift_left3A_792 = arith.constant 17 : i32
      %shift_left3A_793 = vector.broadcast %shift_left3A_792 : i32 to vector<16xi32>
      %shift_left3A_794 = arith.shli %gather3A_781, %shift_left3A_793 : vector<16xi32>
      %convert_element_type3A_795 = arith.extui %and3A_788 : vector<16xi1> to vector<16xi32>
      %broadcast_in_dim3A_796 = arith.constant true
      %broadcast_in_dim3A_797 = vector.broadcast %broadcast_in_dim3A_796 : i1 to vector<16xi1>
      %masked_cumsum3A_798 = tpu.scan <sum>, %convert_element_type3A_795 masked %broadcast_in_dim3A_797 : vector<16xi32>, vector<16xi1> -> vector<16xi32>
      %add3A_799 = arith.addi %add3A_763, %masked_cumsum3A_798 : vector<16xi32>
      %sub3A_800 = arith.constant 1 : i32
      %sub3A_801 = vector.broadcast %sub3A_800 : i32 to vector<16xi32>
      %sub3A_802 = arith.subi %add3A_799, %sub3A_801 : vector<16xi32>
      %or3A_803 = arith.ori %get3A_780, %shift_left3A_794 : vector<16xi32>
      tpu.vector_store_idx %arg13[%sub3A_802], %or3A_803 masked %and3A_788 : memref<25088xi32, #tpu.memory_space<vmem>>[vector<16xi32>], vector<16xi32>, vector<16xi1>
      %convert_element_type3A_804 = arith.extui %and3A_791 : vector<16xi1> to vector<16xi32>
      %broadcast_in_dim3A_805 = arith.constant true
      %broadcast_in_dim3A_806 = vector.broadcast %broadcast_in_dim3A_805 : i1 to vector<16xi1>
      %masked_cumsum3A_807 = tpu.scan <sum>, %convert_element_type3A_804 masked %broadcast_in_dim3A_806 : vector<16xi32>, vector<16xi1> -> vector<16xi32>
      %add3A_808 = arith.addi %add3A_765, %masked_cumsum3A_807 : vector<16xi32>
      %sub3A_809 = arith.constant 1 : i32
      %sub3A_810 = vector.broadcast %sub3A_809 : i32 to vector<16xi32>
      %sub3A_811 = arith.subi %add3A_808, %sub3A_810 : vector<16xi32>
      %sub3A_812 = arith.constant 25087 : i32
      %sub3A_813 = vector.broadcast %sub3A_812 : i32 to vector<16xi32>
      %sub3A_814 = arith.subi %sub3A_813, %sub3A_811 : vector<16xi32>
      %sub3A_815 = arith.constant 25000 : i32
      %sub3A_816 = vector.broadcast %sub3A_815 : i32 to vector<16xi32>
      %sub3A_817 = arith.subi %get3A_780, %sub3A_816 : vector<16xi32>
      %or3A_818 = arith.ori %sub3A_817, %shift_left3A_794 : vector<16xi32>
      tpu.vector_store_idx %arg13[%sub3A_814], %or3A_818 masked %and3A_791 : memref<25088xi32, #tpu.memory_space<vmem>>[vector<16xi32>], vector<16xi32>, vector<16xi1>
      %all_reduce_population_count3A_819 = tpu.all_reduce %and3A_788 {dim = 0 : i64, kind = #tpu.reduction_kind<sum>} : vector<16xi1> -> vector<16xi32>
      %add3A_820 = arith.addi %add3A_763, %all_reduce_population_count3A_819 : vector<16xi32>
      %all_reduce_population_count3A_821 = tpu.all_reduce %and3A_791 {dim = 0 : i64, kind = #tpu.reduction_kind<sum>} : vector<16xi1> -> vector<16xi32>
      %add3A_822 = arith.addi %add3A_765, %all_reduce_population_count3A_821 : vector<16xi32>
      %mul3A_823 = arith.constant 4 : i32
      %mul3A_824 = arith.muli %scan3A_712, %mul3A_823 : i32
      %add3A_825 = arith.constant 2 : i32
      %add3A_826 = arith.addi %mul3A_824, %add3A_825 : i32
      %mul3A_827 = arith.constant 16 : i32
      %mul3A_828 = arith.muli %add3A_826, %mul3A_827 : i32
      %multiple_of3A_829 = tpu.assume_multiple %mul3A_828, 16 : i32
      %get3A_830 = arith.constant 1 : i32
      %get3A_831 = arith.index_cast %get3A_830 : i32 to index
      %get3A_832 = arith.index_cast %multiple_of3A_829 : i32 to index
      %get3A_833 = tpu.vector_load %arg12[%get3A_831, %get3A_832] {strides = array<i32>} : memref<2x2048xi32, #tpu.memory_space<vmem>>, vector<16xi32>,
      %get3A_834 = arith.constant 0 : i32
      %get3A_835 = arith.index_cast %get3A_834 : i32 to index
      %get3A_836 = arith.index_cast %multiple_of3A_829 : i32 to index
      %get3A_837 = tpu.vector_load %arg12[%get3A_835, %get3A_836] {strides = array<i32>} : memref<2x2048xi32, #tpu.memory_space<vmem>>, vector<16xi32>,
      %gather3A_838 = tpu.vector_load_idx %arg9[%get3A_833] : memref<50000xi32, #tpu.memory_space<vmem>>[vector<16xi32>], vector<16xi32>,
      %ge3A_839 = arith.constant 0 : i32
      %ge3A_840 = vector.broadcast %ge3A_839 : i32 to vector<16xi32>
      %ge3A_841 = arith.cmpi sge, %gather3A_838, %ge3A_840 : vector<16xi32>
      %lt3A_842 = arith.constant 25000 : i32
      %lt3A_843 = vector.broadcast %lt3A_842 : i32 to vector<16xi32>
      %lt3A_844 = arith.cmpi slt, %get3A_837, %lt3A_843 : vector<16xi32>
      %and3A_845 = arith.andi %ge3A_841, %lt3A_844 : vector<16xi1>
      %not3A_846 = arith.constant dense<true> : vector<16xi1>
      %not3A_847 = arith.xori %lt3A_844, %not3A_846 : vector<16xi1>
      %and3A_848 = arith.andi %ge3A_841, %not3A_847 : vector<16xi1>
      %shift_left3A_849 = arith.constant 17 : i32
      %shift_left3A_850 = vector.broadcast %shift_left3A_849 : i32 to vector<16xi32>
      %shift_left3A_851 = arith.shli %gather3A_838, %shift_left3A_850 : vector<16xi32>
      %convert_element_type3A_852 = arith.extui %and3A_845 : vector<16xi1> to vector<16xi32>
      %broadcast_in_dim3A_853 = arith.constant true
      %broadcast_in_dim3A_854 = vector.broadcast %broadcast_in_dim3A_853 : i1 to vector<16xi1>
      %masked_cumsum3A_855 = tpu.scan <sum>, %convert_element_type3A_852 masked %broadcast_in_dim3A_854 : vector<16xi32>, vector<16xi1> -> vector<16xi32>
      %add3A_856 = arith.addi %add3A_820, %masked_cumsum3A_855 : vector<16xi32>
      %sub3A_857 = arith.constant 1 : i32
      %sub3A_858 = vector.broadcast %sub3A_857 : i32 to vector<16xi32>
      %sub3A_859 = arith.subi %add3A_856, %sub3A_858 : vector<16xi32>
      %or3A_860 = arith.ori %get3A_837, %shift_left3A_851 : vector<16xi32>
      tpu.vector_store_idx %arg13[%sub3A_859], %or3A_860 masked %and3A_845 : memref<25088xi32, #tpu.memory_space<vmem>>[vector<16xi32>], vector<16xi32>, vector<16xi1>
      %convert_element_type3A_861 = arith.extui %and3A_848 : vector<16xi1> to vector<16xi32>
      %broadcast_in_dim3A_862 = arith.constant true
      %broadcast_in_dim3A_863 = vector.broadcast %broadcast_in_dim3A_862 : i1 to vector<16xi1>
      %masked_cumsum3A_864 = tpu.scan <sum>, %convert_element_type3A_861 masked %broadcast_in_dim3A_863 : vector<16xi32>, vector<16xi1> -> vector<16xi32>
      %add3A_865 = arith.addi %add3A_822, %masked_cumsum3A_864 : vector<16xi32>
      %sub3A_866 = arith.constant 1 : i32
      %sub3A_867 = vector.broadcast %sub3A_866 : i32 to vector<16xi32>
      %sub3A_868 = arith.subi %add3A_865, %sub3A_867 : vector<16xi32>
      %sub3A_869 = arith.constant 25087 : i32
      %sub3A_870 = vector.broadcast %sub3A_869 : i32 to vector<16xi32>
      %sub3A_871 = arith.subi %sub3A_870, %sub3A_868 : vector<16xi32>
      %sub3A_872 = arith.constant 25000 : i32
      %sub3A_873 = vector.broadcast %sub3A_872 : i32 to vector<16xi32>
      %sub3A_874 = arith.subi %get3A_837, %sub3A_873 : vector<16xi32>
      %or3A_875 = arith.ori %sub3A_874, %shift_left3A_851 : vector<16xi32>
      tpu.vector_store_idx %arg13[%sub3A_871], %or3A_875 masked %and3A_848 : memref<25088xi32, #tpu.memory_space<vmem>>[vector<16xi32>], vector<16xi32>, vector<16xi1>
      %all_reduce_population_count3A_876 = tpu.all_reduce %and3A_845 {dim = 0 : i64, kind = #tpu.reduction_kind<sum>} : vector<16xi1> -> vector<16xi32>
      %add3A_877 = arith.addi %add3A_820, %all_reduce_population_count3A_876 : vector<16xi32>
      %all_reduce_population_count3A_878 = tpu.all_reduce %and3A_848 {dim = 0 : i64, kind = #tpu.reduction_kind<sum>} : vector<16xi1> -> vector<16xi32>
      %add3A_879 = arith.addi %add3A_822, %all_reduce_population_count3A_878 : vector<16xi32>
      %mul3A_880 = arith.constant 4 : i32
      %mul3A_881 = arith.muli %scan3A_712, %mul3A_880 : i32
      %add3A_882 = arith.constant 3 : i32
      %add3A_883 = arith.addi %mul3A_881, %add3A_882 : i32
      %mul3A_884 = arith.constant 16 : i32
      %mul3A_885 = arith.muli %add3A_883, %mul3A_884 : i32
      %multiple_of3A_886 = tpu.assume_multiple %mul3A_885, 16 : i32
      %get3A_887 = arith.constant 1 : i32
      %get3A_888 = arith.index_cast %get3A_887 : i32 to index
      %get3A_889 = arith.index_cast %multiple_of3A_886 : i32 to index
      %get3A_890 = tpu.vector_load %arg12[%get3A_888, %get3A_889] {strides = array<i32>} : memref<2x2048xi32, #tpu.memory_space<vmem>>, vector<16xi32>,
      %get3A_891 = arith.constant 0 : i32
      %get3A_892 = arith.index_cast %get3A_891 : i32 to index
      %get3A_893 = arith.index_cast %multiple_of3A_886 : i32 to index
      %get3A_894 = tpu.vector_load %arg12[%get3A_892, %get3A_893] {strides = array<i32>} : memref<2x2048xi32, #tpu.memory_space<vmem>>, vector<16xi32>,
      %gather3A_895 = tpu.vector_load_idx %arg9[%get3A_890] : memref<50000xi32, #tpu.memory_space<vmem>>[vector<16xi32>], vector<16xi32>,
      %ge3A_896 = arith.constant 0 : i32
      %ge3A_897 = vector.broadcast %ge3A_896 : i32 to vector<16xi32>
      %ge3A_898 = arith.cmpi sge, %gather3A_895, %ge3A_897 : vector<16xi32>
      %lt3A_899 = arith.constant 25000 : i32
      %lt3A_900 = vector.broadcast %lt3A_899 : i32 to vector<16xi32>
      %lt3A_901 = arith.cmpi slt, %get3A_894, %lt3A_900 : vector<16xi32>
      %and3A_902 = arith.andi %ge3A_898, %lt3A_901 : vector<16xi1>
      %not3A_903 = arith.constant dense<true> : vector<16xi1>
      %not3A_904 = arith.xori %lt3A_901, %not3A_903 : vector<16xi1>
      %and3A_905 = arith.andi %ge3A_898, %not3A_904 : vector<16xi1>
      %shift_left3A_906 = arith.constant 17 : i32
      %shift_left3A_907 = vector.broadcast %shift_left3A_906 : i32 to vector<16xi32>
      %shift_left3A_908 = arith.shli %gather3A_895, %shift_left3A_907 : vector<16xi32>
      %convert_element_type3A_909 = arith.extui %and3A_902 : vector<16xi1> to vector<16xi32>
      %broadcast_in_dim3A_910 = arith.constant true
      %broadcast_in_dim3A_911 = vector.broadcast %broadcast_in_dim3A_910 : i1 to vector<16xi1>
      %masked_cumsum3A_912 = tpu.scan <sum>, %convert_element_type3A_909 masked %broadcast_in_dim3A_911 : vector<16xi32>, vector<16xi1> -> vector<16xi32>
      %add3A_913 = arith.addi %add3A_877, %masked_cumsum3A_912 : vector<16xi32>
      %sub3A_914 = arith.constant 1 : i32
      %sub3A_915 = vector.broadcast %sub3A_914 : i32 to vector<16xi32>
      %sub3A_916 = arith.subi %add3A_913, %sub3A_915 : vector<16xi32>
      %or3A_917 = arith.ori %get3A_894, %shift_left3A_908 : vector<16xi32>
      tpu.vector_store_idx %arg13[%sub3A_916], %or3A_917 masked %and3A_902 : memref<25088xi32, #tpu.memory_space<vmem>>[vector<16xi32>], vector<16xi32>, vector<16xi1>
      %convert_element_type3A_918 = arith.extui %and3A_905 : vector<16xi1> to vector<16xi32>
      %broadcast_in_dim3A_919 = arith.constant true
      %broadcast_in_dim3A_920 = vector.broadcast %broadcast_in_dim3A_919 : i1 to vector<16xi1>
      %masked_cumsum3A_921 = tpu.scan <sum>, %convert_element_type3A_918 masked %broadcast_in_dim3A_920 : vector<16xi32>, vector<16xi1> -> vector<16xi32>
      %add3A_922 = arith.addi %add3A_879, %masked_cumsum3A_921 : vector<16xi32>
      %sub3A_923 = arith.constant 1 : i32
      %sub3A_924 = vector.broadcast %sub3A_923 : i32 to vector<16xi32>
      %sub3A_925 = arith.subi %add3A_922, %sub3A_924 : vector<16xi32>
      %sub3A_926 = arith.constant 25087 : i32
      %sub3A_927 = vector.broadcast %sub3A_926 : i32 to vector<16xi32>
      %sub3A_928 = arith.subi %sub3A_927, %sub3A_925 : vector<16xi32>
      %sub3A_929 = arith.constant 25000 : i32
      %sub3A_930 = vector.broadcast %sub3A_929 : i32 to vector<16xi32>
      %sub3A_931 = arith.subi %get3A_894, %sub3A_930 : vector<16xi32>
      %or3A_932 = arith.ori %sub3A_931, %shift_left3A_908 : vector<16xi32>
      tpu.vector_store_idx %arg13[%sub3A_928], %or3A_932 masked %and3A_905 : memref<25088xi32, #tpu.memory_space<vmem>>[vector<16xi32>], vector<16xi32>, vector<16xi1>
      %all_reduce_population_count3A_933 = tpu.all_reduce %and3A_902 {dim = 0 : i64, kind = #tpu.reduction_kind<sum>} : vector<16xi1> -> vector<16xi32>
      %add3A_934 = arith.addi %add3A_877, %all_reduce_population_count3A_933 : vector<16xi32>
      %all_reduce_population_count3A_935 = tpu.all_reduce %and3A_905 {dim = 0 : i64, kind = #tpu.reduction_kind<sum>} : vector<16xi1> -> vector<16xi32>
      %add3A_936 = arith.addi %add3A_879, %all_reduce_population_count3A_935 : vector<16xi32>
      scf.yield %add3A_934, %add3A_936 : vector<16xi32>, vector<16xi32>
    }
    %scan3A_92 = arith.constant 32 : i32
    %add3A_93 = arith.constant 6144 : i32
    %add3A_94 = arith.addi %select_n3A, %add3A_93 : i32
    %min3A_95 = arith.constant 797952 : i32
    %min3A_96 = arith.minsi %add3A_94, %min3A_95 : i32
    %multiple_of3A_97 = tpu.assume_multiple %min3A_96, 128 : i32
    %dma_start3A_98 = arith.constant 0 : i32
    %dma_start3A_99 = tpu.memref_slice %arg2[%dma_start3A_98, %multiple_of3A_97] : memref<2x800000xi32, #tpu.memory_space<hbm>> -> memref<2x2048xi32, #tpu.memory_space<hbm>>
    %dma_start3A_100 = arith.constant 0 : i32
    %dma_start3A_101 = tpu.memref_slice %arg2[%dma_start3A_100, %multiple_of3A_97] : memref<2x800000xi32, #tpu.memory_space<hbm>> -> memref<2x2048xi32, #tpu.memory_space<hbm>>
    tpu.enqueue_dma source(%dma_start3A_101 : memref<2x2048xi32, #tpu.memory_space<hbm>>) target(%arg12 : memref<2x2048xi32, #tpu.memory_space<vmem>>) target_semaphore(%arg21 : memref<!tpu.dma_semaphore, #tpu.memory_space<semaphore_mem>>)
    %dma_wait3A_102 = arith.constant 0 : i32
    %dma_wait3A_103 = arith.constant 0 : i32
    %dma_wait3A_104 = tpu.memref_slice %arg2[%dma_wait3A_102, %dma_wait3A_103] : memref<2x800000xi32, #tpu.memory_space<hbm>> -> memref<2x2048xi32, #tpu.memory_space<hbm>>
    %dma_wait3A_105 = arith.constant 0 : i32
    %dma_wait3A_106 = arith.constant 0 : i32
    %dma_wait3A_107 = tpu.memref_slice %arg2[%dma_wait3A_105, %dma_wait3A_106] : memref<2x800000xi32, #tpu.memory_space<hbm>> -> memref<2x2048xi32, #tpu.memory_space<hbm>>
    tpu.wait_dma2 semaphore(%arg21 : memref<!tpu.dma_semaphore, #tpu.memory_space<semaphore_mem>>) src(%dma_wait3A_107 : memref<2x2048xi32, #tpu.memory_space<hbm>>) dst(%arg11 : memref<2x2048xi32, #tpu.memory_space<vmem>>)
    %scan3A_108 = arith.constant 0 : i32
    %scan3A_109 = arith.constant 32 : i32
    %scan3A_110 = arith.addi %scan3A_108, %scan3A_109 : i32
    %scan3A_111 = arith.constant 1 : i32
    %scan3A_112:2 = scf.for %scan3A_712 = %scan3A_108 to %scan3A_110 step %scan3A_111 iter_args(%scan3A_713 = %scan3A_91#0, %scan3A_714 = %scan3A_91#1) -> (vector<16xi32>, vector<16xi32>)  : i32 {
      %mul3A_715 = arith.constant 4 : i32
      %mul3A_716 = arith.muli %scan3A_712, %mul3A_715 : i32
      %add3A_717 = arith.constant 0 : i32
      %add3A_718 = arith.addi %mul3A_716, %add3A_717 : i32
      %mul3A_719 = arith.constant 16 : i32
      %mul3A_720 = arith.muli %add3A_718, %mul3A_719 : i32
      %multiple_of3A_721 = tpu.assume_multiple %mul3A_720, 16 : i32
      %get3A_722 = arith.constant 1 : i32
      %get3A_723 = arith.index_cast %get3A_722 : i32 to index
      %get3A_724 = arith.index_cast %multiple_of3A_721 : i32 to index
      %get3A_725 = tpu.vector_load %arg11[%get3A_723, %get3A_724] {strides = array<i32>} : memref<2x2048xi32, #tpu.memory_space<vmem>>, vector<16xi32>,
      %get3A_726 = arith.constant 0 : i32
      %get3A_727 = arith.index_cast %get3A_726 : i32 to index
      %get3A_728 = arith.index_cast %multiple_of3A_721 : i32 to index
      %get3A_729 = tpu.vector_load %arg11[%get3A_727, %get3A_728] {strides = array<i32>} : memref<2x2048xi32, #tpu.memory_space<vmem>>, vector<16xi32>,
      %gather3A_730 = tpu.vector_load_idx %arg9[%get3A_725] : memref<50000xi32, #tpu.memory_space<vmem>>[vector<16xi32>], vector<16xi32>,
      %ge3A = arith.constant 0 : i32
      %ge3A_731 = vector.broadcast %ge3A : i32 to vector<16xi32>
      %ge3A_732 = arith.cmpi sge, %gather3A_730, %ge3A_731 : vector<16xi32>
      %lt3A_733 = arith.constant 25000 : i32
      %lt3A_734 = vector.broadcast %lt3A_733 : i32 to vector<16xi32>
      %lt3A_735 = arith.cmpi slt, %get3A_729, %lt3A_734 : vector<16xi32>
      %and3A_736 = arith.andi %ge3A_732, %lt3A_735 : vector<16xi1>
      %not3A = arith.constant dense<true> : vector<16xi1>
      %not3A_737 = arith.xori %lt3A_735, %not3A : vector<16xi1>
      %and3A_738 = arith.andi %ge3A_732, %not3A_737 : vector<16xi1>
      %shift_left3A = arith.constant 17 : i32
      %shift_left3A_739 = vector.broadcast %shift_left3A : i32 to vector<16xi32>
      %shift_left3A_740 = arith.shli %gather3A_730, %shift_left3A_739 : vector<16xi32>
      %convert_element_type3A_741 = arith.extui %and3A_736 : vector<16xi1> to vector<16xi32>
      %broadcast_in_dim3A_742 = arith.constant true
      %broadcast_in_dim3A_743 = vector.broadcast %broadcast_in_dim3A_742 : i1 to vector<16xi1>
      %masked_cumsum3A = tpu.scan <sum>, %convert_element_type3A_741 masked %broadcast_in_dim3A_743 : vector<16xi32>, vector<16xi1> -> vector<16xi32>
      %add3A_744 = arith.addi %scan3A_713, %masked_cumsum3A : vector<16xi32>
      %sub3A_745 = arith.constant 1 : i32
      %sub3A_746 = vector.broadcast %sub3A_745 : i32 to vector<16xi32>
      %sub3A_747 = arith.subi %add3A_744, %sub3A_746 : vector<16xi32>
      %or3A = arith.ori %get3A_729, %shift_left3A_740 : vector<16xi32>
      tpu.vector_store_idx %arg13[%sub3A_747], %or3A masked %and3A_736 : memref<25088xi32, #tpu.memory_space<vmem>>[vector<16xi32>], vector<16xi32>, vector<16xi1>
      %convert_element_type3A_748 = arith.extui %and3A_738 : vector<16xi1> to vector<16xi32>
      %broadcast_in_dim3A_749 = arith.constant true
      %broadcast_in_dim3A_750 = vector.broadcast %broadcast_in_dim3A_749 : i1 to vector<16xi1>
      %masked_cumsum3A_751 = tpu.scan <sum>, %convert_element_type3A_748 masked %broadcast_in_dim3A_750 : vector<16xi32>, vector<16xi1> -> vector<16xi32>
      %add3A_752 = arith.addi %scan3A_714, %masked_cumsum3A_751 : vector<16xi32>
      %sub3A_753 = arith.constant 1 : i32
      %sub3A_754 = vector.broadcast %sub3A_753 : i32 to vector<16xi32>
      %sub3A_755 = arith.subi %add3A_752, %sub3A_754 : vector<16xi32>
      %sub3A_756 = arith.constant 25087 : i32
      %sub3A_757 = vector.broadcast %sub3A_756 : i32 to vector<16xi32>
      %sub3A_758 = arith.subi %sub3A_757, %sub3A_755 : vector<16xi32>
      %sub3A_759 = arith.constant 25000 : i32
      %sub3A_760 = vector.broadcast %sub3A_759 : i32 to vector<16xi32>
      %sub3A_761 = arith.subi %get3A_729, %sub3A_760 : vector<16xi32>
      %or3A_762 = arith.ori %sub3A_761, %shift_left3A_740 : vector<16xi32>
      tpu.vector_store_idx %arg13[%sub3A_758], %or3A_762 masked %and3A_738 : memref<25088xi32, #tpu.memory_space<vmem>>[vector<16xi32>], vector<16xi32>, vector<16xi1>
      %all_reduce_population_count3A = tpu.all_reduce %and3A_736 {dim = 0 : i64, kind = #tpu.reduction_kind<sum>} : vector<16xi1> -> vector<16xi32>
      %add3A_763 = arith.addi %scan3A_713, %all_reduce_population_count3A : vector<16xi32>
      %all_reduce_population_count3A_764 = tpu.all_reduce %and3A_738 {dim = 0 : i64, kind = #tpu.reduction_kind<sum>} : vector<16xi1> -> vector<16xi32>
      %add3A_765 = arith.addi %scan3A_714, %all_reduce_population_count3A_764 : vector<16xi32>
      %mul3A_766 = arith.constant 4 : i32
      %mul3A_767 = arith.muli %scan3A_712, %mul3A_766 : i32
      %add3A_768 = arith.constant 1 : i32
      %add3A_769 = arith.addi %mul3A_767, %add3A_768 : i32
      %mul3A_770 = arith.constant 16 : i32
      %mul3A_771 = arith.muli %add3A_769, %mul3A_770 : i32
      %multiple_of3A_772 = tpu.assume_multiple %mul3A_771, 16 : i32
      %get3A_773 = arith.constant 1 : i32
      %get3A_774 = arith.index_cast %get3A_773 : i32 to index
      %get3A_775 = arith.index_cast %multiple_of3A_772 : i32 to index
      %get3A_776 = tpu.vector_load %arg11[%get3A_774, %get3A_775] {strides = array<i32>} : memref<2x2048xi32, #tpu.memory_space<vmem>>, vector<16xi32>,
      %get3A_777 = arith.constant 0 : i32
      %get3A_778 = arith.index_cast %get3A_777 : i32 to index
      %get3A_779 = arith.index_cast %multiple_of3A_772 : i32 to index
      %get3A_780 = tpu.vector_load %arg11[%get3A_778, %get3A_779] {strides = array<i32>} : memref<2x2048xi32, #tpu.memory_space<vmem>>, vector<16xi32>,
      %gather3A_781 = tpu.vector_load_idx %arg9[%get3A_776] : memref<50000xi32, #tpu.memory_space<vmem>>[vector<16xi32>], vector<16xi32>,
      %ge3A_782 = arith.constant 0 : i32
      %ge3A_783 = vector.broadcast %ge3A_782 : i32 to vector<16xi32>
      %ge3A_784 = arith.cmpi sge, %gather3A_781, %ge3A_783 : vector<16xi32>
      %lt3A_785 = arith.constant 25000 : i32
      %lt3A_786 = vector.broadcast %lt3A_785 : i32 to vector<16xi32>
      %lt3A_787 = arith.cmpi slt, %get3A_780, %lt3A_786 : vector<16xi32>
      %and3A_788 = arith.andi %ge3A_784, %lt3A_787 : vector<16xi1>
      %not3A_789 = arith.constant dense<true> : vector<16xi1>
      %not3A_790 = arith.xori %lt3A_787, %not3A_789 : vector<16xi1>
      %and3A_791 = arith.andi %ge3A_784, %not3A_790 : vector<16xi1>
      %shift_left3A_792 = arith.constant 17 : i32
      %shift_left3A_793 = vector.broadcast %shift_left3A_792 : i32 to vector<16xi32>
      %shift_left3A_794 = arith.shli %gather3A_781, %shift_left3A_793 : vector<16xi32>
      %convert_element_type3A_795 = arith.extui %and3A_788 : vector<16xi1> to vector<16xi32>
      %broadcast_in_dim3A_796 = arith.constant true
      %broadcast_in_dim3A_797 = vector.broadcast %broadcast_in_dim3A_796 : i1 to vector<16xi1>
      %masked_cumsum3A_798 = tpu.scan <sum>, %convert_element_type3A_795 masked %broadcast_in_dim3A_797 : vector<16xi32>, vector<16xi1> -> vector<16xi32>
      %add3A_799 = arith.addi %add3A_763, %masked_cumsum3A_798 : vector<16xi32>
      %sub3A_800 = arith.constant 1 : i32
      %sub3A_801 = vector.broadcast %sub3A_800 : i32 to vector<16xi32>
      %sub3A_802 = arith.subi %add3A_799, %sub3A_801 : vector<16xi32>
      %or3A_803 = arith.ori %get3A_780, %shift_left3A_794 : vector<16xi32>
      tpu.vector_store_idx %arg13[%sub3A_802], %or3A_803 masked %and3A_788 : memref<25088xi32, #tpu.memory_space<vmem>>[vector<16xi32>], vector<16xi32>, vector<16xi1>
      %convert_element_type3A_804 = arith.extui %and3A_791 : vector<16xi1> to vector<16xi32>
      %broadcast_in_dim3A_805 = arith.constant true
      %broadcast_in_dim3A_806 = vector.broadcast %broadcast_in_dim3A_805 : i1 to vector<16xi1>
      %masked_cumsum3A_807 = tpu.scan <sum>, %convert_element_type3A_804 masked %broadcast_in_dim3A_806 : vector<16xi32>, vector<16xi1> -> vector<16xi32>
      %add3A_808 = arith.addi %add3A_765, %masked_cumsum3A_807 : vector<16xi32>
      %sub3A_809 = arith.constant 1 : i32
      %sub3A_810 = vector.broadcast %sub3A_809 : i32 to vector<16xi32>
      %sub3A_811 = arith.subi %add3A_808, %sub3A_810 : vector<16xi32>
      %sub3A_812 = arith.constant 25087 : i32
      %sub3A_813 = vector.broadcast %sub3A_812 : i32 to vector<16xi32>
      %sub3A_814 = arith.subi %sub3A_813, %sub3A_811 : vector<16xi32>
      %sub3A_815 = arith.constant 25000 : i32
      %sub3A_816 = vector.broadcast %sub3A_815 : i32 to vector<16xi32>
      %sub3A_817 = arith.subi %get3A_780, %sub3A_816 : vector<16xi32>
      %or3A_818 = arith.ori %sub3A_817, %shift_left3A_794 : vector<16xi32>
      tpu.vector_store_idx %arg13[%sub3A_814], %or3A_818 masked %and3A_791 : memref<25088xi32, #tpu.memory_space<vmem>>[vector<16xi32>], vector<16xi32>, vector<16xi1>
      %all_reduce_population_count3A_819 = tpu.all_reduce %and3A_788 {dim = 0 : i64, kind = #tpu.reduction_kind<sum>} : vector<16xi1> -> vector<16xi32>
      %add3A_820 = arith.addi %add3A_763, %all_reduce_population_count3A_819 : vector<16xi32>
      %all_reduce_population_count3A_821 = tpu.all_reduce %and3A_791 {dim = 0 : i64, kind = #tpu.reduction_kind<sum>} : vector<16xi1> -> vector<16xi32>
      %add3A_822 = arith.addi %add3A_765, %all_reduce_population_count3A_821 : vector<16xi32>
      %mul3A_823 = arith.constant 4 : i32
      %mul3A_824 = arith.muli %scan3A_712, %mul3A_823 : i32
      %add3A_825 = arith.constant 2 : i32
      %add3A_826 = arith.addi %mul3A_824, %add3A_825 : i32
      %mul3A_827 = arith.constant 16 : i32
      %mul3A_828 = arith.muli %add3A_826, %mul3A_827 : i32
      %multiple_of3A_829 = tpu.assume_multiple %mul3A_828, 16 : i32
      %get3A_830 = arith.constant 1 : i32
      %get3A_831 = arith.index_cast %get3A_830 : i32 to index
      %get3A_832 = arith.index_cast %multiple_of3A_829 : i32 to index
      %get3A_833 = tpu.vector_load %arg11[%get3A_831, %get3A_832] {strides = array<i32>} : memref<2x2048xi32, #tpu.memory_space<vmem>>, vector<16xi32>,
      %get3A_834 = arith.constant 0 : i32
      %get3A_835 = arith.index_cast %get3A_834 : i32 to index
      %get3A_836 = arith.index_cast %multiple_of3A_829 : i32 to index
      %get3A_837 = tpu.vector_load %arg11[%get3A_835, %get3A_836] {strides = array<i32>} : memref<2x2048xi32, #tpu.memory_space<vmem>>, vector<16xi32>,
      %gather3A_838 = tpu.vector_load_idx %arg9[%get3A_833] : memref<50000xi32, #tpu.memory_space<vmem>>[vector<16xi32>], vector<16xi32>,
      %ge3A_839 = arith.constant 0 : i32
      %ge3A_840 = vector.broadcast %ge3A_839 : i32 to vector<16xi32>
      %ge3A_841 = arith.cmpi sge, %gather3A_838, %ge3A_840 : vector<16xi32>
      %lt3A_842 = arith.constant 25000 : i32
      %lt3A_843 = vector.broadcast %lt3A_842 : i32 to vector<16xi32>
      %lt3A_844 = arith.cmpi slt, %get3A_837, %lt3A_843 : vector<16xi32>
      %and3A_845 = arith.andi %ge3A_841, %lt3A_844 : vector<16xi1>
      %not3A_846 = arith.constant dense<true> : vector<16xi1>
      %not3A_847 = arith.xori %lt3A_844, %not3A_846 : vector<16xi1>
      %and3A_848 = arith.andi %ge3A_841, %not3A_847 : vector<16xi1>
      %shift_left3A_849 = arith.constant 17 : i32
      %shift_left3A_850 = vector.broadcast %shift_left3A_849 : i32 to vector<16xi32>
      %shift_left3A_851 = arith.shli %gather3A_838, %shift_left3A_850 : vector<16xi32>
      %convert_element_type3A_852 = arith.extui %and3A_845 : vector<16xi1> to vector<16xi32>
      %broadcast_in_dim3A_853 = arith.constant true
      %broadcast_in_dim3A_854 = vector.broadcast %broadcast_in_dim3A_853 : i1 to vector<16xi1>
      %masked_cumsum3A_855 = tpu.scan <sum>, %convert_element_type3A_852 masked %broadcast_in_dim3A_854 : vector<16xi32>, vector<16xi1> -> vector<16xi32>
      %add3A_856 = arith.addi %add3A_820, %masked_cumsum3A_855 : vector<16xi32>
      %sub3A_857 = arith.constant 1 : i32
      %sub3A_858 = vector.broadcast %sub3A_857 : i32 to vector<16xi32>
      %sub3A_859 = arith.subi %add3A_856, %sub3A_858 : vector<16xi32>
      %or3A_860 = arith.ori %get3A_837, %shift_left3A_851 : vector<16xi32>
      tpu.vector_store_idx %arg13[%sub3A_859], %or3A_860 masked %and3A_845 : memref<25088xi32, #tpu.memory_space<vmem>>[vector<16xi32>], vector<16xi32>, vector<16xi1>
      %convert_element_type3A_861 = arith.extui %and3A_848 : vector<16xi1> to vector<16xi32>
      %broadcast_in_dim3A_862 = arith.constant true
      %broadcast_in_dim3A_863 = vector.broadcast %broadcast_in_dim3A_862 : i1 to vector<16xi1>
      %masked_cumsum3A_864 = tpu.scan <sum>, %convert_element_type3A_861 masked %broadcast_in_dim3A_863 : vector<16xi32>, vector<16xi1> -> vector<16xi32>
      %add3A_865 = arith.addi %add3A_822, %masked_cumsum3A_864 : vector<16xi32>
      %sub3A_866 = arith.constant 1 : i32
      %sub3A_867 = vector.broadcast %sub3A_866 : i32 to vector<16xi32>
      %sub3A_868 = arith.subi %add3A_865, %sub3A_867 : vector<16xi32>
      %sub3A_869 = arith.constant 25087 : i32
      %sub3A_870 = vector.broadcast %sub3A_869 : i32 to vector<16xi32>
      %sub3A_871 = arith.subi %sub3A_870, %sub3A_868 : vector<16xi32>
      %sub3A_872 = arith.constant 25000 : i32
      %sub3A_873 = vector.broadcast %sub3A_872 : i32 to vector<16xi32>
      %sub3A_874 = arith.subi %get3A_837, %sub3A_873 : vector<16xi32>
      %or3A_875 = arith.ori %sub3A_874, %shift_left3A_851 : vector<16xi32>
      tpu.vector_store_idx %arg13[%sub3A_871], %or3A_875 masked %and3A_848 : memref<25088xi32, #tpu.memory_space<vmem>>[vector<16xi32>], vector<16xi32>, vector<16xi1>
      %all_reduce_population_count3A_876 = tpu.all_reduce %and3A_845 {dim = 0 : i64, kind = #tpu.reduction_kind<sum>} : vector<16xi1> -> vector<16xi32>
      %add3A_877 = arith.addi %add3A_820, %all_reduce_population_count3A_876 : vector<16xi32>
      %all_reduce_population_count3A_878 = tpu.all_reduce %and3A_848 {dim = 0 : i64, kind = #tpu.reduction_kind<sum>} : vector<16xi1> -> vector<16xi32>
      %add3A_879 = arith.addi %add3A_822, %all_reduce_population_count3A_878 : vector<16xi32>
      %mul3A_880 = arith.constant 4 : i32
      %mul3A_881 = arith.muli %scan3A_712, %mul3A_880 : i32
      %add3A_882 = arith.constant 3 : i32
      %add3A_883 = arith.addi %mul3A_881, %add3A_882 : i32
      %mul3A_884 = arith.constant 16 : i32
      %mul3A_885 = arith.muli %add3A_883, %mul3A_884 : i32
      %multiple_of3A_886 = tpu.assume_multiple %mul3A_885, 16 : i32
      %get3A_887 = arith.constant 1 : i32
      %get3A_888 = arith.index_cast %get3A_887 : i32 to index
      %get3A_889 = arith.index_cast %multiple_of3A_886 : i32 to index
      %get3A_890 = tpu.vector_load %arg11[%get3A_888, %get3A_889] {strides = array<i32>} : memref<2x2048xi32, #tpu.memory_space<vmem>>, vector<16xi32>,
      %get3A_891 = arith.constant 0 : i32
      %get3A_892 = arith.index_cast %get3A_891 : i32 to index
      %get3A_893 = arith.index_cast %multiple_of3A_886 : i32 to index
      %get3A_894 = tpu.vector_load %arg11[%get3A_892, %get3A_893] {strides = array<i32>} : memref<2x2048xi32, #tpu.memory_space<vmem>>, vector<16xi32>,
      %gather3A_895 = tpu.vector_load_idx %arg9[%get3A_890] : memref<50000xi32, #tpu.memory_space<vmem>>[vector<16xi32>], vector<16xi32>,
      %ge3A_896 = arith.constant 0 : i32
      %ge3A_897 = vector.broadcast %ge3A_896 : i32 to vector<16xi32>
      %ge3A_898 = arith.cmpi sge, %gather3A_895, %ge3A_897 : vector<16xi32>
      %lt3A_899 = arith.constant 25000 : i32
      %lt3A_900 = vector.broadcast %lt3A_899 : i32 to vector<16xi32>
      %lt3A_901 = arith.cmpi slt, %get3A_894, %lt3A_900 : vector<16xi32>
      %and3A_902 = arith.andi %ge3A_898, %lt3A_901 : vector<16xi1>
      %not3A_903 = arith.constant dense<true> : vector<16xi1>
      %not3A_904 = arith.xori %lt3A_901, %not3A_903 : vector<16xi1>
      %and3A_905 = arith.andi %ge3A_898, %not3A_904 : vector<16xi1>
      %shift_left3A_906 = arith.constant 17 : i32
      %shift_left3A_907 = vector.broadcast %shift_left3A_906 : i32 to vector<16xi32>
      %shift_left3A_908 = arith.shli %gather3A_895, %shift_left3A_907 : vector<16xi32>
      %convert_element_type3A_909 = arith.extui %and3A_902 : vector<16xi1> to vector<16xi32>
      %broadcast_in_dim3A_910 = arith.constant true
      %broadcast_in_dim3A_911 = vector.broadcast %broadcast_in_dim3A_910 : i1 to vector<16xi1>
      %masked_cumsum3A_912 = tpu.scan <sum>, %convert_element_type3A_909 masked %broadcast_in_dim3A_911 : vector<16xi32>, vector<16xi1> -> vector<16xi32>
      %add3A_913 = arith.addi %add3A_877, %masked_cumsum3A_912 : vector<16xi32>
      %sub3A_914 = arith.constant 1 : i32
      %sub3A_915 = vector.broadcast %sub3A_914 : i32 to vector<16xi32>
      %sub3A_916 = arith.subi %add3A_913, %sub3A_915 : vector<16xi32>
      %or3A_917 = arith.ori %get3A_894, %shift_left3A_908 : vector<16xi32>
      tpu.vector_store_idx %arg13[%sub3A_916], %or3A_917 masked %and3A_902 : memref<25088xi32, #tpu.memory_space<vmem>>[vector<16xi32>], vector<16xi32>, vector<16xi1>
      %convert_element_type3A_918 = arith.extui %and3A_905 : vector<16xi1> to vector<16xi32>
      %broadcast_in_dim3A_919 = arith.constant true
      %broadcast_in_dim3A_920 = vector.broadcast %broadcast_in_dim3A_919 : i1 to vector<16xi1>
      %masked_cumsum3A_921 = tpu.scan <sum>, %convert_element_type3A_918 masked %broadcast_in_dim3A_920 : vector<16xi32>, vector<16xi1> -> vector<16xi32>
      %add3A_922 = arith.addi %add3A_879, %masked_cumsum3A_921 : vector<16xi32>
      %sub3A_923 = arith.constant 1 : i32
      %sub3A_924 = vector.broadcast %sub3A_923 : i32 to vector<16xi32>
      %sub3A_925 = arith.subi %add3A_922, %sub3A_924 : vector<16xi32>
      %sub3A_926 = arith.constant 25087 : i32
      %sub3A_927 = vector.broadcast %sub3A_926 : i32 to vector<16xi32>
      %sub3A_928 = arith.subi %sub3A_927, %sub3A_925 : vector<16xi32>
      %sub3A_929 = arith.constant 25000 : i32
      %sub3A_930 = vector.broadcast %sub3A_929 : i32 to vector<16xi32>
      %sub3A_931 = arith.subi %get3A_894, %sub3A_930 : vector<16xi32>
      %or3A_932 = arith.ori %sub3A_931, %shift_left3A_908 : vector<16xi32>
      tpu.vector_store_idx %arg13[%sub3A_928], %or3A_932 masked %and3A_905 : memref<25088xi32, #tpu.memory_space<vmem>>[vector<16xi32>], vector<16xi32>, vector<16xi1>
      %all_reduce_population_count3A_933 = tpu.all_reduce %and3A_902 {dim = 0 : i64, kind = #tpu.reduction_kind<sum>} : vector<16xi1> -> vector<16xi32>
      %add3A_934 = arith.addi %add3A_877, %all_reduce_population_count3A_933 : vector<16xi32>
      %all_reduce_population_count3A_935 = tpu.all_reduce %and3A_905 {dim = 0 : i64, kind = #tpu.reduction_kind<sum>} : vector<16xi1> -> vector<16xi32>
      %add3A_936 = arith.addi %add3A_879, %all_reduce_population_count3A_935 : vector<16xi32>
      scf.yield %add3A_934, %add3A_936 : vector<16xi32>, vector<16xi32>
    }
    %scan3A_113 = arith.constant 32 : i32
    %add3A_114 = arith.constant 8192 : i32
    %add3A_115 = arith.addi %select_n3A, %add3A_114 : i32
    %min3A_116 = arith.constant 797952 : i32
    %min3A_117 = arith.minsi %add3A_115, %min3A_116 : i32
    %multiple_of3A_118 = tpu.assume_multiple %min3A_117, 128 : i32
    %dma_start3A_119 = arith.constant 0 : i32
    %dma_start3A_120 = tpu.memref_slice %arg2[%dma_start3A_119, %multiple_of3A_118] : memref<2x800000xi32, #tpu.memory_space<hbm>> -> memref<2x2048xi32, #tpu.memory_space<hbm>>
    %dma_start3A_121 = arith.constant 0 : i32
    %dma_start3A_122 = tpu.memref_slice %arg2[%dma_start3A_121, %multiple_of3A_118] : memref<2x800000xi32, #tpu.memory_space<hbm>> -> memref<2x2048xi32, #tpu.memory_space<hbm>>
    tpu.enqueue_dma source(%dma_start3A_122 : memref<2x2048xi32, #tpu.memory_space<hbm>>) target(%arg11 : memref<2x2048xi32, #tpu.memory_space<vmem>>) target_semaphore(%arg21 : memref<!tpu.dma_semaphore, #tpu.memory_space<semaphore_mem>>)
    %dma_wait3A_123 = arith.constant 0 : i32
    %dma_wait3A_124 = arith.constant 0 : i32
    %dma_wait3A_125 = tpu.memref_slice %arg2[%dma_wait3A_123, %dma_wait3A_124] : memref<2x800000xi32, #tpu.memory_space<hbm>> -> memref<2x2048xi32, #tpu.memory_space<hbm>>
    %dma_wait3A_126 = arith.constant 0 : i32
    %dma_wait3A_127 = arith.constant 0 : i32
    %dma_wait3A_128 = tpu.memref_slice %arg2[%dma_wait3A_126, %dma_wait3A_127] : memref<2x800000xi32, #tpu.memory_space<hbm>> -> memref<2x2048xi32, #tpu.memory_space<hbm>>
    tpu.wait_dma2 semaphore(%arg21 : memref<!tpu.dma_semaphore, #tpu.memory_space<semaphore_mem>>) src(%dma_wait3A_128 : memref<2x2048xi32, #tpu.memory_space<hbm>>) dst(%arg11 : memref<2x2048xi32, #tpu.memory_space<vmem>>)
    %scan3A_129 = arith.constant 0 : i32
    %scan3A_130 = arith.constant 32 : i32
    %scan3A_131 = arith.addi %scan3A_129, %scan3A_130 : i32
    %scan3A_132 = arith.constant 1 : i32
    %scan3A_133:2 = scf.for %scan3A_712 = %scan3A_129 to %scan3A_131 step %scan3A_132 iter_args(%scan3A_713 = %scan3A_112#0, %scan3A_714 = %scan3A_112#1) -> (vector<16xi32>, vector<16xi32>)  : i32 {
      %mul3A_715 = arith.constant 4 : i32
      %mul3A_716 = arith.muli %scan3A_712, %mul3A_715 : i32
      %add3A_717 = arith.constant 0 : i32
      %add3A_718 = arith.addi %mul3A_716, %add3A_717 : i32
      %mul3A_719 = arith.constant 16 : i32
      %mul3A_720 = arith.muli %add3A_718, %mul3A_719 : i32
      %multiple_of3A_721 = tpu.assume_multiple %mul3A_720, 16 : i32
      %get3A_722 = arith.constant 1 : i32
      %get3A_723 = arith.index_cast %get3A_722 : i32 to index
      %get3A_724 = arith.index_cast %multiple_of3A_721 : i32 to index
      %get3A_725 = tpu.vector_load %arg12[%get3A_723, %get3A_724] {strides = array<i32>} : memref<2x2048xi32, #tpu.memory_space<vmem>>, vector<16xi32>,
      %get3A_726 = arith.constant 0 : i32
      %get3A_727 = arith.index_cast %get3A_726 : i32 to index
      %get3A_728 = arith.index_cast %multiple_of3A_721 : i32 to index
      %get3A_729 = tpu.vector_load %arg12[%get3A_727, %get3A_728] {strides = array<i32>} : memref<2x2048xi32, #tpu.memory_space<vmem>>, vector<16xi32>,
      %gather3A_730 = tpu.vector_load_idx %arg9[%get3A_725] : memref<50000xi32, #tpu.memory_space<vmem>>[vector<16xi32>], vector<16xi32>,
      %ge3A = arith.constant 0 : i32
      %ge3A_731 = vector.broadcast %ge3A : i32 to vector<16xi32>
      %ge3A_732 = arith.cmpi sge, %gather3A_730, %ge3A_731 : vector<16xi32>
      %lt3A_733 = arith.constant 25000 : i32
      %lt3A_734 = vector.broadcast %lt3A_733 : i32 to vector<16xi32>
      %lt3A_735 = arith.cmpi slt, %get3A_729, %lt3A_734 : vector<16xi32>
      %and3A_736 = arith.andi %ge3A_732, %lt3A_735 : vector<16xi1>
      %not3A = arith.constant dense<true> : vector<16xi1>
      %not3A_737 = arith.xori %lt3A_735, %not3A : vector<16xi1>
      %and3A_738 = arith.andi %ge3A_732, %not3A_737 : vector<16xi1>
      %shift_left3A = arith.constant 17 : i32
      %shift_left3A_739 = vector.broadcast %shift_left3A : i32 to vector<16xi32>
      %shift_left3A_740 = arith.shli %gather3A_730, %shift_left3A_739 : vector<16xi32>
      %convert_element_type3A_741 = arith.extui %and3A_736 : vector<16xi1> to vector<16xi32>
      %broadcast_in_dim3A_742 = arith.constant true
      %broadcast_in_dim3A_743 = vector.broadcast %broadcast_in_dim3A_742 : i1 to vector<16xi1>
      %masked_cumsum3A = tpu.scan <sum>, %convert_element_type3A_741 masked %broadcast_in_dim3A_743 : vector<16xi32>, vector<16xi1> -> vector<16xi32>
      %add3A_744 = arith.addi %scan3A_713, %masked_cumsum3A : vector<16xi32>
      %sub3A_745 = arith.constant 1 : i32
      %sub3A_746 = vector.broadcast %sub3A_745 : i32 to vector<16xi32>
      %sub3A_747 = arith.subi %add3A_744, %sub3A_746 : vector<16xi32>
      %or3A = arith.ori %get3A_729, %shift_left3A_740 : vector<16xi32>
      tpu.vector_store_idx %arg13[%sub3A_747], %or3A masked %and3A_736 : memref<25088xi32, #tpu.memory_space<vmem>>[vector<16xi32>], vector<16xi32>, vector<16xi1>
      %convert_element_type3A_748 = arith.extui %and3A_738 : vector<16xi1> to vector<16xi32>
      %broadcast_in_dim3A_749 = arith.constant true
      %broadcast_in_dim3A_750 = vector.broadcast %broadcast_in_dim3A_749 : i1 to vector<16xi1>
      %masked_cumsum3A_751 = tpu.scan <sum>, %convert_element_type3A_748 masked %broadcast_in_dim3A_750 : vector<16xi32>, vector<16xi1> -> vector<16xi32>
      %add3A_752 = arith.addi %scan3A_714, %masked_cumsum3A_751 : vector<16xi32>
      %sub3A_753 = arith.constant 1 : i32
      %sub3A_754 = vector.broadcast %sub3A_753 : i32 to vector<16xi32>
      %sub3A_755 = arith.subi %add3A_752, %sub3A_754 : vector<16xi32>
      %sub3A_756 = arith.constant 25087 : i32
      %sub3A_757 = vector.broadcast %sub3A_756 : i32 to vector<16xi32>
      %sub3A_758 = arith.subi %sub3A_757, %sub3A_755 : vector<16xi32>
      %sub3A_759 = arith.constant 25000 : i32
      %sub3A_760 = vector.broadcast %sub3A_759 : i32 to vector<16xi32>
      %sub3A_761 = arith.subi %get3A_729, %sub3A_760 : vector<16xi32>
      %or3A_762 = arith.ori %sub3A_761, %shift_left3A_740 : vector<16xi32>
      tpu.vector_store_idx %arg13[%sub3A_758], %or3A_762 masked %and3A_738 : memref<25088xi32, #tpu.memory_space<vmem>>[vector<16xi32>], vector<16xi32>, vector<16xi1>
      %all_reduce_population_count3A = tpu.all_reduce %and3A_736 {dim = 0 : i64, kind = #tpu.reduction_kind<sum>} : vector<16xi1> -> vector<16xi32>
      %add3A_763 = arith.addi %scan3A_713, %all_reduce_population_count3A : vector<16xi32>
      %all_reduce_population_count3A_764 = tpu.all_reduce %and3A_738 {dim = 0 : i64, kind = #tpu.reduction_kind<sum>} : vector<16xi1> -> vector<16xi32>
      %add3A_765 = arith.addi %scan3A_714, %all_reduce_population_count3A_764 : vector<16xi32>
      %mul3A_766 = arith.constant 4 : i32
      %mul3A_767 = arith.muli %scan3A_712, %mul3A_766 : i32
      %add3A_768 = arith.constant 1 : i32
      %add3A_769 = arith.addi %mul3A_767, %add3A_768 : i32
      %mul3A_770 = arith.constant 16 : i32
      %mul3A_771 = arith.muli %add3A_769, %mul3A_770 : i32
      %multiple_of3A_772 = tpu.assume_multiple %mul3A_771, 16 : i32
      %get3A_773 = arith.constant 1 : i32
      %get3A_774 = arith.index_cast %get3A_773 : i32 to index
      %get3A_775 = arith.index_cast %multiple_of3A_772 : i32 to index
      %get3A_776 = tpu.vector_load %arg12[%get3A_774, %get3A_775] {strides = array<i32>} : memref<2x2048xi32, #tpu.memory_space<vmem>>, vector<16xi32>,
      %get3A_777 = arith.constant 0 : i32
      %get3A_778 = arith.index_cast %get3A_777 : i32 to index
      %get3A_779 = arith.index_cast %multiple_of3A_772 : i32 to index
      %get3A_780 = tpu.vector_load %arg12[%get3A_778, %get3A_779] {strides = array<i32>} : memref<2x2048xi32, #tpu.memory_space<vmem>>, vector<16xi32>,
      %gather3A_781 = tpu.vector_load_idx %arg9[%get3A_776] : memref<50000xi32, #tpu.memory_space<vmem>>[vector<16xi32>], vector<16xi32>,
      %ge3A_782 = arith.constant 0 : i32
      %ge3A_783 = vector.broadcast %ge3A_782 : i32 to vector<16xi32>
      %ge3A_784 = arith.cmpi sge, %gather3A_781, %ge3A_783 : vector<16xi32>
      %lt3A_785 = arith.constant 25000 : i32
      %lt3A_786 = vector.broadcast %lt3A_785 : i32 to vector<16xi32>
      %lt3A_787 = arith.cmpi slt, %get3A_780, %lt3A_786 : vector<16xi32>
      %and3A_788 = arith.andi %ge3A_784, %lt3A_787 : vector<16xi1>
      %not3A_789 = arith.constant dense<true> : vector<16xi1>
      %not3A_790 = arith.xori %lt3A_787, %not3A_789 : vector<16xi1>
      %and3A_791 = arith.andi %ge3A_784, %not3A_790 : vector<16xi1>
      %shift_left3A_792 = arith.constant 17 : i32
      %shift_left3A_793 = vector.broadcast %shift_left3A_792 : i32 to vector<16xi32>
      %shift_left3A_794 = arith.shli %gather3A_781, %shift_left3A_793 : vector<16xi32>
      %convert_element_type3A_795 = arith.extui %and3A_788 : vector<16xi1> to vector<16xi32>
      %broadcast_in_dim3A_796 = arith.constant true
      %broadcast_in_dim3A_797 = vector.broadcast %broadcast_in_dim3A_796 : i1 to vector<16xi1>
      %masked_cumsum3A_798 = tpu.scan <sum>, %convert_element_type3A_795 masked %broadcast_in_dim3A_797 : vector<16xi32>, vector<16xi1> -> vector<16xi32>
      %add3A_799 = arith.addi %add3A_763, %masked_cumsum3A_798 : vector<16xi32>
      %sub3A_800 = arith.constant 1 : i32
      %sub3A_801 = vector.broadcast %sub3A_800 : i32 to vector<16xi32>
      %sub3A_802 = arith.subi %add3A_799, %sub3A_801 : vector<16xi32>
      %or3A_803 = arith.ori %get3A_780, %shift_left3A_794 : vector<16xi32>
      tpu.vector_store_idx %arg13[%sub3A_802], %or3A_803 masked %and3A_788 : memref<25088xi32, #tpu.memory_space<vmem>>[vector<16xi32>], vector<16xi32>, vector<16xi1>
      %convert_element_type3A_804 = arith.extui %and3A_791 : vector<16xi1> to vector<16xi32>
      %broadcast_in_dim3A_805 = arith.constant true
      %broadcast_in_dim3A_806 = vector.broadcast %broadcast_in_dim3A_805 : i1 to vector<16xi1>
      %masked_cumsum3A_807 = tpu.scan <sum>, %convert_element_type3A_804 masked %broadcast_in_dim3A_806 : vector<16xi32>, vector<16xi1> -> vector<16xi32>
      %add3A_808 = arith.addi %add3A_765, %masked_cumsum3A_807 : vector<16xi32>
      %sub3A_809 = arith.constant 1 : i32
      %sub3A_810 = vector.broadcast %sub3A_809 : i32 to vector<16xi32>
      %sub3A_811 = arith.subi %add3A_808, %sub3A_810 : vector<16xi32>
      %sub3A_812 = arith.constant 25087 : i32
      %sub3A_813 = vector.broadcast %sub3A_812 : i32 to vector<16xi32>
      %sub3A_814 = arith.subi %sub3A_813, %sub3A_811 : vector<16xi32>
      %sub3A_815 = arith.constant 25000 : i32
      %sub3A_816 = vector.broadcast %sub3A_815 : i32 to vector<16xi32>
      %sub3A_817 = arith.subi %get3A_780, %sub3A_816 : vector<16xi32>
      %or3A_818 = arith.ori %sub3A_817, %shift_left3A_794 : vector<16xi32>
      tpu.vector_store_idx %arg13[%sub3A_814], %or3A_818 masked %and3A_791 : memref<25088xi32, #tpu.memory_space<vmem>>[vector<16xi32>], vector<16xi32>, vector<16xi1>
      %all_reduce_population_count3A_819 = tpu.all_reduce %and3A_788 {dim = 0 : i64, kind = #tpu.reduction_kind<sum>} : vector<16xi1> -> vector<16xi32>
      %add3A_820 = arith.addi %add3A_763, %all_reduce_population_count3A_819 : vector<16xi32>
      %all_reduce_population_count3A_821 = tpu.all_reduce %and3A_791 {dim = 0 : i64, kind = #tpu.reduction_kind<sum>} : vector<16xi1> -> vector<16xi32>
      %add3A_822 = arith.addi %add3A_765, %all_reduce_population_count3A_821 : vector<16xi32>
      %mul3A_823 = arith.constant 4 : i32
      %mul3A_824 = arith.muli %scan3A_712, %mul3A_823 : i32
      %add3A_825 = arith.constant 2 : i32
      %add3A_826 = arith.addi %mul3A_824, %add3A_825 : i32
      %mul3A_827 = arith.constant 16 : i32
      %mul3A_828 = arith.muli %add3A_826, %mul3A_827 : i32
      %multiple_of3A_829 = tpu.assume_multiple %mul3A_828, 16 : i32
      %get3A_830 = arith.constant 1 : i32
      %get3A_831 = arith.index_cast %get3A_830 : i32 to index
      %get3A_832 = arith.index_cast %multiple_of3A_829 : i32 to index
      %get3A_833 = tpu.vector_load %arg12[%get3A_831, %get3A_832] {strides = array<i32>} : memref<2x2048xi32, #tpu.memory_space<vmem>>, vector<16xi32>,
      %get3A_834 = arith.constant 0 : i32
      %get3A_835 = arith.index_cast %get3A_834 : i32 to index
      %get3A_836 = arith.index_cast %multiple_of3A_829 : i32 to index
      %get3A_837 = tpu.vector_load %arg12[%get3A_835, %get3A_836] {strides = array<i32>} : memref<2x2048xi32, #tpu.memory_space<vmem>>, vector<16xi32>,
      %gather3A_838 = tpu.vector_load_idx %arg9[%get3A_833] : memref<50000xi32, #tpu.memory_space<vmem>>[vector<16xi32>], vector<16xi32>,
      %ge3A_839 = arith.constant 0 : i32
      %ge3A_840 = vector.broadcast %ge3A_839 : i32 to vector<16xi32>
      %ge3A_841 = arith.cmpi sge, %gather3A_838, %ge3A_840 : vector<16xi32>
      %lt3A_842 = arith.constant 25000 : i32
      %lt3A_843 = vector.broadcast %lt3A_842 : i32 to vector<16xi32>
      %lt3A_844 = arith.cmpi slt, %get3A_837, %lt3A_843 : vector<16xi32>
      %and3A_845 = arith.andi %ge3A_841, %lt3A_844 : vector<16xi1>
      %not3A_846 = arith.constant dense<true> : vector<16xi1>
      %not3A_847 = arith.xori %lt3A_844, %not3A_846 : vector<16xi1>
      %and3A_848 = arith.andi %ge3A_841, %not3A_847 : vector<16xi1>
      %shift_left3A_849 = arith.constant 17 : i32
      %shift_left3A_850 = vector.broadcast %shift_left3A_849 : i32 to vector<16xi32>
      %shift_left3A_851 = arith.shli %gather3A_838, %shift_left3A_850 : vector<16xi32>
      %convert_element_type3A_852 = arith.extui %and3A_845 : vector<16xi1> to vector<16xi32>
      %broadcast_in_dim3A_853 = arith.constant true
      %broadcast_in_dim3A_854 = vector.broadcast %broadcast_in_dim3A_853 : i1 to vector<16xi1>
      %masked_cumsum3A_855 = tpu.scan <sum>, %convert_element_type3A_852 masked %broadcast_in_dim3A_854 : vector<16xi32>, vector<16xi1> -> vector<16xi32>
      %add3A_856 = arith.addi %add3A_820, %masked_cumsum3A_855 : vector<16xi32>
      %sub3A_857 = arith.constant 1 : i32
      %sub3A_858 = vector.broadcast %sub3A_857 : i32 to vector<16xi32>
      %sub3A_859 = arith.subi %add3A_856, %sub3A_858 : vector<16xi32>
      %or3A_860 = arith.ori %get3A_837, %shift_left3A_851 : vector<16xi32>
      tpu.vector_store_idx %arg13[%sub3A_859], %or3A_860 masked %and3A_845 : memref<25088xi32, #tpu.memory_space<vmem>>[vector<16xi32>], vector<16xi32>, vector<16xi1>
      %convert_element_type3A_861 = arith.extui %and3A_848 : vector<16xi1> to vector<16xi32>
      %broadcast_in_dim3A_862 = arith.constant true
      %broadcast_in_dim3A_863 = vector.broadcast %broadcast_in_dim3A_862 : i1 to vector<16xi1>
      %masked_cumsum3A_864 = tpu.scan <sum>, %convert_element_type3A_861 masked %broadcast_in_dim3A_863 : vector<16xi32>, vector<16xi1> -> vector<16xi32>
      %add3A_865 = arith.addi %add3A_822, %masked_cumsum3A_864 : vector<16xi32>
      %sub3A_866 = arith.constant 1 : i32
      %sub3A_867 = vector.broadcast %sub3A_866 : i32 to vector<16xi32>
      %sub3A_868 = arith.subi %add3A_865, %sub3A_867 : vector<16xi32>
      %sub3A_869 = arith.constant 25087 : i32
      %sub3A_870 = vector.broadcast %sub3A_869 : i32 to vector<16xi32>
      %sub3A_871 = arith.subi %sub3A_870, %sub3A_868 : vector<16xi32>
      %sub3A_872 = arith.constant 25000 : i32
      %sub3A_873 = vector.broadcast %sub3A_872 : i32 to vector<16xi32>
      %sub3A_874 = arith.subi %get3A_837, %sub3A_873 : vector<16xi32>
      %or3A_875 = arith.ori %sub3A_874, %shift_left3A_851 : vector<16xi32>
      tpu.vector_store_idx %arg13[%sub3A_871], %or3A_875 masked %and3A_848 : memref<25088xi32, #tpu.memory_space<vmem>>[vector<16xi32>], vector<16xi32>, vector<16xi1>
      %all_reduce_population_count3A_876 = tpu.all_reduce %and3A_845 {dim = 0 : i64, kind = #tpu.reduction_kind<sum>} : vector<16xi1> -> vector<16xi32>
      %add3A_877 = arith.addi %add3A_820, %all_reduce_population_count3A_876 : vector<16xi32>
      %all_reduce_population_count3A_878 = tpu.all_reduce %and3A_848 {dim = 0 : i64, kind = #tpu.reduction_kind<sum>} : vector<16xi1> -> vector<16xi32>
      %add3A_879 = arith.addi %add3A_822, %all_reduce_population_count3A_878 : vector<16xi32>
      %mul3A_880 = arith.constant 4 : i32
      %mul3A_881 = arith.muli %scan3A_712, %mul3A_880 : i32
      %add3A_882 = arith.constant 3 : i32
      %add3A_883 = arith.addi %mul3A_881, %add3A_882 : i32
      %mul3A_884 = arith.constant 16 : i32
      %mul3A_885 = arith.muli %add3A_883, %mul3A_884 : i32
      %multiple_of3A_886 = tpu.assume_multiple %mul3A_885, 16 : i32
      %get3A_887 = arith.constant 1 : i32
      %get3A_888 = arith.index_cast %get3A_887 : i32 to index
      %get3A_889 = arith.index_cast %multiple_of3A_886 : i32 to index
      %get3A_890 = tpu.vector_load %arg12[%get3A_888, %get3A_889] {strides = array<i32>} : memref<2x2048xi32, #tpu.memory_space<vmem>>, vector<16xi32>,
      %get3A_891 = arith.constant 0 : i32
      %get3A_892 = arith.index_cast %get3A_891 : i32 to index
      %get3A_893 = arith.index_cast %multiple_of3A_886 : i32 to index
      %get3A_894 = tpu.vector_load %arg12[%get3A_892, %get3A_893] {strides = array<i32>} : memref<2x2048xi32, #tpu.memory_space<vmem>>, vector<16xi32>,
      %gather3A_895 = tpu.vector_load_idx %arg9[%get3A_890] : memref<50000xi32, #tpu.memory_space<vmem>>[vector<16xi32>], vector<16xi32>,
      %ge3A_896 = arith.constant 0 : i32
      %ge3A_897 = vector.broadcast %ge3A_896 : i32 to vector<16xi32>
      %ge3A_898 = arith.cmpi sge, %gather3A_895, %ge3A_897 : vector<16xi32>
      %lt3A_899 = arith.constant 25000 : i32
      %lt3A_900 = vector.broadcast %lt3A_899 : i32 to vector<16xi32>
      %lt3A_901 = arith.cmpi slt, %get3A_894, %lt3A_900 : vector<16xi32>
      %and3A_902 = arith.andi %ge3A_898, %lt3A_901 : vector<16xi1>
      %not3A_903 = arith.constant dense<true> : vector<16xi1>
      %not3A_904 = arith.xori %lt3A_901, %not3A_903 : vector<16xi1>
      %and3A_905 = arith.andi %ge3A_898, %not3A_904 : vector<16xi1>
      %shift_left3A_906 = arith.constant 17 : i32
      %shift_left3A_907 = vector.broadcast %shift_left3A_906 : i32 to vector<16xi32>
      %shift_left3A_908 = arith.shli %gather3A_895, %shift_left3A_907 : vector<16xi32>
      %convert_element_type3A_909 = arith.extui %and3A_902 : vector<16xi1> to vector<16xi32>
      %broadcast_in_dim3A_910 = arith.constant true
      %broadcast_in_dim3A_911 = vector.broadcast %broadcast_in_dim3A_910 : i1 to vector<16xi1>
      %masked_cumsum3A_912 = tpu.scan <sum>, %convert_element_type3A_909 masked %broadcast_in_dim3A_911 : vector<16xi32>, vector<16xi1> -> vector<16xi32>
      %add3A_913 = arith.addi %add3A_877, %masked_cumsum3A_912 : vector<16xi32>
      %sub3A_914 = arith.constant 1 : i32
      %sub3A_915 = vector.broadcast %sub3A_914 : i32 to vector<16xi32>
      %sub3A_916 = arith.subi %add3A_913, %sub3A_915 : vector<16xi32>
      %or3A_917 = arith.ori %get3A_894, %shift_left3A_908 : vector<16xi32>
      tpu.vector_store_idx %arg13[%sub3A_916], %or3A_917 masked %and3A_902 : memref<25088xi32, #tpu.memory_space<vmem>>[vector<16xi32>], vector<16xi32>, vector<16xi1>
      %convert_element_type3A_918 = arith.extui %and3A_905 : vector<16xi1> to vector<16xi32>
      %broadcast_in_dim3A_919 = arith.constant true
      %broadcast_in_dim3A_920 = vector.broadcast %broadcast_in_dim3A_919 : i1 to vector<16xi1>
      %masked_cumsum3A_921 = tpu.scan <sum>, %convert_element_type3A_918 masked %broadcast_in_dim3A_920 : vector<16xi32>, vector<16xi1> -> vector<16xi32>
      %add3A_922 = arith.addi %add3A_879, %masked_cumsum3A_921 : vector<16xi32>
      %sub3A_923 = arith.constant 1 : i32
      %sub3A_924 = vector.broadcast %sub3A_923 : i32 to vector<16xi32>
      %sub3A_925 = arith.subi %add3A_922, %sub3A_924 : vector<16xi32>
      %sub3A_926 = arith.constant 25087 : i32
      %sub3A_927 = vector.broadcast %sub3A_926 : i32 to vector<16xi32>
      %sub3A_928 = arith.subi %sub3A_927, %sub3A_925 : vector<16xi32>
      %sub3A_929 = arith.constant 25000 : i32
      %sub3A_930 = vector.broadcast %sub3A_929 : i32 to vector<16xi32>
      %sub3A_931 = arith.subi %get3A_894, %sub3A_930 : vector<16xi32>
      %or3A_932 = arith.ori %sub3A_931, %shift_left3A_908 : vector<16xi32>
      tpu.vector_store_idx %arg13[%sub3A_928], %or3A_932 masked %and3A_905 : memref<25088xi32, #tpu.memory_space<vmem>>[vector<16xi32>], vector<16xi32>, vector<16xi1>
      %all_reduce_population_count3A_933 = tpu.all_reduce %and3A_902 {dim = 0 : i64, kind = #tpu.reduction_kind<sum>} : vector<16xi1> -> vector<16xi32>
      %add3A_934 = arith.addi %add3A_877, %all_reduce_population_count3A_933 : vector<16xi32>
      %all_reduce_population_count3A_935 = tpu.all_reduce %and3A_905 {dim = 0 : i64, kind = #tpu.reduction_kind<sum>} : vector<16xi1> -> vector<16xi32>
      %add3A_936 = arith.addi %add3A_879, %all_reduce_population_count3A_935 : vector<16xi32>
      scf.yield %add3A_934, %add3A_936 : vector<16xi32>, vector<16xi32>
    }
    %scan3A_134 = arith.constant 32 : i32
    %add3A_135 = arith.constant 10240 : i32
    %add3A_136 = arith.addi %select_n3A, %add3A_135 : i32
    %min3A_137 = arith.constant 797952 : i32
    %min3A_138 = arith.minsi %add3A_136, %min3A_137 : i32
    %multiple_of3A_139 = tpu.assume_multiple %min3A_138, 128 : i32
    %dma_start3A_140 = arith.constant 0 : i32
    %dma_start3A_141 = tpu.memref_slice %arg2[%dma_start3A_140, %multiple_of3A_139] : memref<2x800000xi32, #tpu.memory_space<hbm>> -> memref<2x2048xi32, #tpu.memory_space<hbm>>
    %dma_start3A_142 = arith.constant 0 : i32
    %dma_start3A_143 = tpu.memref_slice %arg2[%dma_start3A_142, %multiple_of3A_139] : memref<2x800000xi32, #tpu.memory_space<hbm>> -> memref<2x2048xi32, #tpu.memory_space<hbm>>
    tpu.enqueue_dma source(%dma_start3A_143 : memref<2x2048xi32, #tpu.memory_space<hbm>>) target(%arg12 : memref<2x2048xi32, #tpu.memory_space<vmem>>) target_semaphore(%arg21 : memref<!tpu.dma_semaphore, #tpu.memory_space<semaphore_mem>>)
    %dma_wait3A_144 = arith.constant 0 : i32
    %dma_wait3A_145 = arith.constant 0 : i32
    %dma_wait3A_146 = tpu.memref_slice %arg2[%dma_wait3A_144, %dma_wait3A_145] : memref<2x800000xi32, #tpu.memory_space<hbm>> -> memref<2x2048xi32, #tpu.memory_space<hbm>>
    %dma_wait3A_147 = arith.constant 0 : i32
    %dma_wait3A_148 = arith.constant 0 : i32
    %dma_wait3A_149 = tpu.memref_slice %arg2[%dma_wait3A_147, %dma_wait3A_148] : memref<2x800000xi32, #tpu.memory_space<hbm>> -> memref<2x2048xi32, #tpu.memory_space<hbm>>
    tpu.wait_dma2 semaphore(%arg21 : memref<!tpu.dma_semaphore, #tpu.memory_space<semaphore_mem>>) src(%dma_wait3A_149 : memref<2x2048xi32, #tpu.memory_space<hbm>>) dst(%arg11 : memref<2x2048xi32, #tpu.memory_space<vmem>>)
    %scan3A_150 = arith.constant 0 : i32
    %scan3A_151 = arith.constant 32 : i32
    %scan3A_152 = arith.addi %scan3A_150, %scan3A_151 : i32
    %scan3A_153 = arith.constant 1 : i32
    %scan3A_154:2 = scf.for %scan3A_712 = %scan3A_150 to %scan3A_152 step %scan3A_153 iter_args(%scan3A_713 = %scan3A_133#0, %scan3A_714 = %scan3A_133#1) -> (vector<16xi32>, vector<16xi32>)  : i32 {
      %mul3A_715 = arith.constant 4 : i32
      %mul3A_716 = arith.muli %scan3A_712, %mul3A_715 : i32
      %add3A_717 = arith.constant 0 : i32
      %add3A_718 = arith.addi %mul3A_716, %add3A_717 : i32
      %mul3A_719 = arith.constant 16 : i32
      %mul3A_720 = arith.muli %add3A_718, %mul3A_719 : i32
      %multiple_of3A_721 = tpu.assume_multiple %mul3A_720, 16 : i32
      %get3A_722 = arith.constant 1 : i32
      %get3A_723 = arith.index_cast %get3A_722 : i32 to index
      %get3A_724 = arith.index_cast %multiple_of3A_721 : i32 to index
      %get3A_725 = tpu.vector_load %arg11[%get3A_723, %get3A_724] {strides = array<i32>} : memref<2x2048xi32, #tpu.memory_space<vmem>>, vector<16xi32>,
      %get3A_726 = arith.constant 0 : i32
      %get3A_727 = arith.index_cast %get3A_726 : i32 to index
      %get3A_728 = arith.index_cast %multiple_of3A_721 : i32 to index
      %get3A_729 = tpu.vector_load %arg11[%get3A_727, %get3A_728] {strides = array<i32>} : memref<2x2048xi32, #tpu.memory_space<vmem>>, vector<16xi32>,
      %gather3A_730 = tpu.vector_load_idx %arg9[%get3A_725] : memref<50000xi32, #tpu.memory_space<vmem>>[vector<16xi32>], vector<16xi32>,
      %ge3A = arith.constant 0 : i32
      %ge3A_731 = vector.broadcast %ge3A : i32 to vector<16xi32>
      %ge3A_732 = arith.cmpi sge, %gather3A_730, %ge3A_731 : vector<16xi32>
      %lt3A_733 = arith.constant 25000 : i32
      %lt3A_734 = vector.broadcast %lt3A_733 : i32 to vector<16xi32>
      %lt3A_735 = arith.cmpi slt, %get3A_729, %lt3A_734 : vector<16xi32>
      %and3A_736 = arith.andi %ge3A_732, %lt3A_735 : vector<16xi1>
      %not3A = arith.constant dense<true> : vector<16xi1>
      %not3A_737 = arith.xori %lt3A_735, %not3A : vector<16xi1>
      %and3A_738 = arith.andi %ge3A_732, %not3A_737 : vector<16xi1>
      %shift_left3A = arith.constant 17 : i32
      %shift_left3A_739 = vector.broadcast %shift_left3A : i32 to vector<16xi32>
      %shift_left3A_740 = arith.shli %gather3A_730, %shift_left3A_739 : vector<16xi32>
      %convert_element_type3A_741 = arith.extui %and3A_736 : vector<16xi1> to vector<16xi32>
      %broadcast_in_dim3A_742 = arith.constant true
      %broadcast_in_dim3A_743 = vector.broadcast %broadcast_in_dim3A_742 : i1 to vector<16xi1>
      %masked_cumsum3A = tpu.scan <sum>, %convert_element_type3A_741 masked %broadcast_in_dim3A_743 : vector<16xi32>, vector<16xi1> -> vector<16xi32>
      %add3A_744 = arith.addi %scan3A_713, %masked_cumsum3A : vector<16xi32>
      %sub3A_745 = arith.constant 1 : i32
      %sub3A_746 = vector.broadcast %sub3A_745 : i32 to vector<16xi32>
      %sub3A_747 = arith.subi %add3A_744, %sub3A_746 : vector<16xi32>
      %or3A = arith.ori %get3A_729, %shift_left3A_740 : vector<16xi32>
      tpu.vector_store_idx %arg13[%sub3A_747], %or3A masked %and3A_736 : memref<25088xi32, #tpu.memory_space<vmem>>[vector<16xi32>], vector<16xi32>, vector<16xi1>
      %convert_element_type3A_748 = arith.extui %and3A_738 : vector<16xi1> to vector<16xi32>
      %broadcast_in_dim3A_749 = arith.constant true
      %broadcast_in_dim3A_750 = vector.broadcast %broadcast_in_dim3A_749 : i1 to vector<16xi1>
      %masked_cumsum3A_751 = tpu.scan <sum>, %convert_element_type3A_748 masked %broadcast_in_dim3A_750 : vector<16xi32>, vector<16xi1> -> vector<16xi32>
      %add3A_752 = arith.addi %scan3A_714, %masked_cumsum3A_751 : vector<16xi32>
      %sub3A_753 = arith.constant 1 : i32
      %sub3A_754 = vector.broadcast %sub3A_753 : i32 to vector<16xi32>
      %sub3A_755 = arith.subi %add3A_752, %sub3A_754 : vector<16xi32>
      %sub3A_756 = arith.constant 25087 : i32
      %sub3A_757 = vector.broadcast %sub3A_756 : i32 to vector<16xi32>
      %sub3A_758 = arith.subi %sub3A_757, %sub3A_755 : vector<16xi32>
      %sub3A_759 = arith.constant 25000 : i32
      %sub3A_760 = vector.broadcast %sub3A_759 : i32 to vector<16xi32>
      %sub3A_761 = arith.subi %get3A_729, %sub3A_760 : vector<16xi32>
      %or3A_762 = arith.ori %sub3A_761, %shift_left3A_740 : vector<16xi32>
      tpu.vector_store_idx %arg13[%sub3A_758], %or3A_762 masked %and3A_738 : memref<25088xi32, #tpu.memory_space<vmem>>[vector<16xi32>], vector<16xi32>, vector<16xi1>
      %all_reduce_population_count3A = tpu.all_reduce %and3A_736 {dim = 0 : i64, kind = #tpu.reduction_kind<sum>} : vector<16xi1> -> vector<16xi32>
      %add3A_763 = arith.addi %scan3A_713, %all_reduce_population_count3A : vector<16xi32>
      %all_reduce_population_count3A_764 = tpu.all_reduce %and3A_738 {dim = 0 : i64, kind = #tpu.reduction_kind<sum>} : vector<16xi1> -> vector<16xi32>
      %add3A_765 = arith.addi %scan3A_714, %all_reduce_population_count3A_764 : vector<16xi32>
      %mul3A_766 = arith.constant 4 : i32
      %mul3A_767 = arith.muli %scan3A_712, %mul3A_766 : i32
      %add3A_768 = arith.constant 1 : i32
      %add3A_769 = arith.addi %mul3A_767, %add3A_768 : i32
      %mul3A_770 = arith.constant 16 : i32
      %mul3A_771 = arith.muli %add3A_769, %mul3A_770 : i32
      %multiple_of3A_772 = tpu.assume_multiple %mul3A_771, 16 : i32
      %get3A_773 = arith.constant 1 : i32
      %get3A_774 = arith.index_cast %get3A_773 : i32 to index
      %get3A_775 = arith.index_cast %multiple_of3A_772 : i32 to index
      %get3A_776 = tpu.vector_load %arg11[%get3A_774, %get3A_775] {strides = array<i32>} : memref<2x2048xi32, #tpu.memory_space<vmem>>, vector<16xi32>,
      %get3A_777 = arith.constant 0 : i32
      %get3A_778 = arith.index_cast %get3A_777 : i32 to index
      %get3A_779 = arith.index_cast %multiple_of3A_772 : i32 to index
      %get3A_780 = tpu.vector_load %arg11[%get3A_778, %get3A_779] {strides = array<i32>} : memref<2x2048xi32, #tpu.memory_space<vmem>>, vector<16xi32>,
      %gather3A_781 = tpu.vector_load_idx %arg9[%get3A_776] : memref<50000xi32, #tpu.memory_space<vmem>>[vector<16xi32>], vector<16xi32>,
      %ge3A_782 = arith.constant 0 : i32
      %ge3A_783 = vector.broadcast %ge3A_782 : i32 to vector<16xi32>
      %ge3A_784 = arith.cmpi sge, %gather3A_781, %ge3A_783 : vector<16xi32>
      %lt3A_785 = arith.constant 25000 : i32
      %lt3A_786 = vector.broadcast %lt3A_785 : i32 to vector<16xi32>
      %lt3A_787 = arith.cmpi slt, %get3A_780, %lt3A_786 : vector<16xi32>
      %and3A_788 = arith.andi %ge3A_784, %lt3A_787 : vector<16xi1>
      %not3A_789 = arith.constant dense<true> : vector<16xi1>
      %not3A_790 = arith.xori %lt3A_787, %not3A_789 : vector<16xi1>
      %and3A_791 = arith.andi %ge3A_784, %not3A_790 : vector<16xi1>
      %shift_left3A_792 = arith.constant 17 : i32
      %shift_left3A_793 = vector.broadcast %shift_left3A_792 : i32 to vector<16xi32>
      %shift_left3A_794 = arith.shli %gather3A_781, %shift_left3A_793 : vector<16xi32>
      %convert_element_type3A_795 = arith.extui %and3A_788 : vector<16xi1> to vector<16xi32>
      %broadcast_in_dim3A_796 = arith.constant true
      %broadcast_in_dim3A_797 = vector.broadcast %broadcast_in_dim3A_796 : i1 to vector<16xi1>
      %masked_cumsum3A_798 = tpu.scan <sum>, %convert_element_type3A_795 masked %broadcast_in_dim3A_797 : vector<16xi32>, vector<16xi1> -> vector<16xi32>
      %add3A_799 = arith.addi %add3A_763, %masked_cumsum3A_798 : vector<16xi32>
      %sub3A_800 = arith.constant 1 : i32
      %sub3A_801 = vector.broadcast %sub3A_800 : i32 to vector<16xi32>
      %sub3A_802 = arith.subi %add3A_799, %sub3A_801 : vector<16xi32>
      %or3A_803 = arith.ori %get3A_780, %shift_left3A_794 : vector<16xi32>
      tpu.vector_store_idx %arg13[%sub3A_802], %or3A_803 masked %and3A_788 : memref<25088xi32, #tpu.memory_space<vmem>>[vector<16xi32>], vector<16xi32>, vector<16xi1>
      %convert_element_type3A_804 = arith.extui %and3A_791 : vector<16xi1> to vector<16xi32>
      %broadcast_in_dim3A_805 = arith.constant true
      %broadcast_in_dim3A_806 = vector.broadcast %broadcast_in_dim3A_805 : i1 to vector<16xi1>
      %masked_cumsum3A_807 = tpu.scan <sum>, %convert_element_type3A_804 masked %broadcast_in_dim3A_806 : vector<16xi32>, vector<16xi1> -> vector<16xi32>
      %add3A_808 = arith.addi %add3A_765, %masked_cumsum3A_807 : vector<16xi32>
      %sub3A_809 = arith.constant 1 : i32
      %sub3A_810 = vector.broadcast %sub3A_809 : i32 to vector<16xi32>
      %sub3A_811 = arith.subi %add3A_808, %sub3A_810 : vector<16xi32>
      %sub3A_812 = arith.constant 25087 : i32
      %sub3A_813 = vector.broadcast %sub3A_812 : i32 to vector<16xi32>
      %sub3A_814 = arith.subi %sub3A_813, %sub3A_811 : vector<16xi32>
      %sub3A_815 = arith.constant 25000 : i32
      %sub3A_816 = vector.broadcast %sub3A_815 : i32 to vector<16xi32>
      %sub3A_817 = arith.subi %get3A_780, %sub3A_816 : vector<16xi32>
      %or3A_818 = arith.ori %sub3A_817, %shift_left3A_794 : vector<16xi32>
      tpu.vector_store_idx %arg13[%sub3A_814], %or3A_818 masked %and3A_791 : memref<25088xi32, #tpu.memory_space<vmem>>[vector<16xi32>], vector<16xi32>, vector<16xi1>
      %all_reduce_population_count3A_819 = tpu.all_reduce %and3A_788 {dim = 0 : i64, kind = #tpu.reduction_kind<sum>} : vector<16xi1> -> vector<16xi32>
      %add3A_820 = arith.addi %add3A_763, %all_reduce_population_count3A_819 : vector<16xi32>
      %all_reduce_population_count3A_821 = tpu.all_reduce %and3A_791 {dim = 0 : i64, kind = #tpu.reduction_kind<sum>} : vector<16xi1> -> vector<16xi32>
      %add3A_822 = arith.addi %add3A_765, %all_reduce_population_count3A_821 : vector<16xi32>
      %mul3A_823 = arith.constant 4 : i32
      %mul3A_824 = arith.muli %scan3A_712, %mul3A_823 : i32
      %add3A_825 = arith.constant 2 : i32
      %add3A_826 = arith.addi %mul3A_824, %add3A_825 : i32
      %mul3A_827 = arith.constant 16 : i32
      %mul3A_828 = arith.muli %add3A_826, %mul3A_827 : i32
      %multiple_of3A_829 = tpu.assume_multiple %mul3A_828, 16 : i32
      %get3A_830 = arith.constant 1 : i32
      %get3A_831 = arith.index_cast %get3A_830 : i32 to index
      %get3A_832 = arith.index_cast %multiple_of3A_829 : i32 to index
      %get3A_833 = tpu.vector_load %arg11[%get3A_831, %get3A_832] {strides = array<i32>} : memref<2x2048xi32, #tpu.memory_space<vmem>>, vector<16xi32>,
      %get3A_834 = arith.constant 0 : i32
      %get3A_835 = arith.index_cast %get3A_834 : i32 to index
      %get3A_836 = arith.index_cast %multiple_of3A_829 : i32 to index
      %get3A_837 = tpu.vector_load %arg11[%get3A_835, %get3A_836] {strides = array<i32>} : memref<2x2048xi32, #tpu.memory_space<vmem>>, vector<16xi32>,
      %gather3A_838 = tpu.vector_load_idx %arg9[%get3A_833] : memref<50000xi32, #tpu.memory_space<vmem>>[vector<16xi32>], vector<16xi32>,
      %ge3A_839 = arith.constant 0 : i32
      %ge3A_840 = vector.broadcast %ge3A_839 : i32 to vector<16xi32>
      %ge3A_841 = arith.cmpi sge, %gather3A_838, %ge3A_840 : vector<16xi32>
      %lt3A_842 = arith.constant 25000 : i32
      %lt3A_843 = vector.broadcast %lt3A_842 : i32 to vector<16xi32>
      %lt3A_844 = arith.cmpi slt, %get3A_837, %lt3A_843 : vector<16xi32>
      %and3A_845 = arith.andi %ge3A_841, %lt3A_844 : vector<16xi1>
      %not3A_846 = arith.constant dense<true> : vector<16xi1>
      %not3A_847 = arith.xori %lt3A_844, %not3A_846 : vector<16xi1>
      %and3A_848 = arith.andi %ge3A_841, %not3A_847 : vector<16xi1>
      %shift_left3A_849 = arith.constant 17 : i32
      %shift_left3A_850 = vector.broadcast %shift_left3A_849 : i32 to vector<16xi32>
      %shift_left3A_851 = arith.shli %gather3A_838, %shift_left3A_850 : vector<16xi32>
      %convert_element_type3A_852 = arith.extui %and3A_845 : vector<16xi1> to vector<16xi32>
      %broadcast_in_dim3A_853 = arith.constant true
      %broadcast_in_dim3A_854 = vector.broadcast %broadcast_in_dim3A_853 : i1 to vector<16xi1>
      %masked_cumsum3A_855 = tpu.scan <sum>, %convert_element_type3A_852 masked %broadcast_in_dim3A_854 : vector<16xi32>, vector<16xi1> -> vector<16xi32>
      %add3A_856 = arith.addi %add3A_820, %masked_cumsum3A_855 : vector<16xi32>
      %sub3A_857 = arith.constant 1 : i32
      %sub3A_858 = vector.broadcast %sub3A_857 : i32 to vector<16xi32>
      %sub3A_859 = arith.subi %add3A_856, %sub3A_858 : vector<16xi32>
      %or3A_860 = arith.ori %get3A_837, %shift_left3A_851 : vector<16xi32>
      tpu.vector_store_idx %arg13[%sub3A_859], %or3A_860 masked %and3A_845 : memref<25088xi32, #tpu.memory_space<vmem>>[vector<16xi32>], vector<16xi32>, vector<16xi1>
      %convert_element_type3A_861 = arith.extui %and3A_848 : vector<16xi1> to vector<16xi32>
      %broadcast_in_dim3A_862 = arith.constant true
      %broadcast_in_dim3A_863 = vector.broadcast %broadcast_in_dim3A_862 : i1 to vector<16xi1>
      %masked_cumsum3A_864 = tpu.scan <sum>, %convert_element_type3A_861 masked %broadcast_in_dim3A_863 : vector<16xi32>, vector<16xi1> -> vector<16xi32>
      %add3A_865 = arith.addi %add3A_822, %masked_cumsum3A_864 : vector<16xi32>
      %sub3A_866 = arith.constant 1 : i32
      %sub3A_867 = vector.broadcast %sub3A_866 : i32 to vector<16xi32>
      %sub3A_868 = arith.subi %add3A_865, %sub3A_867 : vector<16xi32>
      %sub3A_869 = arith.constant 25087 : i32
      %sub3A_870 = vector.broadcast %sub3A_869 : i32 to vector<16xi32>
      %sub3A_871 = arith.subi %sub3A_870, %sub3A_868 : vector<16xi32>
      %sub3A_872 = arith.constant 25000 : i32
      %sub3A_873 = vector.broadcast %sub3A_872 : i32 to vector<16xi32>
      %sub3A_874 = arith.subi %get3A_837, %sub3A_873 : vector<16xi32>
      %or3A_875 = arith.ori %sub3A_874, %shift_left3A_851 : vector<16xi32>
      tpu.vector_store_idx %arg13[%sub3A_871], %or3A_875 masked %and3A_848 : memref<25088xi32, #tpu.memory_space<vmem>>[vector<16xi32>], vector<16xi32>, vector<16xi1>
      %all_reduce_population_count3A_876 = tpu.all_reduce %and3A_845 {dim = 0 : i64, kind = #tpu.reduction_kind<sum>} : vector<16xi1> -> vector<16xi32>
      %add3A_877 = arith.addi %add3A_820, %all_reduce_population_count3A_876 : vector<16xi32>
      %all_reduce_population_count3A_878 = tpu.all_reduce %and3A_848 {dim = 0 : i64, kind = #tpu.reduction_kind<sum>} : vector<16xi1> -> vector<16xi32>
      %add3A_879 = arith.addi %add3A_822, %all_reduce_population_count3A_878 : vector<16xi32>
      %mul3A_880 = arith.constant 4 : i32
      %mul3A_881 = arith.muli %scan3A_712, %mul3A_880 : i32
      %add3A_882 = arith.constant 3 : i32
      %add3A_883 = arith.addi %mul3A_881, %add3A_882 : i32
      %mul3A_884 = arith.constant 16 : i32
      %mul3A_885 = arith.muli %add3A_883, %mul3A_884 : i32
      %multiple_of3A_886 = tpu.assume_multiple %mul3A_885, 16 : i32
      %get3A_887 = arith.constant 1 : i32
      %get3A_888 = arith.index_cast %get3A_887 : i32 to index
      %get3A_889 = arith.index_cast %multiple_of3A_886 : i32 to index
      %get3A_890 = tpu.vector_load %arg11[%get3A_888, %get3A_889] {strides = array<i32>} : memref<2x2048xi32, #tpu.memory_space<vmem>>, vector<16xi32>,
      %get3A_891 = arith.constant 0 : i32
      %get3A_892 = arith.index_cast %get3A_891 : i32 to index
      %get3A_893 = arith.index_cast %multiple_of3A_886 : i32 to index
      %get3A_894 = tpu.vector_load %arg11[%get3A_892, %get3A_893] {strides = array<i32>} : memref<2x2048xi32, #tpu.memory_space<vmem>>, vector<16xi32>,
      %gather3A_895 = tpu.vector_load_idx %arg9[%get3A_890] : memref<50000xi32, #tpu.memory_space<vmem>>[vector<16xi32>], vector<16xi32>,
      %ge3A_896 = arith.constant 0 : i32
      %ge3A_897 = vector.broadcast %ge3A_896 : i32 to vector<16xi32>
      %ge3A_898 = arith.cmpi sge, %gather3A_895, %ge3A_897 : vector<16xi32>
      %lt3A_899 = arith.constant 25000 : i32
      %lt3A_900 = vector.broadcast %lt3A_899 : i32 to vector<16xi32>
      %lt3A_901 = arith.cmpi slt, %get3A_894, %lt3A_900 : vector<16xi32>
      %and3A_902 = arith.andi %ge3A_898, %lt3A_901 : vector<16xi1>
      %not3A_903 = arith.constant dense<true> : vector<16xi1>
      %not3A_904 = arith.xori %lt3A_901, %not3A_903 : vector<16xi1>
      %and3A_905 = arith.andi %ge3A_898, %not3A_904 : vector<16xi1>
      %shift_left3A_906 = arith.constant 17 : i32
      %shift_left3A_907 = vector.broadcast %shift_left3A_906 : i32 to vector<16xi32>
      %shift_left3A_908 = arith.shli %gather3A_895, %shift_left3A_907 : vector<16xi32>
      %convert_element_type3A_909 = arith.extui %and3A_902 : vector<16xi1> to vector<16xi32>
      %broadcast_in_dim3A_910 = arith.constant true
      %broadcast_in_dim3A_911 = vector.broadcast %broadcast_in_dim3A_910 : i1 to vector<16xi1>
      %masked_cumsum3A_912 = tpu.scan <sum>, %convert_element_type3A_909 masked %broadcast_in_dim3A_911 : vector<16xi32>, vector<16xi1> -> vector<16xi32>
      %add3A_913 = arith.addi %add3A_877, %masked_cumsum3A_912 : vector<16xi32>
      %sub3A_914 = arith.constant 1 : i32
      %sub3A_915 = vector.broadcast %sub3A_914 : i32 to vector<16xi32>
      %sub3A_916 = arith.subi %add3A_913, %sub3A_915 : vector<16xi32>
      %or3A_917 = arith.ori %get3A_894, %shift_left3A_908 : vector<16xi32>
      tpu.vector_store_idx %arg13[%sub3A_916], %or3A_917 masked %and3A_902 : memref<25088xi32, #tpu.memory_space<vmem>>[vector<16xi32>], vector<16xi32>, vector<16xi1>
      %convert_element_type3A_918 = arith.extui %and3A_905 : vector<16xi1> to vector<16xi32>
      %broadcast_in_dim3A_919 = arith.constant true
      %broadcast_in_dim3A_920 = vector.broadcast %broadcast_in_dim3A_919 : i1 to vector<16xi1>
      %masked_cumsum3A_921 = tpu.scan <sum>, %convert_element_type3A_918 masked %broadcast_in_dim3A_920 : vector<16xi32>, vector<16xi1> -> vector<16xi32>
      %add3A_922 = arith.addi %add3A_879, %masked_cumsum3A_921 : vector<16xi32>
      %sub3A_923 = arith.constant 1 : i32
      %sub3A_924 = vector.broadcast %sub3A_923 : i32 to vector<16xi32>
      %sub3A_925 = arith.subi %add3A_922, %sub3A_924 : vector<16xi32>
      %sub3A_926 = arith.constant 25087 : i32
      %sub3A_927 = vector.broadcast %sub3A_926 : i32 to vector<16xi32>
      %sub3A_928 = arith.subi %sub3A_927, %sub3A_925 : vector<16xi32>
      %sub3A_929 = arith.constant 25000 : i32
      %sub3A_930 = vector.broadcast %sub3A_929 : i32 to vector<16xi32>
      %sub3A_931 = arith.subi %get3A_894, %sub3A_930 : vector<16xi32>
      %or3A_932 = arith.ori %sub3A_931, %shift_left3A_908 : vector<16xi32>
      tpu.vector_store_idx %arg13[%sub3A_928], %or3A_932 masked %and3A_905 : memref<25088xi32, #tpu.memory_space<vmem>>[vector<16xi32>], vector<16xi32>, vector<16xi1>
      %all_reduce_population_count3A_933 = tpu.all_reduce %and3A_902 {dim = 0 : i64, kind = #tpu.reduction_kind<sum>} : vector<16xi1> -> vector<16xi32>
      %add3A_934 = arith.addi %add3A_877, %all_reduce_population_count3A_933 : vector<16xi32>
      %all_reduce_population_count3A_935 = tpu.all_reduce %and3A_905 {dim = 0 : i64, kind = #tpu.reduction_kind<sum>} : vector<16xi1> -> vector<16xi32>
      %add3A_936 = arith.addi %add3A_879, %all_reduce_population_count3A_935 : vector<16xi32>
      scf.yield %add3A_934, %add3A_936 : vector<16xi32>, vector<16xi32>
    }
    %scan3A_155 = arith.constant 32 : i32
    %add3A_156 = arith.constant 12288 : i32
    %add3A_157 = arith.addi %select_n3A, %add3A_156 : i32
    %min3A_158 = arith.constant 797952 : i32
    %min3A_159 = arith.minsi %add3A_157, %min3A_158 : i32
    %multiple_of3A_160 = tpu.assume_multiple %min3A_159, 128 : i32
    %dma_start3A_161 = arith.constant 0 : i32
    %dma_start3A_162 = tpu.memref_slice %arg2[%dma_start3A_161, %multiple_of3A_160] : memref<2x800000xi32, #tpu.memory_space<hbm>> -> memref<2x2048xi32, #tpu.memory_space<hbm>>
    %dma_start3A_163 = arith.constant 0 : i32
    %dma_start3A_164 = tpu.memref_slice %arg2[%dma_start3A_163, %multiple_of3A_160] : memref<2x800000xi32, #tpu.memory_space<hbm>> -> memref<2x2048xi32, #tpu.memory_space<hbm>>
    tpu.enqueue_dma source(%dma_start3A_164 : memref<2x2048xi32, #tpu.memory_space<hbm>>) target(%arg11 : memref<2x2048xi32, #tpu.memory_space<vmem>>) target_semaphore(%arg21 : memref<!tpu.dma_semaphore, #tpu.memory_space<semaphore_mem>>)
    %dma_wait3A_165 = arith.constant 0 : i32
    %dma_wait3A_166 = arith.constant 0 : i32
    %dma_wait3A_167 = tpu.memref_slice %arg2[%dma_wait3A_165, %dma_wait3A_166] : memref<2x800000xi32, #tpu.memory_space<hbm>> -> memref<2x2048xi32, #tpu.memory_space<hbm>>
    %dma_wait3A_168 = arith.constant 0 : i32
    %dma_wait3A_169 = arith.constant 0 : i32
    %dma_wait3A_170 = tpu.memref_slice %arg2[%dma_wait3A_168, %dma_wait3A_169] : memref<2x800000xi32, #tpu.memory_space<hbm>> -> memref<2x2048xi32, #tpu.memory_space<hbm>>
    tpu.wait_dma2 semaphore(%arg21 : memref<!tpu.dma_semaphore, #tpu.memory_space<semaphore_mem>>) src(%dma_wait3A_170 : memref<2x2048xi32, #tpu.memory_space<hbm>>) dst(%arg11 : memref<2x2048xi32, #tpu.memory_space<vmem>>)
    %scan3A_171 = arith.constant 0 : i32
    %scan3A_172 = arith.constant 32 : i32
    %scan3A_173 = arith.addi %scan3A_171, %scan3A_172 : i32
    %scan3A_174 = arith.constant 1 : i32
    %scan3A_175:2 = scf.for %scan3A_712 = %scan3A_171 to %scan3A_173 step %scan3A_174 iter_args(%scan3A_713 = %scan3A_154#0, %scan3A_714 = %scan3A_154#1) -> (vector<16xi32>, vector<16xi32>)  : i32 {
      %mul3A_715 = arith.constant 4 : i32
      %mul3A_716 = arith.muli %scan3A_712, %mul3A_715 : i32
      %add3A_717 = arith.constant 0 : i32
      %add3A_718 = arith.addi %mul3A_716, %add3A_717 : i32
      %mul3A_719 = arith.constant 16 : i32
      %mul3A_720 = arith.muli %add3A_718, %mul3A_719 : i32
      %multiple_of3A_721 = tpu.assume_multiple %mul3A_720, 16 : i32
      %get3A_722 = arith.constant 1 : i32
      %get3A_723 = arith.index_cast %get3A_722 : i32 to index
      %get3A_724 = arith.index_cast %multiple_of3A_721 : i32 to index
      %get3A_725 = tpu.vector_load %arg12[%get3A_723, %get3A_724] {strides = array<i32>} : memref<2x2048xi32, #tpu.memory_space<vmem>>, vector<16xi32>,
      %get3A_726 = arith.constant 0 : i32
      %get3A_727 = arith.index_cast %get3A_726 : i32 to index
      %get3A_728 = arith.index_cast %multiple_of3A_721 : i32 to index
      %get3A_729 = tpu.vector_load %arg12[%get3A_727, %get3A_728] {strides = array<i32>} : memref<2x2048xi32, #tpu.memory_space<vmem>>, vector<16xi32>,
      %gather3A_730 = tpu.vector_load_idx %arg9[%get3A_725] : memref<50000xi32, #tpu.memory_space<vmem>>[vector<16xi32>], vector<16xi32>,
      %ge3A = arith.constant 0 : i32
      %ge3A_731 = vector.broadcast %ge3A : i32 to vector<16xi32>
      %ge3A_732 = arith.cmpi sge, %gather3A_730, %ge3A_731 : vector<16xi32>
      %lt3A_733 = arith.constant 25000 : i32
      %lt3A_734 = vector.broadcast %lt3A_733 : i32 to vector<16xi32>
      %lt3A_735 = arith.cmpi slt, %get3A_729, %lt3A_734 : vector<16xi32>
      %and3A_736 = arith.andi %ge3A_732, %lt3A_735 : vector<16xi1>
      %not3A = arith.constant dense<true> : vector<16xi1>
      %not3A_737 = arith.xori %lt3A_735, %not3A : vector<16xi1>
      %and3A_738 = arith.andi %ge3A_732, %not3A_737 : vector<16xi1>
      %shift_left3A = arith.constant 17 : i32
      %shift_left3A_739 = vector.broadcast %shift_left3A : i32 to vector<16xi32>
      %shift_left3A_740 = arith.shli %gather3A_730, %shift_left3A_739 : vector<16xi32>
      %convert_element_type3A_741 = arith.extui %and3A_736 : vector<16xi1> to vector<16xi32>
      %broadcast_in_dim3A_742 = arith.constant true
      %broadcast_in_dim3A_743 = vector.broadcast %broadcast_in_dim3A_742 : i1 to vector<16xi1>
      %masked_cumsum3A = tpu.scan <sum>, %convert_element_type3A_741 masked %broadcast_in_dim3A_743 : vector<16xi32>, vector<16xi1> -> vector<16xi32>
      %add3A_744 = arith.addi %scan3A_713, %masked_cumsum3A : vector<16xi32>
      %sub3A_745 = arith.constant 1 : i32
      %sub3A_746 = vector.broadcast %sub3A_745 : i32 to vector<16xi32>
      %sub3A_747 = arith.subi %add3A_744, %sub3A_746 : vector<16xi32>
      %or3A = arith.ori %get3A_729, %shift_left3A_740 : vector<16xi32>
      tpu.vector_store_idx %arg13[%sub3A_747], %or3A masked %and3A_736 : memref<25088xi32, #tpu.memory_space<vmem>>[vector<16xi32>], vector<16xi32>, vector<16xi1>
      %convert_element_type3A_748 = arith.extui %and3A_738 : vector<16xi1> to vector<16xi32>
      %broadcast_in_dim3A_749 = arith.constant true
      %broadcast_in_dim3A_750 = vector.broadcast %broadcast_in_dim3A_749 : i1 to vector<16xi1>
      %masked_cumsum3A_751 = tpu.scan <sum>, %convert_element_type3A_748 masked %broadcast_in_dim3A_750 : vector<16xi32>, vector<16xi1> -> vector<16xi32>
      %add3A_752 = arith.addi %scan3A_714, %masked_cumsum3A_751 : vector<16xi32>
      %sub3A_753 = arith.constant 1 : i32
      %sub3A_754 = vector.broadcast %sub3A_753 : i32 to vector<16xi32>
      %sub3A_755 = arith.subi %add3A_752, %sub3A_754 : vector<16xi32>
      %sub3A_756 = arith.constant 25087 : i32
      %sub3A_757 = vector.broadcast %sub3A_756 : i32 to vector<16xi32>
      %sub3A_758 = arith.subi %sub3A_757, %sub3A_755 : vector<16xi32>
      %sub3A_759 = arith.constant 25000 : i32
      %sub3A_760 = vector.broadcast %sub3A_759 : i32 to vector<16xi32>
      %sub3A_761 = arith.subi %get3A_729, %sub3A_760 : vector<16xi32>
      %or3A_762 = arith.ori %sub3A_761, %shift_left3A_740 : vector<16xi32>
      tpu.vector_store_idx %arg13[%sub3A_758], %or3A_762 masked %and3A_738 : memref<25088xi32, #tpu.memory_space<vmem>>[vector<16xi32>], vector<16xi32>, vector<16xi1>
      %all_reduce_population_count3A = tpu.all_reduce %and3A_736 {dim = 0 : i64, kind = #tpu.reduction_kind<sum>} : vector<16xi1> -> vector<16xi32>
      %add3A_763 = arith.addi %scan3A_713, %all_reduce_population_count3A : vector<16xi32>
      %all_reduce_population_count3A_764 = tpu.all_reduce %and3A_738 {dim = 0 : i64, kind = #tpu.reduction_kind<sum>} : vector<16xi1> -> vector<16xi32>
      %add3A_765 = arith.addi %scan3A_714, %all_reduce_population_count3A_764 : vector<16xi32>
      %mul3A_766 = arith.constant 4 : i32
      %mul3A_767 = arith.muli %scan3A_712, %mul3A_766 : i32
      %add3A_768 = arith.constant 1 : i32
      %add3A_769 = arith.addi %mul3A_767, %add3A_768 : i32
      %mul3A_770 = arith.constant 16 : i32
      %mul3A_771 = arith.muli %add3A_769, %mul3A_770 : i32
      %multiple_of3A_772 = tpu.assume_multiple %mul3A_771, 16 : i32
      %get3A_773 = arith.constant 1 : i32
      %get3A_774 = arith.index_cast %get3A_773 : i32 to index
      %get3A_775 = arith.index_cast %multiple_of3A_772 : i32 to index
      %get3A_776 = tpu.vector_load %arg12[%get3A_774, %get3A_775] {strides = array<i32>} : memref<2x2048xi32, #tpu.memory_space<vmem>>, vector<16xi32>,
      %get3A_777 = arith.constant 0 : i32
      %get3A_778 = arith.index_cast %get3A_777 : i32 to index
      %get3A_779 = arith.index_cast %multiple_of3A_772 : i32 to index
      %get3A_780 = tpu.vector_load %arg12[%get3A_778, %get3A_779] {strides = array<i32>} : memref<2x2048xi32, #tpu.memory_space<vmem>>, vector<16xi32>,
      %gather3A_781 = tpu.vector_load_idx %arg9[%get3A_776] : memref<50000xi32, #tpu.memory_space<vmem>>[vector<16xi32>], vector<16xi32>,
      %ge3A_782 = arith.constant 0 : i32
      %ge3A_783 = vector.broadcast %ge3A_782 : i32 to vector<16xi32>
      %ge3A_784 = arith.cmpi sge, %gather3A_781, %ge3A_783 : vector<16xi32>
      %lt3A_785 = arith.constant 25000 : i32
      %lt3A_786 = vector.broadcast %lt3A_785 : i32 to vector<16xi32>
      %lt3A_787 = arith.cmpi slt, %get3A_780, %lt3A_786 : vector<16xi32>
      %and3A_788 = arith.andi %ge3A_784, %lt3A_787 : vector<16xi1>
      %not3A_789 = arith.constant dense<true> : vector<16xi1>
      %not3A_790 = arith.xori %lt3A_787, %not3A_789 : vector<16xi1>
      %and3A_791 = arith.andi %ge3A_784, %not3A_790 : vector<16xi1>
      %shift_left3A_792 = arith.constant 17 : i32
      %shift_left3A_793 = vector.broadcast %shift_left3A_792 : i32 to vector<16xi32>
      %shift_left3A_794 = arith.shli %gather3A_781, %shift_left3A_793 : vector<16xi32>
      %convert_element_type3A_795 = arith.extui %and3A_788 : vector<16xi1> to vector<16xi32>
      %broadcast_in_dim3A_796 = arith.constant true
      %broadcast_in_dim3A_797 = vector.broadcast %broadcast_in_dim3A_796 : i1 to vector<16xi1>
      %masked_cumsum3A_798 = tpu.scan <sum>, %convert_element_type3A_795 masked %broadcast_in_dim3A_797 : vector<16xi32>, vector<16xi1> -> vector<16xi32>
      %add3A_799 = arith.addi %add3A_763, %masked_cumsum3A_798 : vector<16xi32>
      %sub3A_800 = arith.constant 1 : i32
      %sub3A_801 = vector.broadcast %sub3A_800 : i32 to vector<16xi32>
      %sub3A_802 = arith.subi %add3A_799, %sub3A_801 : vector<16xi32>
      %or3A_803 = arith.ori %get3A_780, %shift_left3A_794 : vector<16xi32>
      tpu.vector_store_idx %arg13[%sub3A_802], %or3A_803 masked %and3A_788 : memref<25088xi32, #tpu.memory_space<vmem>>[vector<16xi32>], vector<16xi32>, vector<16xi1>
      %convert_element_type3A_804 = arith.extui %and3A_791 : vector<16xi1> to vector<16xi32>
      %broadcast_in_dim3A_805 = arith.constant true
      %broadcast_in_dim3A_806 = vector.broadcast %broadcast_in_dim3A_805 : i1 to vector<16xi1>
      %masked_cumsum3A_807 = tpu.scan <sum>, %convert_element_type3A_804 masked %broadcast_in_dim3A_806 : vector<16xi32>, vector<16xi1> -> vector<16xi32>
      %add3A_808 = arith.addi %add3A_765, %masked_cumsum3A_807 : vector<16xi32>
      %sub3A_809 = arith.constant 1 : i32
      %sub3A_810 = vector.broadcast %sub3A_809 : i32 to vector<16xi32>
      %sub3A_811 = arith.subi %add3A_808, %sub3A_810 : vector<16xi32>
      %sub3A_812 = arith.constant 25087 : i32
      %sub3A_813 = vector.broadcast %sub3A_812 : i32 to vector<16xi32>
      %sub3A_814 = arith.subi %sub3A_813, %sub3A_811 : vector<16xi32>
      %sub3A_815 = arith.constant 25000 : i32
      %sub3A_816 = vector.broadcast %sub3A_815 : i32 to vector<16xi32>
      %sub3A_817 = arith.subi %get3A_780, %sub3A_816 : vector<16xi32>
      %or3A_818 = arith.ori %sub3A_817, %shift_left3A_794 : vector<16xi32>
      tpu.vector_store_idx %arg13[%sub3A_814], %or3A_818 masked %and3A_791 : memref<25088xi32, #tpu.memory_space<vmem>>[vector<16xi32>], vector<16xi32>, vector<16xi1>
      %all_reduce_population_count3A_819 = tpu.all_reduce %and3A_788 {dim = 0 : i64, kind = #tpu.reduction_kind<sum>} : vector<16xi1> -> vector<16xi32>
      %add3A_820 = arith.addi %add3A_763, %all_reduce_population_count3A_819 : vector<16xi32>
      %all_reduce_population_count3A_821 = tpu.all_reduce %and3A_791 {dim = 0 : i64, kind = #tpu.reduction_kind<sum>} : vector<16xi1> -> vector<16xi32>
      %add3A_822 = arith.addi %add3A_765, %all_reduce_population_count3A_821 : vector<16xi32>
      %mul3A_823 = arith.constant 4 : i32
      %mul3A_824 = arith.muli %scan3A_712, %mul3A_823 : i32
      %add3A_825 = arith.constant 2 : i32
      %add3A_826 = arith.addi %mul3A_824, %add3A_825 : i32
      %mul3A_827 = arith.constant 16 : i32
      %mul3A_828 = arith.muli %add3A_826, %mul3A_827 : i32
      %multiple_of3A_829 = tpu.assume_multiple %mul3A_828, 16 : i32
      %get3A_830 = arith.constant 1 : i32
      %get3A_831 = arith.index_cast %get3A_830 : i32 to index
      %get3A_832 = arith.index_cast %multiple_of3A_829 : i32 to index
      %get3A_833 = tpu.vector_load %arg12[%get3A_831, %get3A_832] {strides = array<i32>} : memref<2x2048xi32, #tpu.memory_space<vmem>>, vector<16xi32>,
      %get3A_834 = arith.constant 0 : i32
      %get3A_835 = arith.index_cast %get3A_834 : i32 to index
      %get3A_836 = arith.index_cast %multiple_of3A_829 : i32 to index
      %get3A_837 = tpu.vector_load %arg12[%get3A_835, %get3A_836] {strides = array<i32>} : memref<2x2048xi32, #tpu.memory_space<vmem>>, vector<16xi32>,
      %gather3A_838 = tpu.vector_load_idx %arg9[%get3A_833] : memref<50000xi32, #tpu.memory_space<vmem>>[vector<16xi32>], vector<16xi32>,
      %ge3A_839 = arith.constant 0 : i32
      %ge3A_840 = vector.broadcast %ge3A_839 : i32 to vector<16xi32>
      %ge3A_841 = arith.cmpi sge, %gather3A_838, %ge3A_840 : vector<16xi32>
      %lt3A_842 = arith.constant 25000 : i32
      %lt3A_843 = vector.broadcast %lt3A_842 : i32 to vector<16xi32>
      %lt3A_844 = arith.cmpi slt, %get3A_837, %lt3A_843 : vector<16xi32>
      %and3A_845 = arith.andi %ge3A_841, %lt3A_844 : vector<16xi1>
      %not3A_846 = arith.constant dense<true> : vector<16xi1>
      %not3A_847 = arith.xori %lt3A_844, %not3A_846 : vector<16xi1>
      %and3A_848 = arith.andi %ge3A_841, %not3A_847 : vector<16xi1>
      %shift_left3A_849 = arith.constant 17 : i32
      %shift_left3A_850 = vector.broadcast %shift_left3A_849 : i32 to vector<16xi32>
      %shift_left3A_851 = arith.shli %gather3A_838, %shift_left3A_850 : vector<16xi32>
      %convert_element_type3A_852 = arith.extui %and3A_845 : vector<16xi1> to vector<16xi32>
      %broadcast_in_dim3A_853 = arith.constant true
      %broadcast_in_dim3A_854 = vector.broadcast %broadcast_in_dim3A_853 : i1 to vector<16xi1>
      %masked_cumsum3A_855 = tpu.scan <sum>, %convert_element_type3A_852 masked %broadcast_in_dim3A_854 : vector<16xi32>, vector<16xi1> -> vector<16xi32>
      %add3A_856 = arith.addi %add3A_820, %masked_cumsum3A_855 : vector<16xi32>
      %sub3A_857 = arith.constant 1 : i32
      %sub3A_858 = vector.broadcast %sub3A_857 : i32 to vector<16xi32>
      %sub3A_859 = arith.subi %add3A_856, %sub3A_858 : vector<16xi32>
      %or3A_860 = arith.ori %get3A_837, %shift_left3A_851 : vector<16xi32>
      tpu.vector_store_idx %arg13[%sub3A_859], %or3A_860 masked %and3A_845 : memref<25088xi32, #tpu.memory_space<vmem>>[vector<16xi32>], vector<16xi32>, vector<16xi1>
      %convert_element_type3A_861 = arith.extui %and3A_848 : vector<16xi1> to vector<16xi32>
      %broadcast_in_dim3A_862 = arith.constant true
      %broadcast_in_dim3A_863 = vector.broadcast %broadcast_in_dim3A_862 : i1 to vector<16xi1>
      %masked_cumsum3A_864 = tpu.scan <sum>, %convert_element_type3A_861 masked %broadcast_in_dim3A_863 : vector<16xi32>, vector<16xi1> -> vector<16xi32>
      %add3A_865 = arith.addi %add3A_822, %masked_cumsum3A_864 : vector<16xi32>
      %sub3A_866 = arith.constant 1 : i32
      %sub3A_867 = vector.broadcast %sub3A_866 : i32 to vector<16xi32>
      %sub3A_868 = arith.subi %add3A_865, %sub3A_867 : vector<16xi32>
      %sub3A_869 = arith.constant 25087 : i32
      %sub3A_870 = vector.broadcast %sub3A_869 : i32 to vector<16xi32>
      %sub3A_871 = arith.subi %sub3A_870, %sub3A_868 : vector<16xi32>
      %sub3A_872 = arith.constant 25000 : i32
      %sub3A_873 = vector.broadcast %sub3A_872 : i32 to vector<16xi32>
      %sub3A_874 = arith.subi %get3A_837, %sub3A_873 : vector<16xi32>
      %or3A_875 = arith.ori %sub3A_874, %shift_left3A_851 : vector<16xi32>
      tpu.vector_store_idx %arg13[%sub3A_871], %or3A_875 masked %and3A_848 : memref<25088xi32, #tpu.memory_space<vmem>>[vector<16xi32>], vector<16xi32>, vector<16xi1>
      %all_reduce_population_count3A_876 = tpu.all_reduce %and3A_845 {dim = 0 : i64, kind = #tpu.reduction_kind<sum>} : vector<16xi1> -> vector<16xi32>
      %add3A_877 = arith.addi %add3A_820, %all_reduce_population_count3A_876 : vector<16xi32>
      %all_reduce_population_count3A_878 = tpu.all_reduce %and3A_848 {dim = 0 : i64, kind = #tpu.reduction_kind<sum>} : vector<16xi1> -> vector<16xi32>
      %add3A_879 = arith.addi %add3A_822, %all_reduce_population_count3A_878 : vector<16xi32>
      %mul3A_880 = arith.constant 4 : i32
      %mul3A_881 = arith.muli %scan3A_712, %mul3A_880 : i32
      %add3A_882 = arith.constant 3 : i32
      %add3A_883 = arith.addi %mul3A_881, %add3A_882 : i32
      %mul3A_884 = arith.constant 16 : i32
      %mul3A_885 = arith.muli %add3A_883, %mul3A_884 : i32
      %multiple_of3A_886 = tpu.assume_multiple %mul3A_885, 16 : i32
      %get3A_887 = arith.constant 1 : i32
      %get3A_888 = arith.index_cast %get3A_887 : i32 to index
      %get3A_889 = arith.index_cast %multiple_of3A_886 : i32 to index
      %get3A_890 = tpu.vector_load %arg12[%get3A_888, %get3A_889] {strides = array<i32>} : memref<2x2048xi32, #tpu.memory_space<vmem>>, vector<16xi32>,
      %get3A_891 = arith.constant 0 : i32
      %get3A_892 = arith.index_cast %get3A_891 : i32 to index
      %get3A_893 = arith.index_cast %multiple_of3A_886 : i32 to index
      %get3A_894 = tpu.vector_load %arg12[%get3A_892, %get3A_893] {strides = array<i32>} : memref<2x2048xi32, #tpu.memory_space<vmem>>, vector<16xi32>,
      %gather3A_895 = tpu.vector_load_idx %arg9[%get3A_890] : memref<50000xi32, #tpu.memory_space<vmem>>[vector<16xi32>], vector<16xi32>,
      %ge3A_896 = arith.constant 0 : i32
      %ge3A_897 = vector.broadcast %ge3A_896 : i32 to vector<16xi32>
      %ge3A_898 = arith.cmpi sge, %gather3A_895, %ge3A_897 : vector<16xi32>
      %lt3A_899 = arith.constant 25000 : i32
      %lt3A_900 = vector.broadcast %lt3A_899 : i32 to vector<16xi32>
      %lt3A_901 = arith.cmpi slt, %get3A_894, %lt3A_900 : vector<16xi32>
      %and3A_902 = arith.andi %ge3A_898, %lt3A_901 : vector<16xi1>
      %not3A_903 = arith.constant dense<true> : vector<16xi1>
      %not3A_904 = arith.xori %lt3A_901, %not3A_903 : vector<16xi1>
      %and3A_905 = arith.andi %ge3A_898, %not3A_904 : vector<16xi1>
      %shift_left3A_906 = arith.constant 17 : i32
      %shift_left3A_907 = vector.broadcast %shift_left3A_906 : i32 to vector<16xi32>
      %shift_left3A_908 = arith.shli %gather3A_895, %shift_left3A_907 : vector<16xi32>
      %convert_element_type3A_909 = arith.extui %and3A_902 : vector<16xi1> to vector<16xi32>
      %broadcast_in_dim3A_910 = arith.constant true
      %broadcast_in_dim3A_911 = vector.broadcast %broadcast_in_dim3A_910 : i1 to vector<16xi1>
      %masked_cumsum3A_912 = tpu.scan <sum>, %convert_element_type3A_909 masked %broadcast_in_dim3A_911 : vector<16xi32>, vector<16xi1> -> vector<16xi32>
      %add3A_913 = arith.addi %add3A_877, %masked_cumsum3A_912 : vector<16xi32>
      %sub3A_914 = arith.constant 1 : i32
      %sub3A_915 = vector.broadcast %sub3A_914 : i32 to vector<16xi32>
      %sub3A_916 = arith.subi %add3A_913, %sub3A_915 : vector<16xi32>
      %or3A_917 = arith.ori %get3A_894, %shift_left3A_908 : vector<16xi32>
      tpu.vector_store_idx %arg13[%sub3A_916], %or3A_917 masked %and3A_902 : memref<25088xi32, #tpu.memory_space<vmem>>[vector<16xi32>], vector<16xi32>, vector<16xi1>
      %convert_element_type3A_918 = arith.extui %and3A_905 : vector<16xi1> to vector<16xi32>
      %broadcast_in_dim3A_919 = arith.constant true
      %broadcast_in_dim3A_920 = vector.broadcast %broadcast_in_dim3A_919 : i1 to vector<16xi1>
      %masked_cumsum3A_921 = tpu.scan <sum>, %convert_element_type3A_918 masked %broadcast_in_dim3A_920 : vector<16xi32>, vector<16xi1> -> vector<16xi32>
      %add3A_922 = arith.addi %add3A_879, %masked_cumsum3A_921 : vector<16xi32>
      %sub3A_923 = arith.constant 1 : i32
      %sub3A_924 = vector.broadcast %sub3A_923 : i32 to vector<16xi32>
      %sub3A_925 = arith.subi %add3A_922, %sub3A_924 : vector<16xi32>
      %sub3A_926 = arith.constant 25087 : i32
      %sub3A_927 = vector.broadcast %sub3A_926 : i32 to vector<16xi32>
      %sub3A_928 = arith.subi %sub3A_927, %sub3A_925 : vector<16xi32>
      %sub3A_929 = arith.constant 25000 : i32
      %sub3A_930 = vector.broadcast %sub3A_929 : i32 to vector<16xi32>
      %sub3A_931 = arith.subi %get3A_894, %sub3A_930 : vector<16xi32>
      %or3A_932 = arith.ori %sub3A_931, %shift_left3A_908 : vector<16xi32>
      tpu.vector_store_idx %arg13[%sub3A_928], %or3A_932 masked %and3A_905 : memref<25088xi32, #tpu.memory_space<vmem>>[vector<16xi32>], vector<16xi32>, vector<16xi1>
      %all_reduce_population_count3A_933 = tpu.all_reduce %and3A_902 {dim = 0 : i64, kind = #tpu.reduction_kind<sum>} : vector<16xi1> -> vector<16xi32>
      %add3A_934 = arith.addi %add3A_877, %all_reduce_population_count3A_933 : vector<16xi32>
      %all_reduce_population_count3A_935 = tpu.all_reduce %and3A_905 {dim = 0 : i64, kind = #tpu.reduction_kind<sum>} : vector<16xi1> -> vector<16xi32>
      %add3A_936 = arith.addi %add3A_879, %all_reduce_population_count3A_935 : vector<16xi32>
      scf.yield %add3A_934, %add3A_936 : vector<16xi32>, vector<16xi32>
    }
    %scan3A_176 = arith.constant 32 : i32
    %add3A_177 = arith.constant 14336 : i32
    %add3A_178 = arith.addi %select_n3A, %add3A_177 : i32
    %min3A_179 = arith.constant 797952 : i32
    %min3A_180 = arith.minsi %add3A_178, %min3A_179 : i32
    %multiple_of3A_181 = tpu.assume_multiple %min3A_180, 128 : i32
    %dma_start3A_182 = arith.constant 0 : i32
    %dma_start3A_183 = tpu.memref_slice %arg2[%dma_start3A_182, %multiple_of3A_181] : memref<2x800000xi32, #tpu.memory_space<hbm>> -> memref<2x2048xi32, #tpu.memory_space<hbm>>
    %dma_start3A_184 = arith.constant 0 : i32
    %dma_start3A_185 = tpu.memref_slice %arg2[%dma_start3A_184, %multiple_of3A_181] : memref<2x800000xi32, #tpu.memory_space<hbm>> -> memref<2x2048xi32, #tpu.memory_space<hbm>>
    tpu.enqueue_dma source(%dma_start3A_185 : memref<2x2048xi32, #tpu.memory_space<hbm>>) target(%arg12 : memref<2x2048xi32, #tpu.memory_space<vmem>>) target_semaphore(%arg21 : memref<!tpu.dma_semaphore, #tpu.memory_space<semaphore_mem>>)
    %dma_wait3A_186 = arith.constant 0 : i32
    %dma_wait3A_187 = arith.constant 0 : i32
    %dma_wait3A_188 = tpu.memref_slice %arg2[%dma_wait3A_186, %dma_wait3A_187] : memref<2x800000xi32, #tpu.memory_space<hbm>> -> memref<2x2048xi32, #tpu.memory_space<hbm>>
    %dma_wait3A_189 = arith.constant 0 : i32
    %dma_wait3A_190 = arith.constant 0 : i32
    %dma_wait3A_191 = tpu.memref_slice %arg2[%dma_wait3A_189, %dma_wait3A_190] : memref<2x800000xi32, #tpu.memory_space<hbm>> -> memref<2x2048xi32, #tpu.memory_space<hbm>>
    tpu.wait_dma2 semaphore(%arg21 : memref<!tpu.dma_semaphore, #tpu.memory_space<semaphore_mem>>) src(%dma_wait3A_191 : memref<2x2048xi32, #tpu.memory_space<hbm>>) dst(%arg11 : memref<2x2048xi32, #tpu.memory_space<vmem>>)
    %scan3A_192 = arith.constant 0 : i32
    %scan3A_193 = arith.constant 32 : i32
    %scan3A_194 = arith.addi %scan3A_192, %scan3A_193 : i32
    %scan3A_195 = arith.constant 1 : i32
    %scan3A_196:2 = scf.for %scan3A_712 = %scan3A_192 to %scan3A_194 step %scan3A_195 iter_args(%scan3A_713 = %scan3A_175#0, %scan3A_714 = %scan3A_175#1) -> (vector<16xi32>, vector<16xi32>)  : i32 {
      %mul3A_715 = arith.constant 4 : i32
      %mul3A_716 = arith.muli %scan3A_712, %mul3A_715 : i32
      %add3A_717 = arith.constant 0 : i32
      %add3A_718 = arith.addi %mul3A_716, %add3A_717 : i32
      %mul3A_719 = arith.constant 16 : i32
      %mul3A_720 = arith.muli %add3A_718, %mul3A_719 : i32
      %multiple_of3A_721 = tpu.assume_multiple %mul3A_720, 16 : i32
      %get3A_722 = arith.constant 1 : i32
      %get3A_723 = arith.index_cast %get3A_722 : i32 to index
      %get3A_724 = arith.index_cast %multiple_of3A_721 : i32 to index
      %get3A_725 = tpu.vector_load %arg11[%get3A_723, %get3A_724] {strides = array<i32>} : memref<2x2048xi32, #tpu.memory_space<vmem>>, vector<16xi32>,
      %get3A_726 = arith.constant 0 : i32
      %get3A_727 = arith.index_cast %get3A_726 : i32 to index
      %get3A_728 = arith.index_cast %multiple_of3A_721 : i32 to index
      %get3A_729 = tpu.vector_load %arg11[%get3A_727, %get3A_728] {strides = array<i32>} : memref<2x2048xi32, #tpu.memory_space<vmem>>, vector<16xi32>,
      %gather3A_730 = tpu.vector_load_idx %arg9[%get3A_725] : memref<50000xi32, #tpu.memory_space<vmem>>[vector<16xi32>], vector<16xi32>,
      %ge3A = arith.constant 0 : i32
      %ge3A_731 = vector.broadcast %ge3A : i32 to vector<16xi32>
      %ge3A_732 = arith.cmpi sge, %gather3A_730, %ge3A_731 : vector<16xi32>
      %lt3A_733 = arith.constant 25000 : i32
      %lt3A_734 = vector.broadcast %lt3A_733 : i32 to vector<16xi32>
      %lt3A_735 = arith.cmpi slt, %get3A_729, %lt3A_734 : vector<16xi32>
      %and3A_736 = arith.andi %ge3A_732, %lt3A_735 : vector<16xi1>
      %not3A = arith.constant dense<true> : vector<16xi1>
      %not3A_737 = arith.xori %lt3A_735, %not3A : vector<16xi1>
      %and3A_738 = arith.andi %ge3A_732, %not3A_737 : vector<16xi1>
      %shift_left3A = arith.constant 17 : i32
      %shift_left3A_739 = vector.broadcast %shift_left3A : i32 to vector<16xi32>
      %shift_left3A_740 = arith.shli %gather3A_730, %shift_left3A_739 : vector<16xi32>
      %convert_element_type3A_741 = arith.extui %and3A_736 : vector<16xi1> to vector<16xi32>
      %broadcast_in_dim3A_742 = arith.constant true
      %broadcast_in_dim3A_743 = vector.broadcast %broadcast_in_dim3A_742 : i1 to vector<16xi1>
      %masked_cumsum3A = tpu.scan <sum>, %convert_element_type3A_741 masked %broadcast_in_dim3A_743 : vector<16xi32>, vector<16xi1> -> vector<16xi32>
      %add3A_744 = arith.addi %scan3A_713, %masked_cumsum3A : vector<16xi32>
      %sub3A_745 = arith.constant 1 : i32
      %sub3A_746 = vector.broadcast %sub3A_745 : i32 to vector<16xi32>
      %sub3A_747 = arith.subi %add3A_744, %sub3A_746 : vector<16xi32>
      %or3A = arith.ori %get3A_729, %shift_left3A_740 : vector<16xi32>
      tpu.vector_store_idx %arg13[%sub3A_747], %or3A masked %and3A_736 : memref<25088xi32, #tpu.memory_space<vmem>>[vector<16xi32>], vector<16xi32>, vector<16xi1>
      %convert_element_type3A_748 = arith.extui %and3A_738 : vector<16xi1> to vector<16xi32>
      %broadcast_in_dim3A_749 = arith.constant true
      %broadcast_in_dim3A_750 = vector.broadcast %broadcast_in_dim3A_749 : i1 to vector<16xi1>
      %masked_cumsum3A_751 = tpu.scan <sum>, %convert_element_type3A_748 masked %broadcast_in_dim3A_750 : vector<16xi32>, vector<16xi1> -> vector<16xi32>
      %add3A_752 = arith.addi %scan3A_714, %masked_cumsum3A_751 : vector<16xi32>
      %sub3A_753 = arith.constant 1 : i32
      %sub3A_754 = vector.broadcast %sub3A_753 : i32 to vector<16xi32>
      %sub3A_755 = arith.subi %add3A_752, %sub3A_754 : vector<16xi32>
      %sub3A_756 = arith.constant 25087 : i32
      %sub3A_757 = vector.broadcast %sub3A_756 : i32 to vector<16xi32>
      %sub3A_758 = arith.subi %sub3A_757, %sub3A_755 : vector<16xi32>
      %sub3A_759 = arith.constant 25000 : i32
      %sub3A_760 = vector.broadcast %sub3A_759 : i32 to vector<16xi32>
      %sub3A_761 = arith.subi %get3A_729, %sub3A_760 : vector<16xi32>
      %or3A_762 = arith.ori %sub3A_761, %shift_left3A_740 : vector<16xi32>
      tpu.vector_store_idx %arg13[%sub3A_758], %or3A_762 masked %and3A_738 : memref<25088xi32, #tpu.memory_space<vmem>>[vector<16xi32>], vector<16xi32>, vector<16xi1>
      %all_reduce_population_count3A = tpu.all_reduce %and3A_736 {dim = 0 : i64, kind = #tpu.reduction_kind<sum>} : vector<16xi1> -> vector<16xi32>
      %add3A_763 = arith.addi %scan3A_713, %all_reduce_population_count3A : vector<16xi32>
      %all_reduce_population_count3A_764 = tpu.all_reduce %and3A_738 {dim = 0 : i64, kind = #tpu.reduction_kind<sum>} : vector<16xi1> -> vector<16xi32>
      %add3A_765 = arith.addi %scan3A_714, %all_reduce_population_count3A_764 : vector<16xi32>
      %mul3A_766 = arith.constant 4 : i32
      %mul3A_767 = arith.muli %scan3A_712, %mul3A_766 : i32
      %add3A_768 = arith.constant 1 : i32
      %add3A_769 = arith.addi %mul3A_767, %add3A_768 : i32
      %mul3A_770 = arith.constant 16 : i32
      %mul3A_771 = arith.muli %add3A_769, %mul3A_770 : i32
      %multiple_of3A_772 = tpu.assume_multiple %mul3A_771, 16 : i32
      %get3A_773 = arith.constant 1 : i32
      %get3A_774 = arith.index_cast %get3A_773 : i32 to index
      %get3A_775 = arith.index_cast %multiple_of3A_772 : i32 to index
      %get3A_776 = tpu.vector_load %arg11[%get3A_774, %get3A_775] {strides = array<i32>} : memref<2x2048xi32, #tpu.memory_space<vmem>>, vector<16xi32>,
      %get3A_777 = arith.constant 0 : i32
      %get3A_778 = arith.index_cast %get3A_777 : i32 to index
      %get3A_779 = arith.index_cast %multiple_of3A_772 : i32 to index
      %get3A_780 = tpu.vector_load %arg11[%get3A_778, %get3A_779] {strides = array<i32>} : memref<2x2048xi32, #tpu.memory_space<vmem>>, vector<16xi32>,
      %gather3A_781 = tpu.vector_load_idx %arg9[%get3A_776] : memref<50000xi32, #tpu.memory_space<vmem>>[vector<16xi32>], vector<16xi32>,
      %ge3A_782 = arith.constant 0 : i32
      %ge3A_783 = vector.broadcast %ge3A_782 : i32 to vector<16xi32>
      %ge3A_784 = arith.cmpi sge, %gather3A_781, %ge3A_783 : vector<16xi32>
      %lt3A_785 = arith.constant 25000 : i32
      %lt3A_786 = vector.broadcast %lt3A_785 : i32 to vector<16xi32>
      %lt3A_787 = arith.cmpi slt, %get3A_780, %lt3A_786 : vector<16xi32>
      %and3A_788 = arith.andi %ge3A_784, %lt3A_787 : vector<16xi1>
      %not3A_789 = arith.constant dense<true> : vector<16xi1>
      %not3A_790 = arith.xori %lt3A_787, %not3A_789 : vector<16xi1>
      %and3A_791 = arith.andi %ge3A_784, %not3A_790 : vector<16xi1>
      %shift_left3A_792 = arith.constant 17 : i32
      %shift_left3A_793 = vector.broadcast %shift_left3A_792 : i32 to vector<16xi32>
      %shift_left3A_794 = arith.shli %gather3A_781, %shift_left3A_793 : vector<16xi32>
      %convert_element_type3A_795 = arith.extui %and3A_788 : vector<16xi1> to vector<16xi32>
      %broadcast_in_dim3A_796 = arith.constant true
      %broadcast_in_dim3A_797 = vector.broadcast %broadcast_in_dim3A_796 : i1 to vector<16xi1>
      %masked_cumsum3A_798 = tpu.scan <sum>, %convert_element_type3A_795 masked %broadcast_in_dim3A_797 : vector<16xi32>, vector<16xi1> -> vector<16xi32>
      %add3A_799 = arith.addi %add3A_763, %masked_cumsum3A_798 : vector<16xi32>
      %sub3A_800 = arith.constant 1 : i32
      %sub3A_801 = vector.broadcast %sub3A_800 : i32 to vector<16xi32>
      %sub3A_802 = arith.subi %add3A_799, %sub3A_801 : vector<16xi32>
      %or3A_803 = arith.ori %get3A_780, %shift_left3A_794 : vector<16xi32>
      tpu.vector_store_idx %arg13[%sub3A_802], %or3A_803 masked %and3A_788 : memref<25088xi32, #tpu.memory_space<vmem>>[vector<16xi32>], vector<16xi32>, vector<16xi1>
      %convert_element_type3A_804 = arith.extui %and3A_791 : vector<16xi1> to vector<16xi32>
      %broadcast_in_dim3A_805 = arith.constant true
      %broadcast_in_dim3A_806 = vector.broadcast %broadcast_in_dim3A_805 : i1 to vector<16xi1>
      %masked_cumsum3A_807 = tpu.scan <sum>, %convert_element_type3A_804 masked %broadcast_in_dim3A_806 : vector<16xi32>, vector<16xi1> -> vector<16xi32>
      %add3A_808 = arith.addi %add3A_765, %masked_cumsum3A_807 : vector<16xi32>
      %sub3A_809 = arith.constant 1 : i32
      %sub3A_810 = vector.broadcast %sub3A_809 : i32 to vector<16xi32>
      %sub3A_811 = arith.subi %add3A_808, %sub3A_810 : vector<16xi32>
      %sub3A_812 = arith.constant 25087 : i32
      %sub3A_813 = vector.broadcast %sub3A_812 : i32 to vector<16xi32>
      %sub3A_814 = arith.subi %sub3A_813, %sub3A_811 : vector<16xi32>
      %sub3A_815 = arith.constant 25000 : i32
      %sub3A_816 = vector.broadcast %sub3A_815 : i32 to vector<16xi32>
      %sub3A_817 = arith.subi %get3A_780, %sub3A_816 : vector<16xi32>
      %or3A_818 = arith.ori %sub3A_817, %shift_left3A_794 : vector<16xi32>
      tpu.vector_store_idx %arg13[%sub3A_814], %or3A_818 masked %and3A_791 : memref<25088xi32, #tpu.memory_space<vmem>>[vector<16xi32>], vector<16xi32>, vector<16xi1>
      %all_reduce_population_count3A_819 = tpu.all_reduce %and3A_788 {dim = 0 : i64, kind = #tpu.reduction_kind<sum>} : vector<16xi1> -> vector<16xi32>
      %add3A_820 = arith.addi %add3A_763, %all_reduce_population_count3A_819 : vector<16xi32>
      %all_reduce_population_count3A_821 = tpu.all_reduce %and3A_791 {dim = 0 : i64, kind = #tpu.reduction_kind<sum>} : vector<16xi1> -> vector<16xi32>
      %add3A_822 = arith.addi %add3A_765, %all_reduce_population_count3A_821 : vector<16xi32>
      %mul3A_823 = arith.constant 4 : i32
      %mul3A_824 = arith.muli %scan3A_712, %mul3A_823 : i32
      %add3A_825 = arith.constant 2 : i32
      %add3A_826 = arith.addi %mul3A_824, %add3A_825 : i32
      %mul3A_827 = arith.constant 16 : i32
      %mul3A_828 = arith.muli %add3A_826, %mul3A_827 : i32
      %multiple_of3A_829 = tpu.assume_multiple %mul3A_828, 16 : i32
      %get3A_830 = arith.constant 1 : i32
      %get3A_831 = arith.index_cast %get3A_830 : i32 to index
      %get3A_832 = arith.index_cast %multiple_of3A_829 : i32 to index
      %get3A_833 = tpu.vector_load %arg11[%get3A_831, %get3A_832] {strides = array<i32>} : memref<2x2048xi32, #tpu.memory_space<vmem>>, vector<16xi32>,
      %get3A_834 = arith.constant 0 : i32
      %get3A_835 = arith.index_cast %get3A_834 : i32 to index
      %get3A_836 = arith.index_cast %multiple_of3A_829 : i32 to index
      %get3A_837 = tpu.vector_load %arg11[%get3A_835, %get3A_836] {strides = array<i32>} : memref<2x2048xi32, #tpu.memory_space<vmem>>, vector<16xi32>,
      %gather3A_838 = tpu.vector_load_idx %arg9[%get3A_833] : memref<50000xi32, #tpu.memory_space<vmem>>[vector<16xi32>], vector<16xi32>,
      %ge3A_839 = arith.constant 0 : i32
      %ge3A_840 = vector.broadcast %ge3A_839 : i32 to vector<16xi32>
      %ge3A_841 = arith.cmpi sge, %gather3A_838, %ge3A_840 : vector<16xi32>
      %lt3A_842 = arith.constant 25000 : i32
      %lt3A_843 = vector.broadcast %lt3A_842 : i32 to vector<16xi32>
      %lt3A_844 = arith.cmpi slt, %get3A_837, %lt3A_843 : vector<16xi32>
      %and3A_845 = arith.andi %ge3A_841, %lt3A_844 : vector<16xi1>
      %not3A_846 = arith.constant dense<true> : vector<16xi1>
      %not3A_847 = arith.xori %lt3A_844, %not3A_846 : vector<16xi1>
      %and3A_848 = arith.andi %ge3A_841, %not3A_847 : vector<16xi1>
      %shift_left3A_849 = arith.constant 17 : i32
      %shift_left3A_850 = vector.broadcast %shift_left3A_849 : i32 to vector<16xi32>
      %shift_left3A_851 = arith.shli %gather3A_838, %shift_left3A_850 : vector<16xi32>
      %convert_element_type3A_852 = arith.extui %and3A_845 : vector<16xi1> to vector<16xi32>
      %broadcast_in_dim3A_853 = arith.constant true
      %broadcast_in_dim3A_854 = vector.broadcast %broadcast_in_dim3A_853 : i1 to vector<16xi1>
      %masked_cumsum3A_855 = tpu.scan <sum>, %convert_element_type3A_852 masked %broadcast_in_dim3A_854 : vector<16xi32>, vector<16xi1> -> vector<16xi32>
      %add3A_856 = arith.addi %add3A_820, %masked_cumsum3A_855 : vector<16xi32>
      %sub3A_857 = arith.constant 1 : i32
      %sub3A_858 = vector.broadcast %sub3A_857 : i32 to vector<16xi32>
      %sub3A_859 = arith.subi %add3A_856, %sub3A_858 : vector<16xi32>
      %or3A_860 = arith.ori %get3A_837, %shift_left3A_851 : vector<16xi32>
      tpu.vector_store_idx %arg13[%sub3A_859], %or3A_860 masked %and3A_845 : memref<25088xi32, #tpu.memory_space<vmem>>[vector<16xi32>], vector<16xi32>, vector<16xi1>
      %convert_element_type3A_861 = arith.extui %and3A_848 : vector<16xi1> to vector<16xi32>
      %broadcast_in_dim3A_862 = arith.constant true
      %broadcast_in_dim3A_863 = vector.broadcast %broadcast_in_dim3A_862 : i1 to vector<16xi1>
      %masked_cumsum3A_864 = tpu.scan <sum>, %convert_element_type3A_861 masked %broadcast_in_dim3A_863 : vector<16xi32>, vector<16xi1> -> vector<16xi32>
      %add3A_865 = arith.addi %add3A_822, %masked_cumsum3A_864 : vector<16xi32>
      %sub3A_866 = arith.constant 1 : i32
      %sub3A_867 = vector.broadcast %sub3A_866 : i32 to vector<16xi32>
      %sub3A_868 = arith.subi %add3A_865, %sub3A_867 : vector<16xi32>
      %sub3A_869 = arith.constant 25087 : i32
      %sub3A_870 = vector.broadcast %sub3A_869 : i32 to vector<16xi32>
      %sub3A_871 = arith.subi %sub3A_870, %sub3A_868 : vector<16xi32>
      %sub3A_872 = arith.constant 25000 : i32
      %sub3A_873 = vector.broadcast %sub3A_872 : i32 to vector<16xi32>
      %sub3A_874 = arith.subi %get3A_837, %sub3A_873 : vector<16xi32>
      %or3A_875 = arith.ori %sub3A_874, %shift_left3A_851 : vector<16xi32>
      tpu.vector_store_idx %arg13[%sub3A_871], %or3A_875 masked %and3A_848 : memref<25088xi32, #tpu.memory_space<vmem>>[vector<16xi32>], vector<16xi32>, vector<16xi1>
      %all_reduce_population_count3A_876 = tpu.all_reduce %and3A_845 {dim = 0 : i64, kind = #tpu.reduction_kind<sum>} : vector<16xi1> -> vector<16xi32>
      %add3A_877 = arith.addi %add3A_820, %all_reduce_population_count3A_876 : vector<16xi32>
      %all_reduce_population_count3A_878 = tpu.all_reduce %and3A_848 {dim = 0 : i64, kind = #tpu.reduction_kind<sum>} : vector<16xi1> -> vector<16xi32>
      %add3A_879 = arith.addi %add3A_822, %all_reduce_population_count3A_878 : vector<16xi32>
      %mul3A_880 = arith.constant 4 : i32
      %mul3A_881 = arith.muli %scan3A_712, %mul3A_880 : i32
      %add3A_882 = arith.constant 3 : i32
      %add3A_883 = arith.addi %mul3A_881, %add3A_882 : i32
      %mul3A_884 = arith.constant 16 : i32
      %mul3A_885 = arith.muli %add3A_883, %mul3A_884 : i32
      %multiple_of3A_886 = tpu.assume_multiple %mul3A_885, 16 : i32
      %get3A_887 = arith.constant 1 : i32
      %get3A_888 = arith.index_cast %get3A_887 : i32 to index
      %get3A_889 = arith.index_cast %multiple_of3A_886 : i32 to index
      %get3A_890 = tpu.vector_load %arg11[%get3A_888, %get3A_889] {strides = array<i32>} : memref<2x2048xi32, #tpu.memory_space<vmem>>, vector<16xi32>,
      %get3A_891 = arith.constant 0 : i32
      %get3A_892 = arith.index_cast %get3A_891 : i32 to index
      %get3A_893 = arith.index_cast %multiple_of3A_886 : i32 to index
      %get3A_894 = tpu.vector_load %arg11[%get3A_892, %get3A_893] {strides = array<i32>} : memref<2x2048xi32, #tpu.memory_space<vmem>>, vector<16xi32>,
      %gather3A_895 = tpu.vector_load_idx %arg9[%get3A_890] : memref<50000xi32, #tpu.memory_space<vmem>>[vector<16xi32>], vector<16xi32>,
      %ge3A_896 = arith.constant 0 : i32
      %ge3A_897 = vector.broadcast %ge3A_896 : i32 to vector<16xi32>
      %ge3A_898 = arith.cmpi sge, %gather3A_895, %ge3A_897 : vector<16xi32>
      %lt3A_899 = arith.constant 25000 : i32
      %lt3A_900 = vector.broadcast %lt3A_899 : i32 to vector<16xi32>
      %lt3A_901 = arith.cmpi slt, %get3A_894, %lt3A_900 : vector<16xi32>
      %and3A_902 = arith.andi %ge3A_898, %lt3A_901 : vector<16xi1>
      %not3A_903 = arith.constant dense<true> : vector<16xi1>
      %not3A_904 = arith.xori %lt3A_901, %not3A_903 : vector<16xi1>
      %and3A_905 = arith.andi %ge3A_898, %not3A_904 : vector<16xi1>
      %shift_left3A_906 = arith.constant 17 : i32
      %shift_left3A_907 = vector.broadcast %shift_left3A_906 : i32 to vector<16xi32>
      %shift_left3A_908 = arith.shli %gather3A_895, %shift_left3A_907 : vector<16xi32>
      %convert_element_type3A_909 = arith.extui %and3A_902 : vector<16xi1> to vector<16xi32>
      %broadcast_in_dim3A_910 = arith.constant true
      %broadcast_in_dim3A_911 = vector.broadcast %broadcast_in_dim3A_910 : i1 to vector<16xi1>
      %masked_cumsum3A_912 = tpu.scan <sum>, %convert_element_type3A_909 masked %broadcast_in_dim3A_911 : vector<16xi32>, vector<16xi1> -> vector<16xi32>
      %add3A_913 = arith.addi %add3A_877, %masked_cumsum3A_912 : vector<16xi32>
      %sub3A_914 = arith.constant 1 : i32
      %sub3A_915 = vector.broadcast %sub3A_914 : i32 to vector<16xi32>
      %sub3A_916 = arith.subi %add3A_913, %sub3A_915 : vector<16xi32>
      %or3A_917 = arith.ori %get3A_894, %shift_left3A_908 : vector<16xi32>
      tpu.vector_store_idx %arg13[%sub3A_916], %or3A_917 masked %and3A_902 : memref<25088xi32, #tpu.memory_space<vmem>>[vector<16xi32>], vector<16xi32>, vector<16xi1>
      %convert_element_type3A_918 = arith.extui %and3A_905 : vector<16xi1> to vector<16xi32>
      %broadcast_in_dim3A_919 = arith.constant true
      %broadcast_in_dim3A_920 = vector.broadcast %broadcast_in_dim3A_919 : i1 to vector<16xi1>
      %masked_cumsum3A_921 = tpu.scan <sum>, %convert_element_type3A_918 masked %broadcast_in_dim3A_920 : vector<16xi32>, vector<16xi1> -> vector<16xi32>
      %add3A_922 = arith.addi %add3A_879, %masked_cumsum3A_921 : vector<16xi32>
      %sub3A_923 = arith.constant 1 : i32
      %sub3A_924 = vector.broadcast %sub3A_923 : i32 to vector<16xi32>
      %sub3A_925 = arith.subi %add3A_922, %sub3A_924 : vector<16xi32>
      %sub3A_926 = arith.constant 25087 : i32
      %sub3A_927 = vector.broadcast %sub3A_926 : i32 to vector<16xi32>
      %sub3A_928 = arith.subi %sub3A_927, %sub3A_925 : vector<16xi32>
      %sub3A_929 = arith.constant 25000 : i32
      %sub3A_930 = vector.broadcast %sub3A_929 : i32 to vector<16xi32>
      %sub3A_931 = arith.subi %get3A_894, %sub3A_930 : vector<16xi32>
      %or3A_932 = arith.ori %sub3A_931, %shift_left3A_908 : vector<16xi32>
      tpu.vector_store_idx %arg13[%sub3A_928], %or3A_932 masked %and3A_905 : memref<25088xi32, #tpu.memory_space<vmem>>[vector<16xi32>], vector<16xi32>, vector<16xi1>
      %all_reduce_population_count3A_933 = tpu.all_reduce %and3A_902 {dim = 0 : i64, kind = #tpu.reduction_kind<sum>} : vector<16xi1> -> vector<16xi32>
      %add3A_934 = arith.addi %add3A_877, %all_reduce_population_count3A_933 : vector<16xi32>
      %all_reduce_population_count3A_935 = tpu.all_reduce %and3A_905 {dim = 0 : i64, kind = #tpu.reduction_kind<sum>} : vector<16xi1> -> vector<16xi32>
      %add3A_936 = arith.addi %add3A_879, %all_reduce_population_count3A_935 : vector<16xi32>
      scf.yield %add3A_934, %add3A_936 : vector<16xi32>, vector<16xi32>
    }
    %scan3A_197 = arith.constant 32 : i32
    %add3A_198 = arith.constant 16384 : i32
    %add3A_199 = arith.addi %select_n3A, %add3A_198 : i32
    %min3A_200 = arith.constant 797952 : i32
    %min3A_201 = arith.minsi %add3A_199, %min3A_200 : i32
    %multiple_of3A_202 = tpu.assume_multiple %min3A_201, 128 : i32
    %dma_start3A_203 = arith.constant 0 : i32
    %dma_start3A_204 = tpu.memref_slice %arg2[%dma_start3A_203, %multiple_of3A_202] : memref<2x800000xi32, #tpu.memory_space<hbm>> -> memref<2x2048xi32, #tpu.memory_space<hbm>>
    %dma_start3A_205 = arith.constant 0 : i32
    %dma_start3A_206 = tpu.memref_slice %arg2[%dma_start3A_205, %multiple_of3A_202] : memref<2x800000xi32, #tpu.memory_space<hbm>> -> memref<2x2048xi32, #tpu.memory_space<hbm>>
    tpu.enqueue_dma source(%dma_start3A_206 : memref<2x2048xi32, #tpu.memory_space<hbm>>) target(%arg11 : memref<2x2048xi32, #tpu.memory_space<vmem>>) target_semaphore(%arg21 : memref<!tpu.dma_semaphore, #tpu.memory_space<semaphore_mem>>)
    %dma_wait3A_207 = arith.constant 0 : i32
    %dma_wait3A_208 = arith.constant 0 : i32
    %dma_wait3A_209 = tpu.memref_slice %arg2[%dma_wait3A_207, %dma_wait3A_208] : memref<2x800000xi32, #tpu.memory_space<hbm>> -> memref<2x2048xi32, #tpu.memory_space<hbm>>
    %dma_wait3A_210 = arith.constant 0 : i32
    %dma_wait3A_211 = arith.constant 0 : i32
    %dma_wait3A_212 = tpu.memref_slice %arg2[%dma_wait3A_210, %dma_wait3A_211] : memref<2x800000xi32, #tpu.memory_space<hbm>> -> memref<2x2048xi32, #tpu.memory_space<hbm>>
    tpu.wait_dma2 semaphore(%arg21 : memref<!tpu.dma_semaphore, #tpu.memory_space<semaphore_mem>>) src(%dma_wait3A_212 : memref<2x2048xi32, #tpu.memory_space<hbm>>) dst(%arg11 : memref<2x2048xi32, #tpu.memory_space<vmem>>)
    %scan3A_213 = arith.constant 0 : i32
    %scan3A_214 = arith.constant 32 : i32
    %scan3A_215 = arith.addi %scan3A_213, %scan3A_214 : i32
    %scan3A_216 = arith.constant 1 : i32
    %scan3A_217:2 = scf.for %scan3A_712 = %scan3A_213 to %scan3A_215 step %scan3A_216 iter_args(%scan3A_713 = %scan3A_196#0, %scan3A_714 = %scan3A_196#1) -> (vector<16xi32>, vector<16xi32>)  : i32 {
      %mul3A_715 = arith.constant 4 : i32
      %mul3A_716 = arith.muli %scan3A_712, %mul3A_715 : i32
      %add3A_717 = arith.constant 0 : i32
      %add3A_718 = arith.addi %mul3A_716, %add3A_717 : i32
      %mul3A_719 = arith.constant 16 : i32
      %mul3A_720 = arith.muli %add3A_718, %mul3A_719 : i32
      %multiple_of3A_721 = tpu.assume_multiple %mul3A_720, 16 : i32
      %get3A_722 = arith.constant 1 : i32
      %get3A_723 = arith.index_cast %get3A_722 : i32 to index
      %get3A_724 = arith.index_cast %multiple_of3A_721 : i32 to index
      %get3A_725 = tpu.vector_load %arg12[%get3A_723, %get3A_724] {strides = array<i32>} : memref<2x2048xi32, #tpu.memory_space<vmem>>, vector<16xi32>,
      %get3A_726 = arith.constant 0 : i32
      %get3A_727 = arith.index_cast %get3A_726 : i32 to index
      %get3A_728 = arith.index_cast %multiple_of3A_721 : i32 to index
      %get3A_729 = tpu.vector_load %arg12[%get3A_727, %get3A_728] {strides = array<i32>} : memref<2x2048xi32, #tpu.memory_space<vmem>>, vector<16xi32>,
      %gather3A_730 = tpu.vector_load_idx %arg9[%get3A_725] : memref<50000xi32, #tpu.memory_space<vmem>>[vector<16xi32>], vector<16xi32>,
      %ge3A = arith.constant 0 : i32
      %ge3A_731 = vector.broadcast %ge3A : i32 to vector<16xi32>
      %ge3A_732 = arith.cmpi sge, %gather3A_730, %ge3A_731 : vector<16xi32>
      %lt3A_733 = arith.constant 25000 : i32
      %lt3A_734 = vector.broadcast %lt3A_733 : i32 to vector<16xi32>
      %lt3A_735 = arith.cmpi slt, %get3A_729, %lt3A_734 : vector<16xi32>
      %and3A_736 = arith.andi %ge3A_732, %lt3A_735 : vector<16xi1>
      %not3A = arith.constant dense<true> : vector<16xi1>
      %not3A_737 = arith.xori %lt3A_735, %not3A : vector<16xi1>
      %and3A_738 = arith.andi %ge3A_732, %not3A_737 : vector<16xi1>
      %shift_left3A = arith.constant 17 : i32
      %shift_left3A_739 = vector.broadcast %shift_left3A : i32 to vector<16xi32>
      %shift_left3A_740 = arith.shli %gather3A_730, %shift_left3A_739 : vector<16xi32>
      %convert_element_type3A_741 = arith.extui %and3A_736 : vector<16xi1> to vector<16xi32>
      %broadcast_in_dim3A_742 = arith.constant true
      %broadcast_in_dim3A_743 = vector.broadcast %broadcast_in_dim3A_742 : i1 to vector<16xi1>
      %masked_cumsum3A = tpu.scan <sum>, %convert_element_type3A_741 masked %broadcast_in_dim3A_743 : vector<16xi32>, vector<16xi1> -> vector<16xi32>
      %add3A_744 = arith.addi %scan3A_713, %masked_cumsum3A : vector<16xi32>
      %sub3A_745 = arith.constant 1 : i32
      %sub3A_746 = vector.broadcast %sub3A_745 : i32 to vector<16xi32>
      %sub3A_747 = arith.subi %add3A_744, %sub3A_746 : vector<16xi32>
      %or3A = arith.ori %get3A_729, %shift_left3A_740 : vector<16xi32>
      tpu.vector_store_idx %arg13[%sub3A_747], %or3A masked %and3A_736 : memref<25088xi32, #tpu.memory_space<vmem>>[vector<16xi32>], vector<16xi32>, vector<16xi1>
      %convert_element_type3A_748 = arith.extui %and3A_738 : vector<16xi1> to vector<16xi32>
      %broadcast_in_dim3A_749 = arith.constant true
      %broadcast_in_dim3A_750 = vector.broadcast %broadcast_in_dim3A_749 : i1 to vector<16xi1>
      %masked_cumsum3A_751 = tpu.scan <sum>, %convert_element_type3A_748 masked %broadcast_in_dim3A_750 : vector<16xi32>, vector<16xi1> -> vector<16xi32>
      %add3A_752 = arith.addi %scan3A_714, %masked_cumsum3A_751 : vector<16xi32>
      %sub3A_753 = arith.constant 1 : i32
      %sub3A_754 = vector.broadcast %sub3A_753 : i32 to vector<16xi32>
      %sub3A_755 = arith.subi %add3A_752, %sub3A_754 : vector<16xi32>
      %sub3A_756 = arith.constant 25087 : i32
      %sub3A_757 = vector.broadcast %sub3A_756 : i32 to vector<16xi32>
      %sub3A_758 = arith.subi %sub3A_757, %sub3A_755 : vector<16xi32>
      %sub3A_759 = arith.constant 25000 : i32
      %sub3A_760 = vector.broadcast %sub3A_759 : i32 to vector<16xi32>
      %sub3A_761 = arith.subi %get3A_729, %sub3A_760 : vector<16xi32>
      %or3A_762 = arith.ori %sub3A_761, %shift_left3A_740 : vector<16xi32>
      tpu.vector_store_idx %arg13[%sub3A_758], %or3A_762 masked %and3A_738 : memref<25088xi32, #tpu.memory_space<vmem>>[vector<16xi32>], vector<16xi32>, vector<16xi1>
      %all_reduce_population_count3A = tpu.all_reduce %and3A_736 {dim = 0 : i64, kind = #tpu.reduction_kind<sum>} : vector<16xi1> -> vector<16xi32>
      %add3A_763 = arith.addi %scan3A_713, %all_reduce_population_count3A : vector<16xi32>
      %all_reduce_population_count3A_764 = tpu.all_reduce %and3A_738 {dim = 0 : i64, kind = #tpu.reduction_kind<sum>} : vector<16xi1> -> vector<16xi32>
      %add3A_765 = arith.addi %scan3A_714, %all_reduce_population_count3A_764 : vector<16xi32>
      %mul3A_766 = arith.constant 4 : i32
      %mul3A_767 = arith.muli %scan3A_712, %mul3A_766 : i32
      %add3A_768 = arith.constant 1 : i32
      %add3A_769 = arith.addi %mul3A_767, %add3A_768 : i32
      %mul3A_770 = arith.constant 16 : i32
      %mul3A_771 = arith.muli %add3A_769, %mul3A_770 : i32
      %multiple_of3A_772 = tpu.assume_multiple %mul3A_771, 16 : i32
      %get3A_773 = arith.constant 1 : i32
      %get3A_774 = arith.index_cast %get3A_773 : i32 to index
      %get3A_775 = arith.index_cast %multiple_of3A_772 : i32 to index
      %get3A_776 = tpu.vector_load %arg12[%get3A_774, %get3A_775] {strides = array<i32>} : memref<2x2048xi32, #tpu.memory_space<vmem>>, vector<16xi32>,
      %get3A_777 = arith.constant 0 : i32
      %get3A_778 = arith.index_cast %get3A_777 : i32 to index
      %get3A_779 = arith.index_cast %multiple_of3A_772 : i32 to index
      %get3A_780 = tpu.vector_load %arg12[%get3A_778, %get3A_779] {strides = array<i32>} : memref<2x2048xi32, #tpu.memory_space<vmem>>, vector<16xi32>,
      %gather3A_781 = tpu.vector_load_idx %arg9[%get3A_776] : memref<50000xi32, #tpu.memory_space<vmem>>[vector<16xi32>], vector<16xi32>,
      %ge3A_782 = arith.constant 0 : i32
      %ge3A_783 = vector.broadcast %ge3A_782 : i32 to vector<16xi32>
      %ge3A_784 = arith.cmpi sge, %gather3A_781, %ge3A_783 : vector<16xi32>
      %lt3A_785 = arith.constant 25000 : i32
      %lt3A_786 = vector.broadcast %lt3A_785 : i32 to vector<16xi32>
      %lt3A_787 = arith.cmpi slt, %get3A_780, %lt3A_786 : vector<16xi32>
      %and3A_788 = arith.andi %ge3A_784, %lt3A_787 : vector<16xi1>
      %not3A_789 = arith.constant dense<true> : vector<16xi1>
      %not3A_790 = arith.xori %lt3A_787, %not3A_789 : vector<16xi1>
      %and3A_791 = arith.andi %ge3A_784, %not3A_790 : vector<16xi1>
      %shift_left3A_792 = arith.constant 17 : i32
      %shift_left3A_793 = vector.broadcast %shift_left3A_792 : i32 to vector<16xi32>
      %shift_left3A_794 = arith.shli %gather3A_781, %shift_left3A_793 : vector<16xi32>
      %convert_element_type3A_795 = arith.extui %and3A_788 : vector<16xi1> to vector<16xi32>
      %broadcast_in_dim3A_796 = arith.constant true
      %broadcast_in_dim3A_797 = vector.broadcast %broadcast_in_dim3A_796 : i1 to vector<16xi1>
      %masked_cumsum3A_798 = tpu.scan <sum>, %convert_element_type3A_795 masked %broadcast_in_dim3A_797 : vector<16xi32>, vector<16xi1> -> vector<16xi32>
      %add3A_799 = arith.addi %add3A_763, %masked_cumsum3A_798 : vector<16xi32>
      %sub3A_800 = arith.constant 1 : i32
      %sub3A_801 = vector.broadcast %sub3A_800 : i32 to vector<16xi32>
      %sub3A_802 = arith.subi %add3A_799, %sub3A_801 : vector<16xi32>
      %or3A_803 = arith.ori %get3A_780, %shift_left3A_794 : vector<16xi32>
      tpu.vector_store_idx %arg13[%sub3A_802], %or3A_803 masked %and3A_788 : memref<25088xi32, #tpu.memory_space<vmem>>[vector<16xi32>], vector<16xi32>, vector<16xi1>
      %convert_element_type3A_804 = arith.extui %and3A_791 : vector<16xi1> to vector<16xi32>
      %broadcast_in_dim3A_805 = arith.constant true
      %broadcast_in_dim3A_806 = vector.broadcast %broadcast_in_dim3A_805 : i1 to vector<16xi1>
      %masked_cumsum3A_807 = tpu.scan <sum>, %convert_element_type3A_804 masked %broadcast_in_dim3A_806 : vector<16xi32>, vector<16xi1> -> vector<16xi32>
      %add3A_808 = arith.addi %add3A_765, %masked_cumsum3A_807 : vector<16xi32>
      %sub3A_809 = arith.constant 1 : i32
      %sub3A_810 = vector.broadcast %sub3A_809 : i32 to vector<16xi32>
      %sub3A_811 = arith.subi %add3A_808, %sub3A_810 : vector<16xi32>
      %sub3A_812 = arith.constant 25087 : i32
      %sub3A_813 = vector.broadcast %sub3A_812 : i32 to vector<16xi32>
      %sub3A_814 = arith.subi %sub3A_813, %sub3A_811 : vector<16xi32>
      %sub3A_815 = arith.constant 25000 : i32
      %sub3A_816 = vector.broadcast %sub3A_815 : i32 to vector<16xi32>
      %sub3A_817 = arith.subi %get3A_780, %sub3A_816 : vector<16xi32>
      %or3A_818 = arith.ori %sub3A_817, %shift_left3A_794 : vector<16xi32>
      tpu.vector_store_idx %arg13[%sub3A_814], %or3A_818 masked %and3A_791 : memref<25088xi32, #tpu.memory_space<vmem>>[vector<16xi32>], vector<16xi32>, vector<16xi1>
      %all_reduce_population_count3A_819 = tpu.all_reduce %and3A_788 {dim = 0 : i64, kind = #tpu.reduction_kind<sum>} : vector<16xi1> -> vector<16xi32>
      %add3A_820 = arith.addi %add3A_763, %all_reduce_population_count3A_819 : vector<16xi32>
      %all_reduce_population_count3A_821 = tpu.all_reduce %and3A_791 {dim = 0 : i64, kind = #tpu.reduction_kind<sum>} : vector<16xi1> -> vector<16xi32>
      %add3A_822 = arith.addi %add3A_765, %all_reduce_population_count3A_821 : vector<16xi32>
      %mul3A_823 = arith.constant 4 : i32
      %mul3A_824 = arith.muli %scan3A_712, %mul3A_823 : i32
      %add3A_825 = arith.constant 2 : i32
      %add3A_826 = arith.addi %mul3A_824, %add3A_825 : i32
      %mul3A_827 = arith.constant 16 : i32
      %mul3A_828 = arith.muli %add3A_826, %mul3A_827 : i32
      %multiple_of3A_829 = tpu.assume_multiple %mul3A_828, 16 : i32
      %get3A_830 = arith.constant 1 : i32
      %get3A_831 = arith.index_cast %get3A_830 : i32 to index
      %get3A_832 = arith.index_cast %multiple_of3A_829 : i32 to index
      %get3A_833 = tpu.vector_load %arg12[%get3A_831, %get3A_832] {strides = array<i32>} : memref<2x2048xi32, #tpu.memory_space<vmem>>, vector<16xi32>,
      %get3A_834 = arith.constant 0 : i32
      %get3A_835 = arith.index_cast %get3A_834 : i32 to index
      %get3A_836 = arith.index_cast %multiple_of3A_829 : i32 to index
      %get3A_837 = tpu.vector_load %arg12[%get3A_835, %get3A_836] {strides = array<i32>} : memref<2x2048xi32, #tpu.memory_space<vmem>>, vector<16xi32>,
      %gather3A_838 = tpu.vector_load_idx %arg9[%get3A_833] : memref<50000xi32, #tpu.memory_space<vmem>>[vector<16xi32>], vector<16xi32>,
      %ge3A_839 = arith.constant 0 : i32
      %ge3A_840 = vector.broadcast %ge3A_839 : i32 to vector<16xi32>
      %ge3A_841 = arith.cmpi sge, %gather3A_838, %ge3A_840 : vector<16xi32>
      %lt3A_842 = arith.constant 25000 : i32
      %lt3A_843 = vector.broadcast %lt3A_842 : i32 to vector<16xi32>
      %lt3A_844 = arith.cmpi slt, %get3A_837, %lt3A_843 : vector<16xi32>
      %and3A_845 = arith.andi %ge3A_841, %lt3A_844 : vector<16xi1>
      %not3A_846 = arith.constant dense<true> : vector<16xi1>
      %not3A_847 = arith.xori %lt3A_844, %not3A_846 : vector<16xi1>
      %and3A_848 = arith.andi %ge3A_841, %not3A_847 : vector<16xi1>
      %shift_left3A_849 = arith.constant 17 : i32
      %shift_left3A_850 = vector.broadcast %shift_left3A_849 : i32 to vector<16xi32>
      %shift_left3A_851 = arith.shli %gather3A_838, %shift_left3A_850 : vector<16xi32>
      %convert_element_type3A_852 = arith.extui %and3A_845 : vector<16xi1> to vector<16xi32>
      %broadcast_in_dim3A_853 = arith.constant true
      %broadcast_in_dim3A_854 = vector.broadcast %broadcast_in_dim3A_853 : i1 to vector<16xi1>
      %masked_cumsum3A_855 = tpu.scan <sum>, %convert_element_type3A_852 masked %broadcast_in_dim3A_854 : vector<16xi32>, vector<16xi1> -> vector<16xi32>
      %add3A_856 = arith.addi %add3A_820, %masked_cumsum3A_855 : vector<16xi32>
      %sub3A_857 = arith.constant 1 : i32
      %sub3A_858 = vector.broadcast %sub3A_857 : i32 to vector<16xi32>
      %sub3A_859 = arith.subi %add3A_856, %sub3A_858 : vector<16xi32>
      %or3A_860 = arith.ori %get3A_837, %shift_left3A_851 : vector<16xi32>
      tpu.vector_store_idx %arg13[%sub3A_859], %or3A_860 masked %and3A_845 : memref<25088xi32, #tpu.memory_space<vmem>>[vector<16xi32>], vector<16xi32>, vector<16xi1>
      %convert_element_type3A_861 = arith.extui %and3A_848 : vector<16xi1> to vector<16xi32>
      %broadcast_in_dim3A_862 = arith.constant true
      %broadcast_in_dim3A_863 = vector.broadcast %broadcast_in_dim3A_862 : i1 to vector<16xi1>
      %masked_cumsum3A_864 = tpu.scan <sum>, %convert_element_type3A_861 masked %broadcast_in_dim3A_863 : vector<16xi32>, vector<16xi1> -> vector<16xi32>
      %add3A_865 = arith.addi %add3A_822, %masked_cumsum3A_864 : vector<16xi32>
      %sub3A_866 = arith.constant 1 : i32
      %sub3A_867 = vector.broadcast %sub3A_866 : i32 to vector<16xi32>
      %sub3A_868 = arith.subi %add3A_865, %sub3A_867 : vector<16xi32>
      %sub3A_869 = arith.constant 25087 : i32
      %sub3A_870 = vector.broadcast %sub3A_869 : i32 to vector<16xi32>
      %sub3A_871 = arith.subi %sub3A_870, %sub3A_868 : vector<16xi32>
      %sub3A_872 = arith.constant 25000 : i32
      %sub3A_873 = vector.broadcast %sub3A_872 : i32 to vector<16xi32>
      %sub3A_874 = arith.subi %get3A_837, %sub3A_873 : vector<16xi32>
      %or3A_875 = arith.ori %sub3A_874, %shift_left3A_851 : vector<16xi32>
      tpu.vector_store_idx %arg13[%sub3A_871], %or3A_875 masked %and3A_848 : memref<25088xi32, #tpu.memory_space<vmem>>[vector<16xi32>], vector<16xi32>, vector<16xi1>
      %all_reduce_population_count3A_876 = tpu.all_reduce %and3A_845 {dim = 0 : i64, kind = #tpu.reduction_kind<sum>} : vector<16xi1> -> vector<16xi32>
      %add3A_877 = arith.addi %add3A_820, %all_reduce_population_count3A_876 : vector<16xi32>
      %all_reduce_population_count3A_878 = tpu.all_reduce %and3A_848 {dim = 0 : i64, kind = #tpu.reduction_kind<sum>} : vector<16xi1> -> vector<16xi32>
      %add3A_879 = arith.addi %add3A_822, %all_reduce_population_count3A_878 : vector<16xi32>
      %mul3A_880 = arith.constant 4 : i32
      %mul3A_881 = arith.muli %scan3A_712, %mul3A_880 : i32
      %add3A_882 = arith.constant 3 : i32
      %add3A_883 = arith.addi %mul3A_881, %add3A_882 : i32
      %mul3A_884 = arith.constant 16 : i32
      %mul3A_885 = arith.muli %add3A_883, %mul3A_884 : i32
      %multiple_of3A_886 = tpu.assume_multiple %mul3A_885, 16 : i32
      %get3A_887 = arith.constant 1 : i32
      %get3A_888 = arith.index_cast %get3A_887 : i32 to index
      %get3A_889 = arith.index_cast %multiple_of3A_886 : i32 to index
      %get3A_890 = tpu.vector_load %arg12[%get3A_888, %get3A_889] {strides = array<i32>} : memref<2x2048xi32, #tpu.memory_space<vmem>>, vector<16xi32>,
      %get3A_891 = arith.constant 0 : i32
      %get3A_892 = arith.index_cast %get3A_891 : i32 to index
      %get3A_893 = arith.index_cast %multiple_of3A_886 : i32 to index
      %get3A_894 = tpu.vector_load %arg12[%get3A_892, %get3A_893] {strides = array<i32>} : memref<2x2048xi32, #tpu.memory_space<vmem>>, vector<16xi32>,
      %gather3A_895 = tpu.vector_load_idx %arg9[%get3A_890] : memref<50000xi32, #tpu.memory_space<vmem>>[vector<16xi32>], vector<16xi32>,
      %ge3A_896 = arith.constant 0 : i32
      %ge3A_897 = vector.broadcast %ge3A_896 : i32 to vector<16xi32>
      %ge3A_898 = arith.cmpi sge, %gather3A_895, %ge3A_897 : vector<16xi32>
      %lt3A_899 = arith.constant 25000 : i32
      %lt3A_900 = vector.broadcast %lt3A_899 : i32 to vector<16xi32>
      %lt3A_901 = arith.cmpi slt, %get3A_894, %lt3A_900 : vector<16xi32>
      %and3A_902 = arith.andi %ge3A_898, %lt3A_901 : vector<16xi1>
      %not3A_903 = arith.constant dense<true> : vector<16xi1>
      %not3A_904 = arith.xori %lt3A_901, %not3A_903 : vector<16xi1>
      %and3A_905 = arith.andi %ge3A_898, %not3A_904 : vector<16xi1>
      %shift_left3A_906 = arith.constant 17 : i32
      %shift_left3A_907 = vector.broadcast %shift_left3A_906 : i32 to vector<16xi32>
      %shift_left3A_908 = arith.shli %gather3A_895, %shift_left3A_907 : vector<16xi32>
      %convert_element_type3A_909 = arith.extui %and3A_902 : vector<16xi1> to vector<16xi32>
      %broadcast_in_dim3A_910 = arith.constant true
      %broadcast_in_dim3A_911 = vector.broadcast %broadcast_in_dim3A_910 : i1 to vector<16xi1>
      %masked_cumsum3A_912 = tpu.scan <sum>, %convert_element_type3A_909 masked %broadcast_in_dim3A_911 : vector<16xi32>, vector<16xi1> -> vector<16xi32>
      %add3A_913 = arith.addi %add3A_877, %masked_cumsum3A_912 : vector<16xi32>
      %sub3A_914 = arith.constant 1 : i32
      %sub3A_915 = vector.broadcast %sub3A_914 : i32 to vector<16xi32>
      %sub3A_916 = arith.subi %add3A_913, %sub3A_915 : vector<16xi32>
      %or3A_917 = arith.ori %get3A_894, %shift_left3A_908 : vector<16xi32>
      tpu.vector_store_idx %arg13[%sub3A_916], %or3A_917 masked %and3A_902 : memref<25088xi32, #tpu.memory_space<vmem>>[vector<16xi32>], vector<16xi32>, vector<16xi1>
      %convert_element_type3A_918 = arith.extui %and3A_905 : vector<16xi1> to vector<16xi32>
      %broadcast_in_dim3A_919 = arith.constant true
      %broadcast_in_dim3A_920 = vector.broadcast %broadcast_in_dim3A_919 : i1 to vector<16xi1>
      %masked_cumsum3A_921 = tpu.scan <sum>, %convert_element_type3A_918 masked %broadcast_in_dim3A_920 : vector<16xi32>, vector<16xi1> -> vector<16xi32>
      %add3A_922 = arith.addi %add3A_879, %masked_cumsum3A_921 : vector<16xi32>
      %sub3A_923 = arith.constant 1 : i32
      %sub3A_924 = vector.broadcast %sub3A_923 : i32 to vector<16xi32>
      %sub3A_925 = arith.subi %add3A_922, %sub3A_924 : vector<16xi32>
      %sub3A_926 = arith.constant 25087 : i32
      %sub3A_927 = vector.broadcast %sub3A_926 : i32 to vector<16xi32>
      %sub3A_928 = arith.subi %sub3A_927, %sub3A_925 : vector<16xi32>
      %sub3A_929 = arith.constant 25000 : i32
      %sub3A_930 = vector.broadcast %sub3A_929 : i32 to vector<16xi32>
      %sub3A_931 = arith.subi %get3A_894, %sub3A_930 : vector<16xi32>
      %or3A_932 = arith.ori %sub3A_931, %shift_left3A_908 : vector<16xi32>
      tpu.vector_store_idx %arg13[%sub3A_928], %or3A_932 masked %and3A_905 : memref<25088xi32, #tpu.memory_space<vmem>>[vector<16xi32>], vector<16xi32>, vector<16xi1>
      %all_reduce_population_count3A_933 = tpu.all_reduce %and3A_902 {dim = 0 : i64, kind = #tpu.reduction_kind<sum>} : vector<16xi1> -> vector<16xi32>
      %add3A_934 = arith.addi %add3A_877, %all_reduce_population_count3A_933 : vector<16xi32>
      %all_reduce_population_count3A_935 = tpu.all_reduce %and3A_905 {dim = 0 : i64, kind = #tpu.reduction_kind<sum>} : vector<16xi1> -> vector<16xi32>
      %add3A_936 = arith.addi %add3A_879, %all_reduce_population_count3A_935 : vector<16xi32>
      scf.yield %add3A_934, %add3A_936 : vector<16xi32>, vector<16xi32>
    }
    %scan3A_218 = arith.constant 32 : i32
    %add3A_219 = arith.constant 18432 : i32
    %add3A_220 = arith.addi %select_n3A, %add3A_219 : i32
    %min3A_221 = arith.constant 797952 : i32
    %min3A_222 = arith.minsi %add3A_220, %min3A_221 : i32
    %multiple_of3A_223 = tpu.assume_multiple %min3A_222, 128 : i32
    %dma_start3A_224 = arith.constant 0 : i32
    %dma_start3A_225 = tpu.memref_slice %arg2[%dma_start3A_224, %multiple_of3A_223] : memref<2x800000xi32, #tpu.memory_space<hbm>> -> memref<2x2048xi32, #tpu.memory_space<hbm>>
    %dma_start3A_226 = arith.constant 0 : i32
    %dma_start3A_227 = tpu.memref_slice %arg2[%dma_start3A_226, %multiple_of3A_223] : memref<2x800000xi32, #tpu.memory_space<hbm>> -> memref<2x2048xi32, #tpu.memory_space<hbm>>
    tpu.enqueue_dma source(%dma_start3A_227 : memref<2x2048xi32, #tpu.memory_space<hbm>>) target(%arg12 : memref<2x2048xi32, #tpu.memory_space<vmem>>) target_semaphore(%arg21 : memref<!tpu.dma_semaphore, #tpu.memory_space<semaphore_mem>>)
    %dma_wait3A_228 = arith.constant 0 : i32
    %dma_wait3A_229 = arith.constant 0 : i32
    %dma_wait3A_230 = tpu.memref_slice %arg2[%dma_wait3A_228, %dma_wait3A_229] : memref<2x800000xi32, #tpu.memory_space<hbm>> -> memref<2x2048xi32, #tpu.memory_space<hbm>>
    %dma_wait3A_231 = arith.constant 0 : i32
    %dma_wait3A_232 = arith.constant 0 : i32
    %dma_wait3A_233 = tpu.memref_slice %arg2[%dma_wait3A_231, %dma_wait3A_232] : memref<2x800000xi32, #tpu.memory_space<hbm>> -> memref<2x2048xi32, #tpu.memory_space<hbm>>
    tpu.wait_dma2 semaphore(%arg21 : memref<!tpu.dma_semaphore, #tpu.memory_space<semaphore_mem>>) src(%dma_wait3A_233 : memref<2x2048xi32, #tpu.memory_space<hbm>>) dst(%arg11 : memref<2x2048xi32, #tpu.memory_space<vmem>>)
    %scan3A_234 = arith.constant 0 : i32
    %scan3A_235 = arith.constant 32 : i32
    %scan3A_236 = arith.addi %scan3A_234, %scan3A_235 : i32
    %scan3A_237 = arith.constant 1 : i32
    %scan3A_238:2 = scf.for %scan3A_712 = %scan3A_234 to %scan3A_236 step %scan3A_237 iter_args(%scan3A_713 = %scan3A_217#0, %scan3A_714 = %scan3A_217#1) -> (vector<16xi32>, vector<16xi32>)  : i32 {
      %mul3A_715 = arith.constant 4 : i32
      %mul3A_716 = arith.muli %scan3A_712, %mul3A_715 : i32
      %add3A_717 = arith.constant 0 : i32
      %add3A_718 = arith.addi %mul3A_716, %add3A_717 : i32
      %mul3A_719 = arith.constant 16 : i32
      %mul3A_720 = arith.muli %add3A_718, %mul3A_719 : i32
      %multiple_of3A_721 = tpu.assume_multiple %mul3A_720, 16 : i32
      %get3A_722 = arith.constant 1 : i32
      %get3A_723 = arith.index_cast %get3A_722 : i32 to index
      %get3A_724 = arith.index_cast %multiple_of3A_721 : i32 to index
      %get3A_725 = tpu.vector_load %arg11[%get3A_723, %get3A_724] {strides = array<i32>} : memref<2x2048xi32, #tpu.memory_space<vmem>>, vector<16xi32>,
      %get3A_726 = arith.constant 0 : i32
      %get3A_727 = arith.index_cast %get3A_726 : i32 to index
      %get3A_728 = arith.index_cast %multiple_of3A_721 : i32 to index
      %get3A_729 = tpu.vector_load %arg11[%get3A_727, %get3A_728] {strides = array<i32>} : memref<2x2048xi32, #tpu.memory_space<vmem>>, vector<16xi32>,
      %gather3A_730 = tpu.vector_load_idx %arg9[%get3A_725] : memref<50000xi32, #tpu.memory_space<vmem>>[vector<16xi32>], vector<16xi32>,
      %ge3A = arith.constant 0 : i32
      %ge3A_731 = vector.broadcast %ge3A : i32 to vector<16xi32>
      %ge3A_732 = arith.cmpi sge, %gather3A_730, %ge3A_731 : vector<16xi32>
      %lt3A_733 = arith.constant 25000 : i32
      %lt3A_734 = vector.broadcast %lt3A_733 : i32 to vector<16xi32>
      %lt3A_735 = arith.cmpi slt, %get3A_729, %lt3A_734 : vector<16xi32>
      %and3A_736 = arith.andi %ge3A_732, %lt3A_735 : vector<16xi1>
      %not3A = arith.constant dense<true> : vector<16xi1>
      %not3A_737 = arith.xori %lt3A_735, %not3A : vector<16xi1>
      %and3A_738 = arith.andi %ge3A_732, %not3A_737 : vector<16xi1>
      %shift_left3A = arith.constant 17 : i32
      %shift_left3A_739 = vector.broadcast %shift_left3A : i32 to vector<16xi32>
      %shift_left3A_740 = arith.shli %gather3A_730, %shift_left3A_739 : vector<16xi32>
      %convert_element_type3A_741 = arith.extui %and3A_736 : vector<16xi1> to vector<16xi32>
      %broadcast_in_dim3A_742 = arith.constant true
      %broadcast_in_dim3A_743 = vector.broadcast %broadcast_in_dim3A_742 : i1 to vector<16xi1>
      %masked_cumsum3A = tpu.scan <sum>, %convert_element_type3A_741 masked %broadcast_in_dim3A_743 : vector<16xi32>, vector<16xi1> -> vector<16xi32>
      %add3A_744 = arith.addi %scan3A_713, %masked_cumsum3A : vector<16xi32>
      %sub3A_745 = arith.constant 1 : i32
      %sub3A_746 = vector.broadcast %sub3A_745 : i32 to vector<16xi32>
      %sub3A_747 = arith.subi %add3A_744, %sub3A_746 : vector<16xi32>
      %or3A = arith.ori %get3A_729, %shift_left3A_740 : vector<16xi32>
      tpu.vector_store_idx %arg13[%sub3A_747], %or3A masked %and3A_736 : memref<25088xi32, #tpu.memory_space<vmem>>[vector<16xi32>], vector<16xi32>, vector<16xi1>
      %convert_element_type3A_748 = arith.extui %and3A_738 : vector<16xi1> to vector<16xi32>
      %broadcast_in_dim3A_749 = arith.constant true
      %broadcast_in_dim3A_750 = vector.broadcast %broadcast_in_dim3A_749 : i1 to vector<16xi1>
      %masked_cumsum3A_751 = tpu.scan <sum>, %convert_element_type3A_748 masked %broadcast_in_dim3A_750 : vector<16xi32>, vector<16xi1> -> vector<16xi32>
      %add3A_752 = arith.addi %scan3A_714, %masked_cumsum3A_751 : vector<16xi32>
      %sub3A_753 = arith.constant 1 : i32
      %sub3A_754 = vector.broadcast %sub3A_753 : i32 to vector<16xi32>
      %sub3A_755 = arith.subi %add3A_752, %sub3A_754 : vector<16xi32>
      %sub3A_756 = arith.constant 25087 : i32
      %sub3A_757 = vector.broadcast %sub3A_756 : i32 to vector<16xi32>
      %sub3A_758 = arith.subi %sub3A_757, %sub3A_755 : vector<16xi32>
      %sub3A_759 = arith.constant 25000 : i32
      %sub3A_760 = vector.broadcast %sub3A_759 : i32 to vector<16xi32>
      %sub3A_761 = arith.subi %get3A_729, %sub3A_760 : vector<16xi32>
      %or3A_762 = arith.ori %sub3A_761, %shift_left3A_740 : vector<16xi32>
      tpu.vector_store_idx %arg13[%sub3A_758], %or3A_762 masked %and3A_738 : memref<25088xi32, #tpu.memory_space<vmem>>[vector<16xi32>], vector<16xi32>, vector<16xi1>
      %all_reduce_population_count3A = tpu.all_reduce %and3A_736 {dim = 0 : i64, kind = #tpu.reduction_kind<sum>} : vector<16xi1> -> vector<16xi32>
      %add3A_763 = arith.addi %scan3A_713, %all_reduce_population_count3A : vector<16xi32>
      %all_reduce_population_count3A_764 = tpu.all_reduce %and3A_738 {dim = 0 : i64, kind = #tpu.reduction_kind<sum>} : vector<16xi1> -> vector<16xi32>
      %add3A_765 = arith.addi %scan3A_714, %all_reduce_population_count3A_764 : vector<16xi32>
      %mul3A_766 = arith.constant 4 : i32
      %mul3A_767 = arith.muli %scan3A_712, %mul3A_766 : i32
      %add3A_768 = arith.constant 1 : i32
      %add3A_769 = arith.addi %mul3A_767, %add3A_768 : i32
      %mul3A_770 = arith.constant 16 : i32
      %mul3A_771 = arith.muli %add3A_769, %mul3A_770 : i32
      %multiple_of3A_772 = tpu.assume_multiple %mul3A_771, 16 : i32
      %get3A_773 = arith.constant 1 : i32
      %get3A_774 = arith.index_cast %get3A_773 : i32 to index
      %get3A_775 = arith.index_cast %multiple_of3A_772 : i32 to index
      %get3A_776 = tpu.vector_load %arg11[%get3A_774, %get3A_775] {strides = array<i32>} : memref<2x2048xi32, #tpu.memory_space<vmem>>, vector<16xi32>,
      %get3A_777 = arith.constant 0 : i32
      %get3A_778 = arith.index_cast %get3A_777 : i32 to index
      %get3A_779 = arith.index_cast %multiple_of3A_772 : i32 to index
      %get3A_780 = tpu.vector_load %arg11[%get3A_778, %get3A_779] {strides = array<i32>} : memref<2x2048xi32, #tpu.memory_space<vmem>>, vector<16xi32>,
      %gather3A_781 = tpu.vector_load_idx %arg9[%get3A_776] : memref<50000xi32, #tpu.memory_space<vmem>>[vector<16xi32>], vector<16xi32>,
      %ge3A_782 = arith.constant 0 : i32
      %ge3A_783 = vector.broadcast %ge3A_782 : i32 to vector<16xi32>
      %ge3A_784 = arith.cmpi sge, %gather3A_781, %ge3A_783 : vector<16xi32>
      %lt3A_785 = arith.constant 25000 : i32
      %lt3A_786 = vector.broadcast %lt3A_785 : i32 to vector<16xi32>
      %lt3A_787 = arith.cmpi slt, %get3A_780, %lt3A_786 : vector<16xi32>
      %and3A_788 = arith.andi %ge3A_784, %lt3A_787 : vector<16xi1>
      %not3A_789 = arith.constant dense<true> : vector<16xi1>
      %not3A_790 = arith.xori %lt3A_787, %not3A_789 : vector<16xi1>
      %and3A_791 = arith.andi %ge3A_784, %not3A_790 : vector<16xi1>
      %shift_left3A_792 = arith.constant 17 : i32
      %shift_left3A_793 = vector.broadcast %shift_left3A_792 : i32 to vector<16xi32>
      %shift_left3A_794 = arith.shli %gather3A_781, %shift_left3A_793 : vector<16xi32>
      %convert_element_type3A_795 = arith.extui %and3A_788 : vector<16xi1> to vector<16xi32>
      %broadcast_in_dim3A_796 = arith.constant true
      %broadcast_in_dim3A_797 = vector.broadcast %broadcast_in_dim3A_796 : i1 to vector<16xi1>
      %masked_cumsum3A_798 = tpu.scan <sum>, %convert_element_type3A_795 masked %broadcast_in_dim3A_797 : vector<16xi32>, vector<16xi1> -> vector<16xi32>
      %add3A_799 = arith.addi %add3A_763, %masked_cumsum3A_798 : vector<16xi32>
      %sub3A_800 = arith.constant 1 : i32
      %sub3A_801 = vector.broadcast %sub3A_800 : i32 to vector<16xi32>
      %sub3A_802 = arith.subi %add3A_799, %sub3A_801 : vector<16xi32>
      %or3A_803 = arith.ori %get3A_780, %shift_left3A_794 : vector<16xi32>
      tpu.vector_store_idx %arg13[%sub3A_802], %or3A_803 masked %and3A_788 : memref<25088xi32, #tpu.memory_space<vmem>>[vector<16xi32>], vector<16xi32>, vector<16xi1>
      %convert_element_type3A_804 = arith.extui %and3A_791 : vector<16xi1> to vector<16xi32>
      %broadcast_in_dim3A_805 = arith.constant true
      %broadcast_in_dim3A_806 = vector.broadcast %broadcast_in_dim3A_805 : i1 to vector<16xi1>
      %masked_cumsum3A_807 = tpu.scan <sum>, %convert_element_type3A_804 masked %broadcast_in_dim3A_806 : vector<16xi32>, vector<16xi1> -> vector<16xi32>
      %add3A_808 = arith.addi %add3A_765, %masked_cumsum3A_807 : vector<16xi32>
      %sub3A_809 = arith.constant 1 : i32
      %sub3A_810 = vector.broadcast %sub3A_809 : i32 to vector<16xi32>
      %sub3A_811 = arith.subi %add3A_808, %sub3A_810 : vector<16xi32>
      %sub3A_812 = arith.constant 25087 : i32
      %sub3A_813 = vector.broadcast %sub3A_812 : i32 to vector<16xi32>
      %sub3A_814 = arith.subi %sub3A_813, %sub3A_811 : vector<16xi32>
      %sub3A_815 = arith.constant 25000 : i32
      %sub3A_816 = vector.broadcast %sub3A_815 : i32 to vector<16xi32>
      %sub3A_817 = arith.subi %get3A_780, %sub3A_816 : vector<16xi32>
      %or3A_818 = arith.ori %sub3A_817, %shift_left3A_794 : vector<16xi32>
      tpu.vector_store_idx %arg13[%sub3A_814], %or3A_818 masked %and3A_791 : memref<25088xi32, #tpu.memory_space<vmem>>[vector<16xi32>], vector<16xi32>, vector<16xi1>
      %all_reduce_population_count3A_819 = tpu.all_reduce %and3A_788 {dim = 0 : i64, kind = #tpu.reduction_kind<sum>} : vector<16xi1> -> vector<16xi32>
      %add3A_820 = arith.addi %add3A_763, %all_reduce_population_count3A_819 : vector<16xi32>
      %all_reduce_population_count3A_821 = tpu.all_reduce %and3A_791 {dim = 0 : i64, kind = #tpu.reduction_kind<sum>} : vector<16xi1> -> vector<16xi32>
      %add3A_822 = arith.addi %add3A_765, %all_reduce_population_count3A_821 : vector<16xi32>
      %mul3A_823 = arith.constant 4 : i32
      %mul3A_824 = arith.muli %scan3A_712, %mul3A_823 : i32
      %add3A_825 = arith.constant 2 : i32
      %add3A_826 = arith.addi %mul3A_824, %add3A_825 : i32
      %mul3A_827 = arith.constant 16 : i32
      %mul3A_828 = arith.muli %add3A_826, %mul3A_827 : i32
      %multiple_of3A_829 = tpu.assume_multiple %mul3A_828, 16 : i32
      %get3A_830 = arith.constant 1 : i32
      %get3A_831 = arith.index_cast %get3A_830 : i32 to index
      %get3A_832 = arith.index_cast %multiple_of3A_829 : i32 to index
      %get3A_833 = tpu.vector_load %arg11[%get3A_831, %get3A_832] {strides = array<i32>} : memref<2x2048xi32, #tpu.memory_space<vmem>>, vector<16xi32>,
      %get3A_834 = arith.constant 0 : i32
      %get3A_835 = arith.index_cast %get3A_834 : i32 to index
      %get3A_836 = arith.index_cast %multiple_of3A_829 : i32 to index
      %get3A_837 = tpu.vector_load %arg11[%get3A_835, %get3A_836] {strides = array<i32>} : memref<2x2048xi32, #tpu.memory_space<vmem>>, vector<16xi32>,
      %gather3A_838 = tpu.vector_load_idx %arg9[%get3A_833] : memref<50000xi32, #tpu.memory_space<vmem>>[vector<16xi32>], vector<16xi32>,
      %ge3A_839 = arith.constant 0 : i32
      %ge3A_840 = vector.broadcast %ge3A_839 : i32 to vector<16xi32>
      %ge3A_841 = arith.cmpi sge, %gather3A_838, %ge3A_840 : vector<16xi32>
      %lt3A_842 = arith.constant 25000 : i32
      %lt3A_843 = vector.broadcast %lt3A_842 : i32 to vector<16xi32>
      %lt3A_844 = arith.cmpi slt, %get3A_837, %lt3A_843 : vector<16xi32>
      %and3A_845 = arith.andi %ge3A_841, %lt3A_844 : vector<16xi1>
      %not3A_846 = arith.constant dense<true> : vector<16xi1>
      %not3A_847 = arith.xori %lt3A_844, %not3A_846 : vector<16xi1>
      %and3A_848 = arith.andi %ge3A_841, %not3A_847 : vector<16xi1>
      %shift_left3A_849 = arith.constant 17 : i32
      %shift_left3A_850 = vector.broadcast %shift_left3A_849 : i32 to vector<16xi32>
      %shift_left3A_851 = arith.shli %gather3A_838, %shift_left3A_850 : vector<16xi32>
      %convert_element_type3A_852 = arith.extui %and3A_845 : vector<16xi1> to vector<16xi32>
      %broadcast_in_dim3A_853 = arith.constant true
      %broadcast_in_dim3A_854 = vector.broadcast %broadcast_in_dim3A_853 : i1 to vector<16xi1>
      %masked_cumsum3A_855 = tpu.scan <sum>, %convert_element_type3A_852 masked %broadcast_in_dim3A_854 : vector<16xi32>, vector<16xi1> -> vector<16xi32>
      %add3A_856 = arith.addi %add3A_820, %masked_cumsum3A_855 : vector<16xi32>
      %sub3A_857 = arith.constant 1 : i32
      %sub3A_858 = vector.broadcast %sub3A_857 : i32 to vector<16xi32>
      %sub3A_859 = arith.subi %add3A_856, %sub3A_858 : vector<16xi32>
      %or3A_860 = arith.ori %get3A_837, %shift_left3A_851 : vector<16xi32>
      tpu.vector_store_idx %arg13[%sub3A_859], %or3A_860 masked %and3A_845 : memref<25088xi32, #tpu.memory_space<vmem>>[vector<16xi32>], vector<16xi32>, vector<16xi1>
      %convert_element_type3A_861 = arith.extui %and3A_848 : vector<16xi1> to vector<16xi32>
      %broadcast_in_dim3A_862 = arith.constant true
      %broadcast_in_dim3A_863 = vector.broadcast %broadcast_in_dim3A_862 : i1 to vector<16xi1>
      %masked_cumsum3A_864 = tpu.scan <sum>, %convert_element_type3A_861 masked %broadcast_in_dim3A_863 : vector<16xi32>, vector<16xi1> -> vector<16xi32>
      %add3A_865 = arith.addi %add3A_822, %masked_cumsum3A_864 : vector<16xi32>
      %sub3A_866 = arith.constant 1 : i32
      %sub3A_867 = vector.broadcast %sub3A_866 : i32 to vector<16xi32>
      %sub3A_868 = arith.subi %add3A_865, %sub3A_867 : vector<16xi32>
      %sub3A_869 = arith.constant 25087 : i32
      %sub3A_870 = vector.broadcast %sub3A_869 : i32 to vector<16xi32>
      %sub3A_871 = arith.subi %sub3A_870, %sub3A_868 : vector<16xi32>
      %sub3A_872 = arith.constant 25000 : i32
      %sub3A_873 = vector.broadcast %sub3A_872 : i32 to vector<16xi32>
      %sub3A_874 = arith.subi %get3A_837, %sub3A_873 : vector<16xi32>
      %or3A_875 = arith.ori %sub3A_874, %shift_left3A_851 : vector<16xi32>
      tpu.vector_store_idx %arg13[%sub3A_871], %or3A_875 masked %and3A_848 : memref<25088xi32, #tpu.memory_space<vmem>>[vector<16xi32>], vector<16xi32>, vector<16xi1>
      %all_reduce_population_count3A_876 = tpu.all_reduce %and3A_845 {dim = 0 : i64, kind = #tpu.reduction_kind<sum>} : vector<16xi1> -> vector<16xi32>
      %add3A_877 = arith.addi %add3A_820, %all_reduce_population_count3A_876 : vector<16xi32>
      %all_reduce_population_count3A_878 = tpu.all_reduce %and3A_848 {dim = 0 : i64, kind = #tpu.reduction_kind<sum>} : vector<16xi1> -> vector<16xi32>
      %add3A_879 = arith.addi %add3A_822, %all_reduce_population_count3A_878 : vector<16xi32>
      %mul3A_880 = arith.constant 4 : i32
      %mul3A_881 = arith.muli %scan3A_712, %mul3A_880 : i32
      %add3A_882 = arith.constant 3 : i32
      %add3A_883 = arith.addi %mul3A_881, %add3A_882 : i32
      %mul3A_884 = arith.constant 16 : i32
      %mul3A_885 = arith.muli %add3A_883, %mul3A_884 : i32
      %multiple_of3A_886 = tpu.assume_multiple %mul3A_885, 16 : i32
      %get3A_887 = arith.constant 1 : i32
      %get3A_888 = arith.index_cast %get3A_887 : i32 to index
      %get3A_889 = arith.index_cast %multiple_of3A_886 : i32 to index
      %get3A_890 = tpu.vector_load %arg11[%get3A_888, %get3A_889] {strides = array<i32>} : memref<2x2048xi32, #tpu.memory_space<vmem>>, vector<16xi32>,
      %get3A_891 = arith.constant 0 : i32
      %get3A_892 = arith.index_cast %get3A_891 : i32 to index
      %get3A_893 = arith.index_cast %multiple_of3A_886 : i32 to index
      %get3A_894 = tpu.vector_load %arg11[%get3A_892, %get3A_893] {strides = array<i32>} : memref<2x2048xi32, #tpu.memory_space<vmem>>, vector<16xi32>,
      %gather3A_895 = tpu.vector_load_idx %arg9[%get3A_890] : memref<50000xi32, #tpu.memory_space<vmem>>[vector<16xi32>], vector<16xi32>,
      %ge3A_896 = arith.constant 0 : i32
      %ge3A_897 = vector.broadcast %ge3A_896 : i32 to vector<16xi32>
      %ge3A_898 = arith.cmpi sge, %gather3A_895, %ge3A_897 : vector<16xi32>
      %lt3A_899 = arith.constant 25000 : i32
      %lt3A_900 = vector.broadcast %lt3A_899 : i32 to vector<16xi32>
      %lt3A_901 = arith.cmpi slt, %get3A_894, %lt3A_900 : vector<16xi32>
      %and3A_902 = arith.andi %ge3A_898, %lt3A_901 : vector<16xi1>
      %not3A_903 = arith.constant dense<true> : vector<16xi1>
      %not3A_904 = arith.xori %lt3A_901, %not3A_903 : vector<16xi1>
      %and3A_905 = arith.andi %ge3A_898, %not3A_904 : vector<16xi1>
      %shift_left3A_906 = arith.constant 17 : i32
      %shift_left3A_907 = vector.broadcast %shift_left3A_906 : i32 to vector<16xi32>
      %shift_left3A_908 = arith.shli %gather3A_895, %shift_left3A_907 : vector<16xi32>
      %convert_element_type3A_909 = arith.extui %and3A_902 : vector<16xi1> to vector<16xi32>
      %broadcast_in_dim3A_910 = arith.constant true
      %broadcast_in_dim3A_911 = vector.broadcast %broadcast_in_dim3A_910 : i1 to vector<16xi1>
      %masked_cumsum3A_912 = tpu.scan <sum>, %convert_element_type3A_909 masked %broadcast_in_dim3A_911 : vector<16xi32>, vector<16xi1> -> vector<16xi32>
      %add3A_913 = arith.addi %add3A_877, %masked_cumsum3A_912 : vector<16xi32>
      %sub3A_914 = arith.constant 1 : i32
      %sub3A_915 = vector.broadcast %sub3A_914 : i32 to vector<16xi32>
      %sub3A_916 = arith.subi %add3A_913, %sub3A_915 : vector<16xi32>
      %or3A_917 = arith.ori %get3A_894, %shift_left3A_908 : vector<16xi32>
      tpu.vector_store_idx %arg13[%sub3A_916], %or3A_917 masked %and3A_902 : memref<25088xi32, #tpu.memory_space<vmem>>[vector<16xi32>], vector<16xi32>, vector<16xi1>
      %convert_element_type3A_918 = arith.extui %and3A_905 : vector<16xi1> to vector<16xi32>
      %broadcast_in_dim3A_919 = arith.constant true
      %broadcast_in_dim3A_920 = vector.broadcast %broadcast_in_dim3A_919 : i1 to vector<16xi1>
      %masked_cumsum3A_921 = tpu.scan <sum>, %convert_element_type3A_918 masked %broadcast_in_dim3A_920 : vector<16xi32>, vector<16xi1> -> vector<16xi32>
      %add3A_922 = arith.addi %add3A_879, %masked_cumsum3A_921 : vector<16xi32>
      %sub3A_923 = arith.constant 1 : i32
      %sub3A_924 = vector.broadcast %sub3A_923 : i32 to vector<16xi32>
      %sub3A_925 = arith.subi %add3A_922, %sub3A_924 : vector<16xi32>
      %sub3A_926 = arith.constant 25087 : i32
      %sub3A_927 = vector.broadcast %sub3A_926 : i32 to vector<16xi32>
      %sub3A_928 = arith.subi %sub3A_927, %sub3A_925 : vector<16xi32>
      %sub3A_929 = arith.constant 25000 : i32
      %sub3A_930 = vector.broadcast %sub3A_929 : i32 to vector<16xi32>
      %sub3A_931 = arith.subi %get3A_894, %sub3A_930 : vector<16xi32>
      %or3A_932 = arith.ori %sub3A_931, %shift_left3A_908 : vector<16xi32>
      tpu.vector_store_idx %arg13[%sub3A_928], %or3A_932 masked %and3A_905 : memref<25088xi32, #tpu.memory_space<vmem>>[vector<16xi32>], vector<16xi32>, vector<16xi1>
      %all_reduce_population_count3A_933 = tpu.all_reduce %and3A_902 {dim = 0 : i64, kind = #tpu.reduction_kind<sum>} : vector<16xi1> -> vector<16xi32>
      %add3A_934 = arith.addi %add3A_877, %all_reduce_population_count3A_933 : vector<16xi32>
      %all_reduce_population_count3A_935 = tpu.all_reduce %and3A_905 {dim = 0 : i64, kind = #tpu.reduction_kind<sum>} : vector<16xi1> -> vector<16xi32>
      %add3A_936 = arith.addi %add3A_879, %all_reduce_population_count3A_935 : vector<16xi32>
      scf.yield %add3A_934, %add3A_936 : vector<16xi32>, vector<16xi32>
    }
    %scan3A_239 = arith.constant 32 : i32
    %add3A_240 = arith.constant 20480 : i32
    %add3A_241 = arith.addi %select_n3A, %add3A_240 : i32
    %min3A_242 = arith.constant 797952 : i32
    %min3A_243 = arith.minsi %add3A_241, %min3A_242 : i32
    %multiple_of3A_244 = tpu.assume_multiple %min3A_243, 128 : i32
    %dma_start3A_245 = arith.constant 0 : i32
    %dma_start3A_246 = tpu.memref_slice %arg2[%dma_start3A_245, %multiple_of3A_244] : memref<2x800000xi32, #tpu.memory_space<hbm>> -> memref<2x2048xi32, #tpu.memory_space<hbm>>
    %dma_start3A_247 = arith.constant 0 : i32
    %dma_start3A_248 = tpu.memref_slice %arg2[%dma_start3A_247, %multiple_of3A_244] : memref<2x800000xi32, #tpu.memory_space<hbm>> -> memref<2x2048xi32, #tpu.memory_space<hbm>>
    tpu.enqueue_dma source(%dma_start3A_248 : memref<2x2048xi32, #tpu.memory_space<hbm>>) target(%arg11 : memref<2x2048xi32, #tpu.memory_space<vmem>>) target_semaphore(%arg21 : memref<!tpu.dma_semaphore, #tpu.memory_space<semaphore_mem>>)
    %dma_wait3A_249 = arith.constant 0 : i32
    %dma_wait3A_250 = arith.constant 0 : i32
    %dma_wait3A_251 = tpu.memref_slice %arg2[%dma_wait3A_249, %dma_wait3A_250] : memref<2x800000xi32, #tpu.memory_space<hbm>> -> memref<2x2048xi32, #tpu.memory_space<hbm>>
    %dma_wait3A_252 = arith.constant 0 : i32
    %dma_wait3A_253 = arith.constant 0 : i32
    %dma_wait3A_254 = tpu.memref_slice %arg2[%dma_wait3A_252, %dma_wait3A_253] : memref<2x800000xi32, #tpu.memory_space<hbm>> -> memref<2x2048xi32, #tpu.memory_space<hbm>>
    tpu.wait_dma2 semaphore(%arg21 : memref<!tpu.dma_semaphore, #tpu.memory_space<semaphore_mem>>) src(%dma_wait3A_254 : memref<2x2048xi32, #tpu.memory_space<hbm>>) dst(%arg11 : memref<2x2048xi32, #tpu.memory_space<vmem>>)
    %scan3A_255 = arith.constant 0 : i32
    %scan3A_256 = arith.constant 32 : i32
    %scan3A_257 = arith.addi %scan3A_255, %scan3A_256 : i32
    %scan3A_258 = arith.constant 1 : i32
    %scan3A_259:2 = scf.for %scan3A_712 = %scan3A_255 to %scan3A_257 step %scan3A_258 iter_args(%scan3A_713 = %scan3A_238#0, %scan3A_714 = %scan3A_238#1) -> (vector<16xi32>, vector<16xi32>)  : i32 {
      %mul3A_715 = arith.constant 4 : i32
      %mul3A_716 = arith.muli %scan3A_712, %mul3A_715 : i32
      %add3A_717 = arith.constant 0 : i32
      %add3A_718 = arith.addi %mul3A_716, %add3A_717 : i32
      %mul3A_719 = arith.constant 16 : i32
      %mul3A_720 = arith.muli %add3A_718, %mul3A_719 : i32
      %multiple_of3A_721 = tpu.assume_multiple %mul3A_720, 16 : i32
      %get3A_722 = arith.constant 1 : i32
      %get3A_723 = arith.index_cast %get3A_722 : i32 to index
      %get3A_724 = arith.index_cast %multiple_of3A_721 : i32 to index
      %get3A_725 = tpu.vector_load %arg12[%get3A_723, %get3A_724] {strides = array<i32>} : memref<2x2048xi32, #tpu.memory_space<vmem>>, vector<16xi32>,
      %get3A_726 = arith.constant 0 : i32
      %get3A_727 = arith.index_cast %get3A_726 : i32 to index
      %get3A_728 = arith.index_cast %multiple_of3A_721 : i32 to index
      %get3A_729 = tpu.vector_load %arg12[%get3A_727, %get3A_728] {strides = array<i32>} : memref<2x2048xi32, #tpu.memory_space<vmem>>, vector<16xi32>,
      %gather3A_730 = tpu.vector_load_idx %arg9[%get3A_725] : memref<50000xi32, #tpu.memory_space<vmem>>[vector<16xi32>], vector<16xi32>,
      %ge3A = arith.constant 0 : i32
      %ge3A_731 = vector.broadcast %ge3A : i32 to vector<16xi32>
      %ge3A_732 = arith.cmpi sge, %gather3A_730, %ge3A_731 : vector<16xi32>
      %lt3A_733 = arith.constant 25000 : i32
      %lt3A_734 = vector.broadcast %lt3A_733 : i32 to vector<16xi32>
      %lt3A_735 = arith.cmpi slt, %get3A_729, %lt3A_734 : vector<16xi32>
      %and3A_736 = arith.andi %ge3A_732, %lt3A_735 : vector<16xi1>
      %not3A = arith.constant dense<true> : vector<16xi1>
      %not3A_737 = arith.xori %lt3A_735, %not3A : vector<16xi1>
      %and3A_738 = arith.andi %ge3A_732, %not3A_737 : vector<16xi1>
      %shift_left3A = arith.constant 17 : i32
      %shift_left3A_739 = vector.broadcast %shift_left3A : i32 to vector<16xi32>
      %shift_left3A_740 = arith.shli %gather3A_730, %shift_left3A_739 : vector<16xi32>
      %convert_element_type3A_741 = arith.extui %and3A_736 : vector<16xi1> to vector<16xi32>
      %broadcast_in_dim3A_742 = arith.constant true
      %broadcast_in_dim3A_743 = vector.broadcast %broadcast_in_dim3A_742 : i1 to vector<16xi1>
      %masked_cumsum3A = tpu.scan <sum>, %convert_element_type3A_741 masked %broadcast_in_dim3A_743 : vector<16xi32>, vector<16xi1> -> vector<16xi32>
      %add3A_744 = arith.addi %scan3A_713, %masked_cumsum3A : vector<16xi32>
      %sub3A_745 = arith.constant 1 : i32
      %sub3A_746 = vector.broadcast %sub3A_745 : i32 to vector<16xi32>
      %sub3A_747 = arith.subi %add3A_744, %sub3A_746 : vector<16xi32>
      %or3A = arith.ori %get3A_729, %shift_left3A_740 : vector<16xi32>
      tpu.vector_store_idx %arg13[%sub3A_747], %or3A masked %and3A_736 : memref<25088xi32, #tpu.memory_space<vmem>>[vector<16xi32>], vector<16xi32>, vector<16xi1>
      %convert_element_type3A_748 = arith.extui %and3A_738 : vector<16xi1> to vector<16xi32>
      %broadcast_in_dim3A_749 = arith.constant true
      %broadcast_in_dim3A_750 = vector.broadcast %broadcast_in_dim3A_749 : i1 to vector<16xi1>
      %masked_cumsum3A_751 = tpu.scan <sum>, %convert_element_type3A_748 masked %broadcast_in_dim3A_750 : vector<16xi32>, vector<16xi1> -> vector<16xi32>
      %add3A_752 = arith.addi %scan3A_714, %masked_cumsum3A_751 : vector<16xi32>
      %sub3A_753 = arith.constant 1 : i32
      %sub3A_754 = vector.broadcast %sub3A_753 : i32 to vector<16xi32>
      %sub3A_755 = arith.subi %add3A_752, %sub3A_754 : vector<16xi32>
      %sub3A_756 = arith.constant 25087 : i32
      %sub3A_757 = vector.broadcast %sub3A_756 : i32 to vector<16xi32>
      %sub3A_758 = arith.subi %sub3A_757, %sub3A_755 : vector<16xi32>
      %sub3A_759 = arith.constant 25000 : i32
      %sub3A_760 = vector.broadcast %sub3A_759 : i32 to vector<16xi32>
      %sub3A_761 = arith.subi %get3A_729, %sub3A_760 : vector<16xi32>
      %or3A_762 = arith.ori %sub3A_761, %shift_left3A_740 : vector<16xi32>
      tpu.vector_store_idx %arg13[%sub3A_758], %or3A_762 masked %and3A_738 : memref<25088xi32, #tpu.memory_space<vmem>>[vector<16xi32>], vector<16xi32>, vector<16xi1>
      %all_reduce_population_count3A = tpu.all_reduce %and3A_736 {dim = 0 : i64, kind = #tpu.reduction_kind<sum>} : vector<16xi1> -> vector<16xi32>
      %add3A_763 = arith.addi %scan3A_713, %all_reduce_population_count3A : vector<16xi32>
      %all_reduce_population_count3A_764 = tpu.all_reduce %and3A_738 {dim = 0 : i64, kind = #tpu.reduction_kind<sum>} : vector<16xi1> -> vector<16xi32>
      %add3A_765 = arith.addi %scan3A_714, %all_reduce_population_count3A_764 : vector<16xi32>
      %mul3A_766 = arith.constant 4 : i32
      %mul3A_767 = arith.muli %scan3A_712, %mul3A_766 : i32
      %add3A_768 = arith.constant 1 : i32
      %add3A_769 = arith.addi %mul3A_767, %add3A_768 : i32
      %mul3A_770 = arith.constant 16 : i32
      %mul3A_771 = arith.muli %add3A_769, %mul3A_770 : i32
      %multiple_of3A_772 = tpu.assume_multiple %mul3A_771, 16 : i32
      %get3A_773 = arith.constant 1 : i32
      %get3A_774 = arith.index_cast %get3A_773 : i32 to index
      %get3A_775 = arith.index_cast %multiple_of3A_772 : i32 to index
      %get3A_776 = tpu.vector_load %arg12[%get3A_774, %get3A_775] {strides = array<i32>} : memref<2x2048xi32, #tpu.memory_space<vmem>>, vector<16xi32>,
      %get3A_777 = arith.constant 0 : i32
      %get3A_778 = arith.index_cast %get3A_777 : i32 to index
      %get3A_779 = arith.index_cast %multiple_of3A_772 : i32 to index
      %get3A_780 = tpu.vector_load %arg12[%get3A_778, %get3A_779] {strides = array<i32>} : memref<2x2048xi32, #tpu.memory_space<vmem>>, vector<16xi32>,
      %gather3A_781 = tpu.vector_load_idx %arg9[%get3A_776] : memref<50000xi32, #tpu.memory_space<vmem>>[vector<16xi32>], vector<16xi32>,
      %ge3A_782 = arith.constant 0 : i32
      %ge3A_783 = vector.broadcast %ge3A_782 : i32 to vector<16xi32>
      %ge3A_784 = arith.cmpi sge, %gather3A_781, %ge3A_783 : vector<16xi32>
      %lt3A_785 = arith.constant 25000 : i32
      %lt3A_786 = vector.broadcast %lt3A_785 : i32 to vector<16xi32>
      %lt3A_787 = arith.cmpi slt, %get3A_780, %lt3A_786 : vector<16xi32>
      %and3A_788 = arith.andi %ge3A_784, %lt3A_787 : vector<16xi1>
      %not3A_789 = arith.constant dense<true> : vector<16xi1>
      %not3A_790 = arith.xori %lt3A_787, %not3A_789 : vector<16xi1>
      %and3A_791 = arith.andi %ge3A_784, %not3A_790 : vector<16xi1>
      %shift_left3A_792 = arith.constant 17 : i32
      %shift_left3A_793 = vector.broadcast %shift_left3A_792 : i32 to vector<16xi32>
      %shift_left3A_794 = arith.shli %gather3A_781, %shift_left3A_793 : vector<16xi32>
      %convert_element_type3A_795 = arith.extui %and3A_788 : vector<16xi1> to vector<16xi32>
      %broadcast_in_dim3A_796 = arith.constant true
      %broadcast_in_dim3A_797 = vector.broadcast %broadcast_in_dim3A_796 : i1 to vector<16xi1>
      %masked_cumsum3A_798 = tpu.scan <sum>, %convert_element_type3A_795 masked %broadcast_in_dim3A_797 : vector<16xi32>, vector<16xi1> -> vector<16xi32>
      %add3A_799 = arith.addi %add3A_763, %masked_cumsum3A_798 : vector<16xi32>
      %sub3A_800 = arith.constant 1 : i32
      %sub3A_801 = vector.broadcast %sub3A_800 : i32 to vector<16xi32>
      %sub3A_802 = arith.subi %add3A_799, %sub3A_801 : vector<16xi32>
      %or3A_803 = arith.ori %get3A_780, %shift_left3A_794 : vector<16xi32>
      tpu.vector_store_idx %arg13[%sub3A_802], %or3A_803 masked %and3A_788 : memref<25088xi32, #tpu.memory_space<vmem>>[vector<16xi32>], vector<16xi32>, vector<16xi1>
      %convert_element_type3A_804 = arith.extui %and3A_791 : vector<16xi1> to vector<16xi32>
      %broadcast_in_dim3A_805 = arith.constant true
      %broadcast_in_dim3A_806 = vector.broadcast %broadcast_in_dim3A_805 : i1 to vector<16xi1>
      %masked_cumsum3A_807 = tpu.scan <sum>, %convert_element_type3A_804 masked %broadcast_in_dim3A_806 : vector<16xi32>, vector<16xi1> -> vector<16xi32>
      %add3A_808 = arith.addi %add3A_765, %masked_cumsum3A_807 : vector<16xi32>
      %sub3A_809 = arith.constant 1 : i32
      %sub3A_810 = vector.broadcast %sub3A_809 : i32 to vector<16xi32>
      %sub3A_811 = arith.subi %add3A_808, %sub3A_810 : vector<16xi32>
      %sub3A_812 = arith.constant 25087 : i32
      %sub3A_813 = vector.broadcast %sub3A_812 : i32 to vector<16xi32>
      %sub3A_814 = arith.subi %sub3A_813, %sub3A_811 : vector<16xi32>
      %sub3A_815 = arith.constant 25000 : i32
      %sub3A_816 = vector.broadcast %sub3A_815 : i32 to vector<16xi32>
      %sub3A_817 = arith.subi %get3A_780, %sub3A_816 : vector<16xi32>
      %or3A_818 = arith.ori %sub3A_817, %shift_left3A_794 : vector<16xi32>
      tpu.vector_store_idx %arg13[%sub3A_814], %or3A_818 masked %and3A_791 : memref<25088xi32, #tpu.memory_space<vmem>>[vector<16xi32>], vector<16xi32>, vector<16xi1>
      %all_reduce_population_count3A_819 = tpu.all_reduce %and3A_788 {dim = 0 : i64, kind = #tpu.reduction_kind<sum>} : vector<16xi1> -> vector<16xi32>
      %add3A_820 = arith.addi %add3A_763, %all_reduce_population_count3A_819 : vector<16xi32>
      %all_reduce_population_count3A_821 = tpu.all_reduce %and3A_791 {dim = 0 : i64, kind = #tpu.reduction_kind<sum>} : vector<16xi1> -> vector<16xi32>
      %add3A_822 = arith.addi %add3A_765, %all_reduce_population_count3A_821 : vector<16xi32>
      %mul3A_823 = arith.constant 4 : i32
      %mul3A_824 = arith.muli %scan3A_712, %mul3A_823 : i32
      %add3A_825 = arith.constant 2 : i32
      %add3A_826 = arith.addi %mul3A_824, %add3A_825 : i32
      %mul3A_827 = arith.constant 16 : i32
      %mul3A_828 = arith.muli %add3A_826, %mul3A_827 : i32
      %multiple_of3A_829 = tpu.assume_multiple %mul3A_828, 16 : i32
      %get3A_830 = arith.constant 1 : i32
      %get3A_831 = arith.index_cast %get3A_830 : i32 to index
      %get3A_832 = arith.index_cast %multiple_of3A_829 : i32 to index
      %get3A_833 = tpu.vector_load %arg12[%get3A_831, %get3A_832] {strides = array<i32>} : memref<2x2048xi32, #tpu.memory_space<vmem>>, vector<16xi32>,
      %get3A_834 = arith.constant 0 : i32
      %get3A_835 = arith.index_cast %get3A_834 : i32 to index
      %get3A_836 = arith.index_cast %multiple_of3A_829 : i32 to index
      %get3A_837 = tpu.vector_load %arg12[%get3A_835, %get3A_836] {strides = array<i32>} : memref<2x2048xi32, #tpu.memory_space<vmem>>, vector<16xi32>,
      %gather3A_838 = tpu.vector_load_idx %arg9[%get3A_833] : memref<50000xi32, #tpu.memory_space<vmem>>[vector<16xi32>], vector<16xi32>,
      %ge3A_839 = arith.constant 0 : i32
      %ge3A_840 = vector.broadcast %ge3A_839 : i32 to vector<16xi32>
      %ge3A_841 = arith.cmpi sge, %gather3A_838, %ge3A_840 : vector<16xi32>
      %lt3A_842 = arith.constant 25000 : i32
      %lt3A_843 = vector.broadcast %lt3A_842 : i32 to vector<16xi32>
      %lt3A_844 = arith.cmpi slt, %get3A_837, %lt3A_843 : vector<16xi32>
      %and3A_845 = arith.andi %ge3A_841, %lt3A_844 : vector<16xi1>
      %not3A_846 = arith.constant dense<true> : vector<16xi1>
      %not3A_847 = arith.xori %lt3A_844, %not3A_846 : vector<16xi1>
      %and3A_848 = arith.andi %ge3A_841, %not3A_847 : vector<16xi1>
      %shift_left3A_849 = arith.constant 17 : i32
      %shift_left3A_850 = vector.broadcast %shift_left3A_849 : i32 to vector<16xi32>
      %shift_left3A_851 = arith.shli %gather3A_838, %shift_left3A_850 : vector<16xi32>
      %convert_element_type3A_852 = arith.extui %and3A_845 : vector<16xi1> to vector<16xi32>
      %broadcast_in_dim3A_853 = arith.constant true
      %broadcast_in_dim3A_854 = vector.broadcast %broadcast_in_dim3A_853 : i1 to vector<16xi1>
      %masked_cumsum3A_855 = tpu.scan <sum>, %convert_element_type3A_852 masked %broadcast_in_dim3A_854 : vector<16xi32>, vector<16xi1> -> vector<16xi32>
      %add3A_856 = arith.addi %add3A_820, %masked_cumsum3A_855 : vector<16xi32>
      %sub3A_857 = arith.constant 1 : i32
      %sub3A_858 = vector.broadcast %sub3A_857 : i32 to vector<16xi32>
      %sub3A_859 = arith.subi %add3A_856, %sub3A_858 : vector<16xi32>
      %or3A_860 = arith.ori %get3A_837, %shift_left3A_851 : vector<16xi32>
      tpu.vector_store_idx %arg13[%sub3A_859], %or3A_860 masked %and3A_845 : memref<25088xi32, #tpu.memory_space<vmem>>[vector<16xi32>], vector<16xi32>, vector<16xi1>
      %convert_element_type3A_861 = arith.extui %and3A_848 : vector<16xi1> to vector<16xi32>
      %broadcast_in_dim3A_862 = arith.constant true
      %broadcast_in_dim3A_863 = vector.broadcast %broadcast_in_dim3A_862 : i1 to vector<16xi1>
      %masked_cumsum3A_864 = tpu.scan <sum>, %convert_element_type3A_861 masked %broadcast_in_dim3A_863 : vector<16xi32>, vector<16xi1> -> vector<16xi32>
      %add3A_865 = arith.addi %add3A_822, %masked_cumsum3A_864 : vector<16xi32>
      %sub3A_866 = arith.constant 1 : i32
      %sub3A_867 = vector.broadcast %sub3A_866 : i32 to vector<16xi32>
      %sub3A_868 = arith.subi %add3A_865, %sub3A_867 : vector<16xi32>
      %sub3A_869 = arith.constant 25087 : i32
      %sub3A_870 = vector.broadcast %sub3A_869 : i32 to vector<16xi32>
      %sub3A_871 = arith.subi %sub3A_870, %sub3A_868 : vector<16xi32>
      %sub3A_872 = arith.constant 25000 : i32
      %sub3A_873 = vector.broadcast %sub3A_872 : i32 to vector<16xi32>
      %sub3A_874 = arith.subi %get3A_837, %sub3A_873 : vector<16xi32>
      %or3A_875 = arith.ori %sub3A_874, %shift_left3A_851 : vector<16xi32>
      tpu.vector_store_idx %arg13[%sub3A_871], %or3A_875 masked %and3A_848 : memref<25088xi32, #tpu.memory_space<vmem>>[vector<16xi32>], vector<16xi32>, vector<16xi1>
      %all_reduce_population_count3A_876 = tpu.all_reduce %and3A_845 {dim = 0 : i64, kind = #tpu.reduction_kind<sum>} : vector<16xi1> -> vector<16xi32>
      %add3A_877 = arith.addi %add3A_820, %all_reduce_population_count3A_876 : vector<16xi32>
      %all_reduce_population_count3A_878 = tpu.all_reduce %and3A_848 {dim = 0 : i64, kind = #tpu.reduction_kind<sum>} : vector<16xi1> -> vector<16xi32>
      %add3A_879 = arith.addi %add3A_822, %all_reduce_population_count3A_878 : vector<16xi32>
      %mul3A_880 = arith.constant 4 : i32
      %mul3A_881 = arith.muli %scan3A_712, %mul3A_880 : i32
      %add3A_882 = arith.constant 3 : i32
      %add3A_883 = arith.addi %mul3A_881, %add3A_882 : i32
      %mul3A_884 = arith.constant 16 : i32
      %mul3A_885 = arith.muli %add3A_883, %mul3A_884 : i32
      %multiple_of3A_886 = tpu.assume_multiple %mul3A_885, 16 : i32
      %get3A_887 = arith.constant 1 : i32
      %get3A_888 = arith.index_cast %get3A_887 : i32 to index
      %get3A_889 = arith.index_cast %multiple_of3A_886 : i32 to index
      %get3A_890 = tpu.vector_load %arg12[%get3A_888, %get3A_889] {strides = array<i32>} : memref<2x2048xi32, #tpu.memory_space<vmem>>, vector<16xi32>,
      %get3A_891 = arith.constant 0 : i32
      %get3A_892 = arith.index_cast %get3A_891 : i32 to index
      %get3A_893 = arith.index_cast %multiple_of3A_886 : i32 to index
      %get3A_894 = tpu.vector_load %arg12[%get3A_892, %get3A_893] {strides = array<i32>} : memref<2x2048xi32, #tpu.memory_space<vmem>>, vector<16xi32>,
      %gather3A_895 = tpu.vector_load_idx %arg9[%get3A_890] : memref<50000xi32, #tpu.memory_space<vmem>>[vector<16xi32>], vector<16xi32>,
      %ge3A_896 = arith.constant 0 : i32
      %ge3A_897 = vector.broadcast %ge3A_896 : i32 to vector<16xi32>
      %ge3A_898 = arith.cmpi sge, %gather3A_895, %ge3A_897 : vector<16xi32>
      %lt3A_899 = arith.constant 25000 : i32
      %lt3A_900 = vector.broadcast %lt3A_899 : i32 to vector<16xi32>
      %lt3A_901 = arith.cmpi slt, %get3A_894, %lt3A_900 : vector<16xi32>
      %and3A_902 = arith.andi %ge3A_898, %lt3A_901 : vector<16xi1>
      %not3A_903 = arith.constant dense<true> : vector<16xi1>
      %not3A_904 = arith.xori %lt3A_901, %not3A_903 : vector<16xi1>
      %and3A_905 = arith.andi %ge3A_898, %not3A_904 : vector<16xi1>
      %shift_left3A_906 = arith.constant 17 : i32
      %shift_left3A_907 = vector.broadcast %shift_left3A_906 : i32 to vector<16xi32>
      %shift_left3A_908 = arith.shli %gather3A_895, %shift_left3A_907 : vector<16xi32>
      %convert_element_type3A_909 = arith.extui %and3A_902 : vector<16xi1> to vector<16xi32>
      %broadcast_in_dim3A_910 = arith.constant true
      %broadcast_in_dim3A_911 = vector.broadcast %broadcast_in_dim3A_910 : i1 to vector<16xi1>
      %masked_cumsum3A_912 = tpu.scan <sum>, %convert_element_type3A_909 masked %broadcast_in_dim3A_911 : vector<16xi32>, vector<16xi1> -> vector<16xi32>
      %add3A_913 = arith.addi %add3A_877, %masked_cumsum3A_912 : vector<16xi32>
      %sub3A_914 = arith.constant 1 : i32
      %sub3A_915 = vector.broadcast %sub3A_914 : i32 to vector<16xi32>
      %sub3A_916 = arith.subi %add3A_913, %sub3A_915 : vector<16xi32>
      %or3A_917 = arith.ori %get3A_894, %shift_left3A_908 : vector<16xi32>
      tpu.vector_store_idx %arg13[%sub3A_916], %or3A_917 masked %and3A_902 : memref<25088xi32, #tpu.memory_space<vmem>>[vector<16xi32>], vector<16xi32>, vector<16xi1>
      %convert_element_type3A_918 = arith.extui %and3A_905 : vector<16xi1> to vector<16xi32>
      %broadcast_in_dim3A_919 = arith.constant true
      %broadcast_in_dim3A_920 = vector.broadcast %broadcast_in_dim3A_919 : i1 to vector<16xi1>
      %masked_cumsum3A_921 = tpu.scan <sum>, %convert_element_type3A_918 masked %broadcast_in_dim3A_920 : vector<16xi32>, vector<16xi1> -> vector<16xi32>
      %add3A_922 = arith.addi %add3A_879, %masked_cumsum3A_921 : vector<16xi32>
      %sub3A_923 = arith.constant 1 : i32
      %sub3A_924 = vector.broadcast %sub3A_923 : i32 to vector<16xi32>
      %sub3A_925 = arith.subi %add3A_922, %sub3A_924 : vector<16xi32>
      %sub3A_926 = arith.constant 25087 : i32
      %sub3A_927 = vector.broadcast %sub3A_926 : i32 to vector<16xi32>
      %sub3A_928 = arith.subi %sub3A_927, %sub3A_925 : vector<16xi32>
      %sub3A_929 = arith.constant 25000 : i32
      %sub3A_930 = vector.broadcast %sub3A_929 : i32 to vector<16xi32>
      %sub3A_931 = arith.subi %get3A_894, %sub3A_930 : vector<16xi32>
      %or3A_932 = arith.ori %sub3A_931, %shift_left3A_908 : vector<16xi32>
      tpu.vector_store_idx %arg13[%sub3A_928], %or3A_932 masked %and3A_905 : memref<25088xi32, #tpu.memory_space<vmem>>[vector<16xi32>], vector<16xi32>, vector<16xi1>
      %all_reduce_population_count3A_933 = tpu.all_reduce %and3A_902 {dim = 0 : i64, kind = #tpu.reduction_kind<sum>} : vector<16xi1> -> vector<16xi32>
      %add3A_934 = arith.addi %add3A_877, %all_reduce_population_count3A_933 : vector<16xi32>
      %all_reduce_population_count3A_935 = tpu.all_reduce %and3A_905 {dim = 0 : i64, kind = #tpu.reduction_kind<sum>} : vector<16xi1> -> vector<16xi32>
      %add3A_936 = arith.addi %add3A_879, %all_reduce_population_count3A_935 : vector<16xi32>
      scf.yield %add3A_934, %add3A_936 : vector<16xi32>, vector<16xi32>
    }
    %scan3A_260 = arith.constant 32 : i32
    %add3A_261 = arith.constant 22528 : i32
    %add3A_262 = arith.addi %select_n3A, %add3A_261 : i32
    %min3A_263 = arith.constant 797952 : i32
    %min3A_264 = arith.minsi %add3A_262, %min3A_263 : i32
    %multiple_of3A_265 = tpu.assume_multiple %min3A_264, 128 : i32
    %dma_start3A_266 = arith.constant 0 : i32
    %dma_start3A_267 = tpu.memref_slice %arg2[%dma_start3A_266, %multiple_of3A_265] : memref<2x800000xi32, #tpu.memory_space<hbm>> -> memref<2x2048xi32, #tpu.memory_space<hbm>>
    %dma_start3A_268 = arith.constant 0 : i32
    %dma_start3A_269 = tpu.memref_slice %arg2[%dma_start3A_268, %multiple_of3A_265] : memref<2x800000xi32, #tpu.memory_space<hbm>> -> memref<2x2048xi32, #tpu.memory_space<hbm>>
    tpu.enqueue_dma source(%dma_start3A_269 : memref<2x2048xi32, #tpu.memory_space<hbm>>) target(%arg12 : memref<2x2048xi32, #tpu.memory_space<vmem>>) target_semaphore(%arg21 : memref<!tpu.dma_semaphore, #tpu.memory_space<semaphore_mem>>)
    %dma_wait3A_270 = arith.constant 0 : i32
    %dma_wait3A_271 = arith.constant 0 : i32
    %dma_wait3A_272 = tpu.memref_slice %arg2[%dma_wait3A_270, %dma_wait3A_271] : memref<2x800000xi32, #tpu.memory_space<hbm>> -> memref<2x2048xi32, #tpu.memory_space<hbm>>
    %dma_wait3A_273 = arith.constant 0 : i32
    %dma_wait3A_274 = arith.constant 0 : i32
    %dma_wait3A_275 = tpu.memref_slice %arg2[%dma_wait3A_273, %dma_wait3A_274] : memref<2x800000xi32, #tpu.memory_space<hbm>> -> memref<2x2048xi32, #tpu.memory_space<hbm>>
    tpu.wait_dma2 semaphore(%arg21 : memref<!tpu.dma_semaphore, #tpu.memory_space<semaphore_mem>>) src(%dma_wait3A_275 : memref<2x2048xi32, #tpu.memory_space<hbm>>) dst(%arg11 : memref<2x2048xi32, #tpu.memory_space<vmem>>)
    %scan3A_276 = arith.constant 0 : i32
    %scan3A_277 = arith.constant 32 : i32
    %scan3A_278 = arith.addi %scan3A_276, %scan3A_277 : i32
    %scan3A_279 = arith.constant 1 : i32
    %scan3A_280:2 = scf.for %scan3A_712 = %scan3A_276 to %scan3A_278 step %scan3A_279 iter_args(%scan3A_713 = %scan3A_259#0, %scan3A_714 = %scan3A_259#1) -> (vector<16xi32>, vector<16xi32>)  : i32 {
      %mul3A_715 = arith.constant 4 : i32
      %mul3A_716 = arith.muli %scan3A_712, %mul3A_715 : i32
      %add3A_717 = arith.constant 0 : i32
      %add3A_718 = arith.addi %mul3A_716, %add3A_717 : i32
      %mul3A_719 = arith.constant 16 : i32
      %mul3A_720 = arith.muli %add3A_718, %mul3A_719 : i32
      %multiple_of3A_721 = tpu.assume_multiple %mul3A_720, 16 : i32
      %get3A_722 = arith.constant 1 : i32
      %get3A_723 = arith.index_cast %get3A_722 : i32 to index
      %get3A_724 = arith.index_cast %multiple_of3A_721 : i32 to index
      %get3A_725 = tpu.vector_load %arg11[%get3A_723, %get3A_724] {strides = array<i32>} : memref<2x2048xi32, #tpu.memory_space<vmem>>, vector<16xi32>,
      %get3A_726 = arith.constant 0 : i32
      %get3A_727 = arith.index_cast %get3A_726 : i32 to index
      %get3A_728 = arith.index_cast %multiple_of3A_721 : i32 to index
      %get3A_729 = tpu.vector_load %arg11[%get3A_727, %get3A_728] {strides = array<i32>} : memref<2x2048xi32, #tpu.memory_space<vmem>>, vector<16xi32>,
      %gather3A_730 = tpu.vector_load_idx %arg9[%get3A_725] : memref<50000xi32, #tpu.memory_space<vmem>>[vector<16xi32>], vector<16xi32>,
      %ge3A = arith.constant 0 : i32
      %ge3A_731 = vector.broadcast %ge3A : i32 to vector<16xi32>
      %ge3A_732 = arith.cmpi sge, %gather3A_730, %ge3A_731 : vector<16xi32>
      %lt3A_733 = arith.constant 25000 : i32
      %lt3A_734 = vector.broadcast %lt3A_733 : i32 to vector<16xi32>
      %lt3A_735 = arith.cmpi slt, %get3A_729, %lt3A_734 : vector<16xi32>
      %and3A_736 = arith.andi %ge3A_732, %lt3A_735 : vector<16xi1>
      %not3A = arith.constant dense<true> : vector<16xi1>
      %not3A_737 = arith.xori %lt3A_735, %not3A : vector<16xi1>
      %and3A_738 = arith.andi %ge3A_732, %not3A_737 : vector<16xi1>
      %shift_left3A = arith.constant 17 : i32
      %shift_left3A_739 = vector.broadcast %shift_left3A : i32 to vector<16xi32>
      %shift_left3A_740 = arith.shli %gather3A_730, %shift_left3A_739 : vector<16xi32>
      %convert_element_type3A_741 = arith.extui %and3A_736 : vector<16xi1> to vector<16xi32>
      %broadcast_in_dim3A_742 = arith.constant true
      %broadcast_in_dim3A_743 = vector.broadcast %broadcast_in_dim3A_742 : i1 to vector<16xi1>
      %masked_cumsum3A = tpu.scan <sum>, %convert_element_type3A_741 masked %broadcast_in_dim3A_743 : vector<16xi32>, vector<16xi1> -> vector<16xi32>
      %add3A_744 = arith.addi %scan3A_713, %masked_cumsum3A : vector<16xi32>
      %sub3A_745 = arith.constant 1 : i32
      %sub3A_746 = vector.broadcast %sub3A_745 : i32 to vector<16xi32>
      %sub3A_747 = arith.subi %add3A_744, %sub3A_746 : vector<16xi32>
      %or3A = arith.ori %get3A_729, %shift_left3A_740 : vector<16xi32>
      tpu.vector_store_idx %arg13[%sub3A_747], %or3A masked %and3A_736 : memref<25088xi32, #tpu.memory_space<vmem>>[vector<16xi32>], vector<16xi32>, vector<16xi1>
      %convert_element_type3A_748 = arith.extui %and3A_738 : vector<16xi1> to vector<16xi32>
      %broadcast_in_dim3A_749 = arith.constant true
      %broadcast_in_dim3A_750 = vector.broadcast %broadcast_in_dim3A_749 : i1 to vector<16xi1>
      %masked_cumsum3A_751 = tpu.scan <sum>, %convert_element_type3A_748 masked %broadcast_in_dim3A_750 : vector<16xi32>, vector<16xi1> -> vector<16xi32>
      %add3A_752 = arith.addi %scan3A_714, %masked_cumsum3A_751 : vector<16xi32>
      %sub3A_753 = arith.constant 1 : i32
      %sub3A_754 = vector.broadcast %sub3A_753 : i32 to vector<16xi32>
      %sub3A_755 = arith.subi %add3A_752, %sub3A_754 : vector<16xi32>
      %sub3A_756 = arith.constant 25087 : i32
      %sub3A_757 = vector.broadcast %sub3A_756 : i32 to vector<16xi32>
      %sub3A_758 = arith.subi %sub3A_757, %sub3A_755 : vector<16xi32>
      %sub3A_759 = arith.constant 25000 : i32
      %sub3A_760 = vector.broadcast %sub3A_759 : i32 to vector<16xi32>
      %sub3A_761 = arith.subi %get3A_729, %sub3A_760 : vector<16xi32>
      %or3A_762 = arith.ori %sub3A_761, %shift_left3A_740 : vector<16xi32>
      tpu.vector_store_idx %arg13[%sub3A_758], %or3A_762 masked %and3A_738 : memref<25088xi32, #tpu.memory_space<vmem>>[vector<16xi32>], vector<16xi32>, vector<16xi1>
      %all_reduce_population_count3A = tpu.all_reduce %and3A_736 {dim = 0 : i64, kind = #tpu.reduction_kind<sum>} : vector<16xi1> -> vector<16xi32>
      %add3A_763 = arith.addi %scan3A_713, %all_reduce_population_count3A : vector<16xi32>
      %all_reduce_population_count3A_764 = tpu.all_reduce %and3A_738 {dim = 0 : i64, kind = #tpu.reduction_kind<sum>} : vector<16xi1> -> vector<16xi32>
      %add3A_765 = arith.addi %scan3A_714, %all_reduce_population_count3A_764 : vector<16xi32>
      %mul3A_766 = arith.constant 4 : i32
      %mul3A_767 = arith.muli %scan3A_712, %mul3A_766 : i32
      %add3A_768 = arith.constant 1 : i32
      %add3A_769 = arith.addi %mul3A_767, %add3A_768 : i32
      %mul3A_770 = arith.constant 16 : i32
      %mul3A_771 = arith.muli %add3A_769, %mul3A_770 : i32
      %multiple_of3A_772 = tpu.assume_multiple %mul3A_771, 16 : i32
      %get3A_773 = arith.constant 1 : i32
      %get3A_774 = arith.index_cast %get3A_773 : i32 to index
      %get3A_775 = arith.index_cast %multiple_of3A_772 : i32 to index
      %get3A_776 = tpu.vector_load %arg11[%get3A_774, %get3A_775] {strides = array<i32>} : memref<2x2048xi32, #tpu.memory_space<vmem>>, vector<16xi32>,
      %get3A_777 = arith.constant 0 : i32
      %get3A_778 = arith.index_cast %get3A_777 : i32 to index
      %get3A_779 = arith.index_cast %multiple_of3A_772 : i32 to index
      %get3A_780 = tpu.vector_load %arg11[%get3A_778, %get3A_779] {strides = array<i32>} : memref<2x2048xi32, #tpu.memory_space<vmem>>, vector<16xi32>,
      %gather3A_781 = tpu.vector_load_idx %arg9[%get3A_776] : memref<50000xi32, #tpu.memory_space<vmem>>[vector<16xi32>], vector<16xi32>,
      %ge3A_782 = arith.constant 0 : i32
      %ge3A_783 = vector.broadcast %ge3A_782 : i32 to vector<16xi32>
      %ge3A_784 = arith.cmpi sge, %gather3A_781, %ge3A_783 : vector<16xi32>
      %lt3A_785 = arith.constant 25000 : i32
      %lt3A_786 = vector.broadcast %lt3A_785 : i32 to vector<16xi32>
      %lt3A_787 = arith.cmpi slt, %get3A_780, %lt3A_786 : vector<16xi32>
      %and3A_788 = arith.andi %ge3A_784, %lt3A_787 : vector<16xi1>
      %not3A_789 = arith.constant dense<true> : vector<16xi1>
      %not3A_790 = arith.xori %lt3A_787, %not3A_789 : vector<16xi1>
      %and3A_791 = arith.andi %ge3A_784, %not3A_790 : vector<16xi1>
      %shift_left3A_792 = arith.constant 17 : i32
      %shift_left3A_793 = vector.broadcast %shift_left3A_792 : i32 to vector<16xi32>
      %shift_left3A_794 = arith.shli %gather3A_781, %shift_left3A_793 : vector<16xi32>
      %convert_element_type3A_795 = arith.extui %and3A_788 : vector<16xi1> to vector<16xi32>
      %broadcast_in_dim3A_796 = arith.constant true
      %broadcast_in_dim3A_797 = vector.broadcast %broadcast_in_dim3A_796 : i1 to vector<16xi1>
      %masked_cumsum3A_798 = tpu.scan <sum>, %convert_element_type3A_795 masked %broadcast_in_dim3A_797 : vector<16xi32>, vector<16xi1> -> vector<16xi32>
      %add3A_799 = arith.addi %add3A_763, %masked_cumsum3A_798 : vector<16xi32>
      %sub3A_800 = arith.constant 1 : i32
      %sub3A_801 = vector.broadcast %sub3A_800 : i32 to vector<16xi32>
      %sub3A_802 = arith.subi %add3A_799, %sub3A_801 : vector<16xi32>
      %or3A_803 = arith.ori %get3A_780, %shift_left3A_794 : vector<16xi32>
      tpu.vector_store_idx %arg13[%sub3A_802], %or3A_803 masked %and3A_788 : memref<25088xi32, #tpu.memory_space<vmem>>[vector<16xi32>], vector<16xi32>, vector<16xi1>
      %convert_element_type3A_804 = arith.extui %and3A_791 : vector<16xi1> to vector<16xi32>
      %broadcast_in_dim3A_805 = arith.constant true
      %broadcast_in_dim3A_806 = vector.broadcast %broadcast_in_dim3A_805 : i1 to vector<16xi1>
      %masked_cumsum3A_807 = tpu.scan <sum>, %convert_element_type3A_804 masked %broadcast_in_dim3A_806 : vector<16xi32>, vector<16xi1> -> vector<16xi32>
      %add3A_808 = arith.addi %add3A_765, %masked_cumsum3A_807 : vector<16xi32>
      %sub3A_809 = arith.constant 1 : i32
      %sub3A_810 = vector.broadcast %sub3A_809 : i32 to vector<16xi32>
      %sub3A_811 = arith.subi %add3A_808, %sub3A_810 : vector<16xi32>
      %sub3A_812 = arith.constant 25087 : i32
      %sub3A_813 = vector.broadcast %sub3A_812 : i32 to vector<16xi32>
      %sub3A_814 = arith.subi %sub3A_813, %sub3A_811 : vector<16xi32>
      %sub3A_815 = arith.constant 25000 : i32
      %sub3A_816 = vector.broadcast %sub3A_815 : i32 to vector<16xi32>
      %sub3A_817 = arith.subi %get3A_780, %sub3A_816 : vector<16xi32>
      %or3A_818 = arith.ori %sub3A_817, %shift_left3A_794 : vector<16xi32>
      tpu.vector_store_idx %arg13[%sub3A_814], %or3A_818 masked %and3A_791 : memref<25088xi32, #tpu.memory_space<vmem>>[vector<16xi32>], vector<16xi32>, vector<16xi1>
      %all_reduce_population_count3A_819 = tpu.all_reduce %and3A_788 {dim = 0 : i64, kind = #tpu.reduction_kind<sum>} : vector<16xi1> -> vector<16xi32>
      %add3A_820 = arith.addi %add3A_763, %all_reduce_population_count3A_819 : vector<16xi32>
      %all_reduce_population_count3A_821 = tpu.all_reduce %and3A_791 {dim = 0 : i64, kind = #tpu.reduction_kind<sum>} : vector<16xi1> -> vector<16xi32>
      %add3A_822 = arith.addi %add3A_765, %all_reduce_population_count3A_821 : vector<16xi32>
      %mul3A_823 = arith.constant 4 : i32
      %mul3A_824 = arith.muli %scan3A_712, %mul3A_823 : i32
      %add3A_825 = arith.constant 2 : i32
      %add3A_826 = arith.addi %mul3A_824, %add3A_825 : i32
      %mul3A_827 = arith.constant 16 : i32
      %mul3A_828 = arith.muli %add3A_826, %mul3A_827 : i32
      %multiple_of3A_829 = tpu.assume_multiple %mul3A_828, 16 : i32
      %get3A_830 = arith.constant 1 : i32
      %get3A_831 = arith.index_cast %get3A_830 : i32 to index
      %get3A_832 = arith.index_cast %multiple_of3A_829 : i32 to index
      %get3A_833 = tpu.vector_load %arg11[%get3A_831, %get3A_832] {strides = array<i32>} : memref<2x2048xi32, #tpu.memory_space<vmem>>, vector<16xi32>,
      %get3A_834 = arith.constant 0 : i32
      %get3A_835 = arith.index_cast %get3A_834 : i32 to index
      %get3A_836 = arith.index_cast %multiple_of3A_829 : i32 to index
      %get3A_837 = tpu.vector_load %arg11[%get3A_835, %get3A_836] {strides = array<i32>} : memref<2x2048xi32, #tpu.memory_space<vmem>>, vector<16xi32>,
      %gather3A_838 = tpu.vector_load_idx %arg9[%get3A_833] : memref<50000xi32, #tpu.memory_space<vmem>>[vector<16xi32>], vector<16xi32>,
      %ge3A_839 = arith.constant 0 : i32
      %ge3A_840 = vector.broadcast %ge3A_839 : i32 to vector<16xi32>
      %ge3A_841 = arith.cmpi sge, %gather3A_838, %ge3A_840 : vector<16xi32>
      %lt3A_842 = arith.constant 25000 : i32
      %lt3A_843 = vector.broadcast %lt3A_842 : i32 to vector<16xi32>
      %lt3A_844 = arith.cmpi slt, %get3A_837, %lt3A_843 : vector<16xi32>
      %and3A_845 = arith.andi %ge3A_841, %lt3A_844 : vector<16xi1>
      %not3A_846 = arith.constant dense<true> : vector<16xi1>
      %not3A_847 = arith.xori %lt3A_844, %not3A_846 : vector<16xi1>
      %and3A_848 = arith.andi %ge3A_841, %not3A_847 : vector<16xi1>
      %shift_left3A_849 = arith.constant 17 : i32
      %shift_left3A_850 = vector.broadcast %shift_left3A_849 : i32 to vector<16xi32>
      %shift_left3A_851 = arith.shli %gather3A_838, %shift_left3A_850 : vector<16xi32>
      %convert_element_type3A_852 = arith.extui %and3A_845 : vector<16xi1> to vector<16xi32>
      %broadcast_in_dim3A_853 = arith.constant true
      %broadcast_in_dim3A_854 = vector.broadcast %broadcast_in_dim3A_853 : i1 to vector<16xi1>
      %masked_cumsum3A_855 = tpu.scan <sum>, %convert_element_type3A_852 masked %broadcast_in_dim3A_854 : vector<16xi32>, vector<16xi1> -> vector<16xi32>
      %add3A_856 = arith.addi %add3A_820, %masked_cumsum3A_855 : vector<16xi32>
      %sub3A_857 = arith.constant 1 : i32
      %sub3A_858 = vector.broadcast %sub3A_857 : i32 to vector<16xi32>
      %sub3A_859 = arith.subi %add3A_856, %sub3A_858 : vector<16xi32>
      %or3A_860 = arith.ori %get3A_837, %shift_left3A_851 : vector<16xi32>
      tpu.vector_store_idx %arg13[%sub3A_859], %or3A_860 masked %and3A_845 : memref<25088xi32, #tpu.memory_space<vmem>>[vector<16xi32>], vector<16xi32>, vector<16xi1>
      %convert_element_type3A_861 = arith.extui %and3A_848 : vector<16xi1> to vector<16xi32>
      %broadcast_in_dim3A_862 = arith.constant true
      %broadcast_in_dim3A_863 = vector.broadcast %broadcast_in_dim3A_862 : i1 to vector<16xi1>
      %masked_cumsum3A_864 = tpu.scan <sum>, %convert_element_type3A_861 masked %broadcast_in_dim3A_863 : vector<16xi32>, vector<16xi1> -> vector<16xi32>
      %add3A_865 = arith.addi %add3A_822, %masked_cumsum3A_864 : vector<16xi32>
      %sub3A_866 = arith.constant 1 : i32
      %sub3A_867 = vector.broadcast %sub3A_866 : i32 to vector<16xi32>
      %sub3A_868 = arith.subi %add3A_865, %sub3A_867 : vector<16xi32>
      %sub3A_869 = arith.constant 25087 : i32
      %sub3A_870 = vector.broadcast %sub3A_869 : i32 to vector<16xi32>
      %sub3A_871 = arith.subi %sub3A_870, %sub3A_868 : vector<16xi32>
      %sub3A_872 = arith.constant 25000 : i32
      %sub3A_873 = vector.broadcast %sub3A_872 : i32 to vector<16xi32>
      %sub3A_874 = arith.subi %get3A_837, %sub3A_873 : vector<16xi32>
      %or3A_875 = arith.ori %sub3A_874, %shift_left3A_851 : vector<16xi32>
      tpu.vector_store_idx %arg13[%sub3A_871], %or3A_875 masked %and3A_848 : memref<25088xi32, #tpu.memory_space<vmem>>[vector<16xi32>], vector<16xi32>, vector<16xi1>
      %all_reduce_population_count3A_876 = tpu.all_reduce %and3A_845 {dim = 0 : i64, kind = #tpu.reduction_kind<sum>} : vector<16xi1> -> vector<16xi32>
      %add3A_877 = arith.addi %add3A_820, %all_reduce_population_count3A_876 : vector<16xi32>
      %all_reduce_population_count3A_878 = tpu.all_reduce %and3A_848 {dim = 0 : i64, kind = #tpu.reduction_kind<sum>} : vector<16xi1> -> vector<16xi32>
      %add3A_879 = arith.addi %add3A_822, %all_reduce_population_count3A_878 : vector<16xi32>
      %mul3A_880 = arith.constant 4 : i32
      %mul3A_881 = arith.muli %scan3A_712, %mul3A_880 : i32
      %add3A_882 = arith.constant 3 : i32
      %add3A_883 = arith.addi %mul3A_881, %add3A_882 : i32
      %mul3A_884 = arith.constant 16 : i32
      %mul3A_885 = arith.muli %add3A_883, %mul3A_884 : i32
      %multiple_of3A_886 = tpu.assume_multiple %mul3A_885, 16 : i32
      %get3A_887 = arith.constant 1 : i32
      %get3A_888 = arith.index_cast %get3A_887 : i32 to index
      %get3A_889 = arith.index_cast %multiple_of3A_886 : i32 to index
      %get3A_890 = tpu.vector_load %arg11[%get3A_888, %get3A_889] {strides = array<i32>} : memref<2x2048xi32, #tpu.memory_space<vmem>>, vector<16xi32>,
      %get3A_891 = arith.constant 0 : i32
      %get3A_892 = arith.index_cast %get3A_891 : i32 to index
      %get3A_893 = arith.index_cast %multiple_of3A_886 : i32 to index
      %get3A_894 = tpu.vector_load %arg11[%get3A_892, %get3A_893] {strides = array<i32>} : memref<2x2048xi32, #tpu.memory_space<vmem>>, vector<16xi32>,
      %gather3A_895 = tpu.vector_load_idx %arg9[%get3A_890] : memref<50000xi32, #tpu.memory_space<vmem>>[vector<16xi32>], vector<16xi32>,
      %ge3A_896 = arith.constant 0 : i32
      %ge3A_897 = vector.broadcast %ge3A_896 : i32 to vector<16xi32>
      %ge3A_898 = arith.cmpi sge, %gather3A_895, %ge3A_897 : vector<16xi32>
      %lt3A_899 = arith.constant 25000 : i32
      %lt3A_900 = vector.broadcast %lt3A_899 : i32 to vector<16xi32>
      %lt3A_901 = arith.cmpi slt, %get3A_894, %lt3A_900 : vector<16xi32>
      %and3A_902 = arith.andi %ge3A_898, %lt3A_901 : vector<16xi1>
      %not3A_903 = arith.constant dense<true> : vector<16xi1>
      %not3A_904 = arith.xori %lt3A_901, %not3A_903 : vector<16xi1>
      %and3A_905 = arith.andi %ge3A_898, %not3A_904 : vector<16xi1>
      %shift_left3A_906 = arith.constant 17 : i32
      %shift_left3A_907 = vector.broadcast %shift_left3A_906 : i32 to vector<16xi32>
      %shift_left3A_908 = arith.shli %gather3A_895, %shift_left3A_907 : vector<16xi32>
      %convert_element_type3A_909 = arith.extui %and3A_902 : vector<16xi1> to vector<16xi32>
      %broadcast_in_dim3A_910 = arith.constant true
      %broadcast_in_dim3A_911 = vector.broadcast %broadcast_in_dim3A_910 : i1 to vector<16xi1>
      %masked_cumsum3A_912 = tpu.scan <sum>, %convert_element_type3A_909 masked %broadcast_in_dim3A_911 : vector<16xi32>, vector<16xi1> -> vector<16xi32>
      %add3A_913 = arith.addi %add3A_877, %masked_cumsum3A_912 : vector<16xi32>
      %sub3A_914 = arith.constant 1 : i32
      %sub3A_915 = vector.broadcast %sub3A_914 : i32 to vector<16xi32>
      %sub3A_916 = arith.subi %add3A_913, %sub3A_915 : vector<16xi32>
      %or3A_917 = arith.ori %get3A_894, %shift_left3A_908 : vector<16xi32>
      tpu.vector_store_idx %arg13[%sub3A_916], %or3A_917 masked %and3A_902 : memref<25088xi32, #tpu.memory_space<vmem>>[vector<16xi32>], vector<16xi32>, vector<16xi1>
      %convert_element_type3A_918 = arith.extui %and3A_905 : vector<16xi1> to vector<16xi32>
      %broadcast_in_dim3A_919 = arith.constant true
      %broadcast_in_dim3A_920 = vector.broadcast %broadcast_in_dim3A_919 : i1 to vector<16xi1>
      %masked_cumsum3A_921 = tpu.scan <sum>, %convert_element_type3A_918 masked %broadcast_in_dim3A_920 : vector<16xi32>, vector<16xi1> -> vector<16xi32>
      %add3A_922 = arith.addi %add3A_879, %masked_cumsum3A_921 : vector<16xi32>
      %sub3A_923 = arith.constant 1 : i32
      %sub3A_924 = vector.broadcast %sub3A_923 : i32 to vector<16xi32>
      %sub3A_925 = arith.subi %add3A_922, %sub3A_924 : vector<16xi32>
      %sub3A_926 = arith.constant 25087 : i32
      %sub3A_927 = vector.broadcast %sub3A_926 : i32 to vector<16xi32>
      %sub3A_928 = arith.subi %sub3A_927, %sub3A_925 : vector<16xi32>
      %sub3A_929 = arith.constant 25000 : i32
      %sub3A_930 = vector.broadcast %sub3A_929 : i32 to vector<16xi32>
      %sub3A_931 = arith.subi %get3A_894, %sub3A_930 : vector<16xi32>
      %or3A_932 = arith.ori %sub3A_931, %shift_left3A_908 : vector<16xi32>
      tpu.vector_store_idx %arg13[%sub3A_928], %or3A_932 masked %and3A_905 : memref<25088xi32, #tpu.memory_space<vmem>>[vector<16xi32>], vector<16xi32>, vector<16xi1>
      %all_reduce_population_count3A_933 = tpu.all_reduce %and3A_902 {dim = 0 : i64, kind = #tpu.reduction_kind<sum>} : vector<16xi1> -> vector<16xi32>
      %add3A_934 = arith.addi %add3A_877, %all_reduce_population_count3A_933 : vector<16xi32>
      %all_reduce_population_count3A_935 = tpu.all_reduce %and3A_905 {dim = 0 : i64, kind = #tpu.reduction_kind<sum>} : vector<16xi1> -> vector<16xi32>
      %add3A_936 = arith.addi %add3A_879, %all_reduce_population_count3A_935 : vector<16xi32>
      scf.yield %add3A_934, %add3A_936 : vector<16xi32>, vector<16xi32>
    }
    %scan3A_281 = arith.constant 32 : i32
    %add3A_282 = arith.constant 24576 : i32
    %add3A_283 = arith.addi %select_n3A, %add3A_282 : i32
    %min3A_284 = arith.constant 797952 : i32
    %min3A_285 = arith.minsi %add3A_283, %min3A_284 : i32
    %multiple_of3A_286 = tpu.assume_multiple %min3A_285, 128 : i32
    %dma_start3A_287 = arith.constant 0 : i32
    %dma_start3A_288 = tpu.memref_slice %arg2[%dma_start3A_287, %multiple_of3A_286] : memref<2x800000xi32, #tpu.memory_space<hbm>> -> memref<2x2048xi32, #tpu.memory_space<hbm>>
    %dma_start3A_289 = arith.constant 0 : i32
    %dma_start3A_290 = tpu.memref_slice %arg2[%dma_start3A_289, %multiple_of3A_286] : memref<2x800000xi32, #tpu.memory_space<hbm>> -> memref<2x2048xi32, #tpu.memory_space<hbm>>
    tpu.enqueue_dma source(%dma_start3A_290 : memref<2x2048xi32, #tpu.memory_space<hbm>>) target(%arg11 : memref<2x2048xi32, #tpu.memory_space<vmem>>) target_semaphore(%arg21 : memref<!tpu.dma_semaphore, #tpu.memory_space<semaphore_mem>>)
    %dma_wait3A_291 = arith.constant 0 : i32
    %dma_wait3A_292 = arith.constant 0 : i32
    %dma_wait3A_293 = tpu.memref_slice %arg2[%dma_wait3A_291, %dma_wait3A_292] : memref<2x800000xi32, #tpu.memory_space<hbm>> -> memref<2x2048xi32, #tpu.memory_space<hbm>>
    %dma_wait3A_294 = arith.constant 0 : i32
    %dma_wait3A_295 = arith.constant 0 : i32
    %dma_wait3A_296 = tpu.memref_slice %arg2[%dma_wait3A_294, %dma_wait3A_295] : memref<2x800000xi32, #tpu.memory_space<hbm>> -> memref<2x2048xi32, #tpu.memory_space<hbm>>
    tpu.wait_dma2 semaphore(%arg21 : memref<!tpu.dma_semaphore, #tpu.memory_space<semaphore_mem>>) src(%dma_wait3A_296 : memref<2x2048xi32, #tpu.memory_space<hbm>>) dst(%arg11 : memref<2x2048xi32, #tpu.memory_space<vmem>>)
    %scan3A_297 = arith.constant 0 : i32
    %scan3A_298 = arith.constant 32 : i32
    %scan3A_299 = arith.addi %scan3A_297, %scan3A_298 : i32
    %scan3A_300 = arith.constant 1 : i32
    %scan3A_301:2 = scf.for %scan3A_712 = %scan3A_297 to %scan3A_299 step %scan3A_300 iter_args(%scan3A_713 = %scan3A_280#0, %scan3A_714 = %scan3A_280#1) -> (vector<16xi32>, vector<16xi32>)  : i32 {
      %mul3A_715 = arith.constant 4 : i32
      %mul3A_716 = arith.muli %scan3A_712, %mul3A_715 : i32
      %add3A_717 = arith.constant 0 : i32
      %add3A_718 = arith.addi %mul3A_716, %add3A_717 : i32
      %mul3A_719 = arith.constant 16 : i32
      %mul3A_720 = arith.muli %add3A_718, %mul3A_719 : i32
      %multiple_of3A_721 = tpu.assume_multiple %mul3A_720, 16 : i32
      %get3A_722 = arith.constant 1 : i32
      %get3A_723 = arith.index_cast %get3A_722 : i32 to index
      %get3A_724 = arith.index_cast %multiple_of3A_721 : i32 to index
      %get3A_725 = tpu.vector_load %arg12[%get3A_723, %get3A_724] {strides = array<i32>} : memref<2x2048xi32, #tpu.memory_space<vmem>>, vector<16xi32>,
      %get3A_726 = arith.constant 0 : i32
      %get3A_727 = arith.index_cast %get3A_726 : i32 to index
      %get3A_728 = arith.index_cast %multiple_of3A_721 : i32 to index
      %get3A_729 = tpu.vector_load %arg12[%get3A_727, %get3A_728] {strides = array<i32>} : memref<2x2048xi32, #tpu.memory_space<vmem>>, vector<16xi32>,
      %gather3A_730 = tpu.vector_load_idx %arg9[%get3A_725] : memref<50000xi32, #tpu.memory_space<vmem>>[vector<16xi32>], vector<16xi32>,
      %ge3A = arith.constant 0 : i32
      %ge3A_731 = vector.broadcast %ge3A : i32 to vector<16xi32>
      %ge3A_732 = arith.cmpi sge, %gather3A_730, %ge3A_731 : vector<16xi32>
      %lt3A_733 = arith.constant 25000 : i32
      %lt3A_734 = vector.broadcast %lt3A_733 : i32 to vector<16xi32>
      %lt3A_735 = arith.cmpi slt, %get3A_729, %lt3A_734 : vector<16xi32>
      %and3A_736 = arith.andi %ge3A_732, %lt3A_735 : vector<16xi1>
      %not3A = arith.constant dense<true> : vector<16xi1>
      %not3A_737 = arith.xori %lt3A_735, %not3A : vector<16xi1>
      %and3A_738 = arith.andi %ge3A_732, %not3A_737 : vector<16xi1>
      %shift_left3A = arith.constant 17 : i32
      %shift_left3A_739 = vector.broadcast %shift_left3A : i32 to vector<16xi32>
      %shift_left3A_740 = arith.shli %gather3A_730, %shift_left3A_739 : vector<16xi32>
      %convert_element_type3A_741 = arith.extui %and3A_736 : vector<16xi1> to vector<16xi32>
      %broadcast_in_dim3A_742 = arith.constant true
      %broadcast_in_dim3A_743 = vector.broadcast %broadcast_in_dim3A_742 : i1 to vector<16xi1>
      %masked_cumsum3A = tpu.scan <sum>, %convert_element_type3A_741 masked %broadcast_in_dim3A_743 : vector<16xi32>, vector<16xi1> -> vector<16xi32>
      %add3A_744 = arith.addi %scan3A_713, %masked_cumsum3A : vector<16xi32>
      %sub3A_745 = arith.constant 1 : i32
      %sub3A_746 = vector.broadcast %sub3A_745 : i32 to vector<16xi32>
      %sub3A_747 = arith.subi %add3A_744, %sub3A_746 : vector<16xi32>
      %or3A = arith.ori %get3A_729, %shift_left3A_740 : vector<16xi32>
      tpu.vector_store_idx %arg13[%sub3A_747], %or3A masked %and3A_736 : memref<25088xi32, #tpu.memory_space<vmem>>[vector<16xi32>], vector<16xi32>, vector<16xi1>
      %convert_element_type3A_748 = arith.extui %and3A_738 : vector<16xi1> to vector<16xi32>
      %broadcast_in_dim3A_749 = arith.constant true
      %broadcast_in_dim3A_750 = vector.broadcast %broadcast_in_dim3A_749 : i1 to vector<16xi1>
      %masked_cumsum3A_751 = tpu.scan <sum>, %convert_element_type3A_748 masked %broadcast_in_dim3A_750 : vector<16xi32>, vector<16xi1> -> vector<16xi32>
      %add3A_752 = arith.addi %scan3A_714, %masked_cumsum3A_751 : vector<16xi32>
      %sub3A_753 = arith.constant 1 : i32
      %sub3A_754 = vector.broadcast %sub3A_753 : i32 to vector<16xi32>
      %sub3A_755 = arith.subi %add3A_752, %sub3A_754 : vector<16xi32>
      %sub3A_756 = arith.constant 25087 : i32
      %sub3A_757 = vector.broadcast %sub3A_756 : i32 to vector<16xi32>
      %sub3A_758 = arith.subi %sub3A_757, %sub3A_755 : vector<16xi32>
      %sub3A_759 = arith.constant 25000 : i32
      %sub3A_760 = vector.broadcast %sub3A_759 : i32 to vector<16xi32>
      %sub3A_761 = arith.subi %get3A_729, %sub3A_760 : vector<16xi32>
      %or3A_762 = arith.ori %sub3A_761, %shift_left3A_740 : vector<16xi32>
      tpu.vector_store_idx %arg13[%sub3A_758], %or3A_762 masked %and3A_738 : memref<25088xi32, #tpu.memory_space<vmem>>[vector<16xi32>], vector<16xi32>, vector<16xi1>
      %all_reduce_population_count3A = tpu.all_reduce %and3A_736 {dim = 0 : i64, kind = #tpu.reduction_kind<sum>} : vector<16xi1> -> vector<16xi32>
      %add3A_763 = arith.addi %scan3A_713, %all_reduce_population_count3A : vector<16xi32>
      %all_reduce_population_count3A_764 = tpu.all_reduce %and3A_738 {dim = 0 : i64, kind = #tpu.reduction_kind<sum>} : vector<16xi1> -> vector<16xi32>
      %add3A_765 = arith.addi %scan3A_714, %all_reduce_population_count3A_764 : vector<16xi32>
      %mul3A_766 = arith.constant 4 : i32
      %mul3A_767 = arith.muli %scan3A_712, %mul3A_766 : i32
      %add3A_768 = arith.constant 1 : i32
      %add3A_769 = arith.addi %mul3A_767, %add3A_768 : i32
      %mul3A_770 = arith.constant 16 : i32
      %mul3A_771 = arith.muli %add3A_769, %mul3A_770 : i32
      %multiple_of3A_772 = tpu.assume_multiple %mul3A_771, 16 : i32
      %get3A_773 = arith.constant 1 : i32
      %get3A_774 = arith.index_cast %get3A_773 : i32 to index
      %get3A_775 = arith.index_cast %multiple_of3A_772 : i32 to index
      %get3A_776 = tpu.vector_load %arg12[%get3A_774, %get3A_775] {strides = array<i32>} : memref<2x2048xi32, #tpu.memory_space<vmem>>, vector<16xi32>,
      %get3A_777 = arith.constant 0 : i32
      %get3A_778 = arith.index_cast %get3A_777 : i32 to index
      %get3A_779 = arith.index_cast %multiple_of3A_772 : i32 to index
      %get3A_780 = tpu.vector_load %arg12[%get3A_778, %get3A_779] {strides = array<i32>} : memref<2x2048xi32, #tpu.memory_space<vmem>>, vector<16xi32>,
      %gather3A_781 = tpu.vector_load_idx %arg9[%get3A_776] : memref<50000xi32, #tpu.memory_space<vmem>>[vector<16xi32>], vector<16xi32>,
      %ge3A_782 = arith.constant 0 : i32
      %ge3A_783 = vector.broadcast %ge3A_782 : i32 to vector<16xi32>
      %ge3A_784 = arith.cmpi sge, %gather3A_781, %ge3A_783 : vector<16xi32>
      %lt3A_785 = arith.constant 25000 : i32
      %lt3A_786 = vector.broadcast %lt3A_785 : i32 to vector<16xi32>
      %lt3A_787 = arith.cmpi slt, %get3A_780, %lt3A_786 : vector<16xi32>
      %and3A_788 = arith.andi %ge3A_784, %lt3A_787 : vector<16xi1>
      %not3A_789 = arith.constant dense<true> : vector<16xi1>
      %not3A_790 = arith.xori %lt3A_787, %not3A_789 : vector<16xi1>
      %and3A_791 = arith.andi %ge3A_784, %not3A_790 : vector<16xi1>
      %shift_left3A_792 = arith.constant 17 : i32
      %shift_left3A_793 = vector.broadcast %shift_left3A_792 : i32 to vector<16xi32>
      %shift_left3A_794 = arith.shli %gather3A_781, %shift_left3A_793 : vector<16xi32>
      %convert_element_type3A_795 = arith.extui %and3A_788 : vector<16xi1> to vector<16xi32>
      %broadcast_in_dim3A_796 = arith.constant true
      %broadcast_in_dim3A_797 = vector.broadcast %broadcast_in_dim3A_796 : i1 to vector<16xi1>
      %masked_cumsum3A_798 = tpu.scan <sum>, %convert_element_type3A_795 masked %broadcast_in_dim3A_797 : vector<16xi32>, vector<16xi1> -> vector<16xi32>
      %add3A_799 = arith.addi %add3A_763, %masked_cumsum3A_798 : vector<16xi32>
      %sub3A_800 = arith.constant 1 : i32
      %sub3A_801 = vector.broadcast %sub3A_800 : i32 to vector<16xi32>
      %sub3A_802 = arith.subi %add3A_799, %sub3A_801 : vector<16xi32>
      %or3A_803 = arith.ori %get3A_780, %shift_left3A_794 : vector<16xi32>
      tpu.vector_store_idx %arg13[%sub3A_802], %or3A_803 masked %and3A_788 : memref<25088xi32, #tpu.memory_space<vmem>>[vector<16xi32>], vector<16xi32>, vector<16xi1>
      %convert_element_type3A_804 = arith.extui %and3A_791 : vector<16xi1> to vector<16xi32>
      %broadcast_in_dim3A_805 = arith.constant true
      %broadcast_in_dim3A_806 = vector.broadcast %broadcast_in_dim3A_805 : i1 to vector<16xi1>
      %masked_cumsum3A_807 = tpu.scan <sum>, %convert_element_type3A_804 masked %broadcast_in_dim3A_806 : vector<16xi32>, vector<16xi1> -> vector<16xi32>
      %add3A_808 = arith.addi %add3A_765, %masked_cumsum3A_807 : vector<16xi32>
      %sub3A_809 = arith.constant 1 : i32
      %sub3A_810 = vector.broadcast %sub3A_809 : i32 to vector<16xi32>
      %sub3A_811 = arith.subi %add3A_808, %sub3A_810 : vector<16xi32>
      %sub3A_812 = arith.constant 25087 : i32
      %sub3A_813 = vector.broadcast %sub3A_812 : i32 to vector<16xi32>
      %sub3A_814 = arith.subi %sub3A_813, %sub3A_811 : vector<16xi32>
      %sub3A_815 = arith.constant 25000 : i32
      %sub3A_816 = vector.broadcast %sub3A_815 : i32 to vector<16xi32>
      %sub3A_817 = arith.subi %get3A_780, %sub3A_816 : vector<16xi32>
      %or3A_818 = arith.ori %sub3A_817, %shift_left3A_794 : vector<16xi32>
      tpu.vector_store_idx %arg13[%sub3A_814], %or3A_818 masked %and3A_791 : memref<25088xi32, #tpu.memory_space<vmem>>[vector<16xi32>], vector<16xi32>, vector<16xi1>
      %all_reduce_population_count3A_819 = tpu.all_reduce %and3A_788 {dim = 0 : i64, kind = #tpu.reduction_kind<sum>} : vector<16xi1> -> vector<16xi32>
      %add3A_820 = arith.addi %add3A_763, %all_reduce_population_count3A_819 : vector<16xi32>
      %all_reduce_population_count3A_821 = tpu.all_reduce %and3A_791 {dim = 0 : i64, kind = #tpu.reduction_kind<sum>} : vector<16xi1> -> vector<16xi32>
      %add3A_822 = arith.addi %add3A_765, %all_reduce_population_count3A_821 : vector<16xi32>
      %mul3A_823 = arith.constant 4 : i32
      %mul3A_824 = arith.muli %scan3A_712, %mul3A_823 : i32
      %add3A_825 = arith.constant 2 : i32
      %add3A_826 = arith.addi %mul3A_824, %add3A_825 : i32
      %mul3A_827 = arith.constant 16 : i32
      %mul3A_828 = arith.muli %add3A_826, %mul3A_827 : i32
      %multiple_of3A_829 = tpu.assume_multiple %mul3A_828, 16 : i32
      %get3A_830 = arith.constant 1 : i32
      %get3A_831 = arith.index_cast %get3A_830 : i32 to index
      %get3A_832 = arith.index_cast %multiple_of3A_829 : i32 to index
      %get3A_833 = tpu.vector_load %arg12[%get3A_831, %get3A_832] {strides = array<i32>} : memref<2x2048xi32, #tpu.memory_space<vmem>>, vector<16xi32>,
      %get3A_834 = arith.constant 0 : i32
      %get3A_835 = arith.index_cast %get3A_834 : i32 to index
      %get3A_836 = arith.index_cast %multiple_of3A_829 : i32 to index
      %get3A_837 = tpu.vector_load %arg12[%get3A_835, %get3A_836] {strides = array<i32>} : memref<2x2048xi32, #tpu.memory_space<vmem>>, vector<16xi32>,
      %gather3A_838 = tpu.vector_load_idx %arg9[%get3A_833] : memref<50000xi32, #tpu.memory_space<vmem>>[vector<16xi32>], vector<16xi32>,
      %ge3A_839 = arith.constant 0 : i32
      %ge3A_840 = vector.broadcast %ge3A_839 : i32 to vector<16xi32>
      %ge3A_841 = arith.cmpi sge, %gather3A_838, %ge3A_840 : vector<16xi32>
      %lt3A_842 = arith.constant 25000 : i32
      %lt3A_843 = vector.broadcast %lt3A_842 : i32 to vector<16xi32>
      %lt3A_844 = arith.cmpi slt, %get3A_837, %lt3A_843 : vector<16xi32>
      %and3A_845 = arith.andi %ge3A_841, %lt3A_844 : vector<16xi1>
      %not3A_846 = arith.constant dense<true> : vector<16xi1>
      %not3A_847 = arith.xori %lt3A_844, %not3A_846 : vector<16xi1>
      %and3A_848 = arith.andi %ge3A_841, %not3A_847 : vector<16xi1>
      %shift_left3A_849 = arith.constant 17 : i32
      %shift_left3A_850 = vector.broadcast %shift_left3A_849 : i32 to vector<16xi32>
      %shift_left3A_851 = arith.shli %gather3A_838, %shift_left3A_850 : vector<16xi32>
      %convert_element_type3A_852 = arith.extui %and3A_845 : vector<16xi1> to vector<16xi32>
      %broadcast_in_dim3A_853 = arith.constant true
      %broadcast_in_dim3A_854 = vector.broadcast %broadcast_in_dim3A_853 : i1 to vector<16xi1>
      %masked_cumsum3A_855 = tpu.scan <sum>, %convert_element_type3A_852 masked %broadcast_in_dim3A_854 : vector<16xi32>, vector<16xi1> -> vector<16xi32>
      %add3A_856 = arith.addi %add3A_820, %masked_cumsum3A_855 : vector<16xi32>
      %sub3A_857 = arith.constant 1 : i32
      %sub3A_858 = vector.broadcast %sub3A_857 : i32 to vector<16xi32>
      %sub3A_859 = arith.subi %add3A_856, %sub3A_858 : vector<16xi32>
      %or3A_860 = arith.ori %get3A_837, %shift_left3A_851 : vector<16xi32>
      tpu.vector_store_idx %arg13[%sub3A_859], %or3A_860 masked %and3A_845 : memref<25088xi32, #tpu.memory_space<vmem>>[vector<16xi32>], vector<16xi32>, vector<16xi1>
      %convert_element_type3A_861 = arith.extui %and3A_848 : vector<16xi1> to vector<16xi32>
      %broadcast_in_dim3A_862 = arith.constant true
      %broadcast_in_dim3A_863 = vector.broadcast %broadcast_in_dim3A_862 : i1 to vector<16xi1>
      %masked_cumsum3A_864 = tpu.scan <sum>, %convert_element_type3A_861 masked %broadcast_in_dim3A_863 : vector<16xi32>, vector<16xi1> -> vector<16xi32>
      %add3A_865 = arith.addi %add3A_822, %masked_cumsum3A_864 : vector<16xi32>
      %sub3A_866 = arith.constant 1 : i32
      %sub3A_867 = vector.broadcast %sub3A_866 : i32 to vector<16xi32>
      %sub3A_868 = arith.subi %add3A_865, %sub3A_867 : vector<16xi32>
      %sub3A_869 = arith.constant 25087 : i32
      %sub3A_870 = vector.broadcast %sub3A_869 : i32 to vector<16xi32>
      %sub3A_871 = arith.subi %sub3A_870, %sub3A_868 : vector<16xi32>
      %sub3A_872 = arith.constant 25000 : i32
      %sub3A_873 = vector.broadcast %sub3A_872 : i32 to vector<16xi32>
      %sub3A_874 = arith.subi %get3A_837, %sub3A_873 : vector<16xi32>
      %or3A_875 = arith.ori %sub3A_874, %shift_left3A_851 : vector<16xi32>
      tpu.vector_store_idx %arg13[%sub3A_871], %or3A_875 masked %and3A_848 : memref<25088xi32, #tpu.memory_space<vmem>>[vector<16xi32>], vector<16xi32>, vector<16xi1>
      %all_reduce_population_count3A_876 = tpu.all_reduce %and3A_845 {dim = 0 : i64, kind = #tpu.reduction_kind<sum>} : vector<16xi1> -> vector<16xi32>
      %add3A_877 = arith.addi %add3A_820, %all_reduce_population_count3A_876 : vector<16xi32>
      %all_reduce_population_count3A_878 = tpu.all_reduce %and3A_848 {dim = 0 : i64, kind = #tpu.reduction_kind<sum>} : vector<16xi1> -> vector<16xi32>
      %add3A_879 = arith.addi %add3A_822, %all_reduce_population_count3A_878 : vector<16xi32>
      %mul3A_880 = arith.constant 4 : i32
      %mul3A_881 = arith.muli %scan3A_712, %mul3A_880 : i32
      %add3A_882 = arith.constant 3 : i32
      %add3A_883 = arith.addi %mul3A_881, %add3A_882 : i32
      %mul3A_884 = arith.constant 16 : i32
      %mul3A_885 = arith.muli %add3A_883, %mul3A_884 : i32
      %multiple_of3A_886 = tpu.assume_multiple %mul3A_885, 16 : i32
      %get3A_887 = arith.constant 1 : i32
      %get3A_888 = arith.index_cast %get3A_887 : i32 to index
      %get3A_889 = arith.index_cast %multiple_of3A_886 : i32 to index
      %get3A_890 = tpu.vector_load %arg12[%get3A_888, %get3A_889] {strides = array<i32>} : memref<2x2048xi32, #tpu.memory_space<vmem>>, vector<16xi32>,
      %get3A_891 = arith.constant 0 : i32
      %get3A_892 = arith.index_cast %get3A_891 : i32 to index
      %get3A_893 = arith.index_cast %multiple_of3A_886 : i32 to index
      %get3A_894 = tpu.vector_load %arg12[%get3A_892, %get3A_893] {strides = array<i32>} : memref<2x2048xi32, #tpu.memory_space<vmem>>, vector<16xi32>,
      %gather3A_895 = tpu.vector_load_idx %arg9[%get3A_890] : memref<50000xi32, #tpu.memory_space<vmem>>[vector<16xi32>], vector<16xi32>,
      %ge3A_896 = arith.constant 0 : i32
      %ge3A_897 = vector.broadcast %ge3A_896 : i32 to vector<16xi32>
      %ge3A_898 = arith.cmpi sge, %gather3A_895, %ge3A_897 : vector<16xi32>
      %lt3A_899 = arith.constant 25000 : i32
      %lt3A_900 = vector.broadcast %lt3A_899 : i32 to vector<16xi32>
      %lt3A_901 = arith.cmpi slt, %get3A_894, %lt3A_900 : vector<16xi32>
      %and3A_902 = arith.andi %ge3A_898, %lt3A_901 : vector<16xi1>
      %not3A_903 = arith.constant dense<true> : vector<16xi1>
      %not3A_904 = arith.xori %lt3A_901, %not3A_903 : vector<16xi1>
      %and3A_905 = arith.andi %ge3A_898, %not3A_904 : vector<16xi1>
      %shift_left3A_906 = arith.constant 17 : i32
      %shift_left3A_907 = vector.broadcast %shift_left3A_906 : i32 to vector<16xi32>
      %shift_left3A_908 = arith.shli %gather3A_895, %shift_left3A_907 : vector<16xi32>
      %convert_element_type3A_909 = arith.extui %and3A_902 : vector<16xi1> to vector<16xi32>
      %broadcast_in_dim3A_910 = arith.constant true
      %broadcast_in_dim3A_911 = vector.broadcast %broadcast_in_dim3A_910 : i1 to vector<16xi1>
      %masked_cumsum3A_912 = tpu.scan <sum>, %convert_element_type3A_909 masked %broadcast_in_dim3A_911 : vector<16xi32>, vector<16xi1> -> vector<16xi32>
      %add3A_913 = arith.addi %add3A_877, %masked_cumsum3A_912 : vector<16xi32>
      %sub3A_914 = arith.constant 1 : i32
      %sub3A_915 = vector.broadcast %sub3A_914 : i32 to vector<16xi32>
      %sub3A_916 = arith.subi %add3A_913, %sub3A_915 : vector<16xi32>
      %or3A_917 = arith.ori %get3A_894, %shift_left3A_908 : vector<16xi32>
      tpu.vector_store_idx %arg13[%sub3A_916], %or3A_917 masked %and3A_902 : memref<25088xi32, #tpu.memory_space<vmem>>[vector<16xi32>], vector<16xi32>, vector<16xi1>
      %convert_element_type3A_918 = arith.extui %and3A_905 : vector<16xi1> to vector<16xi32>
      %broadcast_in_dim3A_919 = arith.constant true
      %broadcast_in_dim3A_920 = vector.broadcast %broadcast_in_dim3A_919 : i1 to vector<16xi1>
      %masked_cumsum3A_921 = tpu.scan <sum>, %convert_element_type3A_918 masked %broadcast_in_dim3A_920 : vector<16xi32>, vector<16xi1> -> vector<16xi32>
      %add3A_922 = arith.addi %add3A_879, %masked_cumsum3A_921 : vector<16xi32>
      %sub3A_923 = arith.constant 1 : i32
      %sub3A_924 = vector.broadcast %sub3A_923 : i32 to vector<16xi32>
      %sub3A_925 = arith.subi %add3A_922, %sub3A_924 : vector<16xi32>
      %sub3A_926 = arith.constant 25087 : i32
      %sub3A_927 = vector.broadcast %sub3A_926 : i32 to vector<16xi32>
      %sub3A_928 = arith.subi %sub3A_927, %sub3A_925 : vector<16xi32>
      %sub3A_929 = arith.constant 25000 : i32
      %sub3A_930 = vector.broadcast %sub3A_929 : i32 to vector<16xi32>
      %sub3A_931 = arith.subi %get3A_894, %sub3A_930 : vector<16xi32>
      %or3A_932 = arith.ori %sub3A_931, %shift_left3A_908 : vector<16xi32>
      tpu.vector_store_idx %arg13[%sub3A_928], %or3A_932 masked %and3A_905 : memref<25088xi32, #tpu.memory_space<vmem>>[vector<16xi32>], vector<16xi32>, vector<16xi1>
      %all_reduce_population_count3A_933 = tpu.all_reduce %and3A_902 {dim = 0 : i64, kind = #tpu.reduction_kind<sum>} : vector<16xi1> -> vector<16xi32>
      %add3A_934 = arith.addi %add3A_877, %all_reduce_population_count3A_933 : vector<16xi32>
      %all_reduce_population_count3A_935 = tpu.all_reduce %and3A_905 {dim = 0 : i64, kind = #tpu.reduction_kind<sum>} : vector<16xi1> -> vector<16xi32>
      %add3A_936 = arith.addi %add3A_879, %all_reduce_population_count3A_935 : vector<16xi32>
      scf.yield %add3A_934, %add3A_936 : vector<16xi32>, vector<16xi32>
    }
    %scan3A_302 = arith.constant 32 : i32
    %dma_wait3A_303 = arith.constant 0 : i32
    %dma_wait3A_304 = arith.constant 0 : i32
    %dma_wait3A_305 = tpu.memref_slice %arg2[%dma_wait3A_303, %dma_wait3A_304] : memref<2x800000xi32, #tpu.memory_space<hbm>> -> memref<2x2048xi32, #tpu.memory_space<hbm>>
    %dma_wait3A_306 = arith.constant 0 : i32
    %dma_wait3A_307 = arith.constant 0 : i32
    %dma_wait3A_308 = tpu.memref_slice %arg2[%dma_wait3A_306, %dma_wait3A_307] : memref<2x800000xi32, #tpu.memory_space<hbm>> -> memref<2x2048xi32, #tpu.memory_space<hbm>>
    tpu.wait_dma2 semaphore(%arg21 : memref<!tpu.dma_semaphore, #tpu.memory_space<semaphore_mem>>) src(%dma_wait3A_308 : memref<2x2048xi32, #tpu.memory_space<hbm>>) dst(%arg11 : memref<2x2048xi32, #tpu.memory_space<vmem>>)
    %add3A_309 = arith.constant 24576 : i32
    %add3A_310 = arith.addi %select_n3A, %add3A_309 : i32
    %add3A_311 = arith.constant 24576 : i32
    %add3A_312 = arith.addi %select_n3A, %add3A_311 : i32
    %min3A_313 = arith.constant 797952 : i32
    %min3A_314 = arith.minsi %add3A_312, %min3A_313 : i32
    %multiple_of3A_315 = tpu.assume_multiple %min3A_314, 128 : i32
    %sub3A_316 = arith.subi %add3A_310, %multiple_of3A_315 : i32
    %shift_right_logical3A = arith.constant 4 : i32
    %shift_right_logical3A_317 = arith.shrui %sub3A_316, %shift_right_logical3A : i32
    %sub3A_318 = arith.constant 1536 : i32
    %sub3A_319 = arith.subi %select_n3A_41, %sub3A_318 : i32
    %jit3A_320 = arith.constant 0 : i32
    %jit3A_321 = arith.constant 128 : i32
    %max3A = arith.maxsi %jit3A_320, %sub3A_319 : i32
    %min3A_322 = arith.minsi %jit3A_321, %max3A : i32
    %while3A = arith.constant 0 : i32
    %while3A_323 = arith.subi %min3A_322, %while3A : i32
    %while3A_324 = arith.addi %while3A, %while3A_323 : i32
    %while3A_325 = arith.constant 1 : i32
    %while3A_326 = arith.divsi %while3A_323, %while3A_325 : i32
    %while3A_327 = arith.muli %while3A_326, %while3A_325 : i32
    %while3A_328 = arith.addi %while3A, %while3A_327 : i32
    %while3A_329 = arith.constant 1 : i32
    %while3A_330:2 = scf.for %while3A_712 = %while3A to %while3A_328 step %while3A_329 iter_args(%while3A_713 = %scan3A_301#0, %while3A_714 = %scan3A_301#1) -> (vector<16xi32>, vector<16xi32>)  : i32 {
      %add3A_715 = arith.addi %shift_right_logical3A_317, %while3A_712 : i32
      %mul3A_716 = arith.constant 16 : i32
      %mul3A_717 = arith.muli %add3A_715, %mul3A_716 : i32
      %multiple_of3A_718 = tpu.assume_multiple %mul3A_717, 16 : i32
      %get3A_719 = arith.constant 1 : i32
      %get3A_720 = arith.index_cast %get3A_719 : i32 to index
      %get3A_721 = arith.index_cast %multiple_of3A_718 : i32 to index
      %get3A_722 = tpu.vector_load %arg11[%get3A_720, %get3A_721] {strides = array<i32>} : memref<2x2048xi32, #tpu.memory_space<vmem>>, vector<16xi32>,
      %get3A_723 = arith.constant 0 : i32
      %get3A_724 = arith.index_cast %get3A_723 : i32 to index
      %get3A_725 = arith.index_cast %multiple_of3A_718 : i32 to index
      %get3A_726 = tpu.vector_load %arg11[%get3A_724, %get3A_725] {strides = array<i32>} : memref<2x2048xi32, #tpu.memory_space<vmem>>, vector<16xi32>,
      %gather3A_727 = tpu.vector_load_idx %arg9[%get3A_722] : memref<50000xi32, #tpu.memory_space<vmem>>[vector<16xi32>], vector<16xi32>,
      %ge3A = arith.constant 0 : i32
      %ge3A_728 = vector.broadcast %ge3A : i32 to vector<16xi32>
      %ge3A_729 = arith.cmpi sge, %gather3A_727, %ge3A_728 : vector<16xi32>
      %lt3A_730 = arith.constant 25000 : i32
      %lt3A_731 = vector.broadcast %lt3A_730 : i32 to vector<16xi32>
      %lt3A_732 = arith.cmpi slt, %get3A_726, %lt3A_731 : vector<16xi32>
      %and3A_733 = arith.andi %ge3A_729, %lt3A_732 : vector<16xi1>
      %not3A = arith.constant dense<true> : vector<16xi1>
      %not3A_734 = arith.xori %lt3A_732, %not3A : vector<16xi1>
      %and3A_735 = arith.andi %ge3A_729, %not3A_734 : vector<16xi1>
      %shift_left3A = arith.constant 17 : i32
      %shift_left3A_736 = vector.broadcast %shift_left3A : i32 to vector<16xi32>
      %shift_left3A_737 = arith.shli %gather3A_727, %shift_left3A_736 : vector<16xi32>
      %convert_element_type3A_738 = arith.extui %and3A_733 : vector<16xi1> to vector<16xi32>
      %broadcast_in_dim3A_739 = arith.constant true
      %broadcast_in_dim3A_740 = vector.broadcast %broadcast_in_dim3A_739 : i1 to vector<16xi1>
      %masked_cumsum3A = tpu.scan <sum>, %convert_element_type3A_738 masked %broadcast_in_dim3A_740 : vector<16xi32>, vector<16xi1> -> vector<16xi32>
      %add3A_741 = arith.addi %while3A_713, %masked_cumsum3A : vector<16xi32>
      %sub3A_742 = arith.constant 1 : i32
      %sub3A_743 = vector.broadcast %sub3A_742 : i32 to vector<16xi32>
      %sub3A_744 = arith.subi %add3A_741, %sub3A_743 : vector<16xi32>
      %or3A = arith.ori %get3A_726, %shift_left3A_737 : vector<16xi32>
      tpu.vector_store_idx %arg13[%sub3A_744], %or3A masked %and3A_733 : memref<25088xi32, #tpu.memory_space<vmem>>[vector<16xi32>], vector<16xi32>, vector<16xi1>
      %convert_element_type3A_745 = arith.extui %and3A_735 : vector<16xi1> to vector<16xi32>
      %broadcast_in_dim3A_746 = arith.constant true
      %broadcast_in_dim3A_747 = vector.broadcast %broadcast_in_dim3A_746 : i1 to vector<16xi1>
      %masked_cumsum3A_748 = tpu.scan <sum>, %convert_element_type3A_745 masked %broadcast_in_dim3A_747 : vector<16xi32>, vector<16xi1> -> vector<16xi32>
      %add3A_749 = arith.addi %while3A_714, %masked_cumsum3A_748 : vector<16xi32>
      %sub3A_750 = arith.constant 1 : i32
      %sub3A_751 = vector.broadcast %sub3A_750 : i32 to vector<16xi32>
      %sub3A_752 = arith.subi %add3A_749, %sub3A_751 : vector<16xi32>
      %sub3A_753 = arith.constant 25087 : i32
      %sub3A_754 = vector.broadcast %sub3A_753 : i32 to vector<16xi32>
      %sub3A_755 = arith.subi %sub3A_754, %sub3A_752 : vector<16xi32>
      %sub3A_756 = arith.constant 25000 : i32
      %sub3A_757 = vector.broadcast %sub3A_756 : i32 to vector<16xi32>
      %sub3A_758 = arith.subi %get3A_726, %sub3A_757 : vector<16xi32>
      %or3A_759 = arith.ori %sub3A_758, %shift_left3A_737 : vector<16xi32>
      tpu.vector_store_idx %arg13[%sub3A_755], %or3A_759 masked %and3A_735 : memref<25088xi32, #tpu.memory_space<vmem>>[vector<16xi32>], vector<16xi32>, vector<16xi1>
      %all_reduce_population_count3A = tpu.all_reduce %and3A_733 {dim = 0 : i64, kind = #tpu.reduction_kind<sum>} : vector<16xi1> -> vector<16xi32>
      %add3A_760 = arith.addi %while3A_713, %all_reduce_population_count3A : vector<16xi32>
      %all_reduce_population_count3A_761 = tpu.all_reduce %and3A_735 {dim = 0 : i64, kind = #tpu.reduction_kind<sum>} : vector<16xi1> -> vector<16xi32>
      %add3A_762 = arith.addi %while3A_714, %all_reduce_population_count3A_761 : vector<16xi32>
      scf.yield %add3A_760, %add3A_762 : vector<16xi32>, vector<16xi32>
    }
    %while3A_331 = arith.constant 1 : i32
    %while3A_332:2 = scf.for %while3A_712 = %while3A_328 to %while3A_324 step %while3A_331 iter_args(%while3A_713 = %while3A_330#0, %while3A_714 = %while3A_330#1) -> (vector<16xi32>, vector<16xi32>)  : i32 {
      %add3A_715 = arith.addi %shift_right_logical3A_317, %while3A_712 : i32
      %mul3A_716 = arith.constant 16 : i32
      %mul3A_717 = arith.muli %add3A_715, %mul3A_716 : i32
      %multiple_of3A_718 = tpu.assume_multiple %mul3A_717, 16 : i32
      %get3A_719 = arith.constant 1 : i32
      %get3A_720 = arith.index_cast %get3A_719 : i32 to index
      %get3A_721 = arith.index_cast %multiple_of3A_718 : i32 to index
      %get3A_722 = tpu.vector_load %arg11[%get3A_720, %get3A_721] {strides = array<i32>} : memref<2x2048xi32, #tpu.memory_space<vmem>>, vector<16xi32>,
      %get3A_723 = arith.constant 0 : i32
      %get3A_724 = arith.index_cast %get3A_723 : i32 to index
      %get3A_725 = arith.index_cast %multiple_of3A_718 : i32 to index
      %get3A_726 = tpu.vector_load %arg11[%get3A_724, %get3A_725] {strides = array<i32>} : memref<2x2048xi32, #tpu.memory_space<vmem>>, vector<16xi32>,
      %gather3A_727 = tpu.vector_load_idx %arg9[%get3A_722] : memref<50000xi32, #tpu.memory_space<vmem>>[vector<16xi32>], vector<16xi32>,
      %ge3A = arith.constant 0 : i32
      %ge3A_728 = vector.broadcast %ge3A : i32 to vector<16xi32>
      %ge3A_729 = arith.cmpi sge, %gather3A_727, %ge3A_728 : vector<16xi32>
      %lt3A_730 = arith.constant 25000 : i32
      %lt3A_731 = vector.broadcast %lt3A_730 : i32 to vector<16xi32>
      %lt3A_732 = arith.cmpi slt, %get3A_726, %lt3A_731 : vector<16xi32>
      %and3A_733 = arith.andi %ge3A_729, %lt3A_732 : vector<16xi1>
      %not3A = arith.constant dense<true> : vector<16xi1>
      %not3A_734 = arith.xori %lt3A_732, %not3A : vector<16xi1>
      %and3A_735 = arith.andi %ge3A_729, %not3A_734 : vector<16xi1>
      %shift_left3A = arith.constant 17 : i32
      %shift_left3A_736 = vector.broadcast %shift_left3A : i32 to vector<16xi32>
      %shift_left3A_737 = arith.shli %gather3A_727, %shift_left3A_736 : vector<16xi32>
      %convert_element_type3A_738 = arith.extui %and3A_733 : vector<16xi1> to vector<16xi32>
      %broadcast_in_dim3A_739 = arith.constant true
      %broadcast_in_dim3A_740 = vector.broadcast %broadcast_in_dim3A_739 : i1 to vector<16xi1>
      %masked_cumsum3A = tpu.scan <sum>, %convert_element_type3A_738 masked %broadcast_in_dim3A_740 : vector<16xi32>, vector<16xi1> -> vector<16xi32>
      %add3A_741 = arith.addi %while3A_713, %masked_cumsum3A : vector<16xi32>
      %sub3A_742 = arith.constant 1 : i32
      %sub3A_743 = vector.broadcast %sub3A_742 : i32 to vector<16xi32>
      %sub3A_744 = arith.subi %add3A_741, %sub3A_743 : vector<16xi32>
      %or3A = arith.ori %get3A_726, %shift_left3A_737 : vector<16xi32>
      tpu.vector_store_idx %arg13[%sub3A_744], %or3A masked %and3A_733 : memref<25088xi32, #tpu.memory_space<vmem>>[vector<16xi32>], vector<16xi32>, vector<16xi1>
      %convert_element_type3A_745 = arith.extui %and3A_735 : vector<16xi1> to vector<16xi32>
      %broadcast_in_dim3A_746 = arith.constant true
      %broadcast_in_dim3A_747 = vector.broadcast %broadcast_in_dim3A_746 : i1 to vector<16xi1>
      %masked_cumsum3A_748 = tpu.scan <sum>, %convert_element_type3A_745 masked %broadcast_in_dim3A_747 : vector<16xi32>, vector<16xi1> -> vector<16xi32>
      %add3A_749 = arith.addi %while3A_714, %masked_cumsum3A_748 : vector<16xi32>
      %sub3A_750 = arith.constant 1 : i32
      %sub3A_751 = vector.broadcast %sub3A_750 : i32 to vector<16xi32>
      %sub3A_752 = arith.subi %add3A_749, %sub3A_751 : vector<16xi32>
      %sub3A_753 = arith.constant 25087 : i32
      %sub3A_754 = vector.broadcast %sub3A_753 : i32 to vector<16xi32>
      %sub3A_755 = arith.subi %sub3A_754, %sub3A_752 : vector<16xi32>
      %sub3A_756 = arith.constant 25000 : i32
      %sub3A_757 = vector.broadcast %sub3A_756 : i32 to vector<16xi32>
      %sub3A_758 = arith.subi %get3A_726, %sub3A_757 : vector<16xi32>
      %or3A_759 = arith.ori %sub3A_758, %shift_left3A_737 : vector<16xi32>
      tpu.vector_store_idx %arg13[%sub3A_755], %or3A_759 masked %and3A_735 : memref<25088xi32, #tpu.memory_space<vmem>>[vector<16xi32>], vector<16xi32>, vector<16xi1>
      %all_reduce_population_count3A = tpu.all_reduce %and3A_733 {dim = 0 : i64, kind = #tpu.reduction_kind<sum>} : vector<16xi1> -> vector<16xi32>
      %add3A_760 = arith.addi %while3A_713, %all_reduce_population_count3A : vector<16xi32>
      %all_reduce_population_count3A_761 = tpu.all_reduce %and3A_735 {dim = 0 : i64, kind = #tpu.reduction_kind<sum>} : vector<16xi1> -> vector<16xi32>
      %add3A_762 = arith.addi %while3A_714, %all_reduce_population_count3A_761 : vector<16xi32>
      scf.yield %add3A_760, %add3A_762 : vector<16xi32>, vector<16xi32>
    }
    %swap3A = arith.constant 0 : index
    %swap3A_333 = tpu.vector_load %arg18[%swap3A] {strides = array<i32>} : memref<16xi32, #tpu.memory_space<vmem>>, vector<16xi32>,
    tpu.vector_store %arg18[%swap3A], %while3A_332#0 {strides = array<i32>} : memref<16xi32, #tpu.memory_space<vmem>>, vector<16xi32>,
    %get3A = arith.constant 0 : index
    %get3A_334 = tpu.vector_load %arg18[%get3A] {strides = array<i32>} : memref<16xi32, #tpu.memory_space<vmem>>, vector<16xi32>,
    %slice3A = vector.extract_strided_slice %get3A_334 {offsets = [0], sizes = [1], strides = [1]} : vector<16xi32> to vector<1xi32>
    %squeeze3A = vector.extract %slice3A[0] : i32 from vector<1xi32>
    %swap3A_335 = arith.constant 0 : index
    %swap3A_336 = tpu.vector_load %arg18[%swap3A_335] {strides = array<i32>} : memref<16xi32, #tpu.memory_space<vmem>>, vector<16xi32>,
    tpu.vector_store %arg18[%swap3A_335], %while3A_332#1 {strides = array<i32>} : memref<16xi32, #tpu.memory_space<vmem>>, vector<16xi32>,
    %get3A_337 = arith.constant 0 : index
    %get3A_338 = tpu.vector_load %arg18[%get3A_337] {strides = array<i32>} : memref<16xi32, #tpu.memory_space<vmem>>, vector<16xi32>,
    %slice3A_339 = vector.extract_strided_slice %get3A_338 {offsets = [0], sizes = [1], strides = [1]} : vector<16xi32> to vector<1xi32>
    %squeeze3A_340 = vector.extract %slice3A_339[0] : i32 from vector<1xi32>
    %add3A_341 = arith.constant 64 : i32
    %add3A_342 = arith.addi %squeeze3A, %add3A_341 : i32
    %sub3A_343 = arith.constant 1 : i32
    %sub3A_344 = arith.subi %add3A_342, %sub3A_343 : i32
    %and3A = arith.constant -64 : i32
    %and3A_345 = arith.andi %sub3A_344, %and3A : i32
    %add3A_346 = arith.constant 64 : i32
    %add3A_347 = arith.addi %squeeze3A_340, %add3A_346 : i32
    %sub3A_348 = arith.constant 1 : i32
    %sub3A_349 = arith.subi %add3A_347, %sub3A_348 : i32
    %and3A_350 = arith.constant -64 : i32
    %and3A_351 = arith.andi %sub3A_349, %and3A_350 : i32
    %broadcast_in_dim3A_352 = arith.constant 1073741824 : i32
    %broadcast_in_dim3A_353 = vector.broadcast %broadcast_in_dim3A_352 : i32 to vector<16xi32>
    %shift_right_logical3A_354 = arith.constant 4 : i32
    %shift_right_logical3A_355 = arith.shrui %squeeze3A, %shift_right_logical3A_354 : i32
    %shift_right_logical3A_356 = arith.constant 4 : i32
    %shift_right_logical3A_357 = arith.shrui %and3A_345, %shift_right_logical3A_356 : i32
    %while3A_358 = arith.constant 0 : i32
    %while3A_359 = arith.subi %shift_right_logical3A_357, %shift_right_logical3A_355 : i32
    %while3A_360 = arith.addi %shift_right_logical3A_355, %while3A_359 : i32
    %while3A_361 = arith.constant 1 : i32
    %while3A_362 = arith.divsi %while3A_359, %while3A_361 : i32
    %while3A_363 = arith.muli %while3A_362, %while3A_361 : i32
    %while3A_364 = arith.addi %shift_right_logical3A_355, %while3A_363 : i32
    %while3A_365 = arith.constant 1 : i32
    scf.for %while3A_712 = %shift_right_logical3A_355 to %while3A_364 step %while3A_365  : i32 {
      %mul3A_713 = arith.constant 16 : i32
      %mul3A_714 = arith.muli %while3A_712, %mul3A_713 : i32
      %add3A_715 = vector.broadcast %mul3A_714 : i32 to vector<16xi32>
      %add3A_716 = arith.addi %iota3A, %add3A_715 : vector<16xi32>
      %ge3A = vector.broadcast %squeeze3A : i32 to vector<16xi32>
      %ge3A_717 = arith.cmpi sge, %add3A_716, %ge3A : vector<16xi32>
      tpu.vector_store_idx %arg13[%add3A_716], %broadcast_in_dim3A_353 masked %ge3A_717 : memref<25088xi32, #tpu.memory_space<vmem>>[vector<16xi32>], vector<16xi32>, vector<16xi1>
    }
    %while3A_366 = arith.constant 1 : i32
    scf.for %while3A_712 = %while3A_364 to %while3A_360 step %while3A_366  : i32 {
      %mul3A_713 = arith.constant 16 : i32
      %mul3A_714 = arith.muli %while3A_712, %mul3A_713 : i32
      %add3A_715 = vector.broadcast %mul3A_714 : i32 to vector<16xi32>
      %add3A_716 = arith.addi %iota3A, %add3A_715 : vector<16xi32>
      %ge3A = vector.broadcast %squeeze3A : i32 to vector<16xi32>
      %ge3A_717 = arith.cmpi sge, %add3A_716, %ge3A : vector<16xi32>
      tpu.vector_store_idx %arg13[%add3A_716], %broadcast_in_dim3A_353 masked %ge3A_717 : memref<25088xi32, #tpu.memory_space<vmem>>[vector<16xi32>], vector<16xi32>, vector<16xi1>
    }
    %sub3A_367 = arith.constant 25088 : i32
    %sub3A_368 = arith.subi %sub3A_367, %and3A_351 : i32
    %shift_right_logical3A_369 = arith.constant 4 : i32
    %shift_right_logical3A_370 = arith.shrui %sub3A_368, %shift_right_logical3A_369 : i32
    %sub3A_371 = arith.constant 25088 : i32
    %sub3A_372 = arith.subi %sub3A_371, %squeeze3A_340 : i32
    %shift_right_logical3A_373 = arith.constant 4 : i32
    %shift_right_logical3A_374 = arith.shrui %sub3A_372, %shift_right_logical3A_373 : i32
    %sub3A_375 = arith.constant 25088 : i32
    %sub3A_376 = arith.subi %sub3A_375, %squeeze3A_340 : i32
    %and3A_377 = arith.constant 15 : i32
    %and3A_378 = arith.andi %sub3A_376, %and3A_377 : i32
    %gt3A = arith.constant 0 : i32
    %gt3A_379 = arith.cmpi sgt, %and3A_378, %gt3A : i32
    %jit3A_380 = arith.constant 1 : i32
    %jit3A_381 = arith.constant 0 : i32
    %select_n3A_382 = arith.select %gt3A_379, %jit3A_380, %jit3A_381 : i32
    %add3A_383 = arith.addi %shift_right_logical3A_374, %select_n3A_382 : i32
    %while3A_384 = arith.constant 0 : i32
    %while3A_385 = arith.subi %add3A_383, %shift_right_logical3A_370 : i32
    %while3A_386 = arith.addi %shift_right_logical3A_370, %while3A_385 : i32
    %while3A_387 = arith.constant 1 : i32
    %while3A_388 = arith.divsi %while3A_385, %while3A_387 : i32
    %while3A_389 = arith.muli %while3A_388, %while3A_387 : i32
    %while3A_390 = arith.addi %shift_right_logical3A_370, %while3A_389 : i32
    %while3A_391 = arith.constant 1 : i32
    scf.for %while3A_712 = %shift_right_logical3A_370 to %while3A_390 step %while3A_391  : i32 {
      %mul3A_713 = arith.constant 16 : i32
      %mul3A_714 = arith.muli %while3A_712, %mul3A_713 : i32
      %add3A_715 = vector.broadcast %mul3A_714 : i32 to vector<16xi32>
      %add3A_716 = arith.addi %iota3A, %add3A_715 : vector<16xi32>
      %sub3A_717 = arith.constant 25088 : i32
      %sub3A_718 = arith.subi %sub3A_717, %squeeze3A_340 : i32
      %lt3A_719 = vector.broadcast %sub3A_718 : i32 to vector<16xi32>
      %lt3A_720 = arith.cmpi slt, %add3A_716, %lt3A_719 : vector<16xi32>
      tpu.vector_store_idx %arg13[%add3A_716], %broadcast_in_dim3A_353 masked %lt3A_720 : memref<25088xi32, #tpu.memory_space<vmem>>[vector<16xi32>], vector<16xi32>, vector<16xi1>
    }
    %while3A_392 = arith.constant 1 : i32
    scf.for %while3A_712 = %while3A_390 to %while3A_386 step %while3A_392  : i32 {
      %mul3A_713 = arith.constant 16 : i32
      %mul3A_714 = arith.muli %while3A_712, %mul3A_713 : i32
      %add3A_715 = vector.broadcast %mul3A_714 : i32 to vector<16xi32>
      %add3A_716 = arith.addi %iota3A, %add3A_715 : vector<16xi32>
      %sub3A_717 = arith.constant 25088 : i32
      %sub3A_718 = arith.subi %sub3A_717, %squeeze3A_340 : i32
      %lt3A_719 = vector.broadcast %sub3A_718 : i32 to vector<16xi32>
      %lt3A_720 = arith.cmpi slt, %add3A_716, %lt3A_719 : vector<16xi32>
      tpu.vector_store_idx %arg13[%add3A_716], %broadcast_in_dim3A_353 masked %lt3A_720 : memref<25088xi32, #tpu.memory_space<vmem>>[vector<16xi32>], vector<16xi32>, vector<16xi1>
    }
    %shift_right_logical3A_393 = arith.constant 6 : i32
    %shift_right_logical3A_394 = arith.shrui %and3A_345, %shift_right_logical3A_393 : i32
    %shift_right_logical3A_395 = arith.constant 6 : i32
    %shift_right_logical3A_396 = arith.shrui %and3A_351, %shift_right_logical3A_395 : i32
    %add3A_397 = arith.addi %shift_right_logical3A_394, %shift_right_logical3A_396 : i32
    %sub3A_398 = arith.constant 25088 : i32
    %sub3A_399 = arith.subi %sub3A_398, %and3A_351 : i32
    %gt3A_400 = arith.constant 0 : i32
    %gt3A_401 = arith.cmpi sgt, %add3A_397, %gt3A_400 : i32
    %convert_element_type3A = arith.extui %gt3A_401 : i1 to i32
    %cond3A = arith.constant 0 : i32
    %cond3A_402 = arith.cmpi ne, %convert_element_type3A, %cond3A : i32
    scf.if %cond3A_402 {
      %mul3A_712 = arith.constant 0 : i32
      %mul3A_713 = arith.constant 64 : i32
      %mul3A_714 = arith.muli %mul3A_712, %mul3A_713 : i32
      %multiple_of3A_715 = tpu.assume_multiple %mul3A_714, 8 : i32
      %gt3A_716 = arith.constant 0 : i32
      %gt3A_717 = arith.cmpi sgt, %shift_right_logical3A_394, %gt3A_716 : i32
      %sub3A_718 = arith.constant 0 : i32
      %sub3A_719 = arith.subi %sub3A_718, %shift_right_logical3A_394 : i32
      %mul3A_720 = arith.constant 64 : i32
      %mul3A_721 = arith.muli %sub3A_719, %mul3A_720 : i32
      %add3A_722 = arith.addi %sub3A_399, %mul3A_721 : i32
      %jit3A_723 = arith.constant 0 : i32
      %select_n3A_724 = arith.select %gt3A_717, %jit3A_723, %add3A_722 : i32
      %add3A_725 = arith.constant 0 : i32
      %add3A_726 = arith.addi %select_n3A_724, %add3A_725 : i32
      %multiple_of3A_727 = tpu.assume_multiple %add3A_726, 16 : i32
      %get3A_728 = arith.index_cast %multiple_of3A_727 : i32 to index
      %get3A_729 = tpu.vector_load %arg13[%get3A_728] {strides = array<i32>} : memref<25088xi32, #tpu.memory_space<vmem>>, vector<16xi32>,
      %and3A_730 = arith.constant 131071 : i32
      %and3A_731 = vector.broadcast %and3A_730 : i32 to vector<16xi32>
      %and3A_732 = arith.andi %get3A_729, %and3A_731 : vector<16xi32>
      %add3A_733 = arith.constant 0 : i32
      %add3A_734 = arith.addi %multiple_of3A_715, %add3A_733 : i32
      %multiple_of3A_735 = tpu.assume_multiple %add3A_734, 16 : i32
      %swap3A_736 = arith.index_cast %multiple_of3A_735 : i32 to index
      %swap3A_737 = tpu.vector_load %arg14[%swap3A_736] {strides = array<i32>} : memref<128xi32, #tpu.memory_space<vmem>>, vector<16xi32>,
      tpu.vector_store %arg14[%swap3A_736], %and3A_732 {strides = array<i32>} : memref<128xi32, #tpu.memory_space<vmem>>, vector<16xi32>,
      %add3A_738 = arith.constant 16 : i32
      %add3A_739 = arith.addi %select_n3A_724, %add3A_738 : i32
      %multiple_of3A_740 = tpu.assume_multiple %add3A_739, 16 : i32
      %get3A_741 = arith.index_cast %multiple_of3A_740 : i32 to index
      %get3A_742 = tpu.vector_load %arg13[%get3A_741] {strides = array<i32>} : memref<25088xi32, #tpu.memory_space<vmem>>, vector<16xi32>,
      %and3A_743 = arith.constant 131071 : i32
      %and3A_744 = vector.broadcast %and3A_743 : i32 to vector<16xi32>
      %and3A_745 = arith.andi %get3A_742, %and3A_744 : vector<16xi32>
      %add3A_746 = arith.constant 16 : i32
      %add3A_747 = arith.addi %multiple_of3A_715, %add3A_746 : i32
      %multiple_of3A_748 = tpu.assume_multiple %add3A_747, 16 : i32
      %swap3A_749 = arith.index_cast %multiple_of3A_748 : i32 to index
      %swap3A_750 = tpu.vector_load %arg14[%swap3A_749] {strides = array<i32>} : memref<128xi32, #tpu.memory_space<vmem>>, vector<16xi32>,
      tpu.vector_store %arg14[%swap3A_749], %and3A_745 {strides = array<i32>} : memref<128xi32, #tpu.memory_space<vmem>>, vector<16xi32>,
      %add3A_751 = arith.constant 32 : i32
      %add3A_752 = arith.addi %select_n3A_724, %add3A_751 : i32
      %multiple_of3A_753 = tpu.assume_multiple %add3A_752, 16 : i32
      %get3A_754 = arith.index_cast %multiple_of3A_753 : i32 to index
      %get3A_755 = tpu.vector_load %arg13[%get3A_754] {strides = array<i32>} : memref<25088xi32, #tpu.memory_space<vmem>>, vector<16xi32>,
      %and3A_756 = arith.constant 131071 : i32
      %and3A_757 = vector.broadcast %and3A_756 : i32 to vector<16xi32>
      %and3A_758 = arith.andi %get3A_755, %and3A_757 : vector<16xi32>
      %add3A_759 = arith.constant 32 : i32
      %add3A_760 = arith.addi %multiple_of3A_715, %add3A_759 : i32
      %multiple_of3A_761 = tpu.assume_multiple %add3A_760, 16 : i32
      %swap3A_762 = arith.index_cast %multiple_of3A_761 : i32 to index
      %swap3A_763 = tpu.vector_load %arg14[%swap3A_762] {strides = array<i32>} : memref<128xi32, #tpu.memory_space<vmem>>, vector<16xi32>,
      tpu.vector_store %arg14[%swap3A_762], %and3A_758 {strides = array<i32>} : memref<128xi32, #tpu.memory_space<vmem>>, vector<16xi32>,
      %add3A_764 = arith.constant 48 : i32
      %add3A_765 = arith.addi %select_n3A_724, %add3A_764 : i32
      %multiple_of3A_766 = tpu.assume_multiple %add3A_765, 16 : i32
      %get3A_767 = arith.index_cast %multiple_of3A_766 : i32 to index
      %get3A_768 = tpu.vector_load %arg13[%get3A_767] {strides = array<i32>} : memref<25088xi32, #tpu.memory_space<vmem>>, vector<16xi32>,
      %and3A_769 = arith.constant 131071 : i32
      %and3A_770 = vector.broadcast %and3A_769 : i32 to vector<16xi32>
      %and3A_771 = arith.andi %get3A_768, %and3A_770 : vector<16xi32>
      %add3A_772 = arith.constant 48 : i32
      %add3A_773 = arith.addi %multiple_of3A_715, %add3A_772 : i32
      %multiple_of3A_774 = tpu.assume_multiple %add3A_773, 16 : i32
      %swap3A_775 = arith.index_cast %multiple_of3A_774 : i32 to index
      %swap3A_776 = tpu.vector_load %arg14[%swap3A_775] {strides = array<i32>} : memref<128xi32, #tpu.memory_space<vmem>>, vector<16xi32>,
      tpu.vector_store %arg14[%swap3A_775], %and3A_771 {strides = array<i32>} : memref<128xi32, #tpu.memory_space<vmem>>, vector<16xi32>,
      %gt3A_777 = arith.constant 0 : i32
      %gt3A_778 = arith.cmpi sgt, %shift_right_logical3A_394, %gt3A_777 : i32
      %convert_element_type3A_779 = arith.extui %gt3A_778 : i1 to i32
      %cond3A_780 = arith.constant 0 : i32
      %cond3A_781 = arith.cmpi ne, %convert_element_type3A_779, %cond3A_780 : i32
      scf.if %cond3A_781 {
        %dma_start3A_786 = arith.constant 0 : i32
        %dma_start3A_787 = tpu.memref_slice %arg16[%multiple_of3A_715, %dma_start3A_786] : memref<128x64xf32, #tpu.memory_space<vmem>> -> memref<64x64xf32, #tpu.memory_space<vmem>>
        %dma_start3A_788 = tpu.memref_slice %arg14[%multiple_of3A_715] : memref<128xi32, #tpu.memory_space<vmem>> -> memref<64xi32, #tpu.memory_space<vmem>>
        %dma_start3A_789 = arith.constant 0 : i32
        %dma_start3A_790 = arith.constant 0 : i32
        %dma_start3A_791 = tpu.memref_slice %arg4[%dma_start3A_789, %dma_start3A_790] : memref<25000x64xf32, #tpu.memory_space<hbm>> -> memref<25000x64xf32, #tpu.memory_space<hbm>>
        tpu.enqueue_indirect_dma source(%dma_start3A_791 : memref<25000x64xf32, #tpu.memory_space<hbm>>) target(%dma_start3A_787 : memref<64x64xf32, #tpu.memory_space<vmem>>) offsets(%dma_start3A_788 : memref<64xi32, #tpu.memory_space<vmem>>) semaphore(%arg20 : memref<!tpu.dma_semaphore, #tpu.memory_space<semaphore_mem>>)
      } else {
      }
      %le3A = arith.constant 0 : i32
      %le3A_782 = arith.cmpi sle, %shift_right_logical3A_394, %le3A : i32
      %convert_element_type3A_783 = arith.extui %le3A_782 : i1 to i32
      %cond3A_784 = arith.constant 0 : i32
      %cond3A_785 = arith.cmpi ne, %convert_element_type3A_783, %cond3A_784 : i32
      scf.if %cond3A_785 {
        %dma_start3A_786 = arith.constant 0 : i32
        %dma_start3A_787 = tpu.memref_slice %arg16[%multiple_of3A_715, %dma_start3A_786] : memref<128x64xf32, #tpu.memory_space<vmem>> -> memref<64x64xf32, #tpu.memory_space<vmem>>
        %dma_start3A_788 = tpu.memref_slice %arg14[%multiple_of3A_715] : memref<128xi32, #tpu.memory_space<vmem>> -> memref<64xi32, #tpu.memory_space<vmem>>
        %dma_start3A_789 = arith.constant 0 : i32
        %dma_start3A_790 = arith.constant 0 : i32
        %dma_start3A_791 = tpu.memref_slice %arg5[%dma_start3A_789, %dma_start3A_790] : memref<25000x64xf32, #tpu.memory_space<hbm>> -> memref<25000x64xf32, #tpu.memory_space<hbm>>
        tpu.enqueue_indirect_dma source(%dma_start3A_791 : memref<25000x64xf32, #tpu.memory_space<hbm>>) target(%dma_start3A_787 : memref<64x64xf32, #tpu.memory_space<vmem>>) offsets(%dma_start3A_788 : memref<64xi32, #tpu.memory_space<vmem>>) semaphore(%arg20 : memref<!tpu.dma_semaphore, #tpu.memory_space<semaphore_mem>>)
      } else {
      }
    } else {
    }
    %while3A_403 = arith.constant 0 : i32
    %while3A_404 = arith.constant 0 : i32
    %while3A_405 = arith.subi %add3A_397, %while3A_404 : i32
    %while3A_406 = arith.addi %while3A_404, %while3A_405 : i32
    %while3A_407 = arith.constant 1 : i32
    %while3A_408 = arith.divsi %while3A_405, %while3A_407 : i32
    %while3A_409 = arith.muli %while3A_408, %while3A_407 : i32
    %while3A_410 = arith.addi %while3A_404, %while3A_409 : i32
    %while3A_411 = arith.constant 1 : i32
    scf.for %while3A_712 = %while3A_404 to %while3A_410 step %while3A_411  : i32 {
      %and3A_713 = arith.constant 1 : i32
      %and3A_714 = arith.andi %while3A_712, %and3A_713 : i32
      %add3A_715 = arith.constant 1 : i32
      %add3A_716 = arith.addi %while3A_712, %add3A_715 : i32
      %lt3A_717 = arith.cmpi slt, %add3A_716, %add3A_397 : i32
      %convert_element_type3A_718 = arith.extui %lt3A_717 : i1 to i32
      %cond3A_719 = arith.constant 0 : i32
      %cond3A_720 = arith.cmpi ne, %convert_element_type3A_718, %cond3A_719 : i32
      scf.if %cond3A_720 {
        %add3A_780 = arith.constant 1 : i32
        %add3A_781 = arith.addi %while3A_712, %add3A_780 : i32
        %sub3A_782 = arith.constant 1 : i32
        %sub3A_783 = arith.subi %sub3A_782, %and3A_714 : i32
        %mul3A_784 = arith.constant 64 : i32
        %mul3A_785 = arith.muli %sub3A_783, %mul3A_784 : i32
        %multiple_of3A_786 = tpu.assume_multiple %mul3A_785, 8 : i32
        %lt3A_787 = arith.cmpi slt, %add3A_781, %shift_right_logical3A_394 : i32
        %mul3A_788 = arith.constant 64 : i32
        %mul3A_789 = arith.muli %add3A_781, %mul3A_788 : i32
        %sub3A_790 = arith.subi %add3A_781, %shift_right_logical3A_394 : i32
        %mul3A_791 = arith.constant 64 : i32
        %mul3A_792 = arith.muli %sub3A_790, %mul3A_791 : i32
        %add3A_793 = arith.addi %sub3A_399, %mul3A_792 : i32
        %select_n3A_794 = arith.select %lt3A_787, %mul3A_789, %add3A_793 : i32
        %add3A_795 = arith.constant 0 : i32
        %add3A_796 = arith.addi %select_n3A_794, %add3A_795 : i32
        %multiple_of3A_797 = tpu.assume_multiple %add3A_796, 16 : i32
        %get3A_798 = arith.index_cast %multiple_of3A_797 : i32 to index
        %get3A_799 = tpu.vector_load %arg13[%get3A_798] {strides = array<i32>} : memref<25088xi32, #tpu.memory_space<vmem>>, vector<16xi32>,
        %and3A_800 = arith.constant 131071 : i32
        %and3A_801 = vector.broadcast %and3A_800 : i32 to vector<16xi32>
        %and3A_802 = arith.andi %get3A_799, %and3A_801 : vector<16xi32>
        %add3A_803 = arith.constant 0 : i32
        %add3A_804 = arith.addi %multiple_of3A_786, %add3A_803 : i32
        %multiple_of3A_805 = tpu.assume_multiple %add3A_804, 16 : i32
        %swap3A_806 = arith.index_cast %multiple_of3A_805 : i32 to index
        %swap3A_807 = tpu.vector_load %arg14[%swap3A_806] {strides = array<i32>} : memref<128xi32, #tpu.memory_space<vmem>>, vector<16xi32>,
        tpu.vector_store %arg14[%swap3A_806], %and3A_802 {strides = array<i32>} : memref<128xi32, #tpu.memory_space<vmem>>, vector<16xi32>,
        %add3A_808 = arith.constant 16 : i32
        %add3A_809 = arith.addi %select_n3A_794, %add3A_808 : i32
        %multiple_of3A_810 = tpu.assume_multiple %add3A_809, 16 : i32
        %get3A_811 = arith.index_cast %multiple_of3A_810 : i32 to index
        %get3A_812 = tpu.vector_load %arg13[%get3A_811] {strides = array<i32>} : memref<25088xi32, #tpu.memory_space<vmem>>, vector<16xi32>,
        %and3A_813 = arith.constant 131071 : i32
        %and3A_814 = vector.broadcast %and3A_813 : i32 to vector<16xi32>
        %and3A_815 = arith.andi %get3A_812, %and3A_814 : vector<16xi32>
        %add3A_816 = arith.constant 16 : i32
        %add3A_817 = arith.addi %multiple_of3A_786, %add3A_816 : i32
        %multiple_of3A_818 = tpu.assume_multiple %add3A_817, 16 : i32
        %swap3A_819 = arith.index_cast %multiple_of3A_818 : i32 to index
        %swap3A_820 = tpu.vector_load %arg14[%swap3A_819] {strides = array<i32>} : memref<128xi32, #tpu.memory_space<vmem>>, vector<16xi32>,
        tpu.vector_store %arg14[%swap3A_819], %and3A_815 {strides = array<i32>} : memref<128xi32, #tpu.memory_space<vmem>>, vector<16xi32>,
        %add3A_821 = arith.constant 32 : i32
        %add3A_822 = arith.addi %select_n3A_794, %add3A_821 : i32
        %multiple_of3A_823 = tpu.assume_multiple %add3A_822, 16 : i32
        %get3A_824 = arith.index_cast %multiple_of3A_823 : i32 to index
        %get3A_825 = tpu.vector_load %arg13[%get3A_824] {strides = array<i32>} : memref<25088xi32, #tpu.memory_space<vmem>>, vector<16xi32>,
        %and3A_826 = arith.constant 131071 : i32
        %and3A_827 = vector.broadcast %and3A_826 : i32 to vector<16xi32>
        %and3A_828 = arith.andi %get3A_825, %and3A_827 : vector<16xi32>
        %add3A_829 = arith.constant 32 : i32
        %add3A_830 = arith.addi %multiple_of3A_786, %add3A_829 : i32
        %multiple_of3A_831 = tpu.assume_multiple %add3A_830, 16 : i32
        %swap3A_832 = arith.index_cast %multiple_of3A_831 : i32 to index
        %swap3A_833 = tpu.vector_load %arg14[%swap3A_832] {strides = array<i32>} : memref<128xi32, #tpu.memory_space<vmem>>, vector<16xi32>,
        tpu.vector_store %arg14[%swap3A_832], %and3A_828 {strides = array<i32>} : memref<128xi32, #tpu.memory_space<vmem>>, vector<16xi32>,
        %add3A_834 = arith.constant 48 : i32
        %add3A_835 = arith.addi %select_n3A_794, %add3A_834 : i32
        %multiple_of3A_836 = tpu.assume_multiple %add3A_835, 16 : i32
        %get3A_837 = arith.index_cast %multiple_of3A_836 : i32 to index
        %get3A_838 = tpu.vector_load %arg13[%get3A_837] {strides = array<i32>} : memref<25088xi32, #tpu.memory_space<vmem>>, vector<16xi32>,
        %and3A_839 = arith.constant 131071 : i32
        %and3A_840 = vector.broadcast %and3A_839 : i32 to vector<16xi32>
        %and3A_841 = arith.andi %get3A_838, %and3A_840 : vector<16xi32>
        %add3A_842 = arith.constant 48 : i32
        %add3A_843 = arith.addi %multiple_of3A_786, %add3A_842 : i32
        %multiple_of3A_844 = tpu.assume_multiple %add3A_843, 16 : i32
        %swap3A_845 = arith.index_cast %multiple_of3A_844 : i32 to index
        %swap3A_846 = tpu.vector_load %arg14[%swap3A_845] {strides = array<i32>} : memref<128xi32, #tpu.memory_space<vmem>>, vector<16xi32>,
        tpu.vector_store %arg14[%swap3A_845], %and3A_841 {strides = array<i32>} : memref<128xi32, #tpu.memory_space<vmem>>, vector<16xi32>,
        %lt3A_847 = arith.cmpi slt, %add3A_781, %shift_right_logical3A_394 : i32
        %convert_element_type3A_848 = arith.extui %lt3A_847 : i1 to i32
        %cond3A_849 = arith.constant 0 : i32
        %cond3A_850 = arith.cmpi ne, %convert_element_type3A_848, %cond3A_849 : i32
        scf.if %cond3A_850 {
          %dma_start3A_854 = arith.constant 0 : i32
          %dma_start3A_855 = tpu.memref_slice %arg16[%multiple_of3A_786, %dma_start3A_854] : memref<128x64xf32, #tpu.memory_space<vmem>> -> memref<64x64xf32, #tpu.memory_space<vmem>>
          %dma_start3A_856 = tpu.memref_slice %arg14[%multiple_of3A_786] : memref<128xi32, #tpu.memory_space<vmem>> -> memref<64xi32, #tpu.memory_space<vmem>>
          %dma_start3A_857 = arith.constant 0 : i32
          %dma_start3A_858 = arith.constant 0 : i32
          %dma_start3A_859 = tpu.memref_slice %arg4[%dma_start3A_857, %dma_start3A_858] : memref<25000x64xf32, #tpu.memory_space<hbm>> -> memref<25000x64xf32, #tpu.memory_space<hbm>>
          tpu.enqueue_indirect_dma source(%dma_start3A_859 : memref<25000x64xf32, #tpu.memory_space<hbm>>) target(%dma_start3A_855 : memref<64x64xf32, #tpu.memory_space<vmem>>) offsets(%dma_start3A_856 : memref<64xi32, #tpu.memory_space<vmem>>) semaphore(%arg20 : memref<!tpu.dma_semaphore, #tpu.memory_space<semaphore_mem>>)
        } else {
        }
        %ge3A = arith.cmpi sge, %add3A_781, %shift_right_logical3A_394 : i32
        %convert_element_type3A_851 = arith.extui %ge3A : i1 to i32
        %cond3A_852 = arith.constant 0 : i32
        %cond3A_853 = arith.cmpi ne, %convert_element_type3A_851, %cond3A_852 : i32
        scf.if %cond3A_853 {
          %dma_start3A_854 = arith.constant 0 : i32
          %dma_start3A_855 = tpu.memref_slice %arg16[%multiple_of3A_786, %dma_start3A_854] : memref<128x64xf32, #tpu.memory_space<vmem>> -> memref<64x64xf32, #tpu.memory_space<vmem>>
          %dma_start3A_856 = tpu.memref_slice %arg14[%multiple_of3A_786] : memref<128xi32, #tpu.memory_space<vmem>> -> memref<64xi32, #tpu.memory_space<vmem>>
          %dma_start3A_857 = arith.constant 0 : i32
          %dma_start3A_858 = arith.constant 0 : i32
          %dma_start3A_859 = tpu.memref_slice %arg5[%dma_start3A_857, %dma_start3A_858] : memref<25000x64xf32, #tpu.memory_space<hbm>> -> memref<25000x64xf32, #tpu.memory_space<hbm>>
          tpu.enqueue_indirect_dma source(%dma_start3A_859 : memref<25000x64xf32, #tpu.memory_space<hbm>>) target(%dma_start3A_855 : memref<64x64xf32, #tpu.memory_space<vmem>>) offsets(%dma_start3A_856 : memref<64xi32, #tpu.memory_space<vmem>>) semaphore(%arg20 : memref<!tpu.dma_semaphore, #tpu.memory_space<semaphore_mem>>)
        } else {
        }
      } else {
      }
      %dma_wait3A_721 = arith.constant 0 : i32
      %dma_wait3A_722 = arith.constant 0 : i32
      %dma_wait3A_723 = tpu.memref_slice %arg16[%dma_wait3A_721, %dma_wait3A_722] : memref<128x64xf32, #tpu.memory_space<vmem>> -> memref<64x64xf32, #tpu.memory_space<vmem>>
      %dma_wait3A_724 = arith.constant 0 : i32
      %dma_wait3A_725 = tpu.memref_slice %arg14[%dma_wait3A_724] : memref<128xi32, #tpu.memory_space<vmem>> -> memref<64xi32, #tpu.memory_space<vmem>>
      %dma_wait3A_726 = arith.constant 0 : i32
      %dma_wait3A_727 = arith.constant 0 : i32
      %dma_wait3A_728 = tpu.memref_slice %arg4[%dma_wait3A_726, %dma_wait3A_727] : memref<25000x64xf32, #tpu.memory_space<hbm>> -> memref<25000x64xf32, #tpu.memory_space<hbm>>
      tpu.wait_indirect_dma semaphore(%arg20 : memref<!tpu.dma_semaphore, #tpu.memory_space<semaphore_mem>>) src(%dma_wait3A_728 : memref<25000x64xf32, #tpu.memory_space<hbm>>) dst(%dma_wait3A_723 : memref<64x64xf32, #tpu.memory_space<vmem>>)
      %lt3A_729 = arith.cmpi slt, %while3A_712, %shift_right_logical3A_394 : i32
      %mul3A_730 = arith.constant 64 : i32
      %mul3A_731 = arith.muli %while3A_712, %mul3A_730 : i32
      %sub3A_732 = arith.subi %while3A_712, %shift_right_logical3A_394 : i32
      %mul3A_733 = arith.constant 64 : i32
      %mul3A_734 = arith.muli %sub3A_732, %mul3A_733 : i32
      %add3A_735 = arith.addi %sub3A_399, %mul3A_734 : i32
      %select_n3A_736 = arith.select %lt3A_729, %mul3A_731, %add3A_735 : i32
      %add3A_737 = arith.constant 0 : i32
      %add3A_738 = arith.addi %select_n3A_736, %add3A_737 : i32
      %multiple_of3A_739 = tpu.assume_multiple %add3A_738, 16 : i32
      %get3A_740 = arith.index_cast %multiple_of3A_739 : i32 to index
      %get3A_741 = tpu.vector_load %arg13[%get3A_740] {strides = array<i32>} : memref<25088xi32, #tpu.memory_space<vmem>>, vector<16xi32>,
      %shift_right_logical3A_742 = arith.constant 17 : i32
      %shift_right_logical3A_743 = vector.broadcast %shift_right_logical3A_742 : i32 to vector<16xi32>
      %shift_right_logical3A_744 = arith.shrui %get3A_741, %shift_right_logical3A_743 : vector<16xi32>
      %swap3A_745 = arith.constant 0 : index
      %swap3A_746 = tpu.vector_load %arg15[%swap3A_745] {strides = array<i32>} : memref<64xi32, #tpu.memory_space<vmem>>, vector<16xi32>,
      tpu.vector_store %arg15[%swap3A_745], %shift_right_logical3A_744 {strides = array<i32>} : memref<64xi32, #tpu.memory_space<vmem>>, vector<16xi32>,
      %add3A_747 = arith.constant 16 : i32
      %add3A_748 = arith.addi %select_n3A_736, %add3A_747 : i32
      %multiple_of3A_749 = tpu.assume_multiple %add3A_748, 16 : i32
      %get3A_750 = arith.index_cast %multiple_of3A_749 : i32 to index
      %get3A_751 = tpu.vector_load %arg13[%get3A_750] {strides = array<i32>} : memref<25088xi32, #tpu.memory_space<vmem>>, vector<16xi32>,
      %shift_right_logical3A_752 = arith.constant 17 : i32
      %shift_right_logical3A_753 = vector.broadcast %shift_right_logical3A_752 : i32 to vector<16xi32>
      %shift_right_logical3A_754 = arith.shrui %get3A_751, %shift_right_logical3A_753 : vector<16xi32>
      %swap3A_755 = arith.constant 16 : index
      %swap3A_756 = tpu.vector_load %arg15[%swap3A_755] {strides = array<i32>} : memref<64xi32, #tpu.memory_space<vmem>>, vector<16xi32>,
      tpu.vector_store %arg15[%swap3A_755], %shift_right_logical3A_754 {strides = array<i32>} : memref<64xi32, #tpu.memory_space<vmem>>, vector<16xi32>,
      %add3A_757 = arith.constant 32 : i32
      %add3A_758 = arith.addi %select_n3A_736, %add3A_757 : i32
      %multiple_of3A_759 = tpu.assume_multiple %add3A_758, 16 : i32
      %get3A_760 = arith.index_cast %multiple_of3A_759 : i32 to index
      %get3A_761 = tpu.vector_load %arg13[%get3A_760] {strides = array<i32>} : memref<25088xi32, #tpu.memory_space<vmem>>, vector<16xi32>,
      %shift_right_logical3A_762 = arith.constant 17 : i32
      %shift_right_logical3A_763 = vector.broadcast %shift_right_logical3A_762 : i32 to vector<16xi32>
      %shift_right_logical3A_764 = arith.shrui %get3A_761, %shift_right_logical3A_763 : vector<16xi32>
      %swap3A_765 = arith.constant 32 : index
      %swap3A_766 = tpu.vector_load %arg15[%swap3A_765] {strides = array<i32>} : memref<64xi32, #tpu.memory_space<vmem>>, vector<16xi32>,
      tpu.vector_store %arg15[%swap3A_765], %shift_right_logical3A_764 {strides = array<i32>} : memref<64xi32, #tpu.memory_space<vmem>>, vector<16xi32>,
      %add3A_767 = arith.constant 48 : i32
      %add3A_768 = arith.addi %select_n3A_736, %add3A_767 : i32
      %multiple_of3A_769 = tpu.assume_multiple %add3A_768, 16 : i32
      %get3A_770 = arith.index_cast %multiple_of3A_769 : i32 to index
      %get3A_771 = tpu.vector_load %arg13[%get3A_770] {strides = array<i32>} : memref<25088xi32, #tpu.memory_space<vmem>>, vector<16xi32>,
      %shift_right_logical3A_772 = arith.constant 17 : i32
      %shift_right_logical3A_773 = vector.broadcast %shift_right_logical3A_772 : i32 to vector<16xi32>
      %shift_right_logical3A_774 = arith.shrui %get3A_771, %shift_right_logical3A_773 : vector<16xi32>
      %swap3A_775 = arith.constant 48 : index
      %swap3A_776 = tpu.vector_load %arg15[%swap3A_775] {strides = array<i32>} : memref<64xi32, #tpu.memory_space<vmem>>, vector<16xi32>,
      tpu.vector_store %arg15[%swap3A_775], %shift_right_logical3A_774 {strides = array<i32>} : memref<64xi32, #tpu.memory_space<vmem>>, vector<16xi32>,
      %mul3A_777 = arith.constant 64 : i32
      %mul3A_778 = arith.muli %and3A_714, %mul3A_777 : i32
      %multiple_of3A_779 = tpu.assume_multiple %mul3A_778, 8 : i32
      "tpu.region"() ({
        %run_scoped3A = tpu.sem_alloc : memref<!tpu.dma_semaphore, #tpu.memory_space<semaphore_mem>>
        %dma_start3A_780 = arith.constant 0 : i32
        %dma_start3A_781 = tpu.memref_slice %arg16[%multiple_of3A_779, %dma_start3A_780] : memref<128x64xf32, #tpu.memory_space<vmem>> -> memref<64x64xf32, #tpu.memory_space<vmem>>
        %dma_start3A_782 = arith.constant 0 : i32
        %dma_start3A_783 = arith.constant 0 : i32
        %dma_start3A_784 = tpu.memref_slice %arg19[%dma_start3A_782, %dma_start3A_783] : memref<8320x64xf32, #tpu.memory_space<vmem_shared>> -> memref<8320x64xf32, #tpu.memory_space<vmem_shared>>
        tpu.enqueue_indirect_dma source(%dma_start3A_781 : memref<64x64xf32, #tpu.memory_space<vmem>>) target(%dma_start3A_784 : memref<8320x64xf32, #tpu.memory_space<vmem_shared>>) offsets(%arg15 : memref<64xi32, #tpu.memory_space<vmem>>) semaphore(%run_scoped3A : memref<!tpu.dma_semaphore, #tpu.memory_space<semaphore_mem>>) {add = true}
        %dma_wait3A_785 = arith.constant 0 : i32
        %dma_wait3A_786 = tpu.memref_slice %arg16[%multiple_of3A_779, %dma_wait3A_785] : memref<128x64xf32, #tpu.memory_space<vmem>> -> memref<64x64xf32, #tpu.memory_space<vmem>>
        %dma_wait3A_787 = arith.constant 0 : i32
        %dma_wait3A_788 = arith.constant 0 : i32
        %dma_wait3A_789 = tpu.memref_slice %arg19[%dma_wait3A_787, %dma_wait3A_788] : memref<8320x64xf32, #tpu.memory_space<vmem_shared>> -> memref<8320x64xf32, #tpu.memory_space<vmem_shared>>
        tpu.wait_indirect_dma semaphore(%run_scoped3A : memref<!tpu.dma_semaphore, #tpu.memory_space<semaphore_mem>>) src(%dma_wait3A_786 : memref<64x64xf32, #tpu.memory_space<vmem>>) dst(%dma_wait3A_789 : memref<8320x64xf32, #tpu.memory_space<vmem_shared>>)
        tpu.yield
      }) : () -> ()
    }
    %while3A_412 = arith.constant 1 : i32
    scf.for %while3A_712 = %while3A_410 to %while3A_406 step %while3A_412  : i32 {
      %and3A_713 = arith.constant 1 : i32
      %and3A_714 = arith.andi %while3A_712, %and3A_713 : i32
      %add3A_715 = arith.constant 1 : i32
      %add3A_716 = arith.addi %while3A_712, %add3A_715 : i32
      %lt3A_717 = arith.cmpi slt, %add3A_716, %add3A_397 : i32
      %convert_element_type3A_718 = arith.extui %lt3A_717 : i1 to i32
      %cond3A_719 = arith.constant 0 : i32
      %cond3A_720 = arith.cmpi ne, %convert_element_type3A_718, %cond3A_719 : i32
      scf.if %cond3A_720 {
        %add3A_780 = arith.constant 1 : i32
        %add3A_781 = arith.addi %while3A_712, %add3A_780 : i32
        %sub3A_782 = arith.constant 1 : i32
        %sub3A_783 = arith.subi %sub3A_782, %and3A_714 : i32
        %mul3A_784 = arith.constant 64 : i32
        %mul3A_785 = arith.muli %sub3A_783, %mul3A_784 : i32
        %multiple_of3A_786 = tpu.assume_multiple %mul3A_785, 8 : i32
        %lt3A_787 = arith.cmpi slt, %add3A_781, %shift_right_logical3A_394 : i32
        %mul3A_788 = arith.constant 64 : i32
        %mul3A_789 = arith.muli %add3A_781, %mul3A_788 : i32
        %sub3A_790 = arith.subi %add3A_781, %shift_right_logical3A_394 : i32
        %mul3A_791 = arith.constant 64 : i32
        %mul3A_792 = arith.muli %sub3A_790, %mul3A_791 : i32
        %add3A_793 = arith.addi %sub3A_399, %mul3A_792 : i32
        %select_n3A_794 = arith.select %lt3A_787, %mul3A_789, %add3A_793 : i32
        %add3A_795 = arith.constant 0 : i32
        %add3A_796 = arith.addi %select_n3A_794, %add3A_795 : i32
        %multiple_of3A_797 = tpu.assume_multiple %add3A_796, 16 : i32
        %get3A_798 = arith.index_cast %multiple_of3A_797 : i32 to index
        %get3A_799 = tpu.vector_load %arg13[%get3A_798] {strides = array<i32>} : memref<25088xi32, #tpu.memory_space<vmem>>, vector<16xi32>,
        %and3A_800 = arith.constant 131071 : i32
        %and3A_801 = vector.broadcast %and3A_800 : i32 to vector<16xi32>
        %and3A_802 = arith.andi %get3A_799, %and3A_801 : vector<16xi32>
        %add3A_803 = arith.constant 0 : i32
        %add3A_804 = arith.addi %multiple_of3A_786, %add3A_803 : i32
        %multiple_of3A_805 = tpu.assume_multiple %add3A_804, 16 : i32
        %swap3A_806 = arith.index_cast %multiple_of3A_805 : i32 to index
        %swap3A_807 = tpu.vector_load %arg14[%swap3A_806] {strides = array<i32>} : memref<128xi32, #tpu.memory_space<vmem>>, vector<16xi32>,
        tpu.vector_store %arg14[%swap3A_806], %and3A_802 {strides = array<i32>} : memref<128xi32, #tpu.memory_space<vmem>>, vector<16xi32>,
        %add3A_808 = arith.constant 16 : i32
        %add3A_809 = arith.addi %select_n3A_794, %add3A_808 : i32
        %multiple_of3A_810 = tpu.assume_multiple %add3A_809, 16 : i32
        %get3A_811 = arith.index_cast %multiple_of3A_810 : i32 to index
        %get3A_812 = tpu.vector_load %arg13[%get3A_811] {strides = array<i32>} : memref<25088xi32, #tpu.memory_space<vmem>>, vector<16xi32>,
        %and3A_813 = arith.constant 131071 : i32
        %and3A_814 = vector.broadcast %and3A_813 : i32 to vector<16xi32>
        %and3A_815 = arith.andi %get3A_812, %and3A_814 : vector<16xi32>
        %add3A_816 = arith.constant 16 : i32
        %add3A_817 = arith.addi %multiple_of3A_786, %add3A_816 : i32
        %multiple_of3A_818 = tpu.assume_multiple %add3A_817, 16 : i32
        %swap3A_819 = arith.index_cast %multiple_of3A_818 : i32 to index
        %swap3A_820 = tpu.vector_load %arg14[%swap3A_819] {strides = array<i32>} : memref<128xi32, #tpu.memory_space<vmem>>, vector<16xi32>,
        tpu.vector_store %arg14[%swap3A_819], %and3A_815 {strides = array<i32>} : memref<128xi32, #tpu.memory_space<vmem>>, vector<16xi32>,
        %add3A_821 = arith.constant 32 : i32
        %add3A_822 = arith.addi %select_n3A_794, %add3A_821 : i32
        %multiple_of3A_823 = tpu.assume_multiple %add3A_822, 16 : i32
        %get3A_824 = arith.index_cast %multiple_of3A_823 : i32 to index
        %get3A_825 = tpu.vector_load %arg13[%get3A_824] {strides = array<i32>} : memref<25088xi32, #tpu.memory_space<vmem>>, vector<16xi32>,
        %and3A_826 = arith.constant 131071 : i32
        %and3A_827 = vector.broadcast %and3A_826 : i32 to vector<16xi32>
        %and3A_828 = arith.andi %get3A_825, %and3A_827 : vector<16xi32>
        %add3A_829 = arith.constant 32 : i32
        %add3A_830 = arith.addi %multiple_of3A_786, %add3A_829 : i32
        %multiple_of3A_831 = tpu.assume_multiple %add3A_830, 16 : i32
        %swap3A_832 = arith.index_cast %multiple_of3A_831 : i32 to index
        %swap3A_833 = tpu.vector_load %arg14[%swap3A_832] {strides = array<i32>} : memref<128xi32, #tpu.memory_space<vmem>>, vector<16xi32>,
        tpu.vector_store %arg14[%swap3A_832], %and3A_828 {strides = array<i32>} : memref<128xi32, #tpu.memory_space<vmem>>, vector<16xi32>,
        %add3A_834 = arith.constant 48 : i32
        %add3A_835 = arith.addi %select_n3A_794, %add3A_834 : i32
        %multiple_of3A_836 = tpu.assume_multiple %add3A_835, 16 : i32
        %get3A_837 = arith.index_cast %multiple_of3A_836 : i32 to index
        %get3A_838 = tpu.vector_load %arg13[%get3A_837] {strides = array<i32>} : memref<25088xi32, #tpu.memory_space<vmem>>, vector<16xi32>,
        %and3A_839 = arith.constant 131071 : i32
        %and3A_840 = vector.broadcast %and3A_839 : i32 to vector<16xi32>
        %and3A_841 = arith.andi %get3A_838, %and3A_840 : vector<16xi32>
        %add3A_842 = arith.constant 48 : i32
        %add3A_843 = arith.addi %multiple_of3A_786, %add3A_842 : i32
        %multiple_of3A_844 = tpu.assume_multiple %add3A_843, 16 : i32
        %swap3A_845 = arith.index_cast %multiple_of3A_844 : i32 to index
        %swap3A_846 = tpu.vector_load %arg14[%swap3A_845] {strides = array<i32>} : memref<128xi32, #tpu.memory_space<vmem>>, vector<16xi32>,
        tpu.vector_store %arg14[%swap3A_845], %and3A_841 {strides = array<i32>} : memref<128xi32, #tpu.memory_space<vmem>>, vector<16xi32>,
        %lt3A_847 = arith.cmpi slt, %add3A_781, %shift_right_logical3A_394 : i32
        %convert_element_type3A_848 = arith.extui %lt3A_847 : i1 to i32
        %cond3A_849 = arith.constant 0 : i32
        %cond3A_850 = arith.cmpi ne, %convert_element_type3A_848, %cond3A_849 : i32
        scf.if %cond3A_850 {
          %dma_start3A_854 = arith.constant 0 : i32
          %dma_start3A_855 = tpu.memref_slice %arg16[%multiple_of3A_786, %dma_start3A_854] : memref<128x64xf32, #tpu.memory_space<vmem>> -> memref<64x64xf32, #tpu.memory_space<vmem>>
          %dma_start3A_856 = tpu.memref_slice %arg14[%multiple_of3A_786] : memref<128xi32, #tpu.memory_space<vmem>> -> memref<64xi32, #tpu.memory_space<vmem>>
          %dma_start3A_857 = arith.constant 0 : i32
          %dma_start3A_858 = arith.constant 0 : i32
          %dma_start3A_859 = tpu.memref_slice %arg4[%dma_start3A_857, %dma_start3A_858] : memref<25000x64xf32, #tpu.memory_space<hbm>> -> memref<25000x64xf32, #tpu.memory_space<hbm>>
          tpu.enqueue_indirect_dma source(%dma_start3A_859 : memref<25000x64xf32, #tpu.memory_space<hbm>>) target(%dma_start3A_855 : memref<64x64xf32, #tpu.memory_space<vmem>>) offsets(%dma_start3A_856 : memref<64xi32, #tpu.memory_space<vmem>>) semaphore(%arg20 : memref<!tpu.dma_semaphore, #tpu.memory_space<semaphore_mem>>)
        } else {
        }
        %ge3A = arith.cmpi sge, %add3A_781, %shift_right_logical3A_394 : i32
        %convert_element_type3A_851 = arith.extui %ge3A : i1 to i32
        %cond3A_852 = arith.constant 0 : i32
        %cond3A_853 = arith.cmpi ne, %convert_element_type3A_851, %cond3A_852 : i32
        scf.if %cond3A_853 {
          %dma_start3A_854 = arith.constant 0 : i32
          %dma_start3A_855 = tpu.memref_slice %arg16[%multiple_of3A_786, %dma_start3A_854] : memref<128x64xf32, #tpu.memory_space<vmem>> -> memref<64x64xf32, #tpu.memory_space<vmem>>
          %dma_start3A_856 = tpu.memref_slice %arg14[%multiple_of3A_786] : memref<128xi32, #tpu.memory_space<vmem>> -> memref<64xi32, #tpu.memory_space<vmem>>
          %dma_start3A_857 = arith.constant 0 : i32
          %dma_start3A_858 = arith.constant 0 : i32
          %dma_start3A_859 = tpu.memref_slice %arg5[%dma_start3A_857, %dma_start3A_858] : memref<25000x64xf32, #tpu.memory_space<hbm>> -> memref<25000x64xf32, #tpu.memory_space<hbm>>
          tpu.enqueue_indirect_dma source(%dma_start3A_859 : memref<25000x64xf32, #tpu.memory_space<hbm>>) target(%dma_start3A_855 : memref<64x64xf32, #tpu.memory_space<vmem>>) offsets(%dma_start3A_856 : memref<64xi32, #tpu.memory_space<vmem>>) semaphore(%arg20 : memref<!tpu.dma_semaphore, #tpu.memory_space<semaphore_mem>>)
        } else {
        }
      } else {
      }
      %dma_wait3A_721 = arith.constant 0 : i32
      %dma_wait3A_722 = arith.constant 0 : i32
      %dma_wait3A_723 = tpu.memref_slice %arg16[%dma_wait3A_721, %dma_wait3A_722] : memref<128x64xf32, #tpu.memory_space<vmem>> -> memref<64x64xf32, #tpu.memory_space<vmem>>
      %dma_wait3A_724 = arith.constant 0 : i32
      %dma_wait3A_725 = tpu.memref_slice %arg14[%dma_wait3A_724] : memref<128xi32, #tpu.memory_space<vmem>> -> memref<64xi32, #tpu.memory_space<vmem>>
      %dma_wait3A_726 = arith.constant 0 : i32
      %dma_wait3A_727 = arith.constant 0 : i32
      %dma_wait3A_728 = tpu.memref_slice %arg4[%dma_wait3A_726, %dma_wait3A_727] : memref<25000x64xf32, #tpu.memory_space<hbm>> -> memref<25000x64xf32, #tpu.memory_space<hbm>>
      tpu.wait_indirect_dma semaphore(%arg20 : memref<!tpu.dma_semaphore, #tpu.memory_space<semaphore_mem>>) src(%dma_wait3A_728 : memref<25000x64xf32, #tpu.memory_space<hbm>>) dst(%dma_wait3A_723 : memref<64x64xf32, #tpu.memory_space<vmem>>)
      %lt3A_729 = arith.cmpi slt, %while3A_712, %shift_right_logical3A_394 : i32
      %mul3A_730 = arith.constant 64 : i32
      %mul3A_731 = arith.muli %while3A_712, %mul3A_730 : i32
      %sub3A_732 = arith.subi %while3A_712, %shift_right_logical3A_394 : i32
      %mul3A_733 = arith.constant 64 : i32
      %mul3A_734 = arith.muli %sub3A_732, %mul3A_733 : i32
      %add3A_735 = arith.addi %sub3A_399, %mul3A_734 : i32
      %select_n3A_736 = arith.select %lt3A_729, %mul3A_731, %add3A_735 : i32
      %add3A_737 = arith.constant 0 : i32
      %add3A_738 = arith.addi %select_n3A_736, %add3A_737 : i32
      %multiple_of3A_739 = tpu.assume_multiple %add3A_738, 16 : i32
      %get3A_740 = arith.index_cast %multiple_of3A_739 : i32 to index
      %get3A_741 = tpu.vector_load %arg13[%get3A_740] {strides = array<i32>} : memref<25088xi32, #tpu.memory_space<vmem>>, vector<16xi32>,
      %shift_right_logical3A_742 = arith.constant 17 : i32
      %shift_right_logical3A_743 = vector.broadcast %shift_right_logical3A_742 : i32 to vector<16xi32>
      %shift_right_logical3A_744 = arith.shrui %get3A_741, %shift_right_logical3A_743 : vector<16xi32>
      %swap3A_745 = arith.constant 0 : index
      %swap3A_746 = tpu.vector_load %arg15[%swap3A_745] {strides = array<i32>} : memref<64xi32, #tpu.memory_space<vmem>>, vector<16xi32>,
      tpu.vector_store %arg15[%swap3A_745], %shift_right_logical3A_744 {strides = array<i32>} : memref<64xi32, #tpu.memory_space<vmem>>, vector<16xi32>,
      %add3A_747 = arith.constant 16 : i32
      %add3A_748 = arith.addi %select_n3A_736, %add3A_747 : i32
      %multiple_of3A_749 = tpu.assume_multiple %add3A_748, 16 : i32
      %get3A_750 = arith.index_cast %multiple_of3A_749 : i32 to index
      %get3A_751 = tpu.vector_load %arg13[%get3A_750] {strides = array<i32>} : memref<25088xi32, #tpu.memory_space<vmem>>, vector<16xi32>,
      %shift_right_logical3A_752 = arith.constant 17 : i32
      %shift_right_logical3A_753 = vector.broadcast %shift_right_logical3A_752 : i32 to vector<16xi32>
      %shift_right_logical3A_754 = arith.shrui %get3A_751, %shift_right_logical3A_753 : vector<16xi32>
      %swap3A_755 = arith.constant 16 : index
      %swap3A_756 = tpu.vector_load %arg15[%swap3A_755] {strides = array<i32>} : memref<64xi32, #tpu.memory_space<vmem>>, vector<16xi32>,
      tpu.vector_store %arg15[%swap3A_755], %shift_right_logical3A_754 {strides = array<i32>} : memref<64xi32, #tpu.memory_space<vmem>>, vector<16xi32>,
      %add3A_757 = arith.constant 32 : i32
      %add3A_758 = arith.addi %select_n3A_736, %add3A_757 : i32
      %multiple_of3A_759 = tpu.assume_multiple %add3A_758, 16 : i32
      %get3A_760 = arith.index_cast %multiple_of3A_759 : i32 to index
      %get3A_761 = tpu.vector_load %arg13[%get3A_760] {strides = array<i32>} : memref<25088xi32, #tpu.memory_space<vmem>>, vector<16xi32>,
      %shift_right_logical3A_762 = arith.constant 17 : i32
      %shift_right_logical3A_763 = vector.broadcast %shift_right_logical3A_762 : i32 to vector<16xi32>
      %shift_right_logical3A_764 = arith.shrui %get3A_761, %shift_right_logical3A_763 : vector<16xi32>
      %swap3A_765 = arith.constant 32 : index
      %swap3A_766 = tpu.vector_load %arg15[%swap3A_765] {strides = array<i32>} : memref<64xi32, #tpu.memory_space<vmem>>, vector<16xi32>,
      tpu.vector_store %arg15[%swap3A_765], %shift_right_logical3A_764 {strides = array<i32>} : memref<64xi32, #tpu.memory_space<vmem>>, vector<16xi32>,
      %add3A_767 = arith.constant 48 : i32
      %add3A_768 = arith.addi %select_n3A_736, %add3A_767 : i32
      %multiple_of3A_769 = tpu.assume_multiple %add3A_768, 16 : i32
      %get3A_770 = arith.index_cast %multiple_of3A_769 : i32 to index
      %get3A_771 = tpu.vector_load %arg13[%get3A_770] {strides = array<i32>} : memref<25088xi32, #tpu.memory_space<vmem>>, vector<16xi32>,
      %shift_right_logical3A_772 = arith.constant 17 : i32
      %shift_right_logical3A_773 = vector.broadcast %shift_right_logical3A_772 : i32 to vector<16xi32>
      %shift_right_logical3A_774 = arith.shrui %get3A_771, %shift_right_logical3A_773 : vector<16xi32>
      %swap3A_775 = arith.constant 48 : index
      %swap3A_776 = tpu.vector_load %arg15[%swap3A_775] {strides = array<i32>} : memref<64xi32, #tpu.memory_space<vmem>>, vector<16xi32>,
      tpu.vector_store %arg15[%swap3A_775], %shift_right_logical3A_774 {strides = array<i32>} : memref<64xi32, #tpu.memory_space<vmem>>, vector<16xi32>,
      %mul3A_777 = arith.constant 64 : i32
      %mul3A_778 = arith.muli %and3A_714, %mul3A_777 : i32
      %multiple_of3A_779 = tpu.assume_multiple %mul3A_778, 8 : i32
      "tpu.region"() ({
        %run_scoped3A = tpu.sem_alloc : memref<!tpu.dma_semaphore, #tpu.memory_space<semaphore_mem>>
        %dma_start3A_780 = arith.constant 0 : i32
        %dma_start3A_781 = tpu.memref_slice %arg16[%multiple_of3A_779, %dma_start3A_780] : memref<128x64xf32, #tpu.memory_space<vmem>> -> memref<64x64xf32, #tpu.memory_space<vmem>>
        %dma_start3A_782 = arith.constant 0 : i32
        %dma_start3A_783 = arith.constant 0 : i32
        %dma_start3A_784 = tpu.memref_slice %arg19[%dma_start3A_782, %dma_start3A_783] : memref<8320x64xf32, #tpu.memory_space<vmem_shared>> -> memref<8320x64xf32, #tpu.memory_space<vmem_shared>>
        tpu.enqueue_indirect_dma source(%dma_start3A_781 : memref<64x64xf32, #tpu.memory_space<vmem>>) target(%dma_start3A_784 : memref<8320x64xf32, #tpu.memory_space<vmem_shared>>) offsets(%arg15 : memref<64xi32, #tpu.memory_space<vmem>>) semaphore(%run_scoped3A : memref<!tpu.dma_semaphore, #tpu.memory_space<semaphore_mem>>) {add = true}
        %dma_wait3A_785 = arith.constant 0 : i32
        %dma_wait3A_786 = tpu.memref_slice %arg16[%multiple_of3A_779, %dma_wait3A_785] : memref<128x64xf32, #tpu.memory_space<vmem>> -> memref<64x64xf32, #tpu.memory_space<vmem>>
        %dma_wait3A_787 = arith.constant 0 : i32
        %dma_wait3A_788 = arith.constant 0 : i32
        %dma_wait3A_789 = tpu.memref_slice %arg19[%dma_wait3A_787, %dma_wait3A_788] : memref<8320x64xf32, #tpu.memory_space<vmem_shared>> -> memref<8320x64xf32, #tpu.memory_space<vmem_shared>>
        tpu.wait_indirect_dma semaphore(%run_scoped3A : memref<!tpu.dma_semaphore, #tpu.memory_space<semaphore_mem>>) src(%dma_wait3A_786 : memref<64x64xf32, #tpu.memory_space<vmem>>) dst(%dma_wait3A_789 : memref<8320x64xf32, #tpu.memory_space<vmem_shared>>)
        tpu.yield
      }) : () -> ()
    }
    %barrier3A_413 = arith.constant 0 : index
    tpu.barrier barrier_id(%barrier3A_413)
    %mul3A_414 = arith.constant 512 : i32
    %mul3A_415 = arith.muli %arg1, %mul3A_414 : i32
    %multiple_of3A_416 = tpu.assume_multiple %mul3A_415, 16 : i32
    "tpu.region"() ({
      %run_scoped3A = tpu.sem_alloc : memref<!tpu.dma_semaphore, #tpu.memory_space<semaphore_mem>>
      %dma_start3A_712 = arith.constant 0 : i32
      %dma_start3A_713 = tpu.memref_slice %arg10[%dma_start3A_712] : memref<2048xi32, #tpu.memory_space<vmem>> -> memref<512xi32, #tpu.memory_space<vmem>>
      %dma_start3A_714 = tpu.memref_slice %arg3[%multiple_of3A_416] : memref<8192xi32, #tpu.memory_space<hbm>> -> memref<512xi32, #tpu.memory_space<hbm>>
      %dma_start3A_715 = arith.constant 0 : i32
      %dma_start3A_716 = tpu.memref_slice %arg10[%dma_start3A_715] : memref<2048xi32, #tpu.memory_space<vmem>> -> memref<512xi32, #tpu.memory_space<vmem>>
      %dma_start3A_717 = tpu.memref_slice %arg3[%multiple_of3A_416] : memref<8192xi32, #tpu.memory_space<hbm>> -> memref<512xi32, #tpu.memory_space<hbm>>
      tpu.enqueue_dma source(%dma_start3A_717 : memref<512xi32, #tpu.memory_space<hbm>>) target(%dma_start3A_716 : memref<512xi32, #tpu.memory_space<vmem>>) target_semaphore(%run_scoped3A : memref<!tpu.dma_semaphore, #tpu.memory_space<semaphore_mem>>)
      %dma_wait3A_718 = arith.constant 0 : i32
      %dma_wait3A_719 = tpu.memref_slice %arg10[%dma_wait3A_718] : memref<2048xi32, #tpu.memory_space<vmem>> -> memref<512xi32, #tpu.memory_space<vmem>>
      %dma_wait3A_720 = tpu.memref_slice %arg3[%multiple_of3A_416] : memref<8192xi32, #tpu.memory_space<hbm>> -> memref<512xi32, #tpu.memory_space<hbm>>
      %dma_wait3A_721 = arith.constant 0 : i32
      %dma_wait3A_722 = tpu.memref_slice %arg10[%dma_wait3A_721] : memref<2048xi32, #tpu.memory_space<vmem>> -> memref<512xi32, #tpu.memory_space<vmem>>
      %dma_wait3A_723 = tpu.memref_slice %arg3[%multiple_of3A_416] : memref<8192xi32, #tpu.memory_space<hbm>> -> memref<512xi32, #tpu.memory_space<hbm>>
      tpu.wait_dma2 semaphore(%run_scoped3A : memref<!tpu.dma_semaphore, #tpu.memory_space<semaphore_mem>>) src(%dma_wait3A_723 : memref<512xi32, #tpu.memory_space<hbm>>) dst(%dma_wait3A_722 : memref<512xi32, #tpu.memory_space<vmem>>)
      tpu.yield
    }) : () -> ()
    %multiple_of3A_417 = arith.constant 0 : i32
    %multiple_of3A_418 = tpu.assume_multiple %multiple_of3A_417, 16 : i32
    %get3A_419 = arith.index_cast %multiple_of3A_418 : i32 to index
    %get3A_420 = tpu.vector_load %arg10[%get3A_419] {strides = array<i32>} : memref<2048xi32, #tpu.memory_space<vmem>>, vector<16xi32>,
    %gather3A = tpu.vector_load_idx %arg9[%get3A_420] : memref<50000xi32, #tpu.memory_space<vmem>>[vector<16xi32>], vector<16xi32>,
    %swap3A_421 = arith.index_cast %multiple_of3A_418 : i32 to index
    %swap3A_422 = tpu.vector_load %arg17[%swap3A_421] {strides = array<i32>} : memref<512xi32, #tpu.memory_space<vmem>>, vector<16xi32>,
    tpu.vector_store %arg17[%swap3A_421], %gather3A {strides = array<i32>} : memref<512xi32, #tpu.memory_space<vmem>>, vector<16xi32>,
    %multiple_of3A_423 = arith.constant 16 : i32
    %multiple_of3A_424 = tpu.assume_multiple %multiple_of3A_423, 16 : i32
    %get3A_425 = arith.index_cast %multiple_of3A_424 : i32 to index
    %get3A_426 = tpu.vector_load %arg10[%get3A_425] {strides = array<i32>} : memref<2048xi32, #tpu.memory_space<vmem>>, vector<16xi32>,
    %gather3A_427 = tpu.vector_load_idx %arg9[%get3A_426] : memref<50000xi32, #tpu.memory_space<vmem>>[vector<16xi32>], vector<16xi32>,
    %swap3A_428 = arith.index_cast %multiple_of3A_424 : i32 to index
    %swap3A_429 = tpu.vector_load %arg17[%swap3A_428] {strides = array<i32>} : memref<512xi32, #tpu.memory_space<vmem>>, vector<16xi32>,
    tpu.vector_store %arg17[%swap3A_428], %gather3A_427 {strides = array<i32>} : memref<512xi32, #tpu.memory_space<vmem>>, vector<16xi32>,
    %multiple_of3A_430 = arith.constant 32 : i32
    %multiple_of3A_431 = tpu.assume_multiple %multiple_of3A_430, 16 : i32
    %get3A_432 = arith.index_cast %multiple_of3A_431 : i32 to index
    %get3A_433 = tpu.vector_load %arg10[%get3A_432] {strides = array<i32>} : memref<2048xi32, #tpu.memory_space<vmem>>, vector<16xi32>,
    %gather3A_434 = tpu.vector_load_idx %arg9[%get3A_433] : memref<50000xi32, #tpu.memory_space<vmem>>[vector<16xi32>], vector<16xi32>,
    %swap3A_435 = arith.index_cast %multiple_of3A_431 : i32 to index
    %swap3A_436 = tpu.vector_load %arg17[%swap3A_435] {strides = array<i32>} : memref<512xi32, #tpu.memory_space<vmem>>, vector<16xi32>,
    tpu.vector_store %arg17[%swap3A_435], %gather3A_434 {strides = array<i32>} : memref<512xi32, #tpu.memory_space<vmem>>, vector<16xi32>,
    %multiple_of3A_437 = arith.constant 48 : i32
    %multiple_of3A_438 = tpu.assume_multiple %multiple_of3A_437, 16 : i32
    %get3A_439 = arith.index_cast %multiple_of3A_438 : i32 to index
    %get3A_440 = tpu.vector_load %arg10[%get3A_439] {strides = array<i32>} : memref<2048xi32, #tpu.memory_space<vmem>>, vector<16xi32>,
    %gather3A_441 = tpu.vector_load_idx %arg9[%get3A_440] : memref<50000xi32, #tpu.memory_space<vmem>>[vector<16xi32>], vector<16xi32>,
    %swap3A_442 = arith.index_cast %multiple_of3A_438 : i32 to index
    %swap3A_443 = tpu.vector_load %arg17[%swap3A_442] {strides = array<i32>} : memref<512xi32, #tpu.memory_space<vmem>>, vector<16xi32>,
    tpu.vector_store %arg17[%swap3A_442], %gather3A_441 {strides = array<i32>} : memref<512xi32, #tpu.memory_space<vmem>>, vector<16xi32>,
    %multiple_of3A_444 = arith.constant 64 : i32
    %multiple_of3A_445 = tpu.assume_multiple %multiple_of3A_444, 16 : i32
    %get3A_446 = arith.index_cast %multiple_of3A_445 : i32 to index
    %get3A_447 = tpu.vector_load %arg10[%get3A_446] {strides = array<i32>} : memref<2048xi32, #tpu.memory_space<vmem>>, vector<16xi32>,
    %gather3A_448 = tpu.vector_load_idx %arg9[%get3A_447] : memref<50000xi32, #tpu.memory_space<vmem>>[vector<16xi32>], vector<16xi32>,
    %swap3A_449 = arith.index_cast %multiple_of3A_445 : i32 to index
    %swap3A_450 = tpu.vector_load %arg17[%swap3A_449] {strides = array<i32>} : memref<512xi32, #tpu.memory_space<vmem>>, vector<16xi32>,
    tpu.vector_store %arg17[%swap3A_449], %gather3A_448 {strides = array<i32>} : memref<512xi32, #tpu.memory_space<vmem>>, vector<16xi32>,
    %multiple_of3A_451 = arith.constant 80 : i32
    %multiple_of3A_452 = tpu.assume_multiple %multiple_of3A_451, 16 : i32
    %get3A_453 = arith.index_cast %multiple_of3A_452 : i32 to index
    %get3A_454 = tpu.vector_load %arg10[%get3A_453] {strides = array<i32>} : memref<2048xi32, #tpu.memory_space<vmem>>, vector<16xi32>,
    %gather3A_455 = tpu.vector_load_idx %arg9[%get3A_454] : memref<50000xi32, #tpu.memory_space<vmem>>[vector<16xi32>], vector<16xi32>,
    %swap3A_456 = arith.index_cast %multiple_of3A_452 : i32 to index
    %swap3A_457 = tpu.vector_load %arg17[%swap3A_456] {strides = array<i32>} : memref<512xi32, #tpu.memory_space<vmem>>, vector<16xi32>,
    tpu.vector_store %arg17[%swap3A_456], %gather3A_455 {strides = array<i32>} : memref<512xi32, #tpu.memory_space<vmem>>, vector<16xi32>,
    %multiple_of3A_458 = arith.constant 96 : i32
    %multiple_of3A_459 = tpu.assume_multiple %multiple_of3A_458, 16 : i32
    %get3A_460 = arith.index_cast %multiple_of3A_459 : i32 to index
    %get3A_461 = tpu.vector_load %arg10[%get3A_460] {strides = array<i32>} : memref<2048xi32, #tpu.memory_space<vmem>>, vector<16xi32>,
    %gather3A_462 = tpu.vector_load_idx %arg9[%get3A_461] : memref<50000xi32, #tpu.memory_space<vmem>>[vector<16xi32>], vector<16xi32>,
    %swap3A_463 = arith.index_cast %multiple_of3A_459 : i32 to index
    %swap3A_464 = tpu.vector_load %arg17[%swap3A_463] {strides = array<i32>} : memref<512xi32, #tpu.memory_space<vmem>>, vector<16xi32>,
    tpu.vector_store %arg17[%swap3A_463], %gather3A_462 {strides = array<i32>} : memref<512xi32, #tpu.memory_space<vmem>>, vector<16xi32>,
    %multiple_of3A_465 = arith.constant 112 : i32
    %multiple_of3A_466 = tpu.assume_multiple %multiple_of3A_465, 16 : i32
    %get3A_467 = arith.index_cast %multiple_of3A_466 : i32 to index
    %get3A_468 = tpu.vector_load %arg10[%get3A_467] {strides = array<i32>} : memref<2048xi32, #tpu.memory_space<vmem>>, vector<16xi32>,
    %gather3A_469 = tpu.vector_load_idx %arg9[%get3A_468] : memref<50000xi32, #tpu.memory_space<vmem>>[vector<16xi32>], vector<16xi32>,
    %swap3A_470 = arith.index_cast %multiple_of3A_466 : i32 to index
    %swap3A_471 = tpu.vector_load %arg17[%swap3A_470] {strides = array<i32>} : memref<512xi32, #tpu.memory_space<vmem>>, vector<16xi32>,
    tpu.vector_store %arg17[%swap3A_470], %gather3A_469 {strides = array<i32>} : memref<512xi32, #tpu.memory_space<vmem>>, vector<16xi32>,
    %dma_start3A_472 = arith.constant 0 : i32
    %dma_start3A_473 = arith.constant 0 : i32
    %dma_start3A_474 = tpu.memref_slice %arg16[%dma_start3A_472, %dma_start3A_473] : memref<128x64xf32, #tpu.memory_space<vmem>> -> memref<128x64xf32, #tpu.memory_space<vmem>>
    %dma_start3A_475 = arith.constant 0 : i32
    %dma_start3A_476 = tpu.memref_slice %arg17[%dma_start3A_475] : memref<512xi32, #tpu.memory_space<vmem>> -> memref<128xi32, #tpu.memory_space<vmem>>
    %dma_start3A_477 = arith.constant 0 : i32
    %dma_start3A_478 = arith.constant 0 : i32
    %dma_start3A_479 = tpu.memref_slice %arg19[%dma_start3A_477, %dma_start3A_478] : memref<8320x64xf32, #tpu.memory_space<vmem_shared>> -> memref<8320x64xf32, #tpu.memory_space<vmem_shared>>
    tpu.enqueue_indirect_dma source(%dma_start3A_479 : memref<8320x64xf32, #tpu.memory_space<vmem_shared>>) target(%dma_start3A_474 : memref<128x64xf32, #tpu.memory_space<vmem>>) offsets(%dma_start3A_476 : memref<128xi32, #tpu.memory_space<vmem>>) semaphore(%arg20 : memref<!tpu.dma_semaphore, #tpu.memory_space<semaphore_mem>>)
    %dma_wait3A_480 = arith.constant 0 : i32
    %dma_wait3A_481 = arith.constant 0 : i32
    %dma_wait3A_482 = tpu.memref_slice %arg16[%dma_wait3A_480, %dma_wait3A_481] : memref<128x64xf32, #tpu.memory_space<vmem>> -> memref<128x64xf32, #tpu.memory_space<vmem>>
    %dma_wait3A_483 = arith.constant 0 : i32
    %dma_wait3A_484 = tpu.memref_slice %arg17[%dma_wait3A_483] : memref<512xi32, #tpu.memory_space<vmem>> -> memref<128xi32, #tpu.memory_space<vmem>>
    %dma_wait3A_485 = arith.constant 0 : i32
    %dma_wait3A_486 = arith.constant 0 : i32
    %dma_wait3A_487 = tpu.memref_slice %arg19[%dma_wait3A_485, %dma_wait3A_486] : memref<8320x64xf32, #tpu.memory_space<vmem_shared>> -> memref<8320x64xf32, #tpu.memory_space<vmem_shared>>
    tpu.wait_indirect_dma semaphore(%arg20 : memref<!tpu.dma_semaphore, #tpu.memory_space<semaphore_mem>>) src(%dma_wait3A_487 : memref<8320x64xf32, #tpu.memory_space<vmem_shared>>) dst(%dma_wait3A_482 : memref<128x64xf32, #tpu.memory_space<vmem>>)
    %add3A_488 = arith.constant 0 : i32
    %add3A_489 = arith.addi %multiple_of3A_416, %add3A_488 : i32
    "tpu.region"() ({
      %run_scoped3A = tpu.sem_alloc : memref<!tpu.dma_semaphore, #tpu.memory_space<semaphore_mem>>
      %dma_start3A_712 = arith.constant 0 : i32
      %dma_start3A_713 = arith.constant 0 : i32
      %dma_start3A_714 = tpu.memref_slice %arg16[%dma_start3A_712, %dma_start3A_713] : memref<128x64xf32, #tpu.memory_space<vmem>> -> memref<128x64xf32, #tpu.memory_space<vmem>>
      %dma_start3A_715 = arith.constant 0 : i32
      %dma_start3A_716 = tpu.memref_slice %arg8[%arg0, %add3A_489, %dma_start3A_715] : memref<2x8192x64xf32, #tpu.memory_space<hbm>> -> memref<1x128x64xf32, #tpu.memory_space<hbm>>
      %dma_start3A_717 = tpu.memref_squeeze %dma_start3A_716 : memref<1x128x64xf32, #tpu.memory_space<hbm>> -> memref<128x64xf32, #tpu.memory_space<hbm>>
      %dma_start3A_718 = arith.constant 0 : i32
      %dma_start3A_719 = tpu.memref_slice %arg8[%arg0, %add3A_489, %dma_start3A_718] : memref<2x8192x64xf32, #tpu.memory_space<hbm>> -> memref<1x128x64xf32, #tpu.memory_space<hbm>>
      %dma_start3A_720 = tpu.memref_squeeze %dma_start3A_719 : memref<1x128x64xf32, #tpu.memory_space<hbm>> -> memref<128x64xf32, #tpu.memory_space<hbm>>
      %dma_start3A_721 = arith.constant 0 : i32
      %dma_start3A_722 = arith.constant 0 : i32
      %dma_start3A_723 = tpu.memref_slice %arg16[%dma_start3A_721, %dma_start3A_722] : memref<128x64xf32, #tpu.memory_space<vmem>> -> memref<128x64xf32, #tpu.memory_space<vmem>>
      tpu.enqueue_dma source(%dma_start3A_723 : memref<128x64xf32, #tpu.memory_space<vmem>>) target(%dma_start3A_720 : memref<128x64xf32, #tpu.memory_space<hbm>>) target_semaphore(%run_scoped3A : memref<!tpu.dma_semaphore, #tpu.memory_space<semaphore_mem>>)
      %dma_wait3A_724 = arith.constant 0 : i32
      %dma_wait3A_725 = arith.constant 0 : i32
      %dma_wait3A_726 = tpu.memref_slice %arg16[%dma_wait3A_724, %dma_wait3A_725] : memref<128x64xf32, #tpu.memory_space<vmem>> -> memref<128x64xf32, #tpu.memory_space<vmem>>
      %dma_wait3A_727 = arith.constant 0 : i32
      %dma_wait3A_728 = tpu.memref_slice %arg8[%arg0, %add3A_489, %dma_wait3A_727] : memref<2x8192x64xf32, #tpu.memory_space<hbm>> -> memref<1x128x64xf32, #tpu.memory_space<hbm>>
      %dma_wait3A_729 = tpu.memref_squeeze %dma_wait3A_728 : memref<1x128x64xf32, #tpu.memory_space<hbm>> -> memref<128x64xf32, #tpu.memory_space<hbm>>
      %dma_wait3A_730 = arith.constant 0 : i32
      %dma_wait3A_731 = tpu.memref_slice %arg8[%arg0, %add3A_489, %dma_wait3A_730] : memref<2x8192x64xf32, #tpu.memory_space<hbm>> -> memref<1x128x64xf32, #tpu.memory_space<hbm>>
      %dma_wait3A_732 = tpu.memref_squeeze %dma_wait3A_731 : memref<1x128x64xf32, #tpu.memory_space<hbm>> -> memref<128x64xf32, #tpu.memory_space<hbm>>
      %dma_wait3A_733 = arith.constant 0 : i32
      %dma_wait3A_734 = arith.constant 0 : i32
      %dma_wait3A_735 = tpu.memref_slice %arg16[%dma_wait3A_733, %dma_wait3A_734] : memref<128x64xf32, #tpu.memory_space<vmem>> -> memref<128x64xf32, #tpu.memory_space<vmem>>
      tpu.wait_dma2 semaphore(%run_scoped3A : memref<!tpu.dma_semaphore, #tpu.memory_space<semaphore_mem>>) src(%dma_wait3A_735 : memref<128x64xf32, #tpu.memory_space<vmem>>) dst(%dma_wait3A_732 : memref<128x64xf32, #tpu.memory_space<hbm>>)
      tpu.yield
    }) : () -> ()
    %multiple_of3A_490 = arith.constant 128 : i32
    %multiple_of3A_491 = tpu.assume_multiple %multiple_of3A_490, 16 : i32
    %get3A_492 = arith.index_cast %multiple_of3A_491 : i32 to index
    %get3A_493 = tpu.vector_load %arg10[%get3A_492] {strides = array<i32>} : memref<2048xi32, #tpu.memory_space<vmem>>, vector<16xi32>,
    %gather3A_494 = tpu.vector_load_idx %arg9[%get3A_493] : memref<50000xi32, #tpu.memory_space<vmem>>[vector<16xi32>], vector<16xi32>,
    %swap3A_495 = arith.index_cast %multiple_of3A_491 : i32 to index
    %swap3A_496 = tpu.vector_load %arg17[%swap3A_495] {strides = array<i32>} : memref<512xi32, #tpu.memory_space<vmem>>, vector<16xi32>,
    tpu.vector_store %arg17[%swap3A_495], %gather3A_494 {strides = array<i32>} : memref<512xi32, #tpu.memory_space<vmem>>, vector<16xi32>,
    %multiple_of3A_497 = arith.constant 144 : i32
    %multiple_of3A_498 = tpu.assume_multiple %multiple_of3A_497, 16 : i32
    %get3A_499 = arith.index_cast %multiple_of3A_498 : i32 to index
    %get3A_500 = tpu.vector_load %arg10[%get3A_499] {strides = array<i32>} : memref<2048xi32, #tpu.memory_space<vmem>>, vector<16xi32>,
    %gather3A_501 = tpu.vector_load_idx %arg9[%get3A_500] : memref<50000xi32, #tpu.memory_space<vmem>>[vector<16xi32>], vector<16xi32>,
    %swap3A_502 = arith.index_cast %multiple_of3A_498 : i32 to index
    %swap3A_503 = tpu.vector_load %arg17[%swap3A_502] {strides = array<i32>} : memref<512xi32, #tpu.memory_space<vmem>>, vector<16xi32>,
    tpu.vector_store %arg17[%swap3A_502], %gather3A_501 {strides = array<i32>} : memref<512xi32, #tpu.memory_space<vmem>>, vector<16xi32>,
    %multiple_of3A_504 = arith.constant 160 : i32
    %multiple_of3A_505 = tpu.assume_multiple %multiple_of3A_504, 16 : i32
    %get3A_506 = arith.index_cast %multiple_of3A_505 : i32 to index
    %get3A_507 = tpu.vector_load %arg10[%get3A_506] {strides = array<i32>} : memref<2048xi32, #tpu.memory_space<vmem>>, vector<16xi32>,
    %gather3A_508 = tpu.vector_load_idx %arg9[%get3A_507] : memref<50000xi32, #tpu.memory_space<vmem>>[vector<16xi32>], vector<16xi32>,
    %swap3A_509 = arith.index_cast %multiple_of3A_505 : i32 to index
    %swap3A_510 = tpu.vector_load %arg17[%swap3A_509] {strides = array<i32>} : memref<512xi32, #tpu.memory_space<vmem>>, vector<16xi32>,
    tpu.vector_store %arg17[%swap3A_509], %gather3A_508 {strides = array<i32>} : memref<512xi32, #tpu.memory_space<vmem>>, vector<16xi32>,
    %multiple_of3A_511 = arith.constant 176 : i32
    %multiple_of3A_512 = tpu.assume_multiple %multiple_of3A_511, 16 : i32
    %get3A_513 = arith.index_cast %multiple_of3A_512 : i32 to index
    %get3A_514 = tpu.vector_load %arg10[%get3A_513] {strides = array<i32>} : memref<2048xi32, #tpu.memory_space<vmem>>, vector<16xi32>,
    %gather3A_515 = tpu.vector_load_idx %arg9[%get3A_514] : memref<50000xi32, #tpu.memory_space<vmem>>[vector<16xi32>], vector<16xi32>,
    %swap3A_516 = arith.index_cast %multiple_of3A_512 : i32 to index
    %swap3A_517 = tpu.vector_load %arg17[%swap3A_516] {strides = array<i32>} : memref<512xi32, #tpu.memory_space<vmem>>, vector<16xi32>,
    tpu.vector_store %arg17[%swap3A_516], %gather3A_515 {strides = array<i32>} : memref<512xi32, #tpu.memory_space<vmem>>, vector<16xi32>,
    %multiple_of3A_518 = arith.constant 192 : i32
    %multiple_of3A_519 = tpu.assume_multiple %multiple_of3A_518, 16 : i32
    %get3A_520 = arith.index_cast %multiple_of3A_519 : i32 to index
    %get3A_521 = tpu.vector_load %arg10[%get3A_520] {strides = array<i32>} : memref<2048xi32, #tpu.memory_space<vmem>>, vector<16xi32>,
    %gather3A_522 = tpu.vector_load_idx %arg9[%get3A_521] : memref<50000xi32, #tpu.memory_space<vmem>>[vector<16xi32>], vector<16xi32>,
    %swap3A_523 = arith.index_cast %multiple_of3A_519 : i32 to index
    %swap3A_524 = tpu.vector_load %arg17[%swap3A_523] {strides = array<i32>} : memref<512xi32, #tpu.memory_space<vmem>>, vector<16xi32>,
    tpu.vector_store %arg17[%swap3A_523], %gather3A_522 {strides = array<i32>} : memref<512xi32, #tpu.memory_space<vmem>>, vector<16xi32>,
    %multiple_of3A_525 = arith.constant 208 : i32
    %multiple_of3A_526 = tpu.assume_multiple %multiple_of3A_525, 16 : i32
    %get3A_527 = arith.index_cast %multiple_of3A_526 : i32 to index
    %get3A_528 = tpu.vector_load %arg10[%get3A_527] {strides = array<i32>} : memref<2048xi32, #tpu.memory_space<vmem>>, vector<16xi32>,
    %gather3A_529 = tpu.vector_load_idx %arg9[%get3A_528] : memref<50000xi32, #tpu.memory_space<vmem>>[vector<16xi32>], vector<16xi32>,
    %swap3A_530 = arith.index_cast %multiple_of3A_526 : i32 to index
    %swap3A_531 = tpu.vector_load %arg17[%swap3A_530] {strides = array<i32>} : memref<512xi32, #tpu.memory_space<vmem>>, vector<16xi32>,
    tpu.vector_store %arg17[%swap3A_530], %gather3A_529 {strides = array<i32>} : memref<512xi32, #tpu.memory_space<vmem>>, vector<16xi32>,
    %multiple_of3A_532 = arith.constant 224 : i32
    %multiple_of3A_533 = tpu.assume_multiple %multiple_of3A_532, 16 : i32
    %get3A_534 = arith.index_cast %multiple_of3A_533 : i32 to index
    %get3A_535 = tpu.vector_load %arg10[%get3A_534] {strides = array<i32>} : memref<2048xi32, #tpu.memory_space<vmem>>, vector<16xi32>,
    %gather3A_536 = tpu.vector_load_idx %arg9[%get3A_535] : memref<50000xi32, #tpu.memory_space<vmem>>[vector<16xi32>], vector<16xi32>,
    %swap3A_537 = arith.index_cast %multiple_of3A_533 : i32 to index
    %swap3A_538 = tpu.vector_load %arg17[%swap3A_537] {strides = array<i32>} : memref<512xi32, #tpu.memory_space<vmem>>, vector<16xi32>,
    tpu.vector_store %arg17[%swap3A_537], %gather3A_536 {strides = array<i32>} : memref<512xi32, #tpu.memory_space<vmem>>, vector<16xi32>,
    %multiple_of3A_539 = arith.constant 240 : i32
    %multiple_of3A_540 = tpu.assume_multiple %multiple_of3A_539, 16 : i32
    %get3A_541 = arith.index_cast %multiple_of3A_540 : i32 to index
    %get3A_542 = tpu.vector_load %arg10[%get3A_541] {strides = array<i32>} : memref<2048xi32, #tpu.memory_space<vmem>>, vector<16xi32>,
    %gather3A_543 = tpu.vector_load_idx %arg9[%get3A_542] : memref<50000xi32, #tpu.memory_space<vmem>>[vector<16xi32>], vector<16xi32>,
    %swap3A_544 = arith.index_cast %multiple_of3A_540 : i32 to index
    %swap3A_545 = tpu.vector_load %arg17[%swap3A_544] {strides = array<i32>} : memref<512xi32, #tpu.memory_space<vmem>>, vector<16xi32>,
    tpu.vector_store %arg17[%swap3A_544], %gather3A_543 {strides = array<i32>} : memref<512xi32, #tpu.memory_space<vmem>>, vector<16xi32>,
    %dma_start3A_546 = arith.constant 0 : i32
    %dma_start3A_547 = arith.constant 0 : i32
    %dma_start3A_548 = tpu.memref_slice %arg16[%dma_start3A_546, %dma_start3A_547] : memref<128x64xf32, #tpu.memory_space<vmem>> -> memref<128x64xf32, #tpu.memory_space<vmem>>
    %dma_start3A_549 = arith.constant 128 : i32
    %dma_start3A_550 = tpu.memref_slice %arg17[%dma_start3A_549] : memref<512xi32, #tpu.memory_space<vmem>> -> memref<128xi32, #tpu.memory_space<vmem>>
    %dma_start3A_551 = arith.constant 0 : i32
    %dma_start3A_552 = arith.constant 0 : i32
    %dma_start3A_553 = tpu.memref_slice %arg19[%dma_start3A_551, %dma_start3A_552] : memref<8320x64xf32, #tpu.memory_space<vmem_shared>> -> memref<8320x64xf32, #tpu.memory_space<vmem_shared>>
    tpu.enqueue_indirect_dma source(%dma_start3A_553 : memref<8320x64xf32, #tpu.memory_space<vmem_shared>>) target(%dma_start3A_548 : memref<128x64xf32, #tpu.memory_space<vmem>>) offsets(%dma_start3A_550 : memref<128xi32, #tpu.memory_space<vmem>>) semaphore(%arg20 : memref<!tpu.dma_semaphore, #tpu.memory_space<semaphore_mem>>)
    %dma_wait3A_554 = arith.constant 0 : i32
    %dma_wait3A_555 = arith.constant 0 : i32
    %dma_wait3A_556 = tpu.memref_slice %arg16[%dma_wait3A_554, %dma_wait3A_555] : memref<128x64xf32, #tpu.memory_space<vmem>> -> memref<128x64xf32, #tpu.memory_space<vmem>>
    %dma_wait3A_557 = arith.constant 128 : i32
    %dma_wait3A_558 = tpu.memref_slice %arg17[%dma_wait3A_557] : memref<512xi32, #tpu.memory_space<vmem>> -> memref<128xi32, #tpu.memory_space<vmem>>
    %dma_wait3A_559 = arith.constant 0 : i32
    %dma_wait3A_560 = arith.constant 0 : i32
    %dma_wait3A_561 = tpu.memref_slice %arg19[%dma_wait3A_559, %dma_wait3A_560] : memref<8320x64xf32, #tpu.memory_space<vmem_shared>> -> memref<8320x64xf32, #tpu.memory_space<vmem_shared>>
    tpu.wait_indirect_dma semaphore(%arg20 : memref<!tpu.dma_semaphore, #tpu.memory_space<semaphore_mem>>) src(%dma_wait3A_561 : memref<8320x64xf32, #tpu.memory_space<vmem_shared>>) dst(%dma_wait3A_556 : memref<128x64xf32, #tpu.memory_space<vmem>>)
    %add3A_562 = arith.constant 128 : i32
    %add3A_563 = arith.addi %multiple_of3A_416, %add3A_562 : i32
    "tpu.region"() ({
      %run_scoped3A = tpu.sem_alloc : memref<!tpu.dma_semaphore, #tpu.memory_space<semaphore_mem>>
      %dma_start3A_712 = arith.constant 0 : i32
      %dma_start3A_713 = arith.constant 0 : i32
      %dma_start3A_714 = tpu.memref_slice %arg16[%dma_start3A_712, %dma_start3A_713] : memref<128x64xf32, #tpu.memory_space<vmem>> -> memref<128x64xf32, #tpu.memory_space<vmem>>
      %dma_start3A_715 = arith.constant 0 : i32
      %dma_start3A_716 = tpu.memref_slice %arg8[%arg0, %add3A_563, %dma_start3A_715] : memref<2x8192x64xf32, #tpu.memory_space<hbm>> -> memref<1x128x64xf32, #tpu.memory_space<hbm>>
      %dma_start3A_717 = tpu.memref_squeeze %dma_start3A_716 : memref<1x128x64xf32, #tpu.memory_space<hbm>> -> memref<128x64xf32, #tpu.memory_space<hbm>>
      %dma_start3A_718 = arith.constant 0 : i32
      %dma_start3A_719 = tpu.memref_slice %arg8[%arg0, %add3A_563, %dma_start3A_718] : memref<2x8192x64xf32, #tpu.memory_space<hbm>> -> memref<1x128x64xf32, #tpu.memory_space<hbm>>
      %dma_start3A_720 = tpu.memref_squeeze %dma_start3A_719 : memref<1x128x64xf32, #tpu.memory_space<hbm>> -> memref<128x64xf32, #tpu.memory_space<hbm>>
      %dma_start3A_721 = arith.constant 0 : i32
      %dma_start3A_722 = arith.constant 0 : i32
      %dma_start3A_723 = tpu.memref_slice %arg16[%dma_start3A_721, %dma_start3A_722] : memref<128x64xf32, #tpu.memory_space<vmem>> -> memref<128x64xf32, #tpu.memory_space<vmem>>
      tpu.enqueue_dma source(%dma_start3A_723 : memref<128x64xf32, #tpu.memory_space<vmem>>) target(%dma_start3A_720 : memref<128x64xf32, #tpu.memory_space<hbm>>) target_semaphore(%run_scoped3A : memref<!tpu.dma_semaphore, #tpu.memory_space<semaphore_mem>>)
      %dma_wait3A_724 = arith.constant 0 : i32
      %dma_wait3A_725 = arith.constant 0 : i32
      %dma_wait3A_726 = tpu.memref_slice %arg16[%dma_wait3A_724, %dma_wait3A_725] : memref<128x64xf32, #tpu.memory_space<vmem>> -> memref<128x64xf32, #tpu.memory_space<vmem>>
      %dma_wait3A_727 = arith.constant 0 : i32
      %dma_wait3A_728 = tpu.memref_slice %arg8[%arg0, %add3A_563, %dma_wait3A_727] : memref<2x8192x64xf32, #tpu.memory_space<hbm>> -> memref<1x128x64xf32, #tpu.memory_space<hbm>>
      %dma_wait3A_729 = tpu.memref_squeeze %dma_wait3A_728 : memref<1x128x64xf32, #tpu.memory_space<hbm>> -> memref<128x64xf32, #tpu.memory_space<hbm>>
      %dma_wait3A_730 = arith.constant 0 : i32
      %dma_wait3A_731 = tpu.memref_slice %arg8[%arg0, %add3A_563, %dma_wait3A_730] : memref<2x8192x64xf32, #tpu.memory_space<hbm>> -> memref<1x128x64xf32, #tpu.memory_space<hbm>>
      %dma_wait3A_732 = tpu.memref_squeeze %dma_wait3A_731 : memref<1x128x64xf32, #tpu.memory_space<hbm>> -> memref<128x64xf32, #tpu.memory_space<hbm>>
      %dma_wait3A_733 = arith.constant 0 : i32
      %dma_wait3A_734 = arith.constant 0 : i32
      %dma_wait3A_735 = tpu.memref_slice %arg16[%dma_wait3A_733, %dma_wait3A_734] : memref<128x64xf32, #tpu.memory_space<vmem>> -> memref<128x64xf32, #tpu.memory_space<vmem>>
      tpu.wait_dma2 semaphore(%run_scoped3A : memref<!tpu.dma_semaphore, #tpu.memory_space<semaphore_mem>>) src(%dma_wait3A_735 : memref<128x64xf32, #tpu.memory_space<vmem>>) dst(%dma_wait3A_732 : memref<128x64xf32, #tpu.memory_space<hbm>>)
      tpu.yield
    }) : () -> ()
    %multiple_of3A_564 = arith.constant 256 : i32
    %multiple_of3A_565 = tpu.assume_multiple %multiple_of3A_564, 16 : i32
    %get3A_566 = arith.index_cast %multiple_of3A_565 : i32 to index
    %get3A_567 = tpu.vector_load %arg10[%get3A_566] {strides = array<i32>} : memref<2048xi32, #tpu.memory_space<vmem>>, vector<16xi32>,
    %gather3A_568 = tpu.vector_load_idx %arg9[%get3A_567] : memref<50000xi32, #tpu.memory_space<vmem>>[vector<16xi32>], vector<16xi32>,
    %swap3A_569 = arith.index_cast %multiple_of3A_565 : i32 to index
    %swap3A_570 = tpu.vector_load %arg17[%swap3A_569] {strides = array<i32>} : memref<512xi32, #tpu.memory_space<vmem>>, vector<16xi32>,
    tpu.vector_store %arg17[%swap3A_569], %gather3A_568 {strides = array<i32>} : memref<512xi32, #tpu.memory_space<vmem>>, vector<16xi32>,
    %multiple_of3A_571 = arith.constant 272 : i32
    %multiple_of3A_572 = tpu.assume_multiple %multiple_of3A_571, 16 : i32
    %get3A_573 = arith.index_cast %multiple_of3A_572 : i32 to index
    %get3A_574 = tpu.vector_load %arg10[%get3A_573] {strides = array<i32>} : memref<2048xi32, #tpu.memory_space<vmem>>, vector<16xi32>,
    %gather3A_575 = tpu.vector_load_idx %arg9[%get3A_574] : memref<50000xi32, #tpu.memory_space<vmem>>[vector<16xi32>], vector<16xi32>,
    %swap3A_576 = arith.index_cast %multiple_of3A_572 : i32 to index
    %swap3A_577 = tpu.vector_load %arg17[%swap3A_576] {strides = array<i32>} : memref<512xi32, #tpu.memory_space<vmem>>, vector<16xi32>,
    tpu.vector_store %arg17[%swap3A_576], %gather3A_575 {strides = array<i32>} : memref<512xi32, #tpu.memory_space<vmem>>, vector<16xi32>,
    %multiple_of3A_578 = arith.constant 288 : i32
    %multiple_of3A_579 = tpu.assume_multiple %multiple_of3A_578, 16 : i32
    %get3A_580 = arith.index_cast %multiple_of3A_579 : i32 to index
    %get3A_581 = tpu.vector_load %arg10[%get3A_580] {strides = array<i32>} : memref<2048xi32, #tpu.memory_space<vmem>>, vector<16xi32>,
    %gather3A_582 = tpu.vector_load_idx %arg9[%get3A_581] : memref<50000xi32, #tpu.memory_space<vmem>>[vector<16xi32>], vector<16xi32>,
    %swap3A_583 = arith.index_cast %multiple_of3A_579 : i32 to index
    %swap3A_584 = tpu.vector_load %arg17[%swap3A_583] {strides = array<i32>} : memref<512xi32, #tpu.memory_space<vmem>>, vector<16xi32>,
    tpu.vector_store %arg17[%swap3A_583], %gather3A_582 {strides = array<i32>} : memref<512xi32, #tpu.memory_space<vmem>>, vector<16xi32>,
    %multiple_of3A_585 = arith.constant 304 : i32
    %multiple_of3A_586 = tpu.assume_multiple %multiple_of3A_585, 16 : i32
    %get3A_587 = arith.index_cast %multiple_of3A_586 : i32 to index
    %get3A_588 = tpu.vector_load %arg10[%get3A_587] {strides = array<i32>} : memref<2048xi32, #tpu.memory_space<vmem>>, vector<16xi32>,
    %gather3A_589 = tpu.vector_load_idx %arg9[%get3A_588] : memref<50000xi32, #tpu.memory_space<vmem>>[vector<16xi32>], vector<16xi32>,
    %swap3A_590 = arith.index_cast %multiple_of3A_586 : i32 to index
    %swap3A_591 = tpu.vector_load %arg17[%swap3A_590] {strides = array<i32>} : memref<512xi32, #tpu.memory_space<vmem>>, vector<16xi32>,
    tpu.vector_store %arg17[%swap3A_590], %gather3A_589 {strides = array<i32>} : memref<512xi32, #tpu.memory_space<vmem>>, vector<16xi32>,
    %multiple_of3A_592 = arith.constant 320 : i32
    %multiple_of3A_593 = tpu.assume_multiple %multiple_of3A_592, 16 : i32
    %get3A_594 = arith.index_cast %multiple_of3A_593 : i32 to index
    %get3A_595 = tpu.vector_load %arg10[%get3A_594] {strides = array<i32>} : memref<2048xi32, #tpu.memory_space<vmem>>, vector<16xi32>,
    %gather3A_596 = tpu.vector_load_idx %arg9[%get3A_595] : memref<50000xi32, #tpu.memory_space<vmem>>[vector<16xi32>], vector<16xi32>,
    %swap3A_597 = arith.index_cast %multiple_of3A_593 : i32 to index
    %swap3A_598 = tpu.vector_load %arg17[%swap3A_597] {strides = array<i32>} : memref<512xi32, #tpu.memory_space<vmem>>, vector<16xi32>,
    tpu.vector_store %arg17[%swap3A_597], %gather3A_596 {strides = array<i32>} : memref<512xi32, #tpu.memory_space<vmem>>, vector<16xi32>,
    %multiple_of3A_599 = arith.constant 336 : i32
    %multiple_of3A_600 = tpu.assume_multiple %multiple_of3A_599, 16 : i32
    %get3A_601 = arith.index_cast %multiple_of3A_600 : i32 to index
    %get3A_602 = tpu.vector_load %arg10[%get3A_601] {strides = array<i32>} : memref<2048xi32, #tpu.memory_space<vmem>>, vector<16xi32>,
    %gather3A_603 = tpu.vector_load_idx %arg9[%get3A_602] : memref<50000xi32, #tpu.memory_space<vmem>>[vector<16xi32>], vector<16xi32>,
    %swap3A_604 = arith.index_cast %multiple_of3A_600 : i32 to index
    %swap3A_605 = tpu.vector_load %arg17[%swap3A_604] {strides = array<i32>} : memref<512xi32, #tpu.memory_space<vmem>>, vector<16xi32>,
    tpu.vector_store %arg17[%swap3A_604], %gather3A_603 {strides = array<i32>} : memref<512xi32, #tpu.memory_space<vmem>>, vector<16xi32>,
    %multiple_of3A_606 = arith.constant 352 : i32
    %multiple_of3A_607 = tpu.assume_multiple %multiple_of3A_606, 16 : i32
    %get3A_608 = arith.index_cast %multiple_of3A_607 : i32 to index
    %get3A_609 = tpu.vector_load %arg10[%get3A_608] {strides = array<i32>} : memref<2048xi32, #tpu.memory_space<vmem>>, vector<16xi32>,
    %gather3A_610 = tpu.vector_load_idx %arg9[%get3A_609] : memref<50000xi32, #tpu.memory_space<vmem>>[vector<16xi32>], vector<16xi32>,
    %swap3A_611 = arith.index_cast %multiple_of3A_607 : i32 to index
    %swap3A_612 = tpu.vector_load %arg17[%swap3A_611] {strides = array<i32>} : memref<512xi32, #tpu.memory_space<vmem>>, vector<16xi32>,
    tpu.vector_store %arg17[%swap3A_611], %gather3A_610 {strides = array<i32>} : memref<512xi32, #tpu.memory_space<vmem>>, vector<16xi32>,
    %multiple_of3A_613 = arith.constant 368 : i32
    %multiple_of3A_614 = tpu.assume_multiple %multiple_of3A_613, 16 : i32
    %get3A_615 = arith.index_cast %multiple_of3A_614 : i32 to index
    %get3A_616 = tpu.vector_load %arg10[%get3A_615] {strides = array<i32>} : memref<2048xi32, #tpu.memory_space<vmem>>, vector<16xi32>,
    %gather3A_617 = tpu.vector_load_idx %arg9[%get3A_616] : memref<50000xi32, #tpu.memory_space<vmem>>[vector<16xi32>], vector<16xi32>,
    %swap3A_618 = arith.index_cast %multiple_of3A_614 : i32 to index
    %swap3A_619 = tpu.vector_load %arg17[%swap3A_618] {strides = array<i32>} : memref<512xi32, #tpu.memory_space<vmem>>, vector<16xi32>,
    tpu.vector_store %arg17[%swap3A_618], %gather3A_617 {strides = array<i32>} : memref<512xi32, #tpu.memory_space<vmem>>, vector<16xi32>,
    %dma_start3A_620 = arith.constant 0 : i32
    %dma_start3A_621 = arith.constant 0 : i32
    %dma_start3A_622 = tpu.memref_slice %arg16[%dma_start3A_620, %dma_start3A_621] : memref<128x64xf32, #tpu.memory_space<vmem>> -> memref<128x64xf32, #tpu.memory_space<vmem>>
    %dma_start3A_623 = arith.constant 256 : i32
    %dma_start3A_624 = tpu.memref_slice %arg17[%dma_start3A_623] : memref<512xi32, #tpu.memory_space<vmem>> -> memref<128xi32, #tpu.memory_space<vmem>>
    %dma_start3A_625 = arith.constant 0 : i32
    %dma_start3A_626 = arith.constant 0 : i32
    %dma_start3A_627 = tpu.memref_slice %arg19[%dma_start3A_625, %dma_start3A_626] : memref<8320x64xf32, #tpu.memory_space<vmem_shared>> -> memref<8320x64xf32, #tpu.memory_space<vmem_shared>>
    tpu.enqueue_indirect_dma source(%dma_start3A_627 : memref<8320x64xf32, #tpu.memory_space<vmem_shared>>) target(%dma_start3A_622 : memref<128x64xf32, #tpu.memory_space<vmem>>) offsets(%dma_start3A_624 : memref<128xi32, #tpu.memory_space<vmem>>) semaphore(%arg20 : memref<!tpu.dma_semaphore, #tpu.memory_space<semaphore_mem>>)
    %dma_wait3A_628 = arith.constant 0 : i32
    %dma_wait3A_629 = arith.constant 0 : i32
    %dma_wait3A_630 = tpu.memref_slice %arg16[%dma_wait3A_628, %dma_wait3A_629] : memref<128x64xf32, #tpu.memory_space<vmem>> -> memref<128x64xf32, #tpu.memory_space<vmem>>
    %dma_wait3A_631 = arith.constant 256 : i32
    %dma_wait3A_632 = tpu.memref_slice %arg17[%dma_wait3A_631] : memref<512xi32, #tpu.memory_space<vmem>> -> memref<128xi32, #tpu.memory_space<vmem>>
    %dma_wait3A_633 = arith.constant 0 : i32
    %dma_wait3A_634 = arith.constant 0 : i32
    %dma_wait3A_635 = tpu.memref_slice %arg19[%dma_wait3A_633, %dma_wait3A_634] : memref<8320x64xf32, #tpu.memory_space<vmem_shared>> -> memref<8320x64xf32, #tpu.memory_space<vmem_shared>>
    tpu.wait_indirect_dma semaphore(%arg20 : memref<!tpu.dma_semaphore, #tpu.memory_space<semaphore_mem>>) src(%dma_wait3A_635 : memref<8320x64xf32, #tpu.memory_space<vmem_shared>>) dst(%dma_wait3A_630 : memref<128x64xf32, #tpu.memory_space<vmem>>)
    %add3A_636 = arith.constant 256 : i32
    %add3A_637 = arith.addi %multiple_of3A_416, %add3A_636 : i32
    "tpu.region"() ({
      %run_scoped3A = tpu.sem_alloc : memref<!tpu.dma_semaphore, #tpu.memory_space<semaphore_mem>>
      %dma_start3A_712 = arith.constant 0 : i32
      %dma_start3A_713 = arith.constant 0 : i32
      %dma_start3A_714 = tpu.memref_slice %arg16[%dma_start3A_712, %dma_start3A_713] : memref<128x64xf32, #tpu.memory_space<vmem>> -> memref<128x64xf32, #tpu.memory_space<vmem>>
      %dma_start3A_715 = arith.constant 0 : i32
      %dma_start3A_716 = tpu.memref_slice %arg8[%arg0, %add3A_637, %dma_start3A_715] : memref<2x8192x64xf32, #tpu.memory_space<hbm>> -> memref<1x128x64xf32, #tpu.memory_space<hbm>>
      %dma_start3A_717 = tpu.memref_squeeze %dma_start3A_716 : memref<1x128x64xf32, #tpu.memory_space<hbm>> -> memref<128x64xf32, #tpu.memory_space<hbm>>
      %dma_start3A_718 = arith.constant 0 : i32
      %dma_start3A_719 = tpu.memref_slice %arg8[%arg0, %add3A_637, %dma_start3A_718] : memref<2x8192x64xf32, #tpu.memory_space<hbm>> -> memref<1x128x64xf32, #tpu.memory_space<hbm>>
      %dma_start3A_720 = tpu.memref_squeeze %dma_start3A_719 : memref<1x128x64xf32, #tpu.memory_space<hbm>> -> memref<128x64xf32, #tpu.memory_space<hbm>>
      %dma_start3A_721 = arith.constant 0 : i32
      %dma_start3A_722 = arith.constant 0 : i32
      %dma_start3A_723 = tpu.memref_slice %arg16[%dma_start3A_721, %dma_start3A_722] : memref<128x64xf32, #tpu.memory_space<vmem>> -> memref<128x64xf32, #tpu.memory_space<vmem>>
      tpu.enqueue_dma source(%dma_start3A_723 : memref<128x64xf32, #tpu.memory_space<vmem>>) target(%dma_start3A_720 : memref<128x64xf32, #tpu.memory_space<hbm>>) target_semaphore(%run_scoped3A : memref<!tpu.dma_semaphore, #tpu.memory_space<semaphore_mem>>)
      %dma_wait3A_724 = arith.constant 0 : i32
      %dma_wait3A_725 = arith.constant 0 : i32
      %dma_wait3A_726 = tpu.memref_slice %arg16[%dma_wait3A_724, %dma_wait3A_725] : memref<128x64xf32, #tpu.memory_space<vmem>> -> memref<128x64xf32, #tpu.memory_space<vmem>>
      %dma_wait3A_727 = arith.constant 0 : i32
      %dma_wait3A_728 = tpu.memref_slice %arg8[%arg0, %add3A_637, %dma_wait3A_727] : memref<2x8192x64xf32, #tpu.memory_space<hbm>> -> memref<1x128x64xf32, #tpu.memory_space<hbm>>
      %dma_wait3A_729 = tpu.memref_squeeze %dma_wait3A_728 : memref<1x128x64xf32, #tpu.memory_space<hbm>> -> memref<128x64xf32, #tpu.memory_space<hbm>>
      %dma_wait3A_730 = arith.constant 0 : i32
      %dma_wait3A_731 = tpu.memref_slice %arg8[%arg0, %add3A_637, %dma_wait3A_730] : memref<2x8192x64xf32, #tpu.memory_space<hbm>> -> memref<1x128x64xf32, #tpu.memory_space<hbm>>
      %dma_wait3A_732 = tpu.memref_squeeze %dma_wait3A_731 : memref<1x128x64xf32, #tpu.memory_space<hbm>> -> memref<128x64xf32, #tpu.memory_space<hbm>>
      %dma_wait3A_733 = arith.constant 0 : i32
      %dma_wait3A_734 = arith.constant 0 : i32
      %dma_wait3A_735 = tpu.memref_slice %arg16[%dma_wait3A_733, %dma_wait3A_734] : memref<128x64xf32, #tpu.memory_space<vmem>> -> memref<128x64xf32, #tpu.memory_space<vmem>>
      tpu.wait_dma2 semaphore(%run_scoped3A : memref<!tpu.dma_semaphore, #tpu.memory_space<semaphore_mem>>) src(%dma_wait3A_735 : memref<128x64xf32, #tpu.memory_space<vmem>>) dst(%dma_wait3A_732 : memref<128x64xf32, #tpu.memory_space<hbm>>)
      tpu.yield
    }) : () -> ()
    %multiple_of3A_638 = arith.constant 384 : i32
    %multiple_of3A_639 = tpu.assume_multiple %multiple_of3A_638, 16 : i32
    %get3A_640 = arith.index_cast %multiple_of3A_639 : i32 to index
    %get3A_641 = tpu.vector_load %arg10[%get3A_640] {strides = array<i32>} : memref<2048xi32, #tpu.memory_space<vmem>>, vector<16xi32>,
    %gather3A_642 = tpu.vector_load_idx %arg9[%get3A_641] : memref<50000xi32, #tpu.memory_space<vmem>>[vector<16xi32>], vector<16xi32>,
    %swap3A_643 = arith.index_cast %multiple_of3A_639 : i32 to index
    %swap3A_644 = tpu.vector_load %arg17[%swap3A_643] {strides = array<i32>} : memref<512xi32, #tpu.memory_space<vmem>>, vector<16xi32>,
    tpu.vector_store %arg17[%swap3A_643], %gather3A_642 {strides = array<i32>} : memref<512xi32, #tpu.memory_space<vmem>>, vector<16xi32>,
    %multiple_of3A_645 = arith.constant 400 : i32
    %multiple_of3A_646 = tpu.assume_multiple %multiple_of3A_645, 16 : i32
    %get3A_647 = arith.index_cast %multiple_of3A_646 : i32 to index
    %get3A_648 = tpu.vector_load %arg10[%get3A_647] {strides = array<i32>} : memref<2048xi32, #tpu.memory_space<vmem>>, vector<16xi32>,
    %gather3A_649 = tpu.vector_load_idx %arg9[%get3A_648] : memref<50000xi32, #tpu.memory_space<vmem>>[vector<16xi32>], vector<16xi32>,
    %swap3A_650 = arith.index_cast %multiple_of3A_646 : i32 to index
    %swap3A_651 = tpu.vector_load %arg17[%swap3A_650] {strides = array<i32>} : memref<512xi32, #tpu.memory_space<vmem>>, vector<16xi32>,
    tpu.vector_store %arg17[%swap3A_650], %gather3A_649 {strides = array<i32>} : memref<512xi32, #tpu.memory_space<vmem>>, vector<16xi32>,
    %multiple_of3A_652 = arith.constant 416 : i32
    %multiple_of3A_653 = tpu.assume_multiple %multiple_of3A_652, 16 : i32
    %get3A_654 = arith.index_cast %multiple_of3A_653 : i32 to index
    %get3A_655 = tpu.vector_load %arg10[%get3A_654] {strides = array<i32>} : memref<2048xi32, #tpu.memory_space<vmem>>, vector<16xi32>,
    %gather3A_656 = tpu.vector_load_idx %arg9[%get3A_655] : memref<50000xi32, #tpu.memory_space<vmem>>[vector<16xi32>], vector<16xi32>,
    %swap3A_657 = arith.index_cast %multiple_of3A_653 : i32 to index
    %swap3A_658 = tpu.vector_load %arg17[%swap3A_657] {strides = array<i32>} : memref<512xi32, #tpu.memory_space<vmem>>, vector<16xi32>,
    tpu.vector_store %arg17[%swap3A_657], %gather3A_656 {strides = array<i32>} : memref<512xi32, #tpu.memory_space<vmem>>, vector<16xi32>,
    %multiple_of3A_659 = arith.constant 432 : i32
    %multiple_of3A_660 = tpu.assume_multiple %multiple_of3A_659, 16 : i32
    %get3A_661 = arith.index_cast %multiple_of3A_660 : i32 to index
    %get3A_662 = tpu.vector_load %arg10[%get3A_661] {strides = array<i32>} : memref<2048xi32, #tpu.memory_space<vmem>>, vector<16xi32>,
    %gather3A_663 = tpu.vector_load_idx %arg9[%get3A_662] : memref<50000xi32, #tpu.memory_space<vmem>>[vector<16xi32>], vector<16xi32>,
    %swap3A_664 = arith.index_cast %multiple_of3A_660 : i32 to index
    %swap3A_665 = tpu.vector_load %arg17[%swap3A_664] {strides = array<i32>} : memref<512xi32, #tpu.memory_space<vmem>>, vector<16xi32>,
    tpu.vector_store %arg17[%swap3A_664], %gather3A_663 {strides = array<i32>} : memref<512xi32, #tpu.memory_space<vmem>>, vector<16xi32>,
    %multiple_of3A_666 = arith.constant 448 : i32
    %multiple_of3A_667 = tpu.assume_multiple %multiple_of3A_666, 16 : i32
    %get3A_668 = arith.index_cast %multiple_of3A_667 : i32 to index
    %get3A_669 = tpu.vector_load %arg10[%get3A_668] {strides = array<i32>} : memref<2048xi32, #tpu.memory_space<vmem>>, vector<16xi32>,
    %gather3A_670 = tpu.vector_load_idx %arg9[%get3A_669] : memref<50000xi32, #tpu.memory_space<vmem>>[vector<16xi32>], vector<16xi32>,
    %swap3A_671 = arith.index_cast %multiple_of3A_667 : i32 to index
    %swap3A_672 = tpu.vector_load %arg17[%swap3A_671] {strides = array<i32>} : memref<512xi32, #tpu.memory_space<vmem>>, vector<16xi32>,
    tpu.vector_store %arg17[%swap3A_671], %gather3A_670 {strides = array<i32>} : memref<512xi32, #tpu.memory_space<vmem>>, vector<16xi32>,
    %multiple_of3A_673 = arith.constant 464 : i32
    %multiple_of3A_674 = tpu.assume_multiple %multiple_of3A_673, 16 : i32
    %get3A_675 = arith.index_cast %multiple_of3A_674 : i32 to index
    %get3A_676 = tpu.vector_load %arg10[%get3A_675] {strides = array<i32>} : memref<2048xi32, #tpu.memory_space<vmem>>, vector<16xi32>,
    %gather3A_677 = tpu.vector_load_idx %arg9[%get3A_676] : memref<50000xi32, #tpu.memory_space<vmem>>[vector<16xi32>], vector<16xi32>,
    %swap3A_678 = arith.index_cast %multiple_of3A_674 : i32 to index
    %swap3A_679 = tpu.vector_load %arg17[%swap3A_678] {strides = array<i32>} : memref<512xi32, #tpu.memory_space<vmem>>, vector<16xi32>,
    tpu.vector_store %arg17[%swap3A_678], %gather3A_677 {strides = array<i32>} : memref<512xi32, #tpu.memory_space<vmem>>, vector<16xi32>,
    %multiple_of3A_680 = arith.constant 480 : i32
    %multiple_of3A_681 = tpu.assume_multiple %multiple_of3A_680, 16 : i32
    %get3A_682 = arith.index_cast %multiple_of3A_681 : i32 to index
    %get3A_683 = tpu.vector_load %arg10[%get3A_682] {strides = array<i32>} : memref<2048xi32, #tpu.memory_space<vmem>>, vector<16xi32>,
    %gather3A_684 = tpu.vector_load_idx %arg9[%get3A_683] : memref<50000xi32, #tpu.memory_space<vmem>>[vector<16xi32>], vector<16xi32>,
    %swap3A_685 = arith.index_cast %multiple_of3A_681 : i32 to index
    %swap3A_686 = tpu.vector_load %arg17[%swap3A_685] {strides = array<i32>} : memref<512xi32, #tpu.memory_space<vmem>>, vector<16xi32>,
    tpu.vector_store %arg17[%swap3A_685], %gather3A_684 {strides = array<i32>} : memref<512xi32, #tpu.memory_space<vmem>>, vector<16xi32>,
    %multiple_of3A_687 = arith.constant 496 : i32
    %multiple_of3A_688 = tpu.assume_multiple %multiple_of3A_687, 16 : i32
    %get3A_689 = arith.index_cast %multiple_of3A_688 : i32 to index
    %get3A_690 = tpu.vector_load %arg10[%get3A_689] {strides = array<i32>} : memref<2048xi32, #tpu.memory_space<vmem>>, vector<16xi32>,
    %gather3A_691 = tpu.vector_load_idx %arg9[%get3A_690] : memref<50000xi32, #tpu.memory_space<vmem>>[vector<16xi32>], vector<16xi32>,
    %swap3A_692 = arith.index_cast %multiple_of3A_688 : i32 to index
    %swap3A_693 = tpu.vector_load %arg17[%swap3A_692] {strides = array<i32>} : memref<512xi32, #tpu.memory_space<vmem>>, vector<16xi32>,
    tpu.vector_store %arg17[%swap3A_692], %gather3A_691 {strides = array<i32>} : memref<512xi32, #tpu.memory_space<vmem>>, vector<16xi32>,
    %dma_start3A_694 = arith.constant 0 : i32
    %dma_start3A_695 = arith.constant 0 : i32
    %dma_start3A_696 = tpu.memref_slice %arg16[%dma_start3A_694, %dma_start3A_695] : memref<128x64xf32, #tpu.memory_space<vmem>> -> memref<128x64xf32, #tpu.memory_space<vmem>>
    %dma_start3A_697 = arith.constant 384 : i32
    %dma_start3A_698 = tpu.memref_slice %arg17[%dma_start3A_697] : memref<512xi32, #tpu.memory_space<vmem>> -> memref<128xi32, #tpu.memory_space<vmem>>
    %dma_start3A_699 = arith.constant 0 : i32
    %dma_start3A_700 = arith.constant 0 : i32
    %dma_start3A_701 = tpu.memref_slice %arg19[%dma_start3A_699, %dma_start3A_700] : memref<8320x64xf32, #tpu.memory_space<vmem_shared>> -> memref<8320x64xf32, #tpu.memory_space<vmem_shared>>
    tpu.enqueue_indirect_dma source(%dma_start3A_701 : memref<8320x64xf32, #tpu.memory_space<vmem_shared>>) target(%dma_start3A_696 : memref<128x64xf32, #tpu.memory_space<vmem>>) offsets(%dma_start3A_698 : memref<128xi32, #tpu.memory_space<vmem>>) semaphore(%arg20 : memref<!tpu.dma_semaphore, #tpu.memory_space<semaphore_mem>>)
    %dma_wait3A_702 = arith.constant 0 : i32
    %dma_wait3A_703 = arith.constant 0 : i32
    %dma_wait3A_704 = tpu.memref_slice %arg16[%dma_wait3A_702, %dma_wait3A_703] : memref<128x64xf32, #tpu.memory_space<vmem>> -> memref<128x64xf32, #tpu.memory_space<vmem>>
    %dma_wait3A_705 = arith.constant 384 : i32
    %dma_wait3A_706 = tpu.memref_slice %arg17[%dma_wait3A_705] : memref<512xi32, #tpu.memory_space<vmem>> -> memref<128xi32, #tpu.memory_space<vmem>>
    %dma_wait3A_707 = arith.constant 0 : i32
    %dma_wait3A_708 = arith.constant 0 : i32
    %dma_wait3A_709 = tpu.memref_slice %arg19[%dma_wait3A_707, %dma_wait3A_708] : memref<8320x64xf32, #tpu.memory_space<vmem_shared>> -> memref<8320x64xf32, #tpu.memory_space<vmem_shared>>
    tpu.wait_indirect_dma semaphore(%arg20 : memref<!tpu.dma_semaphore, #tpu.memory_space<semaphore_mem>>) src(%dma_wait3A_709 : memref<8320x64xf32, #tpu.memory_space<vmem_shared>>) dst(%dma_wait3A_704 : memref<128x64xf32, #tpu.memory_space<vmem>>)
    %add3A_710 = arith.constant 384 : i32
    %add3A_711 = arith.addi %multiple_of3A_416, %add3A_710 : i32
    "tpu.region"() ({
      %run_scoped3A = tpu.sem_alloc : memref<!tpu.dma_semaphore, #tpu.memory_space<semaphore_mem>>
      %dma_start3A_712 = arith.constant 0 : i32
      %dma_start3A_713 = arith.constant 0 : i32
      %dma_start3A_714 = tpu.memref_slice %arg16[%dma_start3A_712, %dma_start3A_713] : memref<128x64xf32, #tpu.memory_space<vmem>> -> memref<128x64xf32, #tpu.memory_space<vmem>>
      %dma_start3A_715 = arith.constant 0 : i32
      %dma_start3A_716 = tpu.memref_slice %arg8[%arg0, %add3A_711, %dma_start3A_715] : memref<2x8192x64xf32, #tpu.memory_space<hbm>> -> memref<1x128x64xf32, #tpu.memory_space<hbm>>
      %dma_start3A_717 = tpu.memref_squeeze %dma_start3A_716 : memref<1x128x64xf32, #tpu.memory_space<hbm>> -> memref<128x64xf32, #tpu.memory_space<hbm>>
      %dma_start3A_718 = arith.constant 0 : i32
      %dma_start3A_719 = tpu.memref_slice %arg8[%arg0, %add3A_711, %dma_start3A_718] : memref<2x8192x64xf32, #tpu.memory_space<hbm>> -> memref<1x128x64xf32, #tpu.memory_space<hbm>>
      %dma_start3A_720 = tpu.memref_squeeze %dma_start3A_719 : memref<1x128x64xf32, #tpu.memory_space<hbm>> -> memref<128x64xf32, #tpu.memory_space<hbm>>
      %dma_start3A_721 = arith.constant 0 : i32
      %dma_start3A_722 = arith.constant 0 : i32
      %dma_start3A_723 = tpu.memref_slice %arg16[%dma_start3A_721, %dma_start3A_722] : memref<128x64xf32, #tpu.memory_space<vmem>> -> memref<128x64xf32, #tpu.memory_space<vmem>>
      tpu.enqueue_dma source(%dma_start3A_723 : memref<128x64xf32, #tpu.memory_space<vmem>>) target(%dma_start3A_720 : memref<128x64xf32, #tpu.memory_space<hbm>>) target_semaphore(%run_scoped3A : memref<!tpu.dma_semaphore, #tpu.memory_space<semaphore_mem>>)
      %dma_wait3A_724 = arith.constant 0 : i32
      %dma_wait3A_725 = arith.constant 0 : i32
      %dma_wait3A_726 = tpu.memref_slice %arg16[%dma_wait3A_724, %dma_wait3A_725] : memref<128x64xf32, #tpu.memory_space<vmem>> -> memref<128x64xf32, #tpu.memory_space<vmem>>
      %dma_wait3A_727 = arith.constant 0 : i32
      %dma_wait3A_728 = tpu.memref_slice %arg8[%arg0, %add3A_711, %dma_wait3A_727] : memref<2x8192x64xf32, #tpu.memory_space<hbm>> -> memref<1x128x64xf32, #tpu.memory_space<hbm>>
      %dma_wait3A_729 = tpu.memref_squeeze %dma_wait3A_728 : memref<1x128x64xf32, #tpu.memory_space<hbm>> -> memref<128x64xf32, #tpu.memory_space<hbm>>
      %dma_wait3A_730 = arith.constant 0 : i32
      %dma_wait3A_731 = tpu.memref_slice %arg8[%arg0, %add3A_711, %dma_wait3A_730] : memref<2x8192x64xf32, #tpu.memory_space<hbm>> -> memref<1x128x64xf32, #tpu.memory_space<hbm>>
      %dma_wait3A_732 = tpu.memref_squeeze %dma_wait3A_731 : memref<1x128x64xf32, #tpu.memory_space<hbm>> -> memref<128x64xf32, #tpu.memory_space<hbm>>
      %dma_wait3A_733 = arith.constant 0 : i32
      %dma_wait3A_734 = arith.constant 0 : i32
      %dma_wait3A_735 = tpu.memref_slice %arg16[%dma_wait3A_733, %dma_wait3A_734] : memref<128x64xf32, #tpu.memory_space<vmem>> -> memref<128x64xf32, #tpu.memory_space<vmem>>
      tpu.wait_dma2 semaphore(%run_scoped3A : memref<!tpu.dma_semaphore, #tpu.memory_space<semaphore_mem>>) src(%dma_wait3A_735 : memref<128x64xf32, #tpu.memory_space<vmem>>) dst(%dma_wait3A_732 : memref<128x64xf32, #tpu.memory_space<hbm>>)
      tpu.yield
    }) : () -> ()
    return
  }
}

module attributes {stable_mosaic.version = 14 : i64} {
  func.func @_tc_body(%arg0: memref<2x8192x64xf32, #tpu.memory_space<vmem>>, %arg1: memref<64x64xf32, #tpu.memory_space<vmem>>, %arg2: memref<1x64xf32, #tpu.memory_space<vmem>>, %arg3: memref<4096x1xf32, #tpu.memory_space<vmem>>) attributes {dimension_semantics = [], scalar_prefetch = 0 : i64, scratch_operands = 0 : i64, tpu.core_type = #tpu.core_type<tc>} {
    %get3A = arith.constant 0 : index
    %get3A_0 = arith.constant 0 : index
    %get3A_1 = arith.constant 0 : index
    %get3A_2 = vector.load %arg0[%get3A, %get3A_0, %get3A_1] : memref<2x8192x64xf32, #tpu.memory_space<vmem>>, vector<1x8192x64xf32>
    %get3A_3 = vector.shape_cast %get3A_2 : vector<1x8192x64xf32> to vector<8192x64xf32>
    %get3A_4 = arith.constant 1 : index
    %get3A_5 = arith.constant 0 : index
    %get3A_6 = arith.constant 0 : index
    %get3A_7 = vector.load %arg0[%get3A_4, %get3A_5, %get3A_6] : memref<2x8192x64xf32, #tpu.memory_space<vmem>>, vector<1x8192x64xf32>
    %get3A_8 = vector.shape_cast %get3A_7 : vector<1x8192x64xf32> to vector<8192x64xf32>
    %add3A = arith.addf %get3A_3, %get3A_8 : vector<8192x64xf32>
    %get3A_9 = arith.constant 0 : index
    %get3A_10 = arith.constant 0 : index
    %get3A_11 = vector.load %arg1[%get3A_9, %get3A_10] : memref<64x64xf32, #tpu.memory_space<vmem>>, vector<64x64xf32>
    %dot_general3A = arith.constant dense<0.000000e+00> : vector<8192x64xf32>
    %dot_general3A_12 = tpu.matmul %add3A, %get3A_11, %dot_general3A {dimension_numbers = #tpu.dot_dimension_numbers<[1], [1], [0], [0], [0, 0, 1, 0], [], []>, transpose_lhs_hint = false} : vector<8192x64xf32>, vector<64x64xf32>, vector<8192x64xf32> -> vector<8192x64xf32>
    %get3A_13 = arith.constant 0 : index
    %get3A_14 = arith.constant 0 : index
    %get3A_15 = vector.load %arg2[%get3A_13, %get3A_14] : memref<1x64xf32, #tpu.memory_space<vmem>>, vector<1x64xf32>
    %add3A_16 = vector.broadcast %get3A_15 : vector<1x64xf32> to vector<8192x64xf32>
    %add3A_17 = arith.addf %dot_general3A_12, %add3A_16 : vector<8192x64xf32>
    %slice3A = vector.extract_strided_slice %add3A_17 {offsets = [0, 0], sizes = [4096, 64], strides = [1, 1]} : vector<8192x64xf32> to vector<4096x64xf32>
    %slice3A_18 = vector.extract_strided_slice %add3A_17 {offsets = [4096, 0], sizes = [4096, 64], strides = [1, 1]} : vector<8192x64xf32> to vector<4096x64xf32>
    %mul3A = arith.mulf %slice3A, %slice3A_18 : vector<4096x64xf32>
    %reduce_sum3A = arith.constant dense<0.000000e+00> : vector<4096xf32>
    %reduce_sum3A_19 = vector.multi_reduction <add>, %mul3A, %reduce_sum3A [1] : vector<4096x64xf32> to vector<4096xf32>
    %broadcast_in_dim3A = vector.shape_cast %reduce_sum3A_19 : vector<4096xf32> to vector<4096x1xf32>
    %swap3A = arith.constant 0 : index
    %swap3A_20 = arith.constant 0 : index
    %swap3A_21 = vector.load %arg3[%swap3A, %swap3A_20] : memref<4096x1xf32, #tpu.memory_space<vmem>>, vector<4096x1xf32>
    tpu.vector_store %arg3[%swap3A, %swap3A_20], %broadcast_in_dim3A {strides = array<i32>} : memref<4096x1xf32, #tpu.memory_space<vmem>>, vector<4096x1xf32>,
    return
  }
}

</mosaic_0001>

<sc_bundles>
// kernel: kernel.4.cloned.1.call-start
scs
__scs_entry_jumppad:
0x0: {  	(pc) =	sbr.rel $0x88, $3  }
0x1: {  	(tag) =	ssettag $0x0;
	lr =	simm.s32 $0x1  }
0x2: {  	[smem:$0x3F9A] =	sst lr;
	_ =	strace $0xD0000000  }
0x3: {  	_ = 	snop  }
0x4: {  	_ = 	snop  }
0x5: {  	_ = 	snop  }
0x6: {  	_ = 	snop  }
0x7: {  	_ = 	snop  }
__scs_overlays_trampoline_lowered:
0x8: {  	[smem:$0x3FA9] =	sst s0  }
0x9: {  	[smem:$0x3FAA] =	sst s1  }
0xa: {  	[smem:$0x3FAB] =	sst s2  }
0xb: {  	[smem:$0x3FAC] =	sst s3  }
0xc: {  	[smem:$0x3FAD] =	sst s4  }
0xd: {  	[smem:$0x3FAE] =	sst s5  }
0xe: {  	[smem:$0x3FAF] =	sst s6  }
0xf: {  	[smem:$0x3FB0] =	sst s7  }
0x10: {  	[smem:$0x3FB1] =	sst s8  }
0x11: {  	[smem:$0x3FB2] =	sst s9;
	s0 =	simm.s32 @!p0 $0x0  }
0x12: {  	s1 =	sld [smem:$0x3F98];
	s0 =	simm.s32 @p0 $0x1  }
0x13: {  	[smem:$0x3FB3] =	sst s0;
	s0 =	simm.s32 @!p1 $0x0  }
0x14: {  	s2 =	sld [smem:$0x3F97];
	s0 =	simm.s32 @p1 $0x1  }
0x15: {  	[smem:$0x3FB4] =	sst s0;
	s0 =	simm.s32 @!p2 $0x0  }
0x16: {  	s3 =	sld [smem:$0x3FDB];
	s0 =	simm.s32 @p2 $0x1  }
0x17: {  	s4 =	simm.s32 $0x1BF5;
	[smem:$0x3FB6] =	sst s0  }
0x18: {  	s0 =	sld [smem:$0x3F99];
	_ =	swait.ge [sflag:s4], $0x0  }
0x19: {  	s7 =	sld [smem:$0x3F9A]  }
0x1a: {  	s8 =	sadd.s32 $0xFFFFE003, lr  }
0x1b: {  	s9 =	sadd.s32 $0xFFFFFEF7, lr;
	s5 =	simm.s32 $0xFFFFFFFF;
	p2 =	slt.u32 s8, $0xFFFFF086  }
0x1c: {  	p1 =	slt.u32 s9, $0xF7A;
	s5 =	simm.s32 @!p2 $0x0  }
0x1d: {  	s5 =	simm.s32 @p1 $0x1;
	p0 =	seq.s32 s7, s2  }
0x1e: {  	s7 =	smul.u32 @!p0 $0xF7A, s2;
	p2 =	seq.s32 @!p0 s5, $0x0  }
0x1f: {  	s9 =	smul.u32 $0xF7A, s1;
	s8 =	simm.s32 @!p0 $0x1BF5;
	p2 =	por !p2, p0  }
0x20: {  	[sflag:s8] =	ssyncset.s32 @!p0 $0xFFFFF086;
	s6 =	sadd.s32 @!p0 s3, s7;
	s7 =	simm.s32 @!p0 $0x108  }
0x21: {  	s3 =	sadd.s32 s3, s9;
	s6 =	sadd.s32 @!p0 $0x88, s6;
	s7 =	simm.s32 @p2 $0x1082  }
0x22: {  	[simem:s7], [sflag:s8] =	dma.local @!p0 [hbm:s6], $0xF7A  }
0x23: {  	s9 =	sor.u32 $0xD0000000, s2;
	s6 =	simm.s32 $0x108;
	_ =	swait.ge @!p0 [sflag:s8], $0x0  }
0x24: {  	s3 =	sadd.s32 $0x88, s3;
	s6 =	simm.s32 @!p1 $0x1082;
	[sflag:s4] =	ssyncset.s32 $0xFFFFF086  }
0x25: {  	[simem:s6], [sflag:s4] =	dma.local [hbm:s3], $0xF7A  }
0x26: {  	[smem:$0x3F9A] =	sst s1;
	(tag) =	ssettag s2;
	_ =	strace s9  }
0x27: {  	s1 =	sld [smem:$0x3FAA]  }
0x28: {  	s2 =	sld [smem:$0x3FAB]  }
0x29: {  	s4 =	sld [smem:$0x3FAD]  }
0x2a: {  	p0 =	seq.s32 s5, $0x0;
	s5 =	sld [smem:$0x3FAE]  }
0x2b: {  	s6 =	sld [smem:$0x3FAF]  }
0x2c: {  	s7 =	sld [smem:$0x3FB0]  }
0x2d: {  	s3 =	simm.s32 $0x108;
	s8 =	sld [smem:$0x3FB1]  }
0x2e: {  	s3 =	simm.s32 @!p0 $0x1082;
	s9 =	sld [smem:$0x3FB2]  }
0x2f: {  	lr =	sadd.s32 s0, s3;
	s0 =	sld [smem:$0x3FA9]  }
0x30: {  	s3 =	sld [smem:$0x3FAC]  }
0x31: {  	[smem:$0x3FB5] =	sst s10  }
0x32: {  	s10 =	sld [smem:$0x3FB3];
	_ =	sdelay $0x3  }
0x33: {  	p0 =	seq.s32 s10, $0x1;
	s10 =	sld [smem:$0x3FB5];
	_ =	sdelay $0x3  }
0x34: {  	[smem:$0x3FB5] =	sst s10  }
0x35: {  	s10 =	sld [smem:$0x3FB4];
	_ =	sdelay $0x3  }
0x36: {  	p1 =	seq.s32 s10, $0x1;
	s10 =	sld [smem:$0x3FB5];
	_ =	sdelay $0x3  }
0x37: {  	[smem:$0x3FB5] =	sst s10  }
0x38: {  	s10 =	sld [smem:$0x3FB6]  }
0x39: {  	_ = 	snop;
	(pc) =	sbr.ind lr, $3  }
0x3a: {  	_ = 	snop  }
0x3b: {  	_ = 	snop  }
0x3c: {  	p2 =	seq.s32 s10, $0x1;
	s10 =	sld [smem:$0x3FB5]  }
0x3d: {  	_ =	shalt  }
0x3e: {  	_ =	shalt  }
0x3f: {  	_ =	shalt  }
0x40: {  	_ =	shalt  }
0x41: {  	_ =	shalt  }
0x42: {  	_ =	shalt  }
0x43: {  	_ =	shalt  }
0x44: {  	_ =	shalt  }
0x45: {  	_ =	shalt  }
0x46: {  	_ =	shalt  }
0x47: {  	_ =	shalt  }
0x48: {  	_ =	shalt  }
0x49: {  	_ =	shalt  }
0x4a: {  	_ =	shalt  }
0x4b: {  	_ =	shalt  }
0x4c: {  	_ =	shalt  }
0x4d: {  	_ =	shalt  }
0x4e: {  	_ =	shalt  }
0x4f: {  	_ =	shalt  }
0x50: {  	_ =	shalt  }
0x51: {  	_ =	shalt  }
0x52: {  	_ =	shalt  }
0x53: {  	_ =	shalt  }
0x54: {  	_ =	shalt  }
0x55: {  	_ =	shalt  }
0x56: {  	_ =	shalt  }
0x57: {  	_ =	shalt  }
0x58: {  	_ =	shalt  }
0x59: {  	_ =	shalt  }
0x5a: {  	_ =	shalt  }
0x5b: {  	_ =	shalt  }
0x5c: {  	_ =	shalt  }
0x5d: {  	_ =	shalt  }
0x5e: {  	_ =	shalt  }
0x5f: {  	_ =	shalt  }
0x60: {  	_ =	shalt  }
0x61: {  	_ =	shalt  }
0x62: {  	_ =	shalt  }
0x63: {  	_ =	shalt  }
0x64: {  	_ =	shalt  }
0x65: {  	_ =	shalt  }
0x66: {  	_ =	shalt  }
0x67: {  	_ =	shalt  }
0x68: {  	_ =	shalt  }
0x69: {  	_ =	shalt  }
0x6a: {  	_ =	shalt  }
0x6b: {  	_ =	shalt  }
0x6c: {  	_ =	shalt  }
0x6d: {  	_ =	shalt  }
0x6e: {  	_ =	shalt  }
0x6f: {  	_ =	shalt  }
0x70: {  	_ =	shalt  }
0x71: {  	_ =	shalt  }
0x72: {  	_ =	shalt  }
0x73: {  	_ =	shalt  }
0x74: {  	_ =	shalt  }
0x75: {  	_ =	shalt  }
0x76: {  	_ =	shalt  }
0x77: {  	_ =	shalt  }
0x78: {  	_ =	shalt  }
0x79: {  	_ =	shalt  }
0x7a: {  	_ =	shalt  }
0x7b: {  	_ =	shalt  }
0x7c: {  	_ =	shalt  }
0x7d: {  	_ =	shalt  }
0x7e: {  	_ =	shalt  }
0x7f: {  	_ =	shalt  }
0x80: {  	_ =	shalt  }
0x81: {  	_ =	shalt  }
0x82: {  	_ =	shalt  }
0x83: {  	_ =	shalt  }
0x84: {  	_ =	shalt  }
0x85: {  	_ =	shalt  }
0x86: {  	_ =	shalt  }
0x87: {  	_ =	shalt  }
.Lfunc_end0:
.L_simem_size_0:
called_computation_lowered:
.L_overlay_start_0:
0x88: {  	s2 =	sld [smem:$0x3FD9]  }
0x89: {  	s3 =	sld [smem:$0x3FFE];
	_ =	sdelay $0x1  }
0x8a: {  	s1 =	srdreg.scid  }
0x8b: {  	s0 =	sand.u32 $0x1, s1  }
0x8c: {  	s16 =	sshll.u32 s0, $0xA;
	s2 =	sadd.s32 s3, s2  }
0x8d: {  	s2 =	sadd.s32 s2, s16  }
0x8e: {  	[smem:$0x3FC1] =	sst s2  }
0x8f: {  	_ = 	snop  }
0x90: {  	(tm) =	ssettm $0x1  }
0x91: {  	s17 =	sld [smem:$0x3FFB];
	_ =	sdelay $0x3  }
0x92: {  	_ =	strace s17  }
0x93: {  	s2 =	sld [smem:$0x3FFC];
	_ =	sdelay $0x3  }
0x94: {  	_ =	strace s2  }
0x95: {  	s2 =	sld [smem:$0x3FFD];
	_ =	sdelay $0x3  }
0x96: {  	_ =	strace s2  }
0x97: {  	_ =	strace $0x8FFFFFFF  }
0x98: {  	s18 =	sld [smem:$0x3FDB];
	_ =	sdelay $0x1  }
0x99: {  	s19 =	simm.s32 $_scs_section_size  }
0x9a: {  	s4 =	simm.s32 $_size__tile_overlayer_lowered;
	s5 =	simm.s32 $_tile_overlayer_lowered  }
0x9b: {  	s22 =	simm.s32 $0x1BFF;
	s21 =	sshll.u32 s5, $0x1;
	s2 =	sadd.s32 s19, s18  }
0x9c: {  	s6 =	simm.s32 $0x0;
	s20 =	sshll.u32 s4, $0x1;
	s4 =	sadd.s32 s21, s2  }
0x9d: {  	[timem:s6], [sflag:s22] =	dma.local [hbm:s4], s20  }
0x9e: {  	_ =	swait.ge [sflag:s22], s20  }
0x9f: {  	s3 =	ssub.s32 $0x0, s20;
	[sflag:s22] =	ssyncset.done $0x0  }
0xa0: {  	[sflag:s22] =	ssyncadd.s32 s3;
	_ =	sdelay $0x1  }
0xa1: {  	s23 =	simm.s32 $0x1B8B  }
0xa2: {  	_ =	swait.ge [sflag:s23], $0x1  }
0xa3: {  	[sflag:s23] =	ssyncset.done $0x0  }
0xa4: {  	s25 =	simm.s32 $0x1B8E;
	s24 =	sld [smem:$0x3FFE];
	[sflag:s23] =	ssyncadd.s32 $0xFFFFFFFF  }
0xa5: {  	s26 =	simm.s32 $execute0_lowered;
	[smem:$0x3FD2] =	sst s25  }
0xa6: {  	s4 =	sshll.u32 s26, $0x1;
	_ =	strace $0x80000046;
	[dreg:$0x1] =	wrdreg $0xFFFFFFFF  }
0xa7: {  	s28 =	simm.s32 $_size_execute0_lowered;
	s2 =	sadd.s32 s2, s4;
	[dreg:$0x0] =	wrdreg $0x0  }
0xa8: {  	s4 =	sshll.u32 s28, $0x1;
	[dreg:$0x2] =	wrdreg s2  }
0xa9: {  	[dreg:$0x3] =	wrdreg s4  }
0xaa: {  	[dreg:$0x4] =	wrdreg $0xC0  }
0xab: {  	_ =	task [dreg:s6], $0x5FFFF  }
0xac: {  	[dreg:$0x1] =	wrdreg $0xFFFFFFFF  }
0xad: {  	[dreg:$0x0] =	wrdreg $0x60  }
0xae: {  	[dreg:$0x2] =	wrdreg s24  }
0xaf: {  	[dreg:$0x3] =	wrdreg $0x170200  }
0xb0: {  	[dreg:$0x4] =	wrdreg $0x9  }
0xb1: {  	_ =	task.clear_ibuf [dreg:s6], $0x5FFFF;
	_ =	strace $0x90000046  }
0xb2: {  	s29 =	simm.s32 $0x9;
	_ =	strace $0x80000048  }
0xb3: {  	_ =	swait.ge [sflag:s29], $0x1  }
0xb4: {  	[sflag:s29] =	ssyncadd.s32 $0xFFFFFFFF  }
0xb5: {  	_ =	strace $0x90000048  }
0xb6: {  	_ =	sfence  }
0xb7: {  	s30 =	sld [smem:$0x0];
	_ =	sdelay $0x2  }
0xb8: {  	s31 =	sshll.u32 s1, $0xD;
	s1 =	sshrl.u32 s1, $0x2  }
0xb9: {  	s3 =	sand.u32 $0x4000, s31;
	s1 =	sadd.s32 s1, s30  }
0xba: {  	s0 =	sor.u32 s3, s0;
	s1 =	sshll.u32 s1, $0x11  }
0xbb: {  	s0 =	sor.u32 s1, s0  }
0xbc: {  	s0 =	sadd.s32 $0x8F2B, s0  }
0xbd: {  	[sflag:s0] =	ssyncadd.remote.s32 $0x1  }
0xbe: {  	_ =	sfence.sel $0xFFFF  }
0xbf: {  	[dreg:$0x0] =	wrdreg $0xFFFFFFFF;
	(pc) =	sbr.abs _section_cstart, $3  }
0xc0: {  	[dreg:$0x1] =	wrdreg $0xFFFFFFFF  }
0xc1: {  	_ =	task.clear_ibuf [dreg:s6], $0x2FFFF;
	_ =	strace $0x9FFFFFFF  }
0xc2: {  	(tm) =	ssettm $0x7FFFFFFF  }
0xc3: {  	_ =	shalt  }
tec
execute0_lowered:
.L_overlay_start_1:
0x0: {  	(tag) =	ssettag $0x1  }
0x1: {  	s0 =	rddreg [dreg:$0x0]  }
0x2: {  	s1 =	rddreg [dreg:$0x1]  }
0x3: {  	s2 =	simm.s32 $0x0;
	s6 =	srdreg.scid;
	s4 =	stileid.u32  }
0x4: {  	[smem:$0x7FF] =	sst s2;
	s3 =	sadd.s32 $0x63200, s0;
	s14 =	sadd.s32 $0x94000, s0  }
0x5: {  	s5 =	sadd.s32 $0x32400, s0;
	s7 =	sand.u32 $0x1, s6;
	s6 =	sadd.s32 $0x1600, s0  }
0x6: {  	s9 =	sshll.u32 s4, $0xC;
	s10 =	sadd.s32 $0x95E00, s0;
	s18 =	sadd.s32 $0x94400, s0  }
0x7: {  	s20 =	smul.u32 $0x20800, s4;
	_ =	strace $0x80000047;
	[dreg:$0x4] =	wrdreg s10  }
0x8: {  	s12 =	sshll.u32 s4, $0x6;
	s22 =	sadd.s32 $0x94100, s0;
	[dreg:$0x5] =	wrdreg s18  }
0x9: {  	s23 =	sadd.s32 $0x94200, s0;
	s8 =	sshll.u32 s7, $0x10;
	[dreg:$0x7] =	wrdreg s22  }
0xa: {  	s19 =	ssub.s32 $0x2, s7;
	s7 =	sshll.u32 s7, $0x4;
	[dreg:$0x8] =	wrdreg s23  }
0xb: {  	[dreg:$0x3] =	wrdreg s14;
	s15 =	sadd.s32 s14, s12;
	s14 =	simm.s32 $0xCB50  }
0xc: {  	s8 =	sor.u32 s9, s8;
	s11 =	sshrl.u32 s19, $0x1;
	s7 =	sor.u32 s4, s7  }
0xd: {  	s10 =	sshrl.u32 s20, $0x2;
	s4 =	sor.u32 $0x1C03, s12;
	[dreg:$0xf] =	wrdreg s15  }
0xe: {  	s12 =	simm.s32 $0xC3500;
	s15 =	simm.s32 $0xDB50;
	s8 =	sadd.s32 s8, s0  }
0xf: {  	s9 =	ssub.s32 s19, s11;
	[dreg:$0x6] =	wrdreg s4;
	s0 =	sadd.s32 $0x94300, s0  }
0x10: {  	s21 =	smul.u32 $0x6180, s7;
	[dreg:$0x9] =	wrdreg s0;
	s16 =	sadd.s32 $0x97000, s8  }
0x11: {  	s10 =	sadd.s32 s10, s1;
	s17 =	sadd.s32 $0x97400, s8;
	[dreg:$0x10] =	wrdreg s16  }
0x12: {  	s13 =	smul.u32 $0x6200, s7;
	s18 =	sadd.s32 $0x97800, s8;
	[dreg:$0x11] =	wrdreg s17  }
0x13: {  	p0 =	slt.u32 s7, $0xA;
	s19 =	sadd.s32 $0x97C00, s8;
	[dreg:$0x12] =	wrdreg s18  }
0x14: {  	s20 =	smax.u32 s9, $0x1;
	s9 =	simm.s32 $0x3;
	[dreg:$0x13] =	wrdreg s19  }
0x15: {  	s8 =	simm.s32 $0xC350;
	s7 =	sadd.s32 $0x500, s21;
	[dreg:$0x14] =	wrdreg s20  }
0x16: {  	s21 =	sshrl.u32 s10, $0x3;
	s17 =	simm.s32 $0x2;
	s7 =	smov.u32 @p0 s13  }
0x17: {  	s13 =	simm.s32 $0x20;
	[dreg:$0x16] =	wrdreg s21;
	s24 =	sshrl.u32 s7, $0x3  }
0x18: {  	s25 =	smin.u32 s7, $0xBDD00;
	s28 =	smin.u32 s7, $0xBD500;
	s13 =	simm.s32 @!p0 $0x18  }
0x19: {  	s7 =	sadd.s32 $0x6000, s7;
	s4 =	sadd.s32 s3, s24;
	[dreg:$0xd] =	wrdreg s13  }
0x1a: {  	s26 =	sshrl.u32 s25, $0x3;
	s22 =	sadd.s32 $0x100, s4;
	[dreg:$0xa] =	wrdreg s4  }
0x1b: {  	s11 =	sshrl.u32 s28, $0x3;
	s23 =	sadd.s32 $0x200, s4;
	[dreg:$0x17] =	wrdreg s22  }
0x1c: {  	s30 =	smin.u32 s7, $0xC2D00;
	s24 =	sadd.s32 $0x300, s4;
	[dreg:$0x18] =	wrdreg s23  }
0x1d: {  	s0 =	sadd.s32 s3, s26;
	s25 =	sadd.s32 $0x400, s4;
	[dreg:$0x19] =	wrdreg s24  }
0x1e: {  	s29 =	sadd.s32 s3, s11;
	s26 =	sadd.s32 $0x500, s4;
	[dreg:$0x1a] =	wrdreg s25  }
0x1f: {  	s31 =	sshrl.u32 s30, $0x3;
	s28 =	sadd.s32 $0x600, s4;
	[dreg:$0x1b] =	wrdreg s26  }
0x20: {  	s11 =	ssub.s32 s7, s30;
	s30 =	sadd.s32 $0x800, s4;
	[dreg:$0x1c] =	wrdreg s28  }
0x21: {  	s18 =	simm.s32 $0xEB50;
	s0 =	sadd.s32 $0xA00, s0;
	[dreg:$0x1e] =	wrdreg s30  }
0x22: {  	s19 =	simm.s32 $0x1;
	[dreg:$0xb] =	wrdreg s0;
	s0 =	sadd.s32 $0xB00, s29  }
.Ltmp0:
0x23: {  	s29 =	sadd.s32 $0x700, s4;
	[dreg:$0xc] =	wrdreg s0;
	(pc) =	sbr.rel .LBB2_1-.Ltmp0, $4  }
0x24: {  	s21 =	simm.s32 $0x14E10;
	s0 =	sadd.s32 s3, s31;
	[dreg:$0x1d] =	wrdreg s29  }
0x25: {  	s22 =	simm.s32 $0x40;
	s31 =	sadd.s32 $0x900, s4;
	[dreg:$0xe] =	wrdreg s0  }
0x26: {  	v0 =	vlaneseq.u32;
	v4 =	vimm.s32 $0x0;
	v5 =	vimm.s32 $0x40000000;
	s23 =	simm.s32 $0x14DD0;
	s0 =	sadd.s32 $0xCB50, s11;
	[dreg:$0x1f] =	wrdreg s31  }
0x27: {  	v1 =	vor.u32 $0x800, v0;
	v2 =	vor.u32 $0x1000, v0;
	v3 =	vor.u32 $0x1800, v0;
	s25 =	simm.s32 $0x0;
	s11 =	simm.s32 $0x800;
	[dreg:$0x15] =	wrdreg s0  }
.LBB2_46:
0x28: {  	v6 =	vshrl.u32 v6, $0x11  }
0x29: {  	s0 =	sor.u32 $0x14E10, s0;
	[tilespmem:$0x14E00] =	vst v6  }
0x2a: {  	[spmem:s1] =	stream.indirect.scatter.add.f32 [tilespmem:s0], [sflag:$0x3], $0x40, s23, s22, $0xb8;
	[tilespmem:$0x1F220] =	vst v63  }
0x2b: {  	_ =	swait.ge [sflag:s9], $0x1000  }
0x2c: {  	[sflag:s9] =	ssyncset.done $0x0  }
0x2d: {  	s8 =	simm.s32 $0xC350;
	[sflag:s9] =	ssyncadd.s32 $0xFFFFF000  }
.LBB2_47:
0x2e: {  	[bflag:$0x0] =	sbarrier.arrive $0xFFFF  }
0x2f: {  	s0 =	rddreg [dreg:$0xf]  }
0x30: {  	[tilespmem:s8], [sflag:$0x3] =	stream.linear.gather [hbm4b:s0+s2], $0x200, $0x38;
	[tilespmem:$0x1F220] =	vst v63  }
0x31: {  	_ =	swait.ge [sflag:s9], $0x200  }
0x32: {  	[sflag:s9] =	ssyncset.done $0x0  }
0x33: {  	[sflag:s9] =	ssyncadd.s32 $0xFFFFFE00  }
0x34: {  	v6 =	vld [tilespmem:$0xC350];
	_ =	sdelay $0x5  }
0x35: {  	v7 =	vld [tilespmem:$0xC360];
	_ =	sdelay $0x1  }
0x36: {  	v6 =	vld.idx.msk [tilespmem:v6+s2+$0x0], $0xffff;
	_ =	sdelay $0x3  }
0x37: {  	v8 =	vld [tilespmem:$0xC370]  }
0x38: {  	[tilespmem:$0x16E10] =	vst v6  }
0x39: {  	v6 =	vld.idx.msk [tilespmem:v7+s2+$0x0], $0xffff;
	_ =	sdelay $0x3  }
0x3a: {  	v7 =	vld [tilespmem:$0xC380]  }
0x3b: {  	[tilespmem:$0x16E20] =	vst v6  }
0x3c: {  	v6 =	vld.idx.msk [tilespmem:v8+s2+$0x0], $0xffff;
	_ =	sdelay $0x3  }
0x3d: {  	v53 =	vld [tilespmem:$0xC390]  }
0x3e: {  	[tilespmem:$0x16E30] =	vst v6  }
0x3f: {  	v6 =	vld.idx.msk [tilespmem:v7+s2+$0x0], $0xffff;
	_ =	sdelay $0x3  }
0x40: {  	v7 =	vld [tilespmem:$0xC3A0]  }
0x41: {  	[tilespmem:$0x16E40] =	vst v6  }
0x42: {  	v6 =	vld.idx.msk [tilespmem:v53+s2+$0x0], $0xffff;
	_ =	sdelay $0x3  }
0x43: {  	v54 =	vld [tilespmem:$0xC3B0]  }
0x44: {  	[tilespmem:$0x16E50] =	vst v6  }
0x45: {  	v6 =	vld.idx.msk [tilespmem:v7+s2+$0x0], $0xffff;
	_ =	sdelay $0x3  }
0x46: {  	v7 =	vld [tilespmem:$0xC3C0]  }
0x47: {  	[tilespmem:$0x16E60] =	vst v6  }
0x48: {  	v6 =	vld.idx.msk [tilespmem:v54+s2+$0x0], $0xffff;
	_ =	sdelay $0x4  }
0x49: {  	[tilespmem:$0x16E70] =	vst v6  }
0x4a: {  	v6 =	vld.idx.msk [tilespmem:v7+s2+$0x0], $0xffff;
	_ =	sdelay $0x4  }
0x4b: {  	s3 =	simm.s32 $0x80;
	s13 =	simm.s32 $0x16E10;
	[tilespmem:$0x16E80] =	vst v6  }
0x4c: {  	[tilespmem:s21], [sflag:$0x1] =	stream.indirect.gather [spmem:s1], $0x40, s13, s3, $0xb8;
	[tilespmem:$0x1F220] =	vst v63  }
0x4d: {  	_ =	swait.ge [sflag:s19], $0x2000  }
0x4e: {  	[sflag:s19] =	ssyncset.done $0x0  }
0x4f: {  	s16 =	rddreg [dreg:$0x10];
	[sflag:s19] =	ssyncadd.s32 $0xFFFFE000  }
0x50: {  	[hbm4b:s16+s2] =	stream.linear.scatter [tilespmem:s21], [sflag:$0x3], $0x2000, $0x38;
	[tilespmem:$0x1F220] =	vst v63  }
0x51: {  	_ =	swait.ge [sflag:s9], $0x2000  }
0x52: {  	[sflag:s9] =	ssyncset.done $0x0  }
0x53: {  	[sflag:s9] =	ssyncadd.s32 $0xFFFFE000  }
0x54: {  	v6 =	vld [tilespmem:$0xC3D0];
	_ =	sdelay $0x5  }
0x55: {  	v7 =	vld [tilespmem:$0xC3E0];
	_ =	sdelay $0x1  }
0x56: {  	v6 =	vld.idx.msk [tilespmem:v6+s2+$0x0], $0xffff;
	_ =	sdelay $0x3  }
0x57: {  	v55 =	vld [tilespmem:$0xC3F0]  }
0x58: {  	[tilespmem:$0x16E90] =	vst v6  }
0x59: {  	v6 =	vld.idx.msk [tilespmem:v7+s2+$0x0], $0xffff;
	_ =	sdelay $0x3  }
0x5a: {  	v7 =	vld [tilespmem:$0xC400]  }
0x5b: {  	[tilespmem:$0x16EA0] =	vst v6  }
0x5c: {  	v6 =	vld.idx.msk [tilespmem:v55+s2+$0x0], $0xffff;
	_ =	sdelay $0x3  }
0x5d: {  	v56 =	vld [tilespmem:$0xC410]  }
0x5e: {  	[tilespmem:$0x16EB0] =	vst v6  }
0x5f: {  	v6 =	vld.idx.msk [tilespmem:v7+s2+$0x0], $0xffff;
	_ =	sdelay $0x3  }
0x60: {  	v7 =	vld [tilespmem:$0xC420]  }
0x61: {  	[tilespmem:$0x16EC0] =	vst v6  }
0x62: {  	v6 =	vld.idx.msk [tilespmem:v56+s2+$0x0], $0xffff;
	_ =	sdelay $0x3  }
0x63: {  	v57 =	vld [tilespmem:$0xC430]  }
0x64: {  	[tilespmem:$0x16ED0] =	vst v6  }
0x65: {  	v6 =	vld.idx.msk [tilespmem:v7+s2+$0x0], $0xffff;
	_ =	sdelay $0x3  }
0x66: {  	v7 =	vld [tilespmem:$0xC440]  }
0x67: {  	[tilespmem:$0x16EE0] =	vst v6  }
0x68: {  	v6 =	vld.idx.msk [tilespmem:v57+s2+$0x0], $0xffff;
	_ =	sdelay $0x4  }
0x69: {  	[tilespmem:$0x16EF0] =	vst v6  }
0x6a: {  	v6 =	vld.idx.msk [tilespmem:v7+s2+$0x0], $0xffff;
	_ =	sdelay $0x4  }
0x6b: {  	s20 =	simm.s32 $0x16E90;
	[tilespmem:$0x16F00] =	vst v6  }
0x6c: {  	[tilespmem:s21], [sflag:$0x1] =	stream.indirect.gather [spmem:s1], $0x40, s20, s3, $0xb8;
	[tilespmem:$0x1F220] =	vst v63  }
0x6d: {  	_ =	swait.ge [sflag:s19], $0x2000  }
0x6e: {  	[sflag:s19] =	ssyncset.done $0x0  }
0x6f: {  	s24 =	rddreg [dreg:$0x11];
	[sflag:s19] =	ssyncadd.s32 $0xFFFFE000  }
0x70: {  	[hbm4b:s24+s2] =	stream.linear.scatter [tilespmem:s21], [sflag:$0x3], $0x2000, $0x38;
	[tilespmem:$0x1F220] =	vst v63  }
0x71: {  	_ =	swait.ge [sflag:s9], $0x2000  }
0x72: {  	[sflag:s9] =	ssyncset.done $0x0  }
0x73: {  	[sflag:s9] =	ssyncadd.s32 $0xFFFFE000  }
0x74: {  	v6 =	vld [tilespmem:$0xC450];
	_ =	sdelay $0x5  }
0x75: {  	v7 =	vld [tilespmem:$0xC460];
	_ =	sdelay $0x1  }
0x76: {  	v6 =	vld.idx.msk [tilespmem:v6+s2+$0x0], $0xffff;
	_ =	sdelay $0x3  }
0x77: {  	v58 =	vld [tilespmem:$0xC470]  }
0x78: {  	[tilespmem:$0x16F10] =	vst v6  }
0x79: {  	v6 =	vld.idx.msk [tilespmem:v7+s2+$0x0], $0xffff;
	_ =	sdelay $0x3  }
0x7a: {  	v7 =	vld [tilespmem:$0xC480]  }
0x7b: {  	[tilespmem:$0x16F20] =	vst v6  }
0x7c: {  	v6 =	vld.idx.msk [tilespmem:v58+s2+$0x0], $0xffff;
	_ =	sdelay $0x3  }
0x7d: {  	v59 =	vld [tilespmem:$0xC490]  }
0x7e: {  	[tilespmem:$0x16F30] =	vst v6  }
0x7f: {  	v6 =	vld.idx.msk [tilespmem:v7+s2+$0x0], $0xffff;
	_ =	sdelay $0x3  }
0x80: {  	v7 =	vld [tilespmem:$0xC4A0]  }
0x81: {  	[tilespmem:$0x16F40] =	vst v6  }
0x82: {  	v6 =	vld.idx.msk [tilespmem:v59+s2+$0x0], $0xffff;
	_ =	sdelay $0x3  }
0x83: {  	v60 =	vld [tilespmem:$0xC4B0]  }
0x84: {  	[tilespmem:$0x16F50] =	vst v6  }
0x85: {  	v6 =	vld.idx.msk [tilespmem:v7+s2+$0x0], $0xffff;
	_ =	sdelay $0x3  }
0x86: {  	v7 =	vld [tilespmem:$0xC4C0]  }
0x87: {  	[tilespmem:$0x16F60] =	vst v6  }
0x88: {  	v6 =	vld.idx.msk [tilespmem:v60+s2+$0x0], $0xffff;
	_ =	sdelay $0x4  }
0x89: {  	[tilespmem:$0x16F70] =	vst v6  }
0x8a: {  	v6 =	vld.idx.msk [tilespmem:v7+s2+$0x0], $0xffff;
	_ =	sdelay $0x4  }
0x8b: {  	s26 =	simm.s32 $0x16F10;
	[tilespmem:$0x16F80] =	vst v6  }
0x8c: {  	[tilespmem:s21], [sflag:$0x1] =	stream.indirect.gather [spmem:s1], $0x40, s26, s3, $0xb8;
	[tilespmem:$0x1F220] =	vst v63  }
0x8d: {  	_ =	swait.ge [sflag:s19], $0x2000  }
0x8e: {  	[sflag:s19] =	ssyncset.done $0x0  }
0x8f: {  	s28 =	rddreg [dreg:$0x12];
	[sflag:s19] =	ssyncadd.s32 $0xFFFFE000  }
0x90: {  	[hbm4b:s28+s2] =	stream.linear.scatter [tilespmem:s21], [sflag:$0x3], $0x2000, $0x38;
	[tilespmem:$0x1F220] =	vst v63  }
0x91: {  	_ =	swait.ge [sflag:s9], $0x2000  }
0x92: {  	[sflag:s9] =	ssyncset.done $0x0  }
0x93: {  	[sflag:s9] =	ssyncadd.s32 $0xFFFFE000  }
0x94: {  	v6 =	vld [tilespmem:$0xC4D0];
	_ =	sdelay $0x5  }
0x95: {  	v7 =	vld [tilespmem:$0xC4E0];
	_ =	sdelay $0x1  }
0x96: {  	v6 =	vld.idx.msk [tilespmem:v6+s2+$0x0], $0xffff;
	_ =	sdelay $0x3  }
0x97: {  	v61 =	vld [tilespmem:$0xC4F0]  }
0x98: {  	[tilespmem:$0x16F90] =	vst v6  }
0x99: {  	v6 =	vld.idx.msk [tilespmem:v7+s2+$0x0], $0xffff;
	_ =	sdelay $0x3  }
0x9a: {  	v7 =	vld [tilespmem:$0xC500]  }
0x9b: {  	[tilespmem:$0x16FA0] =	vst v6  }
0x9c: {  	v6 =	vld.idx.msk [tilespmem:v61+s2+$0x0], $0xffff;
	_ =	sdelay $0x3  }
0x9d: {  	v62 =	vld [tilespmem:$0xC510]  }
0x9e: {  	[tilespmem:$0x16FB0] =	vst v6  }
0x9f: {  	v6 =	vld.idx.msk [tilespmem:v7+s2+$0x0], $0xffff;
	_ =	sdelay $0x3  }
0xa0: {  	v7 =	vld [tilespmem:$0xC520]  }
0xa1: {  	[tilespmem:$0x16FC0] =	vst v6  }
0xa2: {  	v6 =	vld.idx.msk [tilespmem:v62+s2+$0x0], $0xffff;
	_ =	sdelay $0x3  }
0xa3: {  	v63 =	vld [tilespmem:$0xC530]  }
0xa4: {  	[tilespmem:$0x16FD0] =	vst v6  }
0xa5: {  	v6 =	vld.idx.msk [tilespmem:v7+s2+$0x0], $0xffff;
	_ =	sdelay $0x3  }
0xa6: {  	v7 =	vld [tilespmem:$0xC540]  }
0xa7: {  	[tilespmem:$0x16FE0] =	vst v6  }
0xa8: {  	v6 =	vld.idx.msk [tilespmem:v63+s2+$0x0], $0xffff;
	_ =	sdelay $0x4  }
0xa9: {  	[tilespmem:$0x16FF0] =	vst v6  }
0xaa: {  	v6 =	vld.idx.msk [tilespmem:v7+s2+$0x0], $0xffff;
	_ =	sdelay $0x4  }
0xab: {  	s29 =	simm.s32 $0x16F90;
	[tilespmem:$0x17000] =	vst v6  }
0xac: {  	[tilespmem:s21], [sflag:$0x1] =	stream.indirect.gather [spmem:s1], $0x40, s29, s3, $0xb8;
	[tilespmem:$0x1F220] =	vst v63  }
0xad: {  	_ =	swait.ge [sflag:s19], $0x2000  }
0xae: {  	[sflag:s19] =	ssyncset.done $0x0  }
0xaf: {  	s30 =	rddreg [dreg:$0x13];
	[sflag:s19] =	ssyncadd.s32 $0xFFFFE000  }
0xb0: {  	[hbm4b:s30+s2] =	stream.linear.scatter [tilespmem:s21], [sflag:$0x3], $0x2000, $0x38;
	[tilespmem:$0x1F220] =	vst v63  }
0xb1: {  	_ =	swait.ge [sflag:s9], $0x2000  }
0xb2: {  	s25 =	sadd.s32 $0x1, s25;
	s31 =	rddreg [dreg:$0x14]  }
0xb3: {  	p0 =	sne.s32 s25, s31  }
.Ltmp1:
0xb4: {  	_ = 	snop;
	(pc) =	sbr.rel @!p0 .LBB2_48-.Ltmp1, $3  }
0xb5: {  	_ =	sdelay $0x1  }
0xb6: {  	[sflag:s9] =	ssyncset.done $0x0  }
0xb7: {  	[sflag:s9] =	ssyncadd.s32 $0xFFFFE000  }
.LBB2_1:
0xb8: {  	s0 =	rddreg [dreg:$0x4]  }
0xb9: {  	s3 =	rddreg [dreg:$0x6]  }
0xba: {  	s4 =	rddreg [dreg:$0x16]  }
0xbb: {  	[spmem:s4], [sflag:s3] =	dma.local [hbm:s0], $0x1040  }
0xbc: {  	_ =	swait.ge [sflag:s9], $0x1040  }
0xbd: {  	[sflag:s9] =	ssyncset.done $0x0  }
0xbe: {  	s30 =	rddreg [dreg:$0x5];
	[sflag:s9] =	ssyncadd.s32 $0xFFFFEFC0  }
0xbf: {  	[tilespmem:s2], [sflag:$0x3] =	stream.linear.gather [hbm4b:s30+s2], $0xC350, $0x38;
	[tilespmem:$0x1F220] =	vst v63  }
0xc0: {  	_ =	swait.ge [sflag:s9], $0xC350  }
0xc1: {  	[sflag:s9] =	ssyncset.done $0x0  }
0xc2: {  	s31 =	rddreg [dreg:$0x3];
	[sflag:s9] =	ssyncadd.s32 $0xFFFF3CB0  }
0xc3: {  	[tilespmem:s8], [sflag:$0x3] =	stream.linear.gather [hbm4b:s31+s2], $0x800, $0x38;
	[tilespmem:$0x1F220] =	vst v63  }
0xc4: {  	_ =	swait.ge [sflag:s9], $0x800  }
0xc5: {  	[sflag:s9] =	ssyncset.done $0x0  }
0xc6: {  	s0 =	simm.s32 $0xC370;
	s3 =	simm.s32 $0x0;
	[sflag:s9] =	ssyncadd.s32 $0xFFFFF800  }
.LBB2_2:
0xc7: {  	v6 =	vld [tilespmem:s0+$0xFFFFFFE0];
	_ =	sdelay $0x6  }
0xc8: {  	v7 =	vor.u32 s3, v0  }
0xc9: {  	[tilespmem:v6+s2+$0x0] =	vst.idx.msk $0xffff, v7  }
0xca: {  	v6 =	vld [tilespmem:s0+$0xFFFFFFF0];
	_ =	sdelay $0x5  }
0xcb: {  	s26 =	sadd.s32 $0x10, s3  }
0xcc: {  	v7 =	vor.u32 s26, v0  }
0xcd: {  	[tilespmem:v6+s2+$0x0] =	vst.idx.msk $0xffff, v7  }
0xce: {  	v6 =	vld [tilespmem:s0+$0x0];
	_ =	sdelay $0x5  }
0xcf: {  	s30 =	sadd.s32 $0x20, s3  }
0xd0: {  	v7 =	vor.u32 s30, v0  }
0xd1: {  	[tilespmem:v6+s2+$0x0] =	vst.idx.msk $0xffff, v7  }
0xd2: {  	v6 =	vld [tilespmem:s0+$0x10];
	_ =	sdelay $0x2  }
0xd3: {  	p0 =	sne.s32 s3, $0x7C0  }
.Ltmp2:
0xd4: {  	_ = 	snop;
	(pc) =	sbr.rel @p0 .LBB2_2-.Ltmp2, $4  }
0xd5: {  	_ = 	snop  }
0xd6: {  	s31 =	sadd.s32 $0x30, s3  }
0xd7: {  	v7 =	vor.u32 s31, v0  }
0xd8: {  	s3 =	sadd.s32 $0x40, s3;
	s0 =	sadd.s32 $0x40, s0;
	[tilespmem:v6+s2+$0x0] =	vst.idx.msk $0xffff, v7  }
0xd9: {  	s0 =	simm.s32 $0x0;
	s3 =	rddreg [dreg:$0x7]  }
0xda: {  	[tilespmem:s8], [sflag:$0x3] =	stream.linear.gather [hbm4b:s3+s0], $0x800, $0x38;
	[tilespmem:$0x1F220] =	vst v63  }
0xdb: {  	_ =	swait.ge [sflag:s9], $0x800  }
0xdc: {  	[sflag:s9] =	ssyncset.done $0x0  }
0xdd: {  	s3 =	simm.s32 $0xC370;
	[sflag:s9] =	ssyncadd.s32 $0xFFFFF800  }
.LBB2_4:
0xde: {  	v6 =	vld [tilespmem:s3+$0xFFFFFFE0];
	_ =	sdelay $0x6  }
0xdf: {  	v7 =	vor.u32 s0, v1  }
0xe0: {  	[tilespmem:v6+s2+$0x0] =	vst.idx.msk $0xffff, v7  }
0xe1: {  	v6 =	vld [tilespmem:s3+$0xFFFFFFF0];
	_ =	sdelay $0x5  }
0xe2: {  	s26 =	sadd.s32 $0x10, s0  }
0xe3: {  	v7 =	vor.u32 s26, v1  }
0xe4: {  	[tilespmem:v6+s2+$0x0] =	vst.idx.msk $0xffff, v7  }
0xe5: {  	v6 =	vld [tilespmem:s3+$0x0];
	_ =	sdelay $0x5  }
0xe6: {  	s30 =	sadd.s32 $0x20, s0  }
0xe7: {  	v7 =	vor.u32 s30, v1  }
0xe8: {  	[tilespmem:v6+s2+$0x0] =	vst.idx.msk $0xffff, v7  }
0xe9: {  	v6 =	vld [tilespmem:s3+$0x10];
	_ =	sdelay $0x2  }
0xea: {  	p0 =	sne.s32 s0, $0x7C0  }
.Ltmp3:
0xeb: {  	_ = 	snop;
	(pc) =	sbr.rel @p0 .LBB2_4-.Ltmp3, $4  }
0xec: {  	_ = 	snop  }
0xed: {  	s31 =	sadd.s32 $0x30, s0  }
0xee: {  	v7 =	vor.u32 s31, v1  }
0xef: {  	s0 =	sadd.s32 $0x40, s0;
	s3 =	sadd.s32 $0x40, s3;
	[tilespmem:v6+s2+$0x0] =	vst.idx.msk $0xffff, v7  }
0xf0: {  	s0 =	simm.s32 $0x0;
	s3 =	rddreg [dreg:$0x8]  }
0xf1: {  	[tilespmem:s8], [sflag:$0x3] =	stream.linear.gather [hbm4b:s3+s0], $0x800, $0x38;
	[tilespmem:$0x1F220] =	vst v63  }
0xf2: {  	_ =	swait.ge [sflag:s9], $0x800  }
0xf3: {  	[sflag:s9] =	ssyncset.done $0x0  }
0xf4: {  	s3 =	simm.s32 $0xC370;
	[sflag:s9] =	ssyncadd.s32 $0xFFFFF800  }
.LBB2_6:
0xf5: {  	v6 =	vld [tilespmem:s3+$0xFFFFFFE0];
	_ =	sdelay $0x6  }
0xf6: {  	v7 =	vor.u32 s0, v2  }
0xf7: {  	[tilespmem:v6+s2+$0x0] =	vst.idx.msk $0xffff, v7  }
0xf8: {  	v6 =	vld [tilespmem:s3+$0xFFFFFFF0];
	_ =	sdelay $0x5  }
0xf9: {  	s26 =	sadd.s32 $0x10, s0  }
0xfa: {  	v7 =	vor.u32 s26, v2  }
0xfb: {  	[tilespmem:v6+s2+$0x0] =	vst.idx.msk $0xffff, v7  }
0xfc: {  	v6 =	vld [tilespmem:s3+$0x0];
	_ =	sdelay $0x5  }
0xfd: {  	s30 =	sadd.s32 $0x20, s0  }
0xfe: {  	v7 =	vor.u32 s30, v2  }
0xff: {  	[tilespmem:v6+s2+$0x0] =	vst.idx.msk $0xffff, v7  }
0x100: {  	v6 =	vld [tilespmem:s3+$0x10];
	_ =	sdelay $0x2  }
0x101: {  	p0 =	sne.s32 s0, $0x7C0  }
.Ltmp4:
0x102: {  	_ = 	snop;
	(pc) =	sbr.rel @p0 .LBB2_6-.Ltmp4, $4  }
0x103: {  	_ = 	snop  }
0x104: {  	s31 =	sadd.s32 $0x30, s0  }
0x105: {  	v7 =	vor.u32 s31, v2  }
0x106: {  	s0 =	sadd.s32 $0x40, s0;
	s3 =	sadd.s32 $0x40, s3;
	[tilespmem:v6+s2+$0x0] =	vst.idx.msk $0xffff, v7  }
0x107: {  	s0 =	simm.s32 $0x0;
	s3 =	rddreg [dreg:$0x9]  }
0x108: {  	[tilespmem:s8], [sflag:$0x3] =	stream.linear.gather [hbm4b:s3+s0], $0x800, $0x38;
	[tilespmem:$0x1F220] =	vst v63  }
0x109: {  	_ =	swait.ge [sflag:s9], $0x800  }
0x10a: {  	[sflag:s9] =	ssyncset.done $0x0  }
0x10b: {  	s3 =	simm.s32 $0xC370;
	[sflag:s9] =	ssyncadd.s32 $0xFFFFF800  }
.LBB2_8:
0x10c: {  	v6 =	vld [tilespmem:s3+$0xFFFFFFE0];
	_ =	sdelay $0x6  }
0x10d: {  	v7 =	vor.u32 s0, v3  }
0x10e: {  	[tilespmem:v6+s2+$0x0] =	vst.idx.msk $0xffff, v7  }
0x10f: {  	v6 =	vld [tilespmem:s3+$0xFFFFFFF0];
	_ =	sdelay $0x5  }
0x110: {  	s26 =	sadd.s32 $0x10, s0  }
0x111: {  	v7 =	vor.u32 s26, v3  }
0x112: {  	[tilespmem:v6+s2+$0x0] =	vst.idx.msk $0xffff, v7  }
0x113: {  	v6 =	vld [tilespmem:s3+$0x0];
	_ =	sdelay $0x5  }
0x114: {  	s30 =	sadd.s32 $0x20, s0  }
0x115: {  	v7 =	vor.u32 s30, v3  }
0x116: {  	[tilespmem:v6+s2+$0x0] =	vst.idx.msk $0xffff, v7  }
0x117: {  	v6 =	vld [tilespmem:s3+$0x10];
	_ =	sdelay $0x2  }
0x118: {  	p0 =	sne.s32 s0, $0x7C0  }
.Ltmp5:
0x119: {  	_ = 	snop;
	(pc) =	sbr.rel @p0 .LBB2_8-.Ltmp5, $4  }
0x11a: {  	_ = 	snop  }
0x11b: {  	s31 =	sadd.s32 $0x30, s0  }
0x11c: {  	v7 =	vor.u32 s31, v3  }
0x11d: {  	s0 =	sadd.s32 $0x40, s0;
	s3 =	sadd.s32 $0x40, s3;
	[tilespmem:v6+s2+$0x0] =	vst.idx.msk $0xffff, v7  }
0x11e: {  	[bflag:$0x0] =	sbarrier.arrive $0xFFFF  }
0x11f: {  	s0 =	rddreg [dreg:$0xa]  }
0x120: {  	[tilespmem:s14], [sflag:$0x2] =	stream.strided.gather [hbm4b:s0+s11], $0x1000, s12, s11, $0x38;
	[tilespmem:$0x1F220] =	vst v63  }
0x121: {  	s31 =	rddreg [dreg:$0x17]  }
0x122: {  	[tilespmem:s15], [sflag:$0x2] =	stream.strided.gather [hbm4b:s31+s11], $0x1000, s12, s11, $0x38;
	[tilespmem:$0x1F220] =	vst v63  }
0x123: {  	_ =	swait.ge [sflag:s17], $0x1000  }
0x124: {  	[sflag:s17] =	ssyncset.done $0x0  }
0x125: {  	v6 =	vimm.s32 $0x0;
	s26 =	simm.s32 $0x80;
	v7 =	vimm.s32 $0x0;
	[sflag:s17] =	ssyncadd.s32 $0xFFFFF000  }
.LBB2_10:
0x126: {  	s0 =	sshra.s32 s26, $0x2  }
0x127: {  	v8 =	vld [tilespmem:s0+$0xD330];
	_ =	sdelay $0x6  }
0x128: {  	v9 =	vld [tilespmem:s0+$0xCB30]  }
0x129: {  	v8 =	vld.idx.msk [tilespmem:v8+s2+$0x0], $0xffff;
	_ =	sdelay $0x4  }
0x12a: {  	vm1 =	vlt.s32 v9, $0x61A8;
	vm0 =	vgt.s32 v8, $0xFFFFFFFF  }
0x12b: {  	vm2 =	vge.s32 v9, $0x61A8;
	vm3 =	vmand vm1, vm0  }
0x12c: {  	vm2 =	vmand vm0, vm2;
	v10 =	vsel vm3, $0x1, v4  }
0x12d: {  	v38 =	vsel vm2, $0x1, v4;
	(xrf0) =	vadd.scan.msk.s32 $0xffff, v10  }
0x12e: {  	(xrf0) =	vadd.scan.msk.s32 $0xffff, v38;
	_ =	sdelay $0x4  }
0x12f: {  	v39, _, _ =	vpop (xrf0)  }
0x130: {  	v10 =	vadd.s32 v39, v7;
	v11, _, _ =	vpop (xrf0)  }
0x131: {  	v10 =	vadd.s32 $0xFFFFFFFF, v10;
	v11 =	vadd.s32 v11, v6  }
0x132: {  	v11 =	vsub.s32 $0x6200, v11;
	_ =	sdelay $0x1  }
0x133: {  	v8 =	vshll.u32 v8, $0x11  }
0x134: {  	v12 =	vor.u32 v9, v8;
	v9 =	vadd.s32 $0xFFFF9E58, v9  }
0x135: {  	v8 =	vor.u32 v9, v8;
	[tilespmem:v10+s18+$0x0] =	vst.idx.msk vm3, v12  }
0x136: {  	[tilespmem:v11+s18+$0x0] =	vst.idx.msk vm2, v8  }
0x137: {  	v8 =	vld [tilespmem:s0+$0xD340];
	_ =	sdelay $0x6  }
0x138: {  	v40 =	vld [tilespmem:s0+$0xCB40]  }
0x139: {  	v8 =	vld.idx.msk [tilespmem:v8+s2+$0x0], $0xffff;
	_ =	sdelay $0x4  }
0x13a: {  	vm9 =	vlt.s32 v40, $0x61A8;
	vm8 =	vgt.s32 v8, $0xFFFFFFFF  }
0x13b: {  	vm4 =	vge.s32 v40, $0x61A8;
	vm0 =	vmand vm9, vm8  }
0x13c: {  	vm1 =	vmand vm8, vm4;
	v41 =	vsel vm0, $0x1, v4  }
0x13d: {  	v42 =	vsel vm1, $0x1, v4;
	(xrf0) =	vadd.scan.msk.s32 $0xffff, v41  }
0x13e: {  	(xrf0) =	vadd.scan.msk.s32 $0xffff, v42;
	_ =	sdelay $0x2  }
0x13f: {  	v43 =	vmpcnt.ones.xlane vm3  }
0x140: {  	v44 =	vmpcnt.ones.xlane vm2  }
0x141: {  	v7 =	vadd.s32 v7, v43;
	v45, _, _ =	vpop (xrf0)  }
0x142: {  	v6 =	vadd.s32 v6, v44;
	v10 =	vadd.s32 v45, v7;
	v46, _, _ =	vpop (xrf0)  }
0x143: {  	v10 =	vadd.s32 $0xFFFFFFFF, v10;
	v11 =	vadd.s32 v46, v6  }
0x144: {  	v11 =	vsub.s32 $0x6200, v11;
	_ =	sdelay $0x1  }
0x145: {  	v8 =	vshll.u32 v8, $0x11  }
0x146: {  	v9 =	vadd.s32 $0xFFFF9E58, v40;
	v47 =	vor.u32 v40, v8  }
0x147: {  	v8 =	vor.u32 v9, v8;
	[tilespmem:v10+s18+$0x0] =	vst.idx.msk vm0, v47  }
0x148: {  	[tilespmem:v11+s18+$0x0] =	vst.idx.msk vm1, v8  }
0x149: {  	v8 =	vld [tilespmem:s0+$0xD350];
	_ =	sdelay $0x6  }
0x14a: {  	v48 =	vld [tilespmem:s0+$0xCB50]  }
0x14b: {  	v8 =	vld.idx.msk [tilespmem:v8+s2+$0x0], $0xffff;
	_ =	sdelay $0x4  }
0x14c: {  	vm11 =	vlt.s32 v48, $0x61A8;
	vm10 =	vgt.s32 v8, $0xFFFFFFFF  }
0x14d: {  	vm12 =	vge.s32 v48, $0x61A8;
	vm2 =	vmand vm11, vm10  }
0x14e: {  	vm3 =	vmand vm10, vm12;
	v49 =	vsel vm2, $0x1, v4  }
0x14f: {  	v50 =	vsel vm3, $0x1, v4;
	(xrf0) =	vadd.scan.msk.s32 $0xffff, v49  }
0x150: {  	(xrf0) =	vadd.scan.msk.s32 $0xffff, v50;
	_ =	sdelay $0x2  }
0x151: {  	v51 =	vmpcnt.ones.xlane vm0  }
0x152: {  	v52 =	vmpcnt.ones.xlane vm1  }
0x153: {  	v7 =	vadd.s32 v7, v51;
	v53, _, _ =	vpop (xrf0)  }
0x154: {  	v6 =	vadd.s32 v6, v52;
	v10 =	vadd.s32 v53, v7;
	v54, _, _ =	vpop (xrf0)  }
0x155: {  	v10 =	vadd.s32 $0xFFFFFFFF, v10;
	v11 =	vadd.s32 v54, v6  }
0x156: {  	v11 =	vsub.s32 $0x6200, v11;
	_ =	sdelay $0x1  }
0x157: {  	v8 =	vshll.u32 v8, $0x11  }
0x158: {  	v9 =	vadd.s32 $0xFFFF9E58, v48;
	v55 =	vor.u32 v48, v8  }
0x159: {  	v8 =	vor.u32 v9, v8;
	[tilespmem:v10+s18+$0x0] =	vst.idx.msk vm2, v55  }
0x15a: {  	[tilespmem:v11+s18+$0x0] =	vst.idx.msk vm3, v8  }
0x15b: {  	v8 =	vld [tilespmem:s0+$0xD360];
	_ =	sdelay $0x6  }
0x15c: {  	v56 =	vld [tilespmem:s0+$0xCB60]  }
0x15d: {  	v8 =	vld.idx.msk [tilespmem:v8+s2+$0x0], $0xffff;
	_ =	sdelay $0x4  }
0x15e: {  	vm14 =	vlt.s32 v56, $0x61A8;
	vm13 =	vgt.s32 v8, $0xFFFFFFFF  }
0x15f: {  	vm15 =	vge.s32 v56, $0x61A8;
	vm1 =	vmand vm14, vm13  }
0x160: {  	vm0 =	vmand vm13, vm15;
	v57 =	vsel vm1, $0x1, v4  }
0x161: {  	v58 =	vsel vm0, $0x1, v4;
	(xrf0) =	vadd.scan.msk.s32 $0xffff, v57  }
0x162: {  	(xrf0) =	vadd.scan.msk.s32 $0xffff, v58;
	_ =	sdelay $0x2  }
0x163: {  	v59 =	vmpcnt.ones.xlane vm2  }
0x164: {  	v60 =	vmpcnt.ones.xlane vm3  }
0x165: {  	v7 =	vadd.s32 v7, v59;
	v61, _, _ =	vpop (xrf0)  }
0x166: {  	v6 =	vadd.s32 v6, v60;
	v10 =	vadd.s32 v61, v7;
	v62, _, _ =	vpop (xrf0)  }
0x167: {  	v10 =	vadd.s32 $0xFFFFFFFF, v10;
	v11 =	vadd.s32 v62, v6  }
0x168: {  	p0 =	sne.s32 s26, $0x1F80;
	v11 =	vsub.s32 $0x6200, v11  }
.Ltmp6:
0x169: {  	_ = 	snop;
	(pc) =	sbr.rel @p0 .LBB2_10-.Ltmp6, $4  }
0x16a: {  	v9 =	vadd.s32 $0xFFFF9E58, v56;
	v8 =	vshll.u32 v8, $0x11  }
0x16b: {  	v63 =	vor.u32 v56, v8;
	v13 =	vmpcnt.ones.xlane vm1;
	v14 =	vmpcnt.ones.xlane vm0  }
0x16c: {  	v8 =	vor.u32 v9, v8;
	[tilespmem:v10+s18+$0x0] =	vst.idx.msk vm1, v63  }
0x16d: {  	s26 =	sadd.s32 $0x100, s26;
	v7 =	vadd.s32 v7, v13;
	v6 =	vadd.s32 v6, v14;
	[tilespmem:v11+s18+$0x0] =	vst.idx.msk vm0, v8  }
0x16e: {  	s0 =	rddreg [dreg:$0x18]  }
0x16f: {  	[tilespmem:s14], [sflag:$0x2] =	stream.strided.gather [hbm4b:s0+s11], $0x1000, s12, s11, $0x38;
	[tilespmem:$0x1F220] =	vst v63  }
0x170: {  	_ =	swait.ge [sflag:s17], $0x1000  }
0x171: {  	[sflag:s17] =	ssyncset.done $0x0  }
0x172: {  	s26 =	simm.s32 $0x80;
	[sflag:s17] =	ssyncadd.s32 $0xFFFFF000  }
.LBB2_12:
0x173: {  	s0 =	sshra.s32 s26, $0x2  }
0x174: {  	v8 =	vld [tilespmem:s0+$0xE330];
	_ =	sdelay $0x6  }
0x175: {  	v9 =	vld [tilespmem:s0+$0xDB30]  }
0x176: {  	v8 =	vld.idx.msk [tilespmem:v8+s2+$0x0], $0xffff;
	_ =	sdelay $0x4  }
0x177: {  	vm1 =	vlt.s32 v9, $0x61A8;
	vm0 =	vgt.s32 v8, $0xFFFFFFFF  }
0x178: {  	vm2 =	vge.s32 v9, $0x61A8;
	vm3 =	vmand vm1, vm0  }
0x179: {  	vm2 =	vmand vm0, vm2;
	v10 =	vsel vm3, $0x1, v4  }
0x17a: {  	v38 =	vsel vm2, $0x1, v4;
	(xrf0) =	vadd.scan.msk.s32 $0xffff, v10  }
0x17b: {  	(xrf0) =	vadd.scan.msk.s32 $0xffff, v38;
	_ =	sdelay $0x4  }
0x17c: {  	v39, _, _ =	vpop (xrf0)  }
0x17d: {  	v10 =	vadd.s32 v39, v7;
	v11, _, _ =	vpop (xrf0)  }
0x17e: {  	v10 =	vadd.s32 $0xFFFFFFFF, v10;
	v11 =	vadd.s32 v11, v6  }
0x17f: {  	v11 =	vsub.s32 $0x6200, v11;
	_ =	sdelay $0x1  }
0x180: {  	v8 =	vshll.u32 v8, $0x11  }
0x181: {  	v12 =	vor.u32 v9, v8;
	v9 =	vadd.s32 $0xFFFF9E58, v9  }
0x182: {  	v8 =	vor.u32 v9, v8;
	[tilespmem:v10+s18+$0x0] =	vst.idx.msk vm3, v12  }
0x183: {  	[tilespmem:v11+s18+$0x0] =	vst.idx.msk vm2, v8  }
0x184: {  	v8 =	vld [tilespmem:s0+$0xE340];
	_ =	sdelay $0x6  }
0x185: {  	v40 =	vld [tilespmem:s0+$0xDB40]  }
0x186: {  	v8 =	vld.idx.msk [tilespmem:v8+s2+$0x0], $0xffff;
	_ =	sdelay $0x4  }
0x187: {  	vm9 =	vlt.s32 v40, $0x61A8;
	vm8 =	vgt.s32 v8, $0xFFFFFFFF  }
0x188: {  	vm4 =	vge.s32 v40, $0x61A8;
	vm0 =	vmand vm9, vm8  }
0x189: {  	vm1 =	vmand vm8, vm4;
	v41 =	vsel vm0, $0x1, v4  }
0x18a: {  	v42 =	vsel vm1, $0x1, v4;
	(xrf0) =	vadd.scan.msk.s32 $0xffff, v41  }
0x18b: {  	(xrf0) =	vadd.scan.msk.s32 $0xffff, v42;
	_ =	sdelay $0x2  }
0x18c: {  	v43 =	vmpcnt.ones.xlane vm3  }
0x18d: {  	v44 =	vmpcnt.ones.xlane vm2  }
0x18e: {  	v7 =	vadd.s32 v7, v43;
	v45, _, _ =	vpop (xrf0)  }
0x18f: {  	v6 =	vadd.s32 v6, v44;
	v10 =	vadd.s32 v45, v7;
	v46, _, _ =	vpop (xrf0)  }
0x190: {  	v10 =	vadd.s32 $0xFFFFFFFF, v10;
	v11 =	vadd.s32 v46, v6  }
0x191: {  	v11 =	vsub.s32 $0x6200, v11;
	_ =	sdelay $0x1  }
0x192: {  	v8 =	vshll.u32 v8, $0x11  }
0x193: {  	v9 =	vadd.s32 $0xFFFF9E58, v40;
	v47 =	vor.u32 v40, v8  }
0x194: {  	v8 =	vor.u32 v9, v8;
	[tilespmem:v10+s18+$0x0] =	vst.idx.msk vm0, v47  }
0x195: {  	[tilespmem:v11+s18+$0x0] =	vst.idx.msk vm1, v8  }
0x196: {  	v8 =	vld [tilespmem:s0+$0xE350];
	_ =	sdelay $0x6  }
0x197: {  	v48 =	vld [tilespmem:s0+$0xDB50]  }
0x198: {  	v8 =	vld.idx.msk [tilespmem:v8+s2+$0x0], $0xffff;
	_ =	sdelay $0x4  }
0x199: {  	vm11 =	vlt.s32 v48, $0x61A8;
	vm10 =	vgt.s32 v8, $0xFFFFFFFF  }
0x19a: {  	vm12 =	vge.s32 v48, $0x61A8;
	vm2 =	vmand vm11, vm10  }
0x19b: {  	vm3 =	vmand vm10, vm12;
	v49 =	vsel vm2, $0x1, v4  }
0x19c: {  	v50 =	vsel vm3, $0x1, v4;
	(xrf0) =	vadd.scan.msk.s32 $0xffff, v49  }
0x19d: {  	(xrf0) =	vadd.scan.msk.s32 $0xffff, v50;
	_ =	sdelay $0x2  }
0x19e: {  	v51 =	vmpcnt.ones.xlane vm0  }
0x19f: {  	v52 =	vmpcnt.ones.xlane vm1  }
0x1a0: {  	v7 =	vadd.s32 v7, v51;
	v53, _, _ =	vpop (xrf0)  }
0x1a1: {  	v6 =	vadd.s32 v6, v52;
	v10 =	vadd.s32 v53, v7;
	v54, _, _ =	vpop (xrf0)  }
0x1a2: {  	v10 =	vadd.s32 $0xFFFFFFFF, v10;
	v11 =	vadd.s32 v54, v6  }
0x1a3: {  	v11 =	vsub.s32 $0x6200, v11;
	_ =	sdelay $0x1  }
0x1a4: {  	v8 =	vshll.u32 v8, $0x11  }
0x1a5: {  	v9 =	vadd.s32 $0xFFFF9E58, v48;
	v55 =	vor.u32 v48, v8  }
0x1a6: {  	v8 =	vor.u32 v9, v8;
	[tilespmem:v10+s18+$0x0] =	vst.idx.msk vm2, v55  }
0x1a7: {  	[tilespmem:v11+s18+$0x0] =	vst.idx.msk vm3, v8  }
0x1a8: {  	v8 =	vld [tilespmem:s0+$0xE360];
	_ =	sdelay $0x6  }
0x1a9: {  	v56 =	vld [tilespmem:s0+$0xDB60]  }
0x1aa: {  	v8 =	vld.idx.msk [tilespmem:v8+s2+$0x0], $0xffff;
	_ =	sdelay $0x4  }
0x1ab: {  	vm14 =	vlt.s32 v56, $0x61A8;
	vm13 =	vgt.s32 v8, $0xFFFFFFFF  }
0x1ac: {  	vm15 =	vge.s32 v56, $0x61A8;
	vm1 =	vmand vm14, vm13  }
0x1ad: {  	vm0 =	vmand vm13, vm15;
	v57 =	vsel vm1, $0x1, v4  }
0x1ae: {  	v58 =	vsel vm0, $0x1, v4;
	(xrf0) =	vadd.scan.msk.s32 $0xffff, v57  }
0x1af: {  	(xrf0) =	vadd.scan.msk.s32 $0xffff, v58;
	_ =	sdelay $0x2  }
0x1b0: {  	v59 =	vmpcnt.ones.xlane vm2  }
0x1b1: {  	v60 =	vmpcnt.ones.xlane vm3  }
0x1b2: {  	v7 =	vadd.s32 v7, v59;
	v61, _, _ =	vpop (xrf0)  }
0x1b3: {  	v6 =	vadd.s32 v6, v60;
	v10 =	vadd.s32 v61, v7;
	v62, _, _ =	vpop (xrf0)  }
0x1b4: {  	v10 =	vadd.s32 $0xFFFFFFFF, v10;
	v11 =	vadd.s32 v62, v6  }
0x1b5: {  	p0 =	sne.s32 s26, $0x1F80;
	v11 =	vsub.s32 $0x6200, v11  }
.Ltmp7:
0x1b6: {  	_ = 	snop;
	(pc) =	sbr.rel @p0 .LBB2_12-.Ltmp7, $4  }
0x1b7: {  	v9 =	vadd.s32 $0xFFFF9E58, v56;
	v8 =	vshll.u32 v8, $0x11  }
0x1b8: {  	v63 =	vor.u32 v56, v8;
	v13 =	vmpcnt.ones.xlane vm1;
	v14 =	vmpcnt.ones.xlane vm0  }
0x1b9: {  	v8 =	vor.u32 v9, v8;
	[tilespmem:v10+s18+$0x0] =	vst.idx.msk vm1, v63  }
0x1ba: {  	s26 =	sadd.s32 $0x100, s26;
	v7 =	vadd.s32 v7, v13;
	v6 =	vadd.s32 v6, v14;
	[tilespmem:v11+s18+$0x0] =	vst.idx.msk vm0, v8  }
0x1bb: {  	s0 =	rddreg [dreg:$0x19]  }
0x1bc: {  	[tilespmem:s15], [sflag:$0x2] =	stream.strided.gather [hbm4b:s0+s11], $0x1000, s12, s11, $0x38;
	[tilespmem:$0x1F220] =	vst v63  }
0x1bd: {  	_ =	swait.ge [sflag:s17], $0x1000  }
0x1be: {  	[sflag:s17] =	ssyncset.done $0x0  }
0x1bf: {  	s26 =	simm.s32 $0x80;
	[sflag:s17] =	ssyncadd.s32 $0xFFFFF000  }
.LBB2_14:
0x1c0: {  	s0 =	sshra.s32 s26, $0x2  }
0x1c1: {  	v8 =	vld [tilespmem:s0+$0xD330];
	_ =	sdelay $0x6  }
0x1c2: {  	v9 =	vld [tilespmem:s0+$0xCB30]  }
0x1c3: {  	v8 =	vld.idx.msk [tilespmem:v8+s2+$0x0], $0xffff;
	_ =	sdelay $0x4  }
0x1c4: {  	vm1 =	vlt.s32 v9, $0x61A8;
	vm0 =	vgt.s32 v8, $0xFFFFFFFF  }
0x1c5: {  	vm2 =	vge.s32 v9, $0x61A8;
	vm3 =	vmand vm1, vm0  }
0x1c6: {  	vm2 =	vmand vm0, vm2;
	v10 =	vsel vm3, $0x1, v4  }
0x1c7: {  	v38 =	vsel vm2, $0x1, v4;
	(xrf0) =	vadd.scan.msk.s32 $0xffff, v10  }
0x1c8: {  	(xrf0) =	vadd.scan.msk.s32 $0xffff, v38;
	_ =	sdelay $0x4  }
0x1c9: {  	v39, _, _ =	vpop (xrf0)  }
0x1ca: {  	v10 =	vadd.s32 v39, v7;
	v11, _, _ =	vpop (xrf0)  }
0x1cb: {  	v10 =	vadd.s32 $0xFFFFFFFF, v10;
	v11 =	vadd.s32 v11, v6  }
0x1cc: {  	v11 =	vsub.s32 $0x6200, v11;
	_ =	sdelay $0x1  }
0x1cd: {  	v8 =	vshll.u32 v8, $0x11  }
0x1ce: {  	v12 =	vor.u32 v9, v8;
	v9 =	vadd.s32 $0xFFFF9E58, v9  }
0x1cf: {  	v8 =	vor.u32 v9, v8;
	[tilespmem:v10+s18+$0x0] =	vst.idx.msk vm3, v12  }
0x1d0: {  	[tilespmem:v11+s18+$0x0] =	vst.idx.msk vm2, v8  }
0x1d1: {  	v8 =	vld [tilespmem:s0+$0xD340];
	_ =	sdelay $0x6  }
0x1d2: {  	v40 =	vld [tilespmem:s0+$0xCB40]  }
0x1d3: {  	v8 =	vld.idx.msk [tilespmem:v8+s2+$0x0], $0xffff;
	_ =	sdelay $0x4  }
0x1d4: {  	vm9 =	vlt.s32 v40, $0x61A8;
	vm8 =	vgt.s32 v8, $0xFFFFFFFF  }
0x1d5: {  	vm4 =	vge.s32 v40, $0x61A8;
	vm0 =	vmand vm9, vm8  }
0x1d6: {  	vm1 =	vmand vm8, vm4;
	v41 =	vsel vm0, $0x1, v4  }
0x1d7: {  	v42 =	vsel vm1, $0x1, v4;
	(xrf0) =	vadd.scan.msk.s32 $0xffff, v41  }
0x1d8: {  	(xrf0) =	vadd.scan.msk.s32 $0xffff, v42;
	_ =	sdelay $0x2  }
0x1d9: {  	v43 =	vmpcnt.ones.xlane vm3  }
0x1da: {  	v44 =	vmpcnt.ones.xlane vm2  }
0x1db: {  	v7 =	vadd.s32 v7, v43;
	v45, _, _ =	vpop (xrf0)  }
0x1dc: {  	v6 =	vadd.s32 v6, v44;
	v10 =	vadd.s32 v45, v7;
	v46, _, _ =	vpop (xrf0)  }
0x1dd: {  	v10 =	vadd.s32 $0xFFFFFFFF, v10;
	v11 =	vadd.s32 v46, v6  }
0x1de: {  	v11 =	vsub.s32 $0x6200, v11;
	_ =	sdelay $0x1  }
0x1df: {  	v8 =	vshll.u32 v8, $0x11  }
0x1e0: {  	v9 =	vadd.s32 $0xFFFF9E58, v40;
	v47 =	vor.u32 v40, v8  }
0x1e1: {  	v8 =	vor.u32 v9, v8;
	[tilespmem:v10+s18+$0x0] =	vst.idx.msk vm0, v47  }
0x1e2: {  	[tilespmem:v11+s18+$0x0] =	vst.idx.msk vm1, v8  }
0x1e3: {  	v8 =	vld [tilespmem:s0+$0xD350];
	_ =	sdelay $0x6  }
0x1e4: {  	v48 =	vld [tilespmem:s0+$0xCB50]  }
0x1e5: {  	v8 =	vld.idx.msk [tilespmem:v8+s2+$0x0], $0xffff;
	_ =	sdelay $0x4  }
0x1e6: {  	vm11 =	vlt.s32 v48, $0x61A8;
	vm10 =	vgt.s32 v8, $0xFFFFFFFF  }
0x1e7: {  	vm12 =	vge.s32 v48, $0x61A8;
	vm2 =	vmand vm11, vm10  }
0x1e8: {  	vm3 =	vmand vm10, vm12;
	v49 =	vsel vm2, $0x1, v4  }
0x1e9: {  	v50 =	vsel vm3, $0x1, v4;
	(xrf0) =	vadd.scan.msk.s32 $0xffff, v49  }
0x1ea: {  	(xrf0) =	vadd.scan.msk.s32 $0xffff, v50;
	_ =	sdelay $0x2  }
0x1eb: {  	v51 =	vmpcnt.ones.xlane vm0  }
0x1ec: {  	v52 =	vmpcnt.ones.xlane vm1  }
0x1ed: {  	v7 =	vadd.s32 v7, v51;
	v53, _, _ =	vpop (xrf0)  }
0x1ee: {  	v6 =	vadd.s32 v6, v52;
	v10 =	vadd.s32 v53, v7;
	v54, _, _ =	vpop (xrf0)  }
0x1ef: {  	v10 =	vadd.s32 $0xFFFFFFFF, v10;
	v11 =	vadd.s32 v54, v6  }
0x1f0: {  	v11 =	vsub.s32 $0x6200, v11;
	_ =	sdelay $0x1  }
0x1f1: {  	v8 =	vshll.u32 v8, $0x11  }
0x1f2: {  	v9 =	vadd.s32 $0xFFFF9E58, v48;
	v55 =	vor.u32 v48, v8  }
0x1f3: {  	v8 =	vor.u32 v9, v8;
	[tilespmem:v10+s18+$0x0] =	vst.idx.msk vm2, v55  }
0x1f4: {  	[tilespmem:v11+s18+$0x0] =	vst.idx.msk vm3, v8  }
0x1f5: {  	v8 =	vld [tilespmem:s0+$0xD360];
	_ =	sdelay $0x6  }
0x1f6: {  	v56 =	vld [tilespmem:s0+$0xCB60]  }
0x1f7: {  	v8 =	vld.idx.msk [tilespmem:v8+s2+$0x0], $0xffff;
	_ =	sdelay $0x4  }
0x1f8: {  	vm14 =	vlt.s32 v56, $0x61A8;
	vm13 =	vgt.s32 v8, $0xFFFFFFFF  }
0x1f9: {  	vm15 =	vge.s32 v56, $0x61A8;
	vm1 =	vmand vm14, vm13  }
0x1fa: {  	vm0 =	vmand vm13, vm15;
	v57 =	vsel vm1, $0x1, v4  }
0x1fb: {  	v58 =	vsel vm0, $0x1, v4;
	(xrf0) =	vadd.scan.msk.s32 $0xffff, v57  }
0x1fc: {  	(xrf0) =	vadd.scan.msk.s32 $0xffff, v58;
	_ =	sdelay $0x2  }
0x1fd: {  	v59 =	vmpcnt.ones.xlane vm2  }
0x1fe: {  	v60 =	vmpcnt.ones.xlane vm3  }
0x1ff: {  	v7 =	vadd.s32 v7, v59;
	v61, _, _ =	vpop (xrf0)  }
0x200: {  	v6 =	vadd.s32 v6, v60;
	v10 =	vadd.s32 v61, v7;
	v62, _, _ =	vpop (xrf0)  }
0x201: {  	v10 =	vadd.s32 $0xFFFFFFFF, v10;
	v11 =	vadd.s32 v62, v6  }
0x202: {  	p0 =	sne.s32 s26, $0x1F80;
	v11 =	vsub.s32 $0x6200, v11  }
.Ltmp8:
0x203: {  	_ = 	snop;
	(pc) =	sbr.rel @p0 .LBB2_14-.Ltmp8, $4  }
0x204: {  	v9 =	vadd.s32 $0xFFFF9E58, v56;
	v8 =	vshll.u32 v8, $0x11  }
0x205: {  	v63 =	vor.u32 v56, v8;
	v13 =	vmpcnt.ones.xlane vm1;
	v14 =	vmpcnt.ones.xlane vm0  }
0x206: {  	v8 =	vor.u32 v9, v8;
	[tilespmem:v10+s18+$0x0] =	vst.idx.msk vm1, v63  }
0x207: {  	s26 =	sadd.s32 $0x100, s26;
	v7 =	vadd.s32 v7, v13;
	v6 =	vadd.s32 v6, v14;
	[tilespmem:v11+s18+$0x0] =	vst.idx.msk vm0, v8  }
0x208: {  	s0 =	rddreg [dreg:$0x1a]  }
0x209: {  	[tilespmem:s14], [sflag:$0x2] =	stream.strided.gather [hbm4b:s0+s11], $0x1000, s12, s11, $0x38;
	[tilespmem:$0x1F220] =	vst v63  }
0x20a: {  	_ =	swait.ge [sflag:s17], $0x1000  }
0x20b: {  	[sflag:s17] =	ssyncset.done $0x0  }
0x20c: {  	s26 =	simm.s32 $0x80;
	[sflag:s17] =	ssyncadd.s32 $0xFFFFF000  }
.LBB2_16:
0x20d: {  	s0 =	sshra.s32 s26, $0x2  }
0x20e: {  	v8 =	vld [tilespmem:s0+$0xE330];
	_ =	sdelay $0x6  }
0x20f: {  	v9 =	vld [tilespmem:s0+$0xDB30]  }
0x210: {  	v8 =	vld.idx.msk [tilespmem:v8+s2+$0x0], $0xffff;
	_ =	sdelay $0x4  }
0x211: {  	vm1 =	vlt.s32 v9, $0x61A8;
	vm0 =	vgt.s32 v8, $0xFFFFFFFF  }
0x212: {  	vm2 =	vge.s32 v9, $0x61A8;
	vm3 =	vmand vm1, vm0  }
0x213: {  	vm2 =	vmand vm0, vm2;
	v10 =	vsel vm3, $0x1, v4  }
0x214: {  	v38 =	vsel vm2, $0x1, v4;
	(xrf0) =	vadd.scan.msk.s32 $0xffff, v10  }
0x215: {  	(xrf0) =	vadd.scan.msk.s32 $0xffff, v38;
	_ =	sdelay $0x4  }
0x216: {  	v39, _, _ =	vpop (xrf0)  }
0x217: {  	v10 =	vadd.s32 v39, v7;
	v11, _, _ =	vpop (xrf0)  }
0x218: {  	v10 =	vadd.s32 $0xFFFFFFFF, v10;
	v11 =	vadd.s32 v11, v6  }
0x219: {  	v11 =	vsub.s32 $0x6200, v11;
	_ =	sdelay $0x1  }
0x21a: {  	v8 =	vshll.u32 v8, $0x11  }
0x21b: {  	v12 =	vor.u32 v9, v8;
	v9 =	vadd.s32 $0xFFFF9E58, v9  }
0x21c: {  	v8 =	vor.u32 v9, v8;
	[tilespmem:v10+s18+$0x0] =	vst.idx.msk vm3, v12  }
0x21d: {  	[tilespmem:v11+s18+$0x0] =	vst.idx.msk vm2, v8  }
0x21e: {  	v8 =	vld [tilespmem:s0+$0xE340];
	_ =	sdelay $0x6  }
0x21f: {  	v40 =	vld [tilespmem:s0+$0xDB40]  }
0x220: {  	v8 =	vld.idx.msk [tilespmem:v8+s2+$0x0], $0xffff;
	_ =	sdelay $0x4  }
0x221: {  	vm9 =	vlt.s32 v40, $0x61A8;
	vm8 =	vgt.s32 v8, $0xFFFFFFFF  }
0x222: {  	vm4 =	vge.s32 v40, $0x61A8;
	vm0 =	vmand vm9, vm8  }
0x223: {  	vm1 =	vmand vm8, vm4;
	v41 =	vsel vm0, $0x1, v4  }
0x224: {  	v42 =	vsel vm1, $0x1, v4;
	(xrf0) =	vadd.scan.msk.s32 $0xffff, v41  }
0x225: {  	(xrf0) =	vadd.scan.msk.s32 $0xffff, v42;
	_ =	sdelay $0x2  }
0x226: {  	v43 =	vmpcnt.ones.xlane vm3  }
0x227: {  	v44 =	vmpcnt.ones.xlane vm2  }
0x228: {  	v7 =	vadd.s32 v7, v43;
	v45, _, _ =	vpop (xrf0)  }
0x229: {  	v6 =	vadd.s32 v6, v44;
	v10 =	vadd.s32 v45, v7;
	v46, _, _ =	vpop (xrf0)  }
0x22a: {  	v10 =	vadd.s32 $0xFFFFFFFF, v10;
	v11 =	vadd.s32 v46, v6  }
0x22b: {  	v11 =	vsub.s32 $0x6200, v11;
	_ =	sdelay $0x1  }
0x22c: {  	v8 =	vshll.u32 v8, $0x11  }
0x22d: {  	v9 =	vadd.s32 $0xFFFF9E58, v40;
	v47 =	vor.u32 v40, v8  }
0x22e: {  	v8 =	vor.u32 v9, v8;
	[tilespmem:v10+s18+$0x0] =	vst.idx.msk vm0, v47  }
0x22f: {  	[tilespmem:v11+s18+$0x0] =	vst.idx.msk vm1, v8  }
0x230: {  	v8 =	vld [tilespmem:s0+$0xE350];
	_ =	sdelay $0x6  }
0x231: {  	v48 =	vld [tilespmem:s0+$0xDB50]  }
0x232: {  	v8 =	vld.idx.msk [tilespmem:v8+s2+$0x0], $0xffff;
	_ =	sdelay $0x4  }
0x233: {  	vm11 =	vlt.s32 v48, $0x61A8;
	vm10 =	vgt.s32 v8, $0xFFFFFFFF  }
0x234: {  	vm12 =	vge.s32 v48, $0x61A8;
	vm2 =	vmand vm11, vm10  }
0x235: {  	vm3 =	vmand vm10, vm12;
	v49 =	vsel vm2, $0x1, v4  }
0x236: {  	v50 =	vsel vm3, $0x1, v4;
	(xrf0) =	vadd.scan.msk.s32 $0xffff, v49  }
0x237: {  	(xrf0) =	vadd.scan.msk.s32 $0xffff, v50;
	_ =	sdelay $0x2  }
0x238: {  	v51 =	vmpcnt.ones.xlane vm0  }
0x239: {  	v52 =	vmpcnt.ones.xlane vm1  }
0x23a: {  	v7 =	vadd.s32 v7, v51;
	v53, _, _ =	vpop (xrf0)  }
0x23b: {  	v6 =	vadd.s32 v6, v52;
	v10 =	vadd.s32 v53, v7;
	v54, _, _ =	vpop (xrf0)  }
0x23c: {  	v10 =	vadd.s32 $0xFFFFFFFF, v10;
	v11 =	vadd.s32 v54, v6  }
0x23d: {  	v11 =	vsub.s32 $0x6200, v11;
	_ =	sdelay $0x1  }
0x23e: {  	v8 =	vshll.u32 v8, $0x11  }
0x23f: {  	v9 =	vadd.s32 $0xFFFF9E58, v48;
	v55 =	vor.u32 v48, v8  }
0x240: {  	v8 =	vor.u32 v9, v8;
	[tilespmem:v10+s18+$0x0] =	vst.idx.msk vm2, v55  }
0x241: {  	[tilespmem:v11+s18+$0x0] =	vst.idx.msk vm3, v8  }
0x242: {  	v8 =	vld [tilespmem:s0+$0xE360];
	_ =	sdelay $0x6  }
0x243: {  	v56 =	vld [tilespmem:s0+$0xDB60]  }
0x244: {  	v8 =	vld.idx.msk [tilespmem:v8+s2+$0x0], $0xffff;
	_ =	sdelay $0x4  }
0x245: {  	vm14 =	vlt.s32 v56, $0x61A8;
	vm13 =	vgt.s32 v8, $0xFFFFFFFF  }
0x246: {  	vm15 =	vge.s32 v56, $0x61A8;
	vm1 =	vmand vm14, vm13  }
0x247: {  	vm0 =	vmand vm13, vm15;
	v57 =	vsel vm1, $0x1, v4  }
0x248: {  	v58 =	vsel vm0, $0x1, v4;
	(xrf0) =	vadd.scan.msk.s32 $0xffff, v57  }
0x249: {  	(xrf0) =	vadd.scan.msk.s32 $0xffff, v58;
	_ =	sdelay $0x2  }
0x24a: {  	v59 =	vmpcnt.ones.xlane vm2  }
0x24b: {  	v60 =	vmpcnt.ones.xlane vm3  }
0x24c: {  	v7 =	vadd.s32 v7, v59;
	v61, _, _ =	vpop (xrf0)  }
0x24d: {  	v6 =	vadd.s32 v6, v60;
	v10 =	vadd.s32 v61, v7;
	v62, _, _ =	vpop (xrf0)  }
0x24e: {  	v10 =	vadd.s32 $0xFFFFFFFF, v10;
	v11 =	vadd.s32 v62, v6  }
0x24f: {  	p0 =	sne.s32 s26, $0x1F80;
	v11 =	vsub.s32 $0x6200, v11  }
.Ltmp9:
0x250: {  	_ = 	snop;
	(pc) =	sbr.rel @p0 .LBB2_16-.Ltmp9, $4  }
0x251: {  	v9 =	vadd.s32 $0xFFFF9E58, v56;
	v8 =	vshll.u32 v8, $0x11  }
0x252: {  	v63 =	vor.u32 v56, v8;
	v13 =	vmpcnt.ones.xlane vm1;
	v14 =	vmpcnt.ones.xlane vm0  }
0x253: {  	v8 =	vor.u32 v9, v8;
	[tilespmem:v10+s18+$0x0] =	vst.idx.msk vm1, v63  }
0x254: {  	s26 =	sadd.s32 $0x100, s26;
	v7 =	vadd.s32 v7, v13;
	v6 =	vadd.s32 v6, v14;
	[tilespmem:v11+s18+$0x0] =	vst.idx.msk vm0, v8  }
0x255: {  	s0 =	rddreg [dreg:$0x1b]  }
0x256: {  	[tilespmem:s15], [sflag:$0x2] =	stream.strided.gather [hbm4b:s0+s11], $0x1000, s12, s11, $0x38;
	[tilespmem:$0x1F220] =	vst v63  }
0x257: {  	_ =	swait.ge [sflag:s17], $0x1000  }
0x258: {  	[sflag:s17] =	ssyncset.done $0x0  }
0x259: {  	s26 =	simm.s32 $0x80;
	[sflag:s17] =	ssyncadd.s32 $0xFFFFF000  }
.LBB2_18:
0x25a: {  	s0 =	sshra.s32 s26, $0x2  }
0x25b: {  	v8 =	vld [tilespmem:s0+$0xD330];
	_ =	sdelay $0x6  }
0x25c: {  	v9 =	vld [tilespmem:s0+$0xCB30]  }
0x25d: {  	v8 =	vld.idx.msk [tilespmem:v8+s2+$0x0], $0xffff;
	_ =	sdelay $0x4  }
0x25e: {  	vm1 =	vlt.s32 v9, $0x61A8;
	vm0 =	vgt.s32 v8, $0xFFFFFFFF  }
0x25f: {  	vm2 =	vge.s32 v9, $0x61A8;
	vm3 =	vmand vm1, vm0  }
0x260: {  	vm2 =	vmand vm0, vm2;
	v10 =	vsel vm3, $0x1, v4  }
0x261: {  	v38 =	vsel vm2, $0x1, v4;
	(xrf0) =	vadd.scan.msk.s32 $0xffff, v10  }
0x262: {  	(xrf0) =	vadd.scan.msk.s32 $0xffff, v38;
	_ =	sdelay $0x4  }
0x263: {  	v39, _, _ =	vpop (xrf0)  }
0x264: {  	v10 =	vadd.s32 v39, v7;
	v11, _, _ =	vpop (xrf0)  }
0x265: {  	v10 =	vadd.s32 $0xFFFFFFFF, v10;
	v11 =	vadd.s32 v11, v6  }
0x266: {  	v11 =	vsub.s32 $0x6200, v11;
	_ =	sdelay $0x1  }
0x267: {  	v8 =	vshll.u32 v8, $0x11  }
0x268: {  	v12 =	vor.u32 v9, v8;
	v9 =	vadd.s32 $0xFFFF9E58, v9  }
0x269: {  	v8 =	vor.u32 v9, v8;
	[tilespmem:v10+s18+$0x0] =	vst.idx.msk vm3, v12  }
0x26a: {  	[tilespmem:v11+s18+$0x0] =	vst.idx.msk vm2, v8  }
0x26b: {  	v8 =	vld [tilespmem:s0+$0xD340];
	_ =	sdelay $0x6  }
0x26c: {  	v40 =	vld [tilespmem:s0+$0xCB40]  }
0x26d: {  	v8 =	vld.idx.msk [tilespmem:v8+s2+$0x0], $0xffff;
	_ =	sdelay $0x4  }
0x26e: {  	vm9 =	vlt.s32 v40, $0x61A8;
	vm8 =	vgt.s32 v8, $0xFFFFFFFF  }
0x26f: {  	vm4 =	vge.s32 v40, $0x61A8;
	vm0 =	vmand vm9, vm8  }
0x270: {  	vm1 =	vmand vm8, vm4;
	v41 =	vsel vm0, $0x1, v4  }
0x271: {  	v42 =	vsel vm1, $0x1, v4;
	(xrf0) =	vadd.scan.msk.s32 $0xffff, v41  }
0x272: {  	(xrf0) =	vadd.scan.msk.s32 $0xffff, v42;
	_ =	sdelay $0x2  }
0x273: {  	v43 =	vmpcnt.ones.xlane vm3  }
0x274: {  	v44 =	vmpcnt.ones.xlane vm2  }
0x275: {  	v7 =	vadd.s32 v7, v43;
	v45, _, _ =	vpop (xrf0)  }
0x276: {  	v6 =	vadd.s32 v6, v44;
	v10 =	vadd.s32 v45, v7;
	v46, _, _ =	vpop (xrf0)  }
0x277: {  	v10 =	vadd.s32 $0xFFFFFFFF, v10;
	v11 =	vadd.s32 v46, v6  }
0x278: {  	v11 =	vsub.s32 $0x6200, v11;
	_ =	sdelay $0x1  }
0x279: {  	v8 =	vshll.u32 v8, $0x11  }
0x27a: {  	v9 =	vadd.s32 $0xFFFF9E58, v40;
	v47 =	vor.u32 v40, v8  }
0x27b: {  	v8 =	vor.u32 v9, v8;
	[tilespmem:v10+s18+$0x0] =	vst.idx.msk vm0, v47  }
0x27c: {  	[tilespmem:v11+s18+$0x0] =	vst.idx.msk vm1, v8  }
0x27d: {  	v8 =	vld [tilespmem:s0+$0xD350];
	_ =	sdelay $0x6  }
0x27e: {  	v48 =	vld [tilespmem:s0+$0xCB50]  }
0x27f: {  	v8 =	vld.idx.msk [tilespmem:v8+s2+$0x0], $0xffff;
	_ =	sdelay $0x4  }
0x280: {  	vm11 =	vlt.s32 v48, $0x61A8;
	vm10 =	vgt.s32 v8, $0xFFFFFFFF  }
0x281: {  	vm12 =	vge.s32 v48, $0x61A8;
	vm2 =	vmand vm11, vm10  }
0x282: {  	vm3 =	vmand vm10, vm12;
	v49 =	vsel vm2, $0x1, v4  }
0x283: {  	v50 =	vsel vm3, $0x1, v4;
	(xrf0) =	vadd.scan.msk.s32 $0xffff, v49  }
0x284: {  	(xrf0) =	vadd.scan.msk.s32 $0xffff, v50;
	_ =	sdelay $0x2  }
0x285: {  	v51 =	vmpcnt.ones.xlane vm0  }
0x286: {  	v52 =	vmpcnt.ones.xlane vm1  }
0x287: {  	v7 =	vadd.s32 v7, v51;
	v53, _, _ =	vpop (xrf0)  }
0x288: {  	v6 =	vadd.s32 v6, v52;
	v10 =	vadd.s32 v53, v7;
	v54, _, _ =	vpop (xrf0)  }
0x289: {  	v10 =	vadd.s32 $0xFFFFFFFF, v10;
	v11 =	vadd.s32 v54, v6  }
0x28a: {  	v11 =	vsub.s32 $0x6200, v11;
	_ =	sdelay $0x1  }
0x28b: {  	v8 =	vshll.u32 v8, $0x11  }
0x28c: {  	v9 =	vadd.s32 $0xFFFF9E58, v48;
	v55 =	vor.u32 v48, v8  }
0x28d: {  	v8 =	vor.u32 v9, v8;
	[tilespmem:v10+s18+$0x0] =	vst.idx.msk vm2, v55  }
0x28e: {  	[tilespmem:v11+s18+$0x0] =	vst.idx.msk vm3, v8  }
0x28f: {  	v8 =	vld [tilespmem:s0+$0xD360];
	_ =	sdelay $0x6  }
0x290: {  	v56 =	vld [tilespmem:s0+$0xCB60]  }
0x291: {  	v8 =	vld.idx.msk [tilespmem:v8+s2+$0x0], $0xffff;
	_ =	sdelay $0x4  }
0x292: {  	vm14 =	vlt.s32 v56, $0x61A8;
	vm13 =	vgt.s32 v8, $0xFFFFFFFF  }
0x293: {  	vm15 =	vge.s32 v56, $0x61A8;
	vm1 =	vmand vm14, vm13  }
0x294: {  	vm0 =	vmand vm13, vm15;
	v57 =	vsel vm1, $0x1, v4  }
0x295: {  	v58 =	vsel vm0, $0x1, v4;
	(xrf0) =	vadd.scan.msk.s32 $0xffff, v57  }
0x296: {  	(xrf0) =	vadd.scan.msk.s32 $0xffff, v58;
	_ =	sdelay $0x2  }
0x297: {  	v59 =	vmpcnt.ones.xlane vm2  }
0x298: {  	v60 =	vmpcnt.ones.xlane vm3  }
0x299: {  	v7 =	vadd.s32 v7, v59;
	v61, _, _ =	vpop (xrf0)  }
0x29a: {  	v6 =	vadd.s32 v6, v60;
	v10 =	vadd.s32 v61, v7;
	v62, _, _ =	vpop (xrf0)  }
0x29b: {  	v10 =	vadd.s32 $0xFFFFFFFF, v10;
	v11 =	vadd.s32 v62, v6  }
0x29c: {  	p0 =	sne.s32 s26, $0x1F80;
	v11 =	vsub.s32 $0x6200, v11  }
.Ltmp10:
0x29d: {  	_ = 	snop;
	(pc) =	sbr.rel @p0 .LBB2_18-.Ltmp10, $4  }
0x29e: {  	v9 =	vadd.s32 $0xFFFF9E58, v56;
	v8 =	vshll.u32 v8, $0x11  }
0x29f: {  	v63 =	vor.u32 v56, v8;
	v13 =	vmpcnt.ones.xlane vm1;
	v14 =	vmpcnt.ones.xlane vm0  }
0x2a0: {  	v8 =	vor.u32 v9, v8;
	[tilespmem:v10+s18+$0x0] =	vst.idx.msk vm1, v63  }
0x2a1: {  	s26 =	sadd.s32 $0x100, s26;
	v7 =	vadd.s32 v7, v13;
	v6 =	vadd.s32 v6, v14;
	[tilespmem:v11+s18+$0x0] =	vst.idx.msk vm0, v8  }
0x2a2: {  	s0 =	rddreg [dreg:$0x1c]  }
0x2a3: {  	[tilespmem:s14], [sflag:$0x2] =	stream.strided.gather [hbm4b:s0+s11], $0x1000, s12, s11, $0x38;
	[tilespmem:$0x1F220] =	vst v63  }
0x2a4: {  	_ =	swait.ge [sflag:s17], $0x1000  }
0x2a5: {  	[sflag:s17] =	ssyncset.done $0x0  }
0x2a6: {  	s26 =	simm.s32 $0x80;
	[sflag:s17] =	ssyncadd.s32 $0xFFFFF000  }
.LBB2_20:
0x2a7: {  	s0 =	sshra.s32 s26, $0x2  }
0x2a8: {  	v8 =	vld [tilespmem:s0+$0xE330];
	_ =	sdelay $0x6  }
0x2a9: {  	v9 =	vld [tilespmem:s0+$0xDB30]  }
0x2aa: {  	v8 =	vld.idx.msk [tilespmem:v8+s2+$0x0], $0xffff;
	_ =	sdelay $0x4  }
0x2ab: {  	vm1 =	vlt.s32 v9, $0x61A8;
	vm0 =	vgt.s32 v8, $0xFFFFFFFF  }
0x2ac: {  	vm2 =	vge.s32 v9, $0x61A8;
	vm3 =	vmand vm1, vm0  }
0x2ad: {  	vm2 =	vmand vm0, vm2;
	v10 =	vsel vm3, $0x1, v4  }
0x2ae: {  	v38 =	vsel vm2, $0x1, v4;
	(xrf0) =	vadd.scan.msk.s32 $0xffff, v10  }
0x2af: {  	(xrf0) =	vadd.scan.msk.s32 $0xffff, v38;
	_ =	sdelay $0x4  }
0x2b0: {  	v39, _, _ =	vpop (xrf0)  }
0x2b1: {  	v10 =	vadd.s32 v39, v7;
	v11, _, _ =	vpop (xrf0)  }
0x2b2: {  	v10 =	vadd.s32 $0xFFFFFFFF, v10;
	v11 =	vadd.s32 v11, v6  }
0x2b3: {  	v11 =	vsub.s32 $0x6200, v11;
	_ =	sdelay $0x1  }
0x2b4: {  	v8 =	vshll.u32 v8, $0x11  }
0x2b5: {  	v12 =	vor.u32 v9, v8;
	v9 =	vadd.s32 $0xFFFF9E58, v9  }
0x2b6: {  	v8 =	vor.u32 v9, v8;
	[tilespmem:v10+s18+$0x0] =	vst.idx.msk vm3, v12  }
0x2b7: {  	[tilespmem:v11+s18+$0x0] =	vst.idx.msk vm2, v8  }
0x2b8: {  	v8 =	vld [tilespmem:s0+$0xE340];
	_ =	sdelay $0x6  }
0x2b9: {  	v40 =	vld [tilespmem:s0+$0xDB40]  }
0x2ba: {  	v8 =	vld.idx.msk [tilespmem:v8+s2+$0x0], $0xffff;
	_ =	sdelay $0x4  }
0x2bb: {  	vm9 =	vlt.s32 v40, $0x61A8;
	vm8 =	vgt.s32 v8, $0xFFFFFFFF  }
0x2bc: {  	vm4 =	vge.s32 v40, $0x61A8;
	vm0 =	vmand vm9, vm8  }
0x2bd: {  	vm1 =	vmand vm8, vm4;
	v41 =	vsel vm0, $0x1, v4  }
0x2be: {  	v42 =	vsel vm1, $0x1, v4;
	(xrf0) =	vadd.scan.msk.s32 $0xffff, v41  }
0x2bf: {  	(xrf0) =	vadd.scan.msk.s32 $0xffff, v42;
	_ =	sdelay $0x2  }
0x2c0: {  	v43 =	vmpcnt.ones.xlane vm3  }
0x2c1: {  	v44 =	vmpcnt.ones.xlane vm2  }
0x2c2: {  	v7 =	vadd.s32 v7, v43;
	v45, _, _ =	vpop (xrf0)  }
0x2c3: {  	v6 =	vadd.s32 v6, v44;
	v10 =	vadd.s32 v45, v7;
	v46, _, _ =	vpop (xrf0)  }
0x2c4: {  	v10 =	vadd.s32 $0xFFFFFFFF, v10;
	v11 =	vadd.s32 v46, v6  }
0x2c5: {  	v11 =	vsub.s32 $0x6200, v11;
	_ =	sdelay $0x1  }
0x2c6: {  	v8 =	vshll.u32 v8, $0x11  }
0x2c7: {  	v9 =	vadd.s32 $0xFFFF9E58, v40;
	v47 =	vor.u32 v40, v8  }
0x2c8: {  	v8 =	vor.u32 v9, v8;
	[tilespmem:v10+s18+$0x0] =	vst.idx.msk vm0, v47  }
0x2c9: {  	[tilespmem:v11+s18+$0x0] =	vst.idx.msk vm1, v8  }
0x2ca: {  	v8 =	vld [tilespmem:s0+$0xE350];
	_ =	sdelay $0x6  }
0x2cb: {  	v48 =	vld [tilespmem:s0+$0xDB50]  }
0x2cc: {  	v8 =	vld.idx.msk [tilespmem:v8+s2+$0x0], $0xffff;
	_ =	sdelay $0x4  }
0x2cd: {  	vm11 =	vlt.s32 v48, $0x61A8;
	vm10 =	vgt.s32 v8, $0xFFFFFFFF  }
0x2ce: {  	vm12 =	vge.s32 v48, $0x61A8;
	vm2 =	vmand vm11, vm10  }
0x2cf: {  	vm3 =	vmand vm10, vm12;
	v49 =	vsel vm2, $0x1, v4  }
0x2d0: {  	v50 =	vsel vm3, $0x1, v4;
	(xrf0) =	vadd.scan.msk.s32 $0xffff, v49  }
0x2d1: {  	(xrf0) =	vadd.scan.msk.s32 $0xffff, v50;
	_ =	sdelay $0x2  }
0x2d2: {  	v51 =	vmpcnt.ones.xlane vm0  }
0x2d3: {  	v52 =	vmpcnt.ones.xlane vm1  }
0x2d4: {  	v7 =	vadd.s32 v7, v51;
	v53, _, _ =	vpop (xrf0)  }
0x2d5: {  	v6 =	vadd.s32 v6, v52;
	v10 =	vadd.s32 v53, v7;
	v54, _, _ =	vpop (xrf0)  }
0x2d6: {  	v10 =	vadd.s32 $0xFFFFFFFF, v10;
	v11 =	vadd.s32 v54, v6  }
0x2d7: {  	v11 =	vsub.s32 $0x6200, v11;
	_ =	sdelay $0x1  }
0x2d8: {  	v8 =	vshll.u32 v8, $0x11  }
0x2d9: {  	v9 =	vadd.s32 $0xFFFF9E58, v48;
	v55 =	vor.u32 v48, v8  }
0x2da: {  	v8 =	vor.u32 v9, v8;
	[tilespmem:v10+s18+$0x0] =	vst.idx.msk vm2, v55  }
0x2db: {  	[tilespmem:v11+s18+$0x0] =	vst.idx.msk vm3, v8  }
0x2dc: {  	v8 =	vld [tilespmem:s0+$0xE360];
	_ =	sdelay $0x6  }
0x2dd: {  	v56 =	vld [tilespmem:s0+$0xDB60]  }
0x2de: {  	v8 =	vld.idx.msk [tilespmem:v8+s2+$0x0], $0xffff;
	_ =	sdelay $0x4  }
0x2df: {  	vm14 =	vlt.s32 v56, $0x61A8;
	vm13 =	vgt.s32 v8, $0xFFFFFFFF  }
0x2e0: {  	vm15 =	vge.s32 v56, $0x61A8;
	vm1 =	vmand vm14, vm13  }
0x2e1: {  	vm0 =	vmand vm13, vm15;
	v57 =	vsel vm1, $0x1, v4  }
0x2e2: {  	v58 =	vsel vm0, $0x1, v4;
	(xrf0) =	vadd.scan.msk.s32 $0xffff, v57  }
0x2e3: {  	(xrf0) =	vadd.scan.msk.s32 $0xffff, v58;
	_ =	sdelay $0x2  }
0x2e4: {  	v59 =	vmpcnt.ones.xlane vm2  }
0x2e5: {  	v60 =	vmpcnt.ones.xlane vm3  }
0x2e6: {  	v7 =	vadd.s32 v7, v59;
	v61, _, _ =	vpop (xrf0)  }
0x2e7: {  	v6 =	vadd.s32 v6, v60;
	v10 =	vadd.s32 v61, v7;
	v62, _, _ =	vpop (xrf0)  }
0x2e8: {  	v10 =	vadd.s32 $0xFFFFFFFF, v10;
	v11 =	vadd.s32 v62, v6  }
0x2e9: {  	p0 =	sne.s32 s26, $0x1F80;
	v11 =	vsub.s32 $0x6200, v11  }
.Ltmp11:
0x2ea: {  	_ = 	snop;
	(pc) =	sbr.rel @p0 .LBB2_20-.Ltmp11, $4  }
0x2eb: {  	v9 =	vadd.s32 $0xFFFF9E58, v56;
	v8 =	vshll.u32 v8, $0x11  }
0x2ec: {  	v63 =	vor.u32 v56, v8;
	v13 =	vmpcnt.ones.xlane vm1;
	v14 =	vmpcnt.ones.xlane vm0  }
0x2ed: {  	v8 =	vor.u32 v9, v8;
	[tilespmem:v10+s18+$0x0] =	vst.idx.msk vm1, v63  }
0x2ee: {  	s26 =	sadd.s32 $0x100, s26;
	v7 =	vadd.s32 v7, v13;
	v6 =	vadd.s32 v6, v14;
	[tilespmem:v11+s18+$0x0] =	vst.idx.msk vm0, v8  }
0x2ef: {  	s0 =	rddreg [dreg:$0x1d]  }
0x2f0: {  	[tilespmem:s15], [sflag:$0x2] =	stream.strided.gather [hbm4b:s0+s11], $0x1000, s12, s11, $0x38;
	[tilespmem:$0x1F220] =	vst v63  }
0x2f1: {  	_ =	swait.ge [sflag:s17], $0x1000  }
0x2f2: {  	[sflag:s17] =	ssyncset.done $0x0  }
0x2f3: {  	s26 =	simm.s32 $0x80;
	[sflag:s17] =	ssyncadd.s32 $0xFFFFF000  }
.LBB2_22:
0x2f4: {  	s0 =	sshra.s32 s26, $0x2  }
0x2f5: {  	v8 =	vld [tilespmem:s0+$0xD330];
	_ =	sdelay $0x6  }
0x2f6: {  	v9 =	vld [tilespmem:s0+$0xCB30]  }
0x2f7: {  	v8 =	vld.idx.msk [tilespmem:v8+s2+$0x0], $0xffff;
	_ =	sdelay $0x4  }
0x2f8: {  	vm1 =	vlt.s32 v9, $0x61A8;
	vm0 =	vgt.s32 v8, $0xFFFFFFFF  }
0x2f9: {  	vm2 =	vge.s32 v9, $0x61A8;
	vm3 =	vmand vm1, vm0  }
0x2fa: {  	vm2 =	vmand vm0, vm2;
	v10 =	vsel vm3, $0x1, v4  }
0x2fb: {  	v38 =	vsel vm2, $0x1, v4;
	(xrf0) =	vadd.scan.msk.s32 $0xffff, v10  }
0x2fc: {  	(xrf0) =	vadd.scan.msk.s32 $0xffff, v38;
	_ =	sdelay $0x4  }
0x2fd: {  	v39, _, _ =	vpop (xrf0)  }
0x2fe: {  	v10 =	vadd.s32 v39, v7;
	v11, _, _ =	vpop (xrf0)  }
0x2ff: {  	v10 =	vadd.s32 $0xFFFFFFFF, v10;
	v11 =	vadd.s32 v11, v6  }
0x300: {  	v11 =	vsub.s32 $0x6200, v11;
	_ =	sdelay $0x1  }
0x301: {  	v8 =	vshll.u32 v8, $0x11  }
0x302: {  	v12 =	vor.u32 v9, v8;
	v9 =	vadd.s32 $0xFFFF9E58, v9  }
0x303: {  	v8 =	vor.u32 v9, v8;
	[tilespmem:v10+s18+$0x0] =	vst.idx.msk vm3, v12  }
0x304: {  	[tilespmem:v11+s18+$0x0] =	vst.idx.msk vm2, v8  }
0x305: {  	v8 =	vld [tilespmem:s0+$0xD340];
	_ =	sdelay $0x6  }
0x306: {  	v40 =	vld [tilespmem:s0+$0xCB40]  }
0x307: {  	v8 =	vld.idx.msk [tilespmem:v8+s2+$0x0], $0xffff;
	_ =	sdelay $0x4  }
0x308: {  	vm9 =	vlt.s32 v40, $0x61A8;
	vm8 =	vgt.s32 v8, $0xFFFFFFFF  }
0x309: {  	vm4 =	vge.s32 v40, $0x61A8;
	vm0 =	vmand vm9, vm8  }
0x30a: {  	vm1 =	vmand vm8, vm4;
	v41 =	vsel vm0, $0x1, v4  }
0x30b: {  	v42 =	vsel vm1, $0x1, v4;
	(xrf0) =	vadd.scan.msk.s32 $0xffff, v41  }
0x30c: {  	(xrf0) =	vadd.scan.msk.s32 $0xffff, v42;
	_ =	sdelay $0x2  }
0x30d: {  	v43 =	vmpcnt.ones.xlane vm3  }
0x30e: {  	v44 =	vmpcnt.ones.xlane vm2  }
0x30f: {  	v7 =	vadd.s32 v7, v43;
	v45, _, _ =	vpop (xrf0)  }
0x310: {  	v6 =	vadd.s32 v6, v44;
	v10 =	vadd.s32 v45, v7;
	v46, _, _ =	vpop (xrf0)  }
0x311: {  	v10 =	vadd.s32 $0xFFFFFFFF, v10;
	v11 =	vadd.s32 v46, v6  }
0x312: {  	v11 =	vsub.s32 $0x6200, v11;
	_ =	sdelay $0x1  }
0x313: {  	v8 =	vshll.u32 v8, $0x11  }
0x314: {  	v9 =	vadd.s32 $0xFFFF9E58, v40;
	v47 =	vor.u32 v40, v8  }
0x315: {  	v8 =	vor.u32 v9, v8;
	[tilespmem:v10+s18+$0x0] =	vst.idx.msk vm0, v47  }
0x316: {  	[tilespmem:v11+s18+$0x0] =	vst.idx.msk vm1, v8  }
0x317: {  	v8 =	vld [tilespmem:s0+$0xD350];
	_ =	sdelay $0x6  }
0x318: {  	v48 =	vld [tilespmem:s0+$0xCB50]  }
0x319: {  	v8 =	vld.idx.msk [tilespmem:v8+s2+$0x0], $0xffff;
	_ =	sdelay $0x4  }
0x31a: {  	vm11 =	vlt.s32 v48, $0x61A8;
	vm10 =	vgt.s32 v8, $0xFFFFFFFF  }
0x31b: {  	vm12 =	vge.s32 v48, $0x61A8;
	vm2 =	vmand vm11, vm10  }
0x31c: {  	vm3 =	vmand vm10, vm12;
	v49 =	vsel vm2, $0x1, v4  }
0x31d: {  	v50 =	vsel vm3, $0x1, v4;
	(xrf0) =	vadd.scan.msk.s32 $0xffff, v49  }
0x31e: {  	(xrf0) =	vadd.scan.msk.s32 $0xffff, v50;
	_ =	sdelay $0x2  }
0x31f: {  	v51 =	vmpcnt.ones.xlane vm0  }
0x320: {  	v52 =	vmpcnt.ones.xlane vm1  }
0x321: {  	v7 =	vadd.s32 v7, v51;
	v53, _, _ =	vpop (xrf0)  }
0x322: {  	v6 =	vadd.s32 v6, v52;
	v10 =	vadd.s32 v53, v7;
	v54, _, _ =	vpop (xrf0)  }
0x323: {  	v10 =	vadd.s32 $0xFFFFFFFF, v10;
	v11 =	vadd.s32 v54, v6  }
0x324: {  	v11 =	vsub.s32 $0x6200, v11;
	_ =	sdelay $0x1  }
0x325: {  	v8 =	vshll.u32 v8, $0x11  }
0x326: {  	v9 =	vadd.s32 $0xFFFF9E58, v48;
	v55 =	vor.u32 v48, v8  }
0x327: {  	v8 =	vor.u32 v9, v8;
	[tilespmem:v10+s18+$0x0] =	vst.idx.msk vm2, v55  }
0x328: {  	[tilespmem:v11+s18+$0x0] =	vst.idx.msk vm3, v8  }
0x329: {  	v8 =	vld [tilespmem:s0+$0xD360];
	_ =	sdelay $0x6  }
0x32a: {  	v56 =	vld [tilespmem:s0+$0xCB60]  }
0x32b: {  	v8 =	vld.idx.msk [tilespmem:v8+s2+$0x0], $0xffff;
	_ =	sdelay $0x4  }
0x32c: {  	vm14 =	vlt.s32 v56, $0x61A8;
	vm13 =	vgt.s32 v8, $0xFFFFFFFF  }
0x32d: {  	vm15 =	vge.s32 v56, $0x61A8;
	vm1 =	vmand vm14, vm13  }
0x32e: {  	vm0 =	vmand vm13, vm15;
	v57 =	vsel vm1, $0x1, v4  }
0x32f: {  	v58 =	vsel vm0, $0x1, v4;
	(xrf0) =	vadd.scan.msk.s32 $0xffff, v57  }
0x330: {  	(xrf0) =	vadd.scan.msk.s32 $0xffff, v58;
	_ =	sdelay $0x2  }
0x331: {  	v59 =	vmpcnt.ones.xlane vm2  }
0x332: {  	v60 =	vmpcnt.ones.xlane vm3  }
0x333: {  	v7 =	vadd.s32 v7, v59;
	v61, _, _ =	vpop (xrf0)  }
0x334: {  	v6 =	vadd.s32 v6, v60;
	v10 =	vadd.s32 v61, v7;
	v62, _, _ =	vpop (xrf0)  }
0x335: {  	v10 =	vadd.s32 $0xFFFFFFFF, v10;
	v11 =	vadd.s32 v62, v6  }
0x336: {  	p0 =	sne.s32 s26, $0x1F80;
	v11 =	vsub.s32 $0x6200, v11  }
.Ltmp12:
0x337: {  	_ = 	snop;
	(pc) =	sbr.rel @p0 .LBB2_22-.Ltmp12, $4  }
0x338: {  	v9 =	vadd.s32 $0xFFFF9E58, v56;
	v8 =	vshll.u32 v8, $0x11  }
0x339: {  	v63 =	vor.u32 v56, v8;
	v13 =	vmpcnt.ones.xlane vm1;
	v14 =	vmpcnt.ones.xlane vm0  }
0x33a: {  	v8 =	vor.u32 v9, v8;
	[tilespmem:v10+s18+$0x0] =	vst.idx.msk vm1, v63  }
0x33b: {  	s26 =	sadd.s32 $0x100, s26;
	v7 =	vadd.s32 v7, v13;
	v6 =	vadd.s32 v6, v14;
	[tilespmem:v11+s18+$0x0] =	vst.idx.msk vm0, v8  }
0x33c: {  	s0 =	rddreg [dreg:$0x1e]  }
0x33d: {  	[tilespmem:s14], [sflag:$0x2] =	stream.strided.gather [hbm4b:s0+s11], $0x1000, s12, s11, $0x38;
	[tilespmem:$0x1F220] =	vst v63  }
0x33e: {  	_ =	swait.ge [sflag:s17], $0x1000  }
0x33f: {  	[sflag:s17] =	ssyncset.done $0x0  }
0x340: {  	s26 =	simm.s32 $0x80;
	[sflag:s17] =	ssyncadd.s32 $0xFFFFF000  }
.LBB2_24:
0x341: {  	s0 =	sshra.s32 s26, $0x2  }
0x342: {  	v8 =	vld [tilespmem:s0+$0xE330];
	_ =	sdelay $0x6  }
0x343: {  	v9 =	vld [tilespmem:s0+$0xDB30]  }
0x344: {  	v8 =	vld.idx.msk [tilespmem:v8+s2+$0x0], $0xffff;
	_ =	sdelay $0x4  }
0x345: {  	vm1 =	vlt.s32 v9, $0x61A8;
	vm0 =	vgt.s32 v8, $0xFFFFFFFF  }
0x346: {  	vm2 =	vge.s32 v9, $0x61A8;
	vm3 =	vmand vm1, vm0  }
0x347: {  	vm2 =	vmand vm0, vm2;
	v10 =	vsel vm3, $0x1, v4  }
0x348: {  	v38 =	vsel vm2, $0x1, v4;
	(xrf0) =	vadd.scan.msk.s32 $0xffff, v10  }
0x349: {  	(xrf0) =	vadd.scan.msk.s32 $0xffff, v38;
	_ =	sdelay $0x4  }
0x34a: {  	v39, _, _ =	vpop (xrf0)  }
0x34b: {  	v10 =	vadd.s32 v39, v7;
	v11, _, _ =	vpop (xrf0)  }
0x34c: {  	v10 =	vadd.s32 $0xFFFFFFFF, v10;
	v11 =	vadd.s32 v11, v6  }
0x34d: {  	v11 =	vsub.s32 $0x6200, v11;
	_ =	sdelay $0x1  }
0x34e: {  	v8 =	vshll.u32 v8, $0x11  }
0x34f: {  	v12 =	vor.u32 v9, v8;
	v9 =	vadd.s32 $0xFFFF9E58, v9  }
0x350: {  	v8 =	vor.u32 v9, v8;
	[tilespmem:v10+s18+$0x0] =	vst.idx.msk vm3, v12  }
0x351: {  	[tilespmem:v11+s18+$0x0] =	vst.idx.msk vm2, v8  }
0x352: {  	v8 =	vld [tilespmem:s0+$0xE340];
	_ =	sdelay $0x6  }
0x353: {  	v40 =	vld [tilespmem:s0+$0xDB40]  }
0x354: {  	v8 =	vld.idx.msk [tilespmem:v8+s2+$0x0], $0xffff;
	_ =	sdelay $0x4  }
0x355: {  	vm9 =	vlt.s32 v40, $0x61A8;
	vm8 =	vgt.s32 v8, $0xFFFFFFFF  }
0x356: {  	vm4 =	vge.s32 v40, $0x61A8;
	vm0 =	vmand vm9, vm8  }
0x357: {  	vm1 =	vmand vm8, vm4;
	v41 =	vsel vm0, $0x1, v4  }
0x358: {  	v42 =	vsel vm1, $0x1, v4;
	(xrf0) =	vadd.scan.msk.s32 $0xffff, v41  }
0x359: {  	(xrf0) =	vadd.scan.msk.s32 $0xffff, v42;
	_ =	sdelay $0x2  }
0x35a: {  	v43 =	vmpcnt.ones.xlane vm3  }
0x35b: {  	v44 =	vmpcnt.ones.xlane vm2  }
0x35c: {  	v7 =	vadd.s32 v7, v43;
	v45, _, _ =	vpop (xrf0)  }
0x35d: {  	v6 =	vadd.s32 v6, v44;
	v10 =	vadd.s32 v45, v7;
	v46, _, _ =	vpop (xrf0)  }
0x35e: {  	v10 =	vadd.s32 $0xFFFFFFFF, v10;
	v11 =	vadd.s32 v46, v6  }
0x35f: {  	v11 =	vsub.s32 $0x6200, v11;
	_ =	sdelay $0x1  }
0x360: {  	v8 =	vshll.u32 v8, $0x11  }
0x361: {  	v9 =	vadd.s32 $0xFFFF9E58, v40;
	v47 =	vor.u32 v40, v8  }
0x362: {  	v8 =	vor.u32 v9, v8;
	[tilespmem:v10+s18+$0x0] =	vst.idx.msk vm0, v47  }
0x363: {  	[tilespmem:v11+s18+$0x0] =	vst.idx.msk vm1, v8  }
0x364: {  	v8 =	vld [tilespmem:s0+$0xE350];
	_ =	sdelay $0x6  }
0x365: {  	v48 =	vld [tilespmem:s0+$0xDB50]  }
0x366: {  	v8 =	vld.idx.msk [tilespmem:v8+s2+$0x0], $0xffff;
	_ =	sdelay $0x4  }
0x367: {  	vm11 =	vlt.s32 v48, $0x61A8;
	vm10 =	vgt.s32 v8, $0xFFFFFFFF  }
0x368: {  	vm12 =	vge.s32 v48, $0x61A8;
	vm2 =	vmand vm11, vm10  }
0x369: {  	vm3 =	vmand vm10, vm12;
	v49 =	vsel vm2, $0x1, v4  }
0x36a: {  	v50 =	vsel vm3, $0x1, v4;
	(xrf0) =	vadd.scan.msk.s32 $0xffff, v49  }
0x36b: {  	(xrf0) =	vadd.scan.msk.s32 $0xffff, v50;
	_ =	sdelay $0x2  }
0x36c: {  	v51 =	vmpcnt.ones.xlane vm0  }
0x36d: {  	v52 =	vmpcnt.ones.xlane vm1  }
0x36e: {  	v7 =	vadd.s32 v7, v51;
	v53, _, _ =	vpop (xrf0)  }
0x36f: {  	v6 =	vadd.s32 v6, v52;
	v10 =	vadd.s32 v53, v7;
	v54, _, _ =	vpop (xrf0)  }
0x370: {  	v10 =	vadd.s32 $0xFFFFFFFF, v10;
	v11 =	vadd.s32 v54, v6  }
0x371: {  	v11 =	vsub.s32 $0x6200, v11;
	_ =	sdelay $0x1  }
0x372: {  	v8 =	vshll.u32 v8, $0x11  }
0x373: {  	v9 =	vadd.s32 $0xFFFF9E58, v48;
	v55 =	vor.u32 v48, v8  }
0x374: {  	v8 =	vor.u32 v9, v8;
	[tilespmem:v10+s18+$0x0] =	vst.idx.msk vm2, v55  }
0x375: {  	[tilespmem:v11+s18+$0x0] =	vst.idx.msk vm3, v8  }
0x376: {  	v8 =	vld [tilespmem:s0+$0xE360];
	_ =	sdelay $0x6  }
0x377: {  	v56 =	vld [tilespmem:s0+$0xDB60]  }
0x378: {  	v8 =	vld.idx.msk [tilespmem:v8+s2+$0x0], $0xffff;
	_ =	sdelay $0x4  }
0x379: {  	vm14 =	vlt.s32 v56, $0x61A8;
	vm13 =	vgt.s32 v8, $0xFFFFFFFF  }
0x37a: {  	vm15 =	vge.s32 v56, $0x61A8;
	vm1 =	vmand vm14, vm13  }
0x37b: {  	vm0 =	vmand vm13, vm15;
	v57 =	vsel vm1, $0x1, v4  }
0x37c: {  	v58 =	vsel vm0, $0x1, v4;
	(xrf0) =	vadd.scan.msk.s32 $0xffff, v57  }
0x37d: {  	(xrf0) =	vadd.scan.msk.s32 $0xffff, v58;
	_ =	sdelay $0x2  }
0x37e: {  	v59 =	vmpcnt.ones.xlane vm2  }
0x37f: {  	v60 =	vmpcnt.ones.xlane vm3  }
0x380: {  	v7 =	vadd.s32 v7, v59;
	v61, _, _ =	vpop (xrf0)  }
0x381: {  	v6 =	vadd.s32 v6, v60;
	v10 =	vadd.s32 v61, v7;
	v62, _, _ =	vpop (xrf0)  }
0x382: {  	v10 =	vadd.s32 $0xFFFFFFFF, v10;
	v11 =	vadd.s32 v62, v6  }
0x383: {  	p0 =	sne.s32 s26, $0x1F80;
	v11 =	vsub.s32 $0x6200, v11  }
.Ltmp13:
0x384: {  	_ = 	snop;
	(pc) =	sbr.rel @p0 .LBB2_24-.Ltmp13, $4  }
0x385: {  	v9 =	vadd.s32 $0xFFFF9E58, v56;
	v8 =	vshll.u32 v8, $0x11  }
0x386: {  	v63 =	vor.u32 v56, v8;
	v13 =	vmpcnt.ones.xlane vm1;
	v14 =	vmpcnt.ones.xlane vm0  }
0x387: {  	v8 =	vor.u32 v9, v8;
	[tilespmem:v10+s18+$0x0] =	vst.idx.msk vm1, v63  }
0x388: {  	s26 =	sadd.s32 $0x100, s26;
	v7 =	vadd.s32 v7, v13;
	v6 =	vadd.s32 v6, v14;
	[tilespmem:v11+s18+$0x0] =	vst.idx.msk vm0, v8  }
0x389: {  	s0 =	rddreg [dreg:$0x1f]  }
0x38a: {  	[tilespmem:s15], [sflag:$0x2] =	stream.strided.gather [hbm4b:s0+s11], $0x1000, s12, s11, $0x38;
	[tilespmem:$0x1F220] =	vst v63  }
0x38b: {  	_ =	swait.ge [sflag:s17], $0x1000  }
0x38c: {  	[sflag:s17] =	ssyncset.done $0x0  }
0x38d: {  	s26 =	simm.s32 $0x80;
	[sflag:s17] =	ssyncadd.s32 $0xFFFFF000  }
.LBB2_26:
0x38e: {  	s0 =	sshra.s32 s26, $0x2  }
0x38f: {  	v8 =	vld [tilespmem:s0+$0xD330];
	_ =	sdelay $0x6  }
0x390: {  	v9 =	vld [tilespmem:s0+$0xCB30]  }
0x391: {  	v8 =	vld.idx.msk [tilespmem:v8+s2+$0x0], $0xffff;
	_ =	sdelay $0x4  }
0x392: {  	vm1 =	vlt.s32 v9, $0x61A8;
	vm0 =	vgt.s32 v8, $0xFFFFFFFF  }
0x393: {  	vm2 =	vge.s32 v9, $0x61A8;
	vm3 =	vmand vm1, vm0  }
0x394: {  	vm2 =	vmand vm0, vm2;
	v10 =	vsel vm3, $0x1, v4  }
0x395: {  	v38 =	vsel vm2, $0x1, v4;
	(xrf0) =	vadd.scan.msk.s32 $0xffff, v10  }
0x396: {  	(xrf0) =	vadd.scan.msk.s32 $0xffff, v38;
	_ =	sdelay $0x4  }
0x397: {  	v39, _, _ =	vpop (xrf0)  }
0x398: {  	v10 =	vadd.s32 v39, v7;
	v11, _, _ =	vpop (xrf0)  }
0x399: {  	v10 =	vadd.s32 $0xFFFFFFFF, v10;
	v11 =	vadd.s32 v11, v6  }
0x39a: {  	v11 =	vsub.s32 $0x6200, v11;
	_ =	sdelay $0x1  }
0x39b: {  	v8 =	vshll.u32 v8, $0x11  }
0x39c: {  	v12 =	vor.u32 v9, v8;
	v9 =	vadd.s32 $0xFFFF9E58, v9  }
0x39d: {  	v8 =	vor.u32 v9, v8;
	[tilespmem:v10+s18+$0x0] =	vst.idx.msk vm3, v12  }
0x39e: {  	[tilespmem:v11+s18+$0x0] =	vst.idx.msk vm2, v8  }
0x39f: {  	v8 =	vld [tilespmem:s0+$0xD340];
	_ =	sdelay $0x6  }
0x3a0: {  	v40 =	vld [tilespmem:s0+$0xCB40]  }
0x3a1: {  	v8 =	vld.idx.msk [tilespmem:v8+s2+$0x0], $0xffff;
	_ =	sdelay $0x4  }
0x3a2: {  	vm9 =	vlt.s32 v40, $0x61A8;
	vm8 =	vgt.s32 v8, $0xFFFFFFFF  }
0x3a3: {  	vm4 =	vge.s32 v40, $0x61A8;
	vm0 =	vmand vm9, vm8  }
0x3a4: {  	vm1 =	vmand vm8, vm4;
	v41 =	vsel vm0, $0x1, v4  }
0x3a5: {  	v42 =	vsel vm1, $0x1, v4;
	(xrf0) =	vadd.scan.msk.s32 $0xffff, v41  }
0x3a6: {  	(xrf0) =	vadd.scan.msk.s32 $0xffff, v42;
	_ =	sdelay $0x2  }
0x3a7: {  	v43 =	vmpcnt.ones.xlane vm3  }
0x3a8: {  	v44 =	vmpcnt.ones.xlane vm2  }
0x3a9: {  	v7 =	vadd.s32 v7, v43;
	v45, _, _ =	vpop (xrf0)  }
0x3aa: {  	v6 =	vadd.s32 v6, v44;
	v10 =	vadd.s32 v45, v7;
	v46, _, _ =	vpop (xrf0)  }
0x3ab: {  	v10 =	vadd.s32 $0xFFFFFFFF, v10;
	v11 =	vadd.s32 v46, v6  }
0x3ac: {  	v11 =	vsub.s32 $0x6200, v11;
	_ =	sdelay $0x1  }
0x3ad: {  	v8 =	vshll.u32 v8, $0x11  }
0x3ae: {  	v9 =	vadd.s32 $0xFFFF9E58, v40;
	v47 =	vor.u32 v40, v8  }
0x3af: {  	v8 =	vor.u32 v9, v8;
	[tilespmem:v10+s18+$0x0] =	vst.idx.msk vm0, v47  }
0x3b0: {  	[tilespmem:v11+s18+$0x0] =	vst.idx.msk vm1, v8  }
0x3b1: {  	v8 =	vld [tilespmem:s0+$0xD350];
	_ =	sdelay $0x6  }
0x3b2: {  	v48 =	vld [tilespmem:s0+$0xCB50]  }
0x3b3: {  	v8 =	vld.idx.msk [tilespmem:v8+s2+$0x0], $0xffff;
	_ =	sdelay $0x4  }
0x3b4: {  	vm11 =	vlt.s32 v48, $0x61A8;
	vm10 =	vgt.s32 v8, $0xFFFFFFFF  }
0x3b5: {  	vm12 =	vge.s32 v48, $0x61A8;
	vm2 =	vmand vm11, vm10  }
0x3b6: {  	vm3 =	vmand vm10, vm12;
	v49 =	vsel vm2, $0x1, v4  }
0x3b7: {  	v50 =	vsel vm3, $0x1, v4;
	(xrf0) =	vadd.scan.msk.s32 $0xffff, v49  }
0x3b8: {  	(xrf0) =	vadd.scan.msk.s32 $0xffff, v50;
	_ =	sdelay $0x2  }
0x3b9: {  	v51 =	vmpcnt.ones.xlane vm0  }
0x3ba: {  	v52 =	vmpcnt.ones.xlane vm1  }
0x3bb: {  	v7 =	vadd.s32 v7, v51;
	v53, _, _ =	vpop (xrf0)  }
0x3bc: {  	v6 =	vadd.s32 v6, v52;
	v10 =	vadd.s32 v53, v7;
	v54, _, _ =	vpop (xrf0)  }
0x3bd: {  	v10 =	vadd.s32 $0xFFFFFFFF, v10;
	v11 =	vadd.s32 v54, v6  }
0x3be: {  	v11 =	vsub.s32 $0x6200, v11;
	_ =	sdelay $0x1  }
0x3bf: {  	v8 =	vshll.u32 v8, $0x11  }
0x3c0: {  	v9 =	vadd.s32 $0xFFFF9E58, v48;
	v55 =	vor.u32 v48, v8  }
0x3c1: {  	v8 =	vor.u32 v9, v8;
	[tilespmem:v10+s18+$0x0] =	vst.idx.msk vm2, v55  }
0x3c2: {  	[tilespmem:v11+s18+$0x0] =	vst.idx.msk vm3, v8  }
0x3c3: {  	v8 =	vld [tilespmem:s0+$0xD360];
	_ =	sdelay $0x6  }
0x3c4: {  	v56 =	vld [tilespmem:s0+$0xCB60]  }
0x3c5: {  	v8 =	vld.idx.msk [tilespmem:v8+s2+$0x0], $0xffff;
	_ =	sdelay $0x4  }
0x3c6: {  	vm14 =	vlt.s32 v56, $0x61A8;
	vm13 =	vgt.s32 v8, $0xFFFFFFFF  }
0x3c7: {  	vm15 =	vge.s32 v56, $0x61A8;
	vm1 =	vmand vm14, vm13  }
0x3c8: {  	vm0 =	vmand vm13, vm15;
	v57 =	vsel vm1, $0x1, v4  }
0x3c9: {  	v58 =	vsel vm0, $0x1, v4;
	(xrf0) =	vadd.scan.msk.s32 $0xffff, v57  }
0x3ca: {  	(xrf0) =	vadd.scan.msk.s32 $0xffff, v58;
	_ =	sdelay $0x2  }
0x3cb: {  	v59 =	vmpcnt.ones.xlane vm2  }
0x3cc: {  	v60 =	vmpcnt.ones.xlane vm3  }
0x3cd: {  	v7 =	vadd.s32 v7, v59;
	v61, _, _ =	vpop (xrf0)  }
0x3ce: {  	v6 =	vadd.s32 v6, v60;
	v10 =	vadd.s32 v61, v7;
	v62, _, _ =	vpop (xrf0)  }
0x3cf: {  	v10 =	vadd.s32 $0xFFFFFFFF, v10;
	v11 =	vadd.s32 v62, v6  }
0x3d0: {  	p0 =	sne.s32 s26, $0x1F80;
	v11 =	vsub.s32 $0x6200, v11  }
.Ltmp14:
0x3d1: {  	_ = 	snop;
	(pc) =	sbr.rel @p0 .LBB2_26-.Ltmp14, $4  }
0x3d2: {  	v9 =	vadd.s32 $0xFFFF9E58, v56;
	v8 =	vshll.u32 v8, $0x11  }
0x3d3: {  	v63 =	vor.u32 v56, v8;
	v13 =	vmpcnt.ones.xlane vm1;
	v14 =	vmpcnt.ones.xlane vm0  }
0x3d4: {  	v8 =	vor.u32 v9, v8;
	[tilespmem:v10+s18+$0x0] =	vst.idx.msk vm1, v63  }
0x3d5: {  	s26 =	sadd.s32 $0x100, s26;
	v7 =	vadd.s32 v7, v13;
	v6 =	vadd.s32 v6, v14;
	[tilespmem:v11+s18+$0x0] =	vst.idx.msk vm0, v8  }
0x3d6: {  	s0 =	rddreg [dreg:$0xb]  }
0x3d7: {  	[tilespmem:s14], [sflag:$0x2] =	stream.strided.gather [hbm4b:s0+s11], $0x1000, s12, s11, $0x38;
	[tilespmem:$0x1F220] =	vst v63  }
0x3d8: {  	_ =	swait.ge [sflag:s17], $0x1000  }
0x3d9: {  	[sflag:s17] =	ssyncset.done $0x0  }
0x3da: {  	s26 =	simm.s32 $0x80;
	[sflag:s17] =	ssyncadd.s32 $0xFFFFF000  }
.LBB2_28:
0x3db: {  	s0 =	sshra.s32 s26, $0x2  }
0x3dc: {  	v8 =	vld [tilespmem:s0+$0xE330];
	_ =	sdelay $0x6  }
0x3dd: {  	v9 =	vld [tilespmem:s0+$0xDB30]  }
0x3de: {  	v8 =	vld.idx.msk [tilespmem:v8+s2+$0x0], $0xffff;
	_ =	sdelay $0x4  }
0x3df: {  	vm1 =	vlt.s32 v9, $0x61A8;
	vm0 =	vgt.s32 v8, $0xFFFFFFFF  }
0x3e0: {  	vm2 =	vge.s32 v9, $0x61A8;
	vm3 =	vmand vm1, vm0  }
0x3e1: {  	vm2 =	vmand vm0, vm2;
	v10 =	vsel vm3, $0x1, v4  }
0x3e2: {  	v38 =	vsel vm2, $0x1, v4;
	(xrf0) =	vadd.scan.msk.s32 $0xffff, v10  }
0x3e3: {  	(xrf0) =	vadd.scan.msk.s32 $0xffff, v38;
	_ =	sdelay $0x4  }
0x3e4: {  	v39, _, _ =	vpop (xrf0)  }
0x3e5: {  	v10 =	vadd.s32 v39, v7;
	v11, _, _ =	vpop (xrf0)  }
0x3e6: {  	v10 =	vadd.s32 $0xFFFFFFFF, v10;
	v11 =	vadd.s32 v11, v6  }
0x3e7: {  	v11 =	vsub.s32 $0x6200, v11;
	_ =	sdelay $0x1  }
0x3e8: {  	v8 =	vshll.u32 v8, $0x11  }
0x3e9: {  	v12 =	vor.u32 v9, v8;
	v9 =	vadd.s32 $0xFFFF9E58, v9  }
0x3ea: {  	v8 =	vor.u32 v9, v8;
	[tilespmem:v10+s18+$0x0] =	vst.idx.msk vm3, v12  }
0x3eb: {  	[tilespmem:v11+s18+$0x0] =	vst.idx.msk vm2, v8  }
0x3ec: {  	v8 =	vld [tilespmem:s0+$0xE340];
	_ =	sdelay $0x6  }
0x3ed: {  	v40 =	vld [tilespmem:s0+$0xDB40]  }
0x3ee: {  	v8 =	vld.idx.msk [tilespmem:v8+s2+$0x0], $0xffff;
	_ =	sdelay $0x4  }
0x3ef: {  	vm9 =	vlt.s32 v40, $0x61A8;
	vm8 =	vgt.s32 v8, $0xFFFFFFFF  }
0x3f0: {  	vm4 =	vge.s32 v40, $0x61A8;
	vm0 =	vmand vm9, vm8  }
0x3f1: {  	vm1 =	vmand vm8, vm4;
	v41 =	vsel vm0, $0x1, v4  }
0x3f2: {  	v42 =	vsel vm1, $0x1, v4;
	(xrf0) =	vadd.scan.msk.s32 $0xffff, v41  }
0x3f3: {  	(xrf0) =	vadd.scan.msk.s32 $0xffff, v42;
	_ =	sdelay $0x2  }
0x3f4: {  	v43 =	vmpcnt.ones.xlane vm3  }
0x3f5: {  	v44 =	vmpcnt.ones.xlane vm2  }
0x3f6: {  	v7 =	vadd.s32 v7, v43;
	v45, _, _ =	vpop (xrf0)  }
0x3f7: {  	v6 =	vadd.s32 v6, v44;
	v10 =	vadd.s32 v45, v7;
	v46, _, _ =	vpop (xrf0)  }
0x3f8: {  	v10 =	vadd.s32 $0xFFFFFFFF, v10;
	v11 =	vadd.s32 v46, v6  }
0x3f9: {  	v11 =	vsub.s32 $0x6200, v11;
	_ =	sdelay $0x1  }
0x3fa: {  	v8 =	vshll.u32 v8, $0x11  }
0x3fb: {  	v9 =	vadd.s32 $0xFFFF9E58, v40;
	v47 =	vor.u32 v40, v8  }
0x3fc: {  	v8 =	vor.u32 v9, v8;
	[tilespmem:v10+s18+$0x0] =	vst.idx.msk vm0, v47  }
0x3fd: {  	[tilespmem:v11+s18+$0x0] =	vst.idx.msk vm1, v8  }
0x3fe: {  	v8 =	vld [tilespmem:s0+$0xE350];
	_ =	sdelay $0x6  }
0x3ff: {  	v48 =	vld [tilespmem:s0+$0xDB50]  }
0x400: {  	v8 =	vld.idx.msk [tilespmem:v8+s2+$0x0], $0xffff;
	_ =	sdelay $0x4  }
0x401: {  	vm11 =	vlt.s32 v48, $0x61A8;
	vm10 =	vgt.s32 v8, $0xFFFFFFFF  }
0x402: {  	vm12 =	vge.s32 v48, $0x61A8;
	vm2 =	vmand vm11, vm10  }
0x403: {  	vm3 =	vmand vm10, vm12;
	v49 =	vsel vm2, $0x1, v4  }
0x404: {  	v50 =	vsel vm3, $0x1, v4;
	(xrf0) =	vadd.scan.msk.s32 $0xffff, v49  }
0x405: {  	(xrf0) =	vadd.scan.msk.s32 $0xffff, v50;
	_ =	sdelay $0x2  }
0x406: {  	v51 =	vmpcnt.ones.xlane vm0  }
0x407: {  	v52 =	vmpcnt.ones.xlane vm1  }
0x408: {  	v7 =	vadd.s32 v7, v51;
	v53, _, _ =	vpop (xrf0)  }
0x409: {  	v6 =	vadd.s32 v6, v52;
	v10 =	vadd.s32 v53, v7;
	v54, _, _ =	vpop (xrf0)  }
0x40a: {  	v10 =	vadd.s32 $0xFFFFFFFF, v10;
	v11 =	vadd.s32 v54, v6  }
0x40b: {  	v11 =	vsub.s32 $0x6200, v11;
	_ =	sdelay $0x1  }
0x40c: {  	v8 =	vshll.u32 v8, $0x11  }
0x40d: {  	v9 =	vadd.s32 $0xFFFF9E58, v48;
	v55 =	vor.u32 v48, v8  }
0x40e: {  	v8 =	vor.u32 v9, v8;
	[tilespmem:v10+s18+$0x0] =	vst.idx.msk vm2, v55  }
0x40f: {  	[tilespmem:v11+s18+$0x0] =	vst.idx.msk vm3, v8  }
0x410: {  	v8 =	vld [tilespmem:s0+$0xE360];
	_ =	sdelay $0x6  }
0x411: {  	v56 =	vld [tilespmem:s0+$0xDB60]  }
0x412: {  	v8 =	vld.idx.msk [tilespmem:v8+s2+$0x0], $0xffff;
	_ =	sdelay $0x4  }
0x413: {  	vm14 =	vlt.s32 v56, $0x61A8;
	vm13 =	vgt.s32 v8, $0xFFFFFFFF  }
0x414: {  	vm15 =	vge.s32 v56, $0x61A8;
	vm1 =	vmand vm14, vm13  }
0x415: {  	vm0 =	vmand vm13, vm15;
	v57 =	vsel vm1, $0x1, v4  }
0x416: {  	v58 =	vsel vm0, $0x1, v4;
	(xrf0) =	vadd.scan.msk.s32 $0xffff, v57  }
0x417: {  	(xrf0) =	vadd.scan.msk.s32 $0xffff, v58;
	_ =	sdelay $0x2  }
0x418: {  	v59 =	vmpcnt.ones.xlane vm2  }
0x419: {  	v60 =	vmpcnt.ones.xlane vm3  }
0x41a: {  	v7 =	vadd.s32 v7, v59;
	v61, _, _ =	vpop (xrf0)  }
0x41b: {  	v6 =	vadd.s32 v6, v60;
	v10 =	vadd.s32 v61, v7;
	v62, _, _ =	vpop (xrf0)  }
0x41c: {  	v10 =	vadd.s32 $0xFFFFFFFF, v10;
	v11 =	vadd.s32 v62, v6  }
0x41d: {  	p0 =	sne.s32 s26, $0x1F80;
	v11 =	vsub.s32 $0x6200, v11  }
.Ltmp15:
0x41e: {  	_ = 	snop;
	(pc) =	sbr.rel @p0 .LBB2_28-.Ltmp15, $4  }
0x41f: {  	v9 =	vadd.s32 $0xFFFF9E58, v56;
	v8 =	vshll.u32 v8, $0x11  }
0x420: {  	v63 =	vor.u32 v56, v8;
	v13 =	vmpcnt.ones.xlane vm1;
	v14 =	vmpcnt.ones.xlane vm0  }
0x421: {  	v8 =	vor.u32 v9, v8;
	[tilespmem:v10+s18+$0x0] =	vst.idx.msk vm1, v63  }
0x422: {  	s26 =	sadd.s32 $0x100, s26;
	v7 =	vadd.s32 v7, v13;
	v6 =	vadd.s32 v6, v14;
	[tilespmem:v11+s18+$0x0] =	vst.idx.msk vm0, v8  }
0x423: {  	s0 =	rddreg [dreg:$0xc]  }
0x424: {  	[tilespmem:s15], [sflag:$0x2] =	stream.strided.gather [hbm4b:s0+s11], $0x1000, s12, s11, $0x38;
	[tilespmem:$0x1F220] =	vst v63  }
0x425: {  	_ =	swait.ge [sflag:s17], $0x1000  }
0x426: {  	[sflag:s17] =	ssyncset.done $0x0  }
0x427: {  	s26 =	simm.s32 $0x80;
	[sflag:s17] =	ssyncadd.s32 $0xFFFFF000  }
.LBB2_30:
0x428: {  	s0 =	sshra.s32 s26, $0x2  }
0x429: {  	v8 =	vld [tilespmem:s0+$0xD330];
	_ =	sdelay $0x6  }
0x42a: {  	v9 =	vld [tilespmem:s0+$0xCB30]  }
0x42b: {  	v8 =	vld.idx.msk [tilespmem:v8+s2+$0x0], $0xffff;
	_ =	sdelay $0x4  }
0x42c: {  	vm1 =	vlt.s32 v9, $0x61A8;
	vm0 =	vgt.s32 v8, $0xFFFFFFFF  }
0x42d: {  	vm2 =	vge.s32 v9, $0x61A8;
	vm3 =	vmand vm1, vm0  }
0x42e: {  	vm2 =	vmand vm0, vm2;
	v10 =	vsel vm3, $0x1, v4  }
0x42f: {  	v38 =	vsel vm2, $0x1, v4;
	(xrf0) =	vadd.scan.msk.s32 $0xffff, v10  }
0x430: {  	(xrf0) =	vadd.scan.msk.s32 $0xffff, v38;
	_ =	sdelay $0x4  }
0x431: {  	v39, _, _ =	vpop (xrf0)  }
0x432: {  	v10 =	vadd.s32 v39, v7;
	v11, _, _ =	vpop (xrf0)  }
0x433: {  	v10 =	vadd.s32 $0xFFFFFFFF, v10;
	v11 =	vadd.s32 v11, v6  }
0x434: {  	v11 =	vsub.s32 $0x6200, v11;
	_ =	sdelay $0x1  }
0x435: {  	v8 =	vshll.u32 v8, $0x11  }
0x436: {  	v12 =	vor.u32 v9, v8;
	v9 =	vadd.s32 $0xFFFF9E58, v9  }
0x437: {  	v8 =	vor.u32 v9, v8;
	[tilespmem:v10+s18+$0x0] =	vst.idx.msk vm3, v12  }
0x438: {  	[tilespmem:v11+s18+$0x0] =	vst.idx.msk vm2, v8  }
0x439: {  	v8 =	vld [tilespmem:s0+$0xD340];
	_ =	sdelay $0x6  }
0x43a: {  	v40 =	vld [tilespmem:s0+$0xCB40]  }
0x43b: {  	v8 =	vld.idx.msk [tilespmem:v8+s2+$0x0], $0xffff;
	_ =	sdelay $0x4  }
0x43c: {  	vm9 =	vlt.s32 v40, $0x61A8;
	vm8 =	vgt.s32 v8, $0xFFFFFFFF  }
0x43d: {  	vm4 =	vge.s32 v40, $0x61A8;
	vm0 =	vmand vm9, vm8  }
0x43e: {  	vm1 =	vmand vm8, vm4;
	v41 =	vsel vm0, $0x1, v4  }
0x43f: {  	v42 =	vsel vm1, $0x1, v4;
	(xrf0) =	vadd.scan.msk.s32 $0xffff, v41  }
0x440: {  	(xrf0) =	vadd.scan.msk.s32 $0xffff, v42;
	_ =	sdelay $0x2  }
0x441: {  	v43 =	vmpcnt.ones.xlane vm3  }
0x442: {  	v44 =	vmpcnt.ones.xlane vm2  }
0x443: {  	v7 =	vadd.s32 v7, v43;
	v45, _, _ =	vpop (xrf0)  }
0x444: {  	v6 =	vadd.s32 v6, v44;
	v10 =	vadd.s32 v45, v7;
	v46, _, _ =	vpop (xrf0)  }
0x445: {  	v10 =	vadd.s32 $0xFFFFFFFF, v10;
	v11 =	vadd.s32 v46, v6  }
0x446: {  	v11 =	vsub.s32 $0x6200, v11;
	_ =	sdelay $0x1  }
0x447: {  	v8 =	vshll.u32 v8, $0x11  }
0x448: {  	v9 =	vadd.s32 $0xFFFF9E58, v40;
	v47 =	vor.u32 v40, v8  }
0x449: {  	v8 =	vor.u32 v9, v8;
	[tilespmem:v10+s18+$0x0] =	vst.idx.msk vm0, v47  }
0x44a: {  	[tilespmem:v11+s18+$0x0] =	vst.idx.msk vm1, v8  }
0x44b: {  	v8 =	vld [tilespmem:s0+$0xD350];
	_ =	sdelay $0x6  }
0x44c: {  	v48 =	vld [tilespmem:s0+$0xCB50]  }
0x44d: {  	v8 =	vld.idx.msk [tilespmem:v8+s2+$0x0], $0xffff;
	_ =	sdelay $0x4  }
0x44e: {  	vm11 =	vlt.s32 v48, $0x61A8;
	vm10 =	vgt.s32 v8, $0xFFFFFFFF  }
0x44f: {  	vm12 =	vge.s32 v48, $0x61A8;
	vm2 =	vmand vm11, vm10  }
0x450: {  	vm3 =	vmand vm10, vm12;
	v49 =	vsel vm2, $0x1, v4  }
0x451: {  	v50 =	vsel vm3, $0x1, v4;
	(xrf0) =	vadd.scan.msk.s32 $0xffff, v49  }
0x452: {  	(xrf0) =	vadd.scan.msk.s32 $0xffff, v50;
	_ =	sdelay $0x2  }
0x453: {  	v51 =	vmpcnt.ones.xlane vm0  }
0x454: {  	v52 =	vmpcnt.ones.xlane vm1  }
0x455: {  	v7 =	vadd.s32 v7, v51;
	v53, _, _ =	vpop (xrf0)  }
0x456: {  	v6 =	vadd.s32 v6, v52;
	v10 =	vadd.s32 v53, v7;
	v54, _, _ =	vpop (xrf0)  }
0x457: {  	v10 =	vadd.s32 $0xFFFFFFFF, v10;
	v11 =	vadd.s32 v54, v6  }
0x458: {  	v11 =	vsub.s32 $0x6200, v11;
	_ =	sdelay $0x1  }
0x459: {  	v8 =	vshll.u32 v8, $0x11  }
0x45a: {  	v9 =	vadd.s32 $0xFFFF9E58, v48;
	v55 =	vor.u32 v48, v8  }
0x45b: {  	v8 =	vor.u32 v9, v8;
	[tilespmem:v10+s18+$0x0] =	vst.idx.msk vm2, v55  }
0x45c: {  	[tilespmem:v11+s18+$0x0] =	vst.idx.msk vm3, v8  }
0x45d: {  	v8 =	vld [tilespmem:s0+$0xD360];
	_ =	sdelay $0x6  }
0x45e: {  	v56 =	vld [tilespmem:s0+$0xCB60]  }
0x45f: {  	v8 =	vld.idx.msk [tilespmem:v8+s2+$0x0], $0xffff;
	_ =	sdelay $0x4  }
0x460: {  	vm14 =	vlt.s32 v56, $0x61A8;
	vm13 =	vgt.s32 v8, $0xFFFFFFFF  }
0x461: {  	vm15 =	vge.s32 v56, $0x61A8;
	vm1 =	vmand vm14, vm13  }
0x462: {  	vm0 =	vmand vm13, vm15;
	v57 =	vsel vm1, $0x1, v4  }
0x463: {  	v58 =	vsel vm0, $0x1, v4;
	(xrf0) =	vadd.scan.msk.s32 $0xffff, v57  }
0x464: {  	(xrf0) =	vadd.scan.msk.s32 $0xffff, v58;
	_ =	sdelay $0x2  }
0x465: {  	v59 =	vmpcnt.ones.xlane vm2  }
0x466: {  	v60 =	vmpcnt.ones.xlane vm3  }
0x467: {  	v7 =	vadd.s32 v7, v59;
	v61, _, _ =	vpop (xrf0)  }
0x468: {  	v6 =	vadd.s32 v6, v60;
	v10 =	vadd.s32 v61, v7;
	v62, _, _ =	vpop (xrf0)  }
0x469: {  	v10 =	vadd.s32 $0xFFFFFFFF, v10;
	v11 =	vadd.s32 v62, v6  }
0x46a: {  	p0 =	sne.s32 s26, $0x1F80;
	v11 =	vsub.s32 $0x6200, v11  }
.Ltmp16:
0x46b: {  	_ = 	snop;
	(pc) =	sbr.rel @p0 .LBB2_30-.Ltmp16, $4  }
0x46c: {  	v9 =	vadd.s32 $0xFFFF9E58, v56;
	v8 =	vshll.u32 v8, $0x11  }
0x46d: {  	v63 =	vor.u32 v56, v8;
	v13 =	vmpcnt.ones.xlane vm1;
	v14 =	vmpcnt.ones.xlane vm0  }
0x46e: {  	v8 =	vor.u32 v9, v8;
	[tilespmem:v10+s18+$0x0] =	vst.idx.msk vm1, v63  }
0x46f: {  	s26 =	sadd.s32 $0x100, s26;
	v7 =	vadd.s32 v7, v13;
	v6 =	vadd.s32 v6, v14;
	[tilespmem:v11+s18+$0x0] =	vst.idx.msk vm0, v8  }
0x470: {  	s0 =	rddreg [dreg:$0xe]  }
0x471: {  	[tilespmem:s14], [sflag:$0x2] =	stream.strided.gather [hbm4b:s0+s11], $0x1000, s12, s11, $0x38;
	[tilespmem:$0x1F220] =	vst v63  }
0x472: {  	_ =	swait.ge [sflag:s17], $0x1000  }
0x473: {  	[sflag:s17] =	ssyncset.done $0x0  }
0x474: {  	s26 =	simm.s32 $0x80;
	[sflag:s17] =	ssyncadd.s32 $0xFFFFF000  }
.LBB2_32:
0x475: {  	s0 =	sshra.s32 s26, $0x2  }
0x476: {  	v8 =	vld [tilespmem:s0+$0xE330];
	_ =	sdelay $0x6  }
0x477: {  	v9 =	vld [tilespmem:s0+$0xDB30]  }
0x478: {  	v8 =	vld.idx.msk [tilespmem:v8+s2+$0x0], $0xffff;
	_ =	sdelay $0x4  }
0x479: {  	vm1 =	vlt.s32 v9, $0x61A8;
	vm0 =	vgt.s32 v8, $0xFFFFFFFF  }
0x47a: {  	vm2 =	vge.s32 v9, $0x61A8;
	vm3 =	vmand vm1, vm0  }
0x47b: {  	vm2 =	vmand vm0, vm2;
	v10 =	vsel vm3, $0x1, v4  }
0x47c: {  	v38 =	vsel vm2, $0x1, v4;
	(xrf0) =	vadd.scan.msk.s32 $0xffff, v10  }
0x47d: {  	(xrf0) =	vadd.scan.msk.s32 $0xffff, v38;
	_ =	sdelay $0x4  }
0x47e: {  	v39, _, _ =	vpop (xrf0)  }
0x47f: {  	v10 =	vadd.s32 v39, v7;
	v11, _, _ =	vpop (xrf0)  }
0x480: {  	v10 =	vadd.s32 $0xFFFFFFFF, v10;
	v11 =	vadd.s32 v11, v6  }
0x481: {  	v11 =	vsub.s32 $0x6200, v11;
	_ =	sdelay $0x1  }
0x482: {  	v8 =	vshll.u32 v8, $0x11  }
0x483: {  	v12 =	vor.u32 v9, v8;
	v9 =	vadd.s32 $0xFFFF9E58, v9  }
0x484: {  	v8 =	vor.u32 v9, v8;
	[tilespmem:v10+s18+$0x0] =	vst.idx.msk vm3, v12  }
0x485: {  	[tilespmem:v11+s18+$0x0] =	vst.idx.msk vm2, v8  }
0x486: {  	v8 =	vld [tilespmem:s0+$0xE340];
	_ =	sdelay $0x6  }
0x487: {  	v40 =	vld [tilespmem:s0+$0xDB40]  }
0x488: {  	v8 =	vld.idx.msk [tilespmem:v8+s2+$0x0], $0xffff;
	_ =	sdelay $0x4  }
0x489: {  	vm9 =	vlt.s32 v40, $0x61A8;
	vm8 =	vgt.s32 v8, $0xFFFFFFFF  }
0x48a: {  	vm4 =	vge.s32 v40, $0x61A8;
	vm0 =	vmand vm9, vm8  }
0x48b: {  	vm1 =	vmand vm8, vm4;
	v41 =	vsel vm0, $0x1, v4  }
0x48c: {  	v42 =	vsel vm1, $0x1, v4;
	(xrf0) =	vadd.scan.msk.s32 $0xffff, v41  }
0x48d: {  	(xrf0) =	vadd.scan.msk.s32 $0xffff, v42;
	_ =	sdelay $0x2  }
0x48e: {  	v43 =	vmpcnt.ones.xlane vm3  }
0x48f: {  	v44 =	vmpcnt.ones.xlane vm2  }
0x490: {  	v7 =	vadd.s32 v7, v43;
	v45, _, _ =	vpop (xrf0)  }
0x491: {  	v6 =	vadd.s32 v6, v44;
	v10 =	vadd.s32 v45, v7;
	v46, _, _ =	vpop (xrf0)  }
0x492: {  	v10 =	vadd.s32 $0xFFFFFFFF, v10;
	v11 =	vadd.s32 v46, v6  }
0x493: {  	v11 =	vsub.s32 $0x6200, v11;
	_ =	sdelay $0x1  }
0x494: {  	v8 =	vshll.u32 v8, $0x11  }
0x495: {  	v9 =	vadd.s32 $0xFFFF9E58, v40;
	v47 =	vor.u32 v40, v8  }
0x496: {  	v8 =	vor.u32 v9, v8;
	[tilespmem:v10+s18+$0x0] =	vst.idx.msk vm0, v47  }
0x497: {  	[tilespmem:v11+s18+$0x0] =	vst.idx.msk vm1, v8  }
0x498: {  	v8 =	vld [tilespmem:s0+$0xE350];
	_ =	sdelay $0x6  }
0x499: {  	v48 =	vld [tilespmem:s0+$0xDB50]  }
0x49a: {  	v8 =	vld.idx.msk [tilespmem:v8+s2+$0x0], $0xffff;
	_ =	sdelay $0x4  }
0x49b: {  	vm11 =	vlt.s32 v48, $0x61A8;
	vm10 =	vgt.s32 v8, $0xFFFFFFFF  }
0x49c: {  	vm12 =	vge.s32 v48, $0x61A8;
	vm2 =	vmand vm11, vm10  }
0x49d: {  	vm3 =	vmand vm10, vm12;
	v49 =	vsel vm2, $0x1, v4  }
0x49e: {  	v50 =	vsel vm3, $0x1, v4;
	(xrf0) =	vadd.scan.msk.s32 $0xffff, v49  }
0x49f: {  	(xrf0) =	vadd.scan.msk.s32 $0xffff, v50;
	_ =	sdelay $0x2  }
0x4a0: {  	v51 =	vmpcnt.ones.xlane vm0  }
0x4a1: {  	v52 =	vmpcnt.ones.xlane vm1  }
0x4a2: {  	v7 =	vadd.s32 v7, v51;
	v53, _, _ =	vpop (xrf0)  }
0x4a3: {  	v6 =	vadd.s32 v6, v52;
	v10 =	vadd.s32 v53, v7;
	v54, _, _ =	vpop (xrf0)  }
0x4a4: {  	v10 =	vadd.s32 $0xFFFFFFFF, v10;
	v11 =	vadd.s32 v54, v6  }
0x4a5: {  	v11 =	vsub.s32 $0x6200, v11;
	_ =	sdelay $0x1  }
0x4a6: {  	v8 =	vshll.u32 v8, $0x11  }
0x4a7: {  	v9 =	vadd.s32 $0xFFFF9E58, v48;
	v55 =	vor.u32 v48, v8  }
0x4a8: {  	v8 =	vor.u32 v9, v8;
	[tilespmem:v10+s18+$0x0] =	vst.idx.msk vm2, v55  }
0x4a9: {  	[tilespmem:v11+s18+$0x0] =	vst.idx.msk vm3, v8  }
0x4aa: {  	v8 =	vld [tilespmem:s0+$0xE360];
	_ =	sdelay $0x6  }
0x4ab: {  	v56 =	vld [tilespmem:s0+$0xDB60]  }
0x4ac: {  	v8 =	vld.idx.msk [tilespmem:v8+s2+$0x0], $0xffff;
	_ =	sdelay $0x4  }
0x4ad: {  	vm14 =	vlt.s32 v56, $0x61A8;
	vm13 =	vgt.s32 v8, $0xFFFFFFFF  }
0x4ae: {  	vm15 =	vge.s32 v56, $0x61A8;
	vm1 =	vmand vm14, vm13  }
0x4af: {  	vm0 =	vmand vm13, vm15;
	v57 =	vsel vm1, $0x1, v4  }
0x4b0: {  	v58 =	vsel vm0, $0x1, v4;
	(xrf0) =	vadd.scan.msk.s32 $0xffff, v57  }
0x4b1: {  	(xrf0) =	vadd.scan.msk.s32 $0xffff, v58;
	_ =	sdelay $0x2  }
0x4b2: {  	v59 =	vmpcnt.ones.xlane vm2  }
0x4b3: {  	v60 =	vmpcnt.ones.xlane vm3  }
0x4b4: {  	v7 =	vadd.s32 v7, v59;
	v61, _, _ =	vpop (xrf0)  }
0x4b5: {  	v6 =	vadd.s32 v6, v60;
	v10 =	vadd.s32 v61, v7;
	v62, _, _ =	vpop (xrf0)  }
0x4b6: {  	v10 =	vadd.s32 $0xFFFFFFFF, v10;
	v11 =	vadd.s32 v62, v6  }
0x4b7: {  	p0 =	sne.s32 s26, $0x1F80;
	v11 =	vsub.s32 $0x6200, v11  }
.Ltmp17:
0x4b8: {  	_ = 	snop;
	(pc) =	sbr.rel @p0 .LBB2_32-.Ltmp17, $4  }
0x4b9: {  	v9 =	vadd.s32 $0xFFFF9E58, v56;
	v8 =	vshll.u32 v8, $0x11  }
0x4ba: {  	v63 =	vor.u32 v56, v8;
	v13 =	vmpcnt.ones.xlane vm1;
	v14 =	vmpcnt.ones.xlane vm0  }
0x4bb: {  	v8 =	vor.u32 v9, v8;
	[tilespmem:v10+s18+$0x0] =	vst.idx.msk vm1, v63  }
0x4bc: {  	s26 =	sadd.s32 $0x100, s26;
	v7 =	vadd.s32 v7, v13;
	v6 =	vadd.s32 v6, v14;
	[tilespmem:v11+s18+$0x0] =	vst.idx.msk vm0, v8  }
0x4bd: {  	_ =	swait.ge [sflag:s17], $0x1000  }
0x4be: {  	[sflag:s17] =	ssyncset.done $0x0;
	s0 =	rddreg [dreg:$0xd]  }
0x4bf: {  	s3 =	rddreg [dreg:$0x15];
	[sflag:s17] =	ssyncadd.s32 $0xFFFFF000  }
.LBB2_34:
0x4c0: {  	v8 =	vld [tilespmem:s3+$0x800];
	_ =	sdelay $0x6  }
0x4c1: {  	v9 =	vld [tilespmem:s3+$0x0]  }
0x4c2: {  	v8 =	vld.idx.msk [tilespmem:v8+s2+$0x0], $0xffff;
	_ =	sdelay $0x4  }
0x4c3: {  	vm1 =	vlt.s32 v9, $0x61A8;
	vm0 =	vgt.s32 v8, $0xFFFFFFFF  }
0x4c4: {  	vm2 =	vge.s32 v9, $0x61A8;
	vm1 =	vmand vm1, vm0  }
0x4c5: {  	vm0 =	vmand vm0, vm2;
	v10 =	vsel vm1, $0x1, v4  }
0x4c6: {  	v62 =	vsel vm0, $0x1, v4;
	(xrf0) =	vadd.scan.msk.s32 $0xffff, v10  }
0x4c7: {  	(xrf0) =	vadd.scan.msk.s32 $0xffff, v62;
	_ =	sdelay $0x4  }
0x4c8: {  	v63, _, _ =	vpop (xrf0)  }
0x4c9: {  	v10 =	vadd.s32 v63, v7;
	v11, _, _ =	vpop (xrf0)  }
0x4ca: {  	v10 =	vadd.s32 $0xFFFFFFFF, v10;
	v11 =	vadd.s32 v11, v6  }
0x4cb: {  	p0 =	sne.s32 s0, $0x1;
	v11 =	vsub.s32 $0x6200, v11  }
.Ltmp18:
0x4cc: {  	v8 =	vshll.u32 v8, $0x11;
	(pc) =	sbr.rel @p0 .LBB2_34-.Ltmp18, $4  }
0x4cd: {  	v12 =	vor.u32 v9, v8  }
0x4ce: {  	v9 =	vadd.s32 $0xFFFF9E58, v9;
	v13 =	vmpcnt.ones.xlane vm1;
	v14 =	vmpcnt.ones.xlane vm0  }
0x4cf: {  	v8 =	vor.u32 v9, v8;
	[tilespmem:v10+s18+$0x0] =	vst.idx.msk vm1, v12  }
0x4d0: {  	s3 =	sadd.s32 $0x10, s3;
	s0 =	sadd.s32 $0xFFFFFFFF, s0;
	v7 =	vadd.s32 v7, v13;
	v6 =	vadd.s32 v6, v14;
	[tilespmem:v11+s18+$0x0] =	vst.idx.msk vm0, v8  }
0x4d1: {  	(v2sf) =	vpush v7, $0x0;
	_ =	sdelay $0x8  }
0x4d2: {  	(v2sf) =	vpush v6, $0x0;
	_ =	sdelay $0x5  }
0x4d3: {  	s3 =	spop (v2sf)  }
0x4d4: {  	s0 =	sadd.s32 $0x3F, s3  }
0x4d5: {  	s28 =	sshrl.u32 s0, $0x4  }
0x4d6: {  	s26 =	sshrl.u32 s3, $0x4;
	s28 =	sand.u32 $0xFFFFFFC, s28  }
0x4d7: {  	p0 =	sle.u32 s28, s26  }
.Ltmp19:
0x4d8: {  	_ = 	snop;
	(pc) =	sbr.rel @p0 .LBB2_39-.Ltmp19, $2  }
0x4d9: {  	_ =	sdelay $0x2  }
0x4da: {  	[tilespmem:$0x17010] =	vst v6;
	s3 =	spop (v2sf)  }
0x4db: {  	v6 =	vbroadcast v7, $0x0;
	s28 =	ssub.s32 s28, s26;
	s29 =	sshll.u32 s26, $0x4  }
0x4dc: {  	v8 =	vor.u32 s29, v0;
	p0 =	sne.s32 s28, $0x1  }
.Ltmp20:
0x4dd: {  	v7 =	vor.u32 $0xFFFFFFF8, v0;
	vm0 =	vge.s32 v8, v6;
	(pc) =	sbr.rel @!p0 .LBB2_38-.Ltmp20, $2  }
0x4de: {  	v8 =	vand.u32 v7, v8;
	_ =	sdelay $0x2  }
0x4df: {  	s26 =	sadd.s32 $0xFFFFFFFF, s28;
	s28 =	sadd.s32 $0x10, s29  }
.LBB2_37:
0x4e0: {  	v9 =	vor.u32 s28, v0;
	p0 =	sne.s32 s26, $0x1;
	s26 =	sadd.s32 $0xFFFFFFFF, s26  }
.Ltmp21:
0x4e1: {  	[tilespmem:v8+s18+$0x0] =	vst.idx.msk vm0, v5;
	vm0 =	vge.s32 v9, v6;
	(pc) =	sbr.rel @p0 .LBB2_37-.Ltmp21, $2  }
0x4e2: {  	v8 =	vand.u32 v7, v9;
	_ =	sdelay $0x2  }
0x4e3: {  	s28 =	sadd.s32 $0x10, s28  }
.LBB2_38:
0x4e4: {  	_ =	sdelay $0x4  }
0x4e5: {  	[tilespmem:v8+s18+$0x0] =	vst.idx.msk vm0, v5  }
.LBB2_39:
0x4e6: {  	s26 =	ssub.s32 $0x6200, s3  }
0x4e7: {  	s28 =	sadd.s32 $0x3F, s3;
	s29 =	sand.u32 $0xF, s26  }
0x4e8: {  	s31 =	simm.s32 $0x1;
	s3 =	sand.u32 $0xFFFFFFC0, s28;
	p0 =	sne.s32 s29, $0x0  }
0x4e9: {  	s7 =	sshrl.u32 s26, $0x4;
	s29 =	ssub.s32 $0x6200, s3;
	s31 =	simm.s32 @!p0 $0x0  }
0x4ea: {  	s30 =	sshrl.u32 s29, $0x4;
	s31 =	sadd.s32 s31, s7  }
0x4eb: {  	p0 =	sge.u32 s30, s31  }
.Ltmp22:
0x4ec: {  	_ = 	snop;
	(pc) =	sbr.rel @p0 .LBB2_43-.Ltmp22, $1  }
0x4ed: {  	_ =	sdelay $0x3  }
0x4ee: {  	s7 =	ssub.s32 s31, s30  }
0x4ef: {  	v6 =	vmov s26;
	v8 =	vor.u32 s29, v0;
	p0 =	sne.s32 s7, $0x1  }
.Ltmp23:
0x4f0: {  	v7 =	vor.u32 $0xFFFFFFF8, v0;
	vm0 =	vlt.s32 v8, v6;
	(pc) =	sbr.rel @!p0 .LBB2_42-.Ltmp23, $2  }
0x4f1: {  	v8 =	vand.u32 v7, v8;
	_ =	sdelay $0x2  }
0x4f2: {  	s30 =	sadd.s32 $0x10, s29;
	s26 =	sadd.s32 $0xFFFFFFFF, s7  }
.LBB2_41:
0x4f3: {  	v9 =	vor.u32 s30, v0;
	p0 =	sne.s32 s26, $0x1;
	s26 =	sadd.s32 $0xFFFFFFFF, s26  }
.Ltmp24:
0x4f4: {  	[tilespmem:v8+s18+$0x0] =	vst.idx.msk vm0, v5;
	vm0 =	vlt.s32 v9, v6;
	(pc) =	sbr.rel @p0 .LBB2_41-.Ltmp24, $2  }
0x4f5: {  	v8 =	vand.u32 v7, v9;
	_ =	sdelay $0x2  }
0x4f6: {  	s30 =	sadd.s32 $0x10, s30  }
.LBB2_42:
0x4f7: {  	_ =	sdelay $0x4  }
0x4f8: {  	[tilespmem:v8+s18+$0x0] =	vst.idx.msk vm0, v5  }
.LBB2_43:
0x4f9: {  	s26 =	sshrl.u32 s0, $0x6;
	s7 =	sshrl.u32 s28, $0x6  }
0x4fa: {  	s28 =	sadd.s32 s26, s7  }
0x4fb: {  	p0 =	seq.s32 s28, $0x0  }
.Ltmp25:
0x4fc: {  	_ = 	snop;
	(pc) =	sbr.rel @p0 .LBB2_47-.Ltmp25, $1  }
0x4fd: {  	_ =	sdelay $0x3  }
0x4fe: {  	s0 =	sand.u32 $0xFFFFFFC0, s0  }
0x4ff: {  	p0 =	seq.s32 s26, $0x0;
	s0 =	ssub.s32 s29, s0  }
0x500: {  	s0 =	simm.s32 @!p0 $0x0  }
0x501: {  	v6 =	vld [tilespmem:s0+$0xEB50];
	_ =	sdelay $0x4  }
0x502: {  	v6 =	vand.u32 $0x1FFFF, v6  }
0x503: {  	[tilespmem:$0x14D50] =	vst v6  }
0x504: {  	v6 =	vld [tilespmem:s0+$0xEB60];
	_ =	sdelay $0x4  }
0x505: {  	v6 =	vand.u32 $0x1FFFF, v6  }
0x506: {  	[tilespmem:$0x14D60] =	vst v6  }
0x507: {  	v6 =	vld [tilespmem:s0+$0xEB70];
	_ =	sdelay $0x4  }
0x508: {  	v6 =	vand.u32 $0x1FFFF, v6  }
0x509: {  	[tilespmem:$0x14D70] =	vst v6  }
0x50a: {  	v6 =	vld [tilespmem:s0+$0xEB80];
	_ =	sdelay $0x4  }
0x50b: {  	s0 =	smov.u32 s5;
	v6 =	vand.u32 $0x1FFFF, v6  }
0x50c: {  	s4 =	simm.s32 $0x14D50;
	s20 =	sshll.u32 s26, $0x6;
	s0 =	smov.u32 @p0 s6;
	[tilespmem:$0x14D80] =	vst v6  }
0x50d: {  	[tilespmem:s21], [sflag:$0x1] =	stream.indirect.gather [hbm4b:s0+s22], $0x40, s4, s22, $0xb8;
	[tilespmem:$0x1F220] =	vst v63  }
0x50e: {  	s0 =	sadd.s32 s3, s20  }
0x50f: {  	p0 =	sle.u32 s28, $0x1;
	s29 =	ssub.s32 $0x0, s0  }
0x510: {  	p1 =	sgt.u32 @!p0 s26, $0x1;
	s0 =	sadd.s32 @!p0 $0x0, s29  }
0x511: {  	p1 =	por !p1, p0;
	s3 =	simm.s32 @!p0 $0x40;
	s0 =	sadd.s32 @!p0 $0x6240, s0  }
0x512: {  	s3 =	smov.u32 @p1 s0  }
0x513: {  	v6 =	vld @!p0 [tilespmem:s3+$0xEB50];
	_ =	sdelay $0x1  }
0x514: {  	s30 =	simm.s32 $0x0  }
0x515: {  	s0 =	sand.u32 $0x1, s30  }
0x516: {  	s7 =	sshll.u32 @!p0 s0, $0x6  }
0x517: {  	s31 =	sxor.u32 @!p0 $0x40, s7;
	v6 =	vand.u32 @!p0 $0x1FFFF, v6  }
0x518: {  	[tilespmem:s31+$0x14D50] =	vst @!p0 v6  }
0x519: {  	v6 =	vld @!p0 [tilespmem:s3+$0xEB60];
	_ =	sdelay $0x4  }
0x51a: {  	s8 =	ssub.s32 @!p0 $0x14DA0, s7;
	v6 =	vand.u32 @!p0 $0x1FFFF, v6  }
0x51b: {  	[tilespmem:s8+$0x0] =	vst @!p0 v6  }
0x51c: {  	v6 =	vld @!p0 [tilespmem:s3+$0xEB70];
	_ =	sdelay $0x4  }
0x51d: {  	s8 =	ssub.s32 @!p0 $0x14DB0, s7;
	v6 =	vand.u32 @!p0 $0x1FFFF, v6  }
0x51e: {  	[tilespmem:s8+$0x0] =	vst @!p0 v6  }
0x51f: {  	v6 =	vld @!p0 [tilespmem:s3+$0xEB80];
	_ =	sdelay $0x3  }
0x520: {  	s7 =	sxor.u32 @!p0 $0x14DC0, s7  }
0x521: {  	s8 =	smov.u32 s5;
	s3 =	sshll.u32 @!p0 s31, $0x6;
	s31 =	sadd.s32 @!p0 $0x14D50, s31;
	v6 =	vand.u32 @!p0 $0x1FFFF, v6  }
0x522: {  	s8 =	smov.u32 @p1 s6;
	s3 =	sor.u32 @!p0 $0x14E10, s3;
	[tilespmem:s7+$0x0] =	vst @!p0 v6;
	s7 =	simm.s32 @!p0 $0x40  }
0x523: {  	[tilespmem:s3], [sflag:$0x1] =	stream.indirect.gather @!p0 [hbm4b:s8+s7], $0x40, s31, s7, $0xb8;
	[tilespmem:$0x1F220] =	vst v63  }
0x524: {  	s24 =	sadd.s32 $0x0, s29;
	_ =	swait.ge [sflag:s19], $0x1000  }
0x525: {  	p0 =	sgt.u32 s26, $0x0;
	s3 =	sadd.s32 $0x6200, s24;
	[sflag:s19] =	ssyncset.done $0x0  }
0x526: {  	s3 =	smov.u32 @p0 s30;
	[sflag:s19] =	ssyncadd.s32 $0xFFFFF000  }
0x527: {  	v6 =	vld [tilespmem:s3+$0xEB50];
	_ =	sdelay $0x4  }
0x528: {  	v6 =	vshrl.u32 v6, $0x11  }
0x529: {  	[tilespmem:$0x14DD0] =	vst v6  }
0x52a: {  	v6 =	vld [tilespmem:s3+$0xEB60];
	_ =	sdelay $0x4  }
0x52b: {  	v6 =	vshrl.u32 v6, $0x11  }
0x52c: {  	[tilespmem:$0x14DE0] =	vst v6  }
0x52d: {  	v6 =	vld [tilespmem:s3+$0xEB70];
	_ =	sdelay $0x4  }
0x52e: {  	v6 =	vshrl.u32 v6, $0x11  }
0x52f: {  	p0 =	sne.s32 s28, $0x1;
	[tilespmem:$0x14DF0] =	vst v6  }
.Ltmp26:
0x530: {  	v6 =	vld [tilespmem:s3+$0xEB80];
	(pc) =	sbr.rel @!p0 .LBB2_46-.Ltmp26, $2  }
0x531: {  	_ =	sdelay $0x2  }
0x532: {  	s0 =	sshll.u32 s0, $0xC;
	s31 =	simm.s32 $0x1  }
.LBB2_45:
0x533: {  	s30 =	sadd.s32 $0x40, s30;
	s3 =	smov.u32 s31;
	s31 =	sadd.s32 $0x1, s31  }
0x534: {  	s0 =	sor.u32 $0x14E10, s0;
	s7 =	sand.u32 $0x1, s3;
	p1 =	sge.u32 s31, s28  }
0x535: {  	v6 =	vshrl.u32 v6, $0x11;
	s8 =	sshll.u32 @!p1 s7, $0x6;
	p0 =	slt.u32 @!p1 s31, s26;
	s4 =	sadd.s32 @!p1 s30, s29  }
0x536: {  	s24 =	sadd.s32 @!p1 $0x40, s30;
	s4 =	sadd.s32 @!p1 $0x6240, s4;
	p2 =	por !p0, p1;
	[tilespmem:$0x14E00] =	vst v6  }
0x537: {  	[spmem:s1] =	stream.indirect.scatter.add.f32 [tilespmem:s0], [sflag:$0x3], $0x40, s23, s22, $0xb8;
	[tilespmem:$0x1F220] =	vst v63  }
0x538: {  	s16 =	sxor.u32 @!p1 $0x40, s8;
	s13 =	ssub.s32 @!p1 $0x14DA0, s8;
	_ =	swait.ge [sflag:s9], $0x1000  }
0x539: {  	s20 =	ssub.s32 @!p1 $0x14DB0, s8;
	s0 =	sshll.u32 @!p1 s16, $0x6;
	[sflag:s9] =	ssyncset.done $0x0  }
0x53a: {  	s24 =	smov.u32 @p2 s4;
	s4 =	sor.u32 @!p1 $0x14E10, s0;
	[sflag:s9] =	ssyncadd.s32 $0xFFFFF000  }
0x53b: {  	s8 =	sxor.u32 @!p1 $0x14DC0, s8;
	s10 =	sadd.s32 @!p1 $0x14D50, s16;
	s0 =	sshll.u32 s7, $0xC;
	v6 =	vld @!p1 [tilespmem:s24+$0xEB50]  }
0x53c: {  	p0 =	sne.s32 s28, s31;
	_ =	sdelay $0x3  }
0x53d: {  	v6 =	vand.u32 @!p1 $0x1FFFF, v6  }
0x53e: {  	[tilespmem:s16+$0x14D50] =	vst @!p1 v6  }
0x53f: {  	v6 =	vld @!p1 [tilespmem:s24+$0xEB60];
	_ =	sdelay $0x4  }
0x540: {  	v6 =	vand.u32 @!p1 $0x1FFFF, v6  }
0x541: {  	[tilespmem:s13+$0x0] =	vst @!p1 v6  }
0x542: {  	v6 =	vld @!p1 [tilespmem:s24+$0xEB70];
	_ =	sdelay $0x4  }
0x543: {  	v6 =	vand.u32 @!p1 $0x1FFFF, v6  }
0x544: {  	[tilespmem:s20+$0x0] =	vst @!p1 v6  }
0x545: {  	v6 =	vld @!p1 [tilespmem:s24+$0xEB80];
	_ =	sdelay $0x4  }
0x546: {  	s7 =	smov.u32 s5;
	v6 =	vand.u32 @!p1 $0x1FFFF, v6  }
0x547: {  	s7 =	smov.u32 @p2 s6;
	[tilespmem:s8+$0x0] =	vst @!p1 v6;
	s8 =	simm.s32 @!p1 $0x40  }
0x548: {  	[tilespmem:s4], [sflag:$0x1] =	stream.indirect.gather @!p1 [hbm4b:s7+s8], $0x40, s10, s8, $0xb8;
	[tilespmem:$0x1F220] =	vst v63  }
0x549: {  	s4 =	sadd.s32 s30, s29;
	_ =	swait.ge [sflag:s19], $0x1000  }
0x54a: {  	p1 =	slt.u32 s3, s26;
	s3 =	sadd.s32 $0x6200, s4;
	[sflag:s19] =	ssyncset.done $0x0  }
0x54b: {  	s3 =	smov.u32 @p1 s30;
	[sflag:s19] =	ssyncadd.s32 $0xFFFFF000  }
0x54c: {  	v6 =	vld [tilespmem:s3+$0xEB50];
	_ =	sdelay $0x4  }
0x54d: {  	v6 =	vshrl.u32 v6, $0x11  }
0x54e: {  	[tilespmem:$0x14DD0] =	vst v6  }
0x54f: {  	v6 =	vld [tilespmem:s3+$0xEB60];
	_ =	sdelay $0x4  }
0x550: {  	v6 =	vshrl.u32 v6, $0x11  }
0x551: {  	[tilespmem:$0x14DE0] =	vst v6  }
0x552: {  	v6 =	vld [tilespmem:s3+$0xEB70];
	_ =	sdelay $0x2  }
.Ltmp27:
0x553: {  	(pc) =	sbr.rel @p0 .LBB2_45-.Ltmp27, $4  }
0x554: {  	_ = 	snop  }
0x555: {  	v6 =	vshrl.u32 v6, $0x11  }
0x556: {  	[tilespmem:$0x14DF0] =	vst v6  }
0x557: {  	v6 =	vld [tilespmem:s3+$0xEB80]  }
.Ltmp28:
0x558: {  	_ = 	snop;
	(pc) =	sbr.rel .LBB2_46-.Ltmp28, $1  }
0x559: {  	_ =	sdelay $0x3  }
.LBB2_48:
0x55a: {  	_ =	sfence.sel $0x180000  }
0x55b: {  	[bflag:$0x0] =	sbarrier.arrive $0xFFFF  }
0x55c: {  	_ =	strace $0x90000047  }
0x55d: {  	s0 =	stileid.u32;
	[bflag:$0x2] =	sbarrier.arrive $0xFFFF  }
0x55e: {  	p0 =	sne.s32 s0, $0x0;
	s0 =	rddreg [dreg:$0x2]  }
0x55f: {  	s0 =	sadd.s32 @!p0 $0x100000, s0  }
0x560: {  	[sflag:s0] =	ssyncadd.tile.s32 @!p0 $0x1;
	_ =	shalt  }
.Lfunc_end2:
_tile_overlayer_lowered:
.L_overlay_start_2:
0x561: {  	(tag) =	ssettag $0x2  }
0x562: {  	s0 =	rddreg [dreg:$0x0];
	s2 =	stileid.u32  }
0x563: {  	s1 =	rddreg [dreg:$0x1];
	p0 =	sne.s32 s2, $0x0  }
0x564: {  	s3 =	rddreg [dreg:$0x2];
	[bflag:$0x3] =	sbarrier.arrive $0xFFFF;
	s2 =	simm.s32 @!p0 $0x1C03  }
0x565: {  	[timem:s3], [sflag:s2] =	dma.local @!p0 [hbm:s0], s1  }
0x566: {  	s0 =	simm.s32 @!p0 $0x3  }
0x567: {  	_ =	swait.ge @!p0 [sflag:s0], s1  }
0x568: {  	s1 =	ssub.s32 @!p0 $0x0, s1;
	[sflag:s0] =	ssyncset.done @!p0 $0x0  }
0x569: {  	[sflag:s0] =	ssyncadd.s32 @!p0 s1  }
0x56a: {  	[bflag:$0x3] =	sbarrier.arrive $0xFFFF  }
0x56b: {  	_ =	shalt  }

</sc_bundles>
